<compile_context>
chip_gen: v7x
topology: tpu7x:2x2x1
jax: 0.10.2.dev20260603
libtpu: 0.0.44.dev20260713+nightly
codegen_flags: <defaults>
</compile_context>

<pallas_src>
import functools

import jax
import jax.numpy as jnp
from jax import lax
from jax.experimental import pallas as pl
from jax.experimental.pallas import tpu as pltpu
from jax.experimental.pallas import tpu_sc as plsc

EMBED = 64
CTX = 20
BATCH = 16384
L = 16
NC, NS = 2, 16
NW = NC * NS
BW = BATCH // NW
CHUNK = 16
NCHUNK = BW // CHUNK
CROWS = CHUNK * CTX
NQ = EMBED // L


def _chunk_copies(table, bidx, nbidx, cidx, ncidx, brows, nbrows, crows,
                  ncrows, g, sem):
  cps = [
      pltpu.make_async_copy(
          table.at[bidx.at[pl.ds(g * CHUNK, CHUNK)]], brows, sem),
      pltpu.make_async_copy(
          table.at[nbidx.at[pl.ds(g * CHUNK, CHUNK)]], nbrows, sem),
  ]
  for k in range(CROWS // 64):
    cps.append(pltpu.make_async_copy(
        table.at[cidx.at[pl.ds(g * CROWS + k * 64, 64)]],
        crows.at[pl.ds(k * 64, 64)], sem))
  for k in range(CROWS // 64):
    cps.append(pltpu.make_async_copy(
        table.at[ncidx.at[pl.ds(g * CROWS + k * 64, 64)]],
        ncrows.at[pl.ds(k * 64, 64)], sem))
  return cps


def _chunk_reduce(brows, nbrows, crows, ncrows, wv, acc0):

  def elem(i, acc):
    be = [brows[i, pl.ds(q * L, L)] for q in range(NQ)]
    nbe = [nbrows[i, pl.ds(q * L, L)] for q in range(NQ)]
    hc = [None] * NQ
    hn = [None] * NQ
    base = i * CTX
    for j in range(CTX):
      w = wv[j, :]
      for q in range(NQ):
        cr = w * crows[base + j, pl.ds(q * L, L)]
        nr = w * ncrows[base + j, pl.ds(q * L, L)]
        hc[q] = cr if j == 0 else hc[q] + cr
        hn[q] = nr if j == 0 else hn[q] + nr
    for q in range(NQ):
      acc = acc + (0.5 * nbe[q] - be[q]) * hc[q] + (0.5 * be[q]) * hn[q]
    return acc

  return lax.fori_loop(0, CHUNK, elem, acc0)


def _make_sc_kernel():
  mesh = plsc.VectorSubcoreMesh(core_axis_name="c", subcore_axis_name="s")

  @functools.partial(
      pl.kernel,
      mesh=mesh,
      out_type=jax.ShapeDtypeStruct(((NW + 1) * L,), jnp.float32),
      compiler_params=pltpu.CompilerParams(use_tc_tiling_on_sc=False),
      scratch_types=[
          pltpu.VMEM((BW,), jnp.int32),
          pltpu.VMEM((BW,), jnp.int32),
          pltpu.VMEM((BW * CTX,), jnp.int32),
          pltpu.VMEM((BW * CTX,), jnp.int32),
          pltpu.VMEM((CTX, L), jnp.float32),
          pltpu.VMEM((CHUNK, EMBED), jnp.float32),
          pltpu.VMEM((CHUNK, EMBED), jnp.float32),
          pltpu.VMEM((CHUNK, EMBED), jnp.float32),
          pltpu.VMEM((CHUNK, EMBED), jnp.float32),
          pltpu.VMEM((CROWS, EMBED), jnp.float32),
          pltpu.VMEM((CROWS, EMBED), jnp.float32),
          pltpu.VMEM((CROWS, EMBED), jnp.float32),
          pltpu.VMEM((CROWS, EMBED), jnp.float32),
          pltpu.VMEM((L,), jnp.float32),
          pltpu.VMEM((EMBED, EMBED), jnp.float32),
          pltpu.SemaphoreType.DMA,
          pltpu.SemaphoreType.DMA,
      ],
  )
  def sc_kernel(table, b, nb, cf, ncf, wvh, simi, out,
                bidx, nbidx, cidx, ncidx, wv,
                brows0, brows1, nbrows0, nbrows1,
                crows0, crows1, ncrows0, ncrows1,
                accv, simiv, sem0, sem1):
    wid = lax.axis_index("s") * NC + lax.axis_index("c")

    pltpu.sync_copy(b.at[pl.ds(wid * BW, BW)], bidx)
    pltpu.sync_copy(nb.at[pl.ds(wid * BW, BW)], nbidx)
    pltpu.sync_copy(cf.at[pl.ds(wid * BW * CTX, BW * CTX)], cidx)
    pltpu.sync_copy(ncf.at[pl.ds(wid * BW * CTX, BW * CTX)], ncidx)
    pltpu.sync_copy(wvh, wv)

    buf0 = (brows0, nbrows0, crows0, ncrows0)
    buf1 = (brows1, nbrows1, crows1, ncrows1)

    def copies(g, buf, sem):
      return _chunk_copies(table, bidx, nbidx, cidx, ncidx, *buf, g, sem)

    for cp in copies(0, buf0, sem0):
      cp.start()

    def outer(g2, acc):
      g = 2 * g2
      for cp in copies(g + 1, buf1, sem1):
        cp.start()
      for cp in copies(g, buf0, sem0):
        cp.wait()
      acc = _chunk_reduce(*buf0, wv, acc)

      @pl.when(g + 2 < NCHUNK)
      def _():
        for cp in copies(g + 2, buf0, sem0):
          cp.start()

      for cp in copies(g + 1, buf1, sem1):
        cp.wait()
      return _chunk_reduce(*buf1, wv, acc)

    acc = lax.fori_loop(0, NCHUNK // 2, outer,
                        jnp.zeros((L,), jnp.float32))
    accv[...] = acc
    pltpu.sync_copy(accv, out.at[pl.ds(wid * L, L)])

    @pl.when(wid == 0)
    def _():
      pltpu.sync_copy(simi, simiv)

      def row(r, a):
        for q in range(NQ):
          v = simiv[r, pl.ds(q * L, L)]
          a = a + v * v
        return a

      accv[...] = lax.fori_loop(0, EMBED, row, jnp.zeros((L,), jnp.float32))
      pltpu.sync_copy(accv, out.at[pl.ds(NW * L, L)])

  return sc_kernel


_sc_kernel = _make_sc_kernel()


def kernel(b, C, nb, nC, emb_weight, ctx_scheme, simi_kernel):
  h = jax.nn.softmax(ctx_scheme.astype(jnp.float32), axis=0)
  wv = jnp.broadcast_to(h[:, None], (CTX, L))
  parts = _sc_kernel(
      emb_weight,
      b.astype(jnp.int32),
      nb.astype(jnp.int32),
      C.reshape(-1).astype(jnp.int32),
      nC.reshape(-1).astype(jnp.int32),
      wv,
      simi_kernel,
  )
  return (jnp.sum(parts[:NW * L]) / BATCH
          + 0.1 * jnp.sum(parts[NW * L:]) / (EMBED * EMBED))

# --- scband reference (transcript-rebuilt; emitter-appended) ---
"""Pipeline reference for scband-simi-loss-w2-v-35905926595342 (READ-ONLY COPY).

The authoritative reference and input builder live on the scoring server;
editing this copy changes nothing except your own understanding.
"""

import jax, jax.numpy as jnp
import numpy as np

VOCAB = 1000000
EMBED = 64
CTX = 20
BATCH = 16384


def setup_inputs(seed: int = 0) -> dict:
    key = jax.random.key(seed)
    k1, k2, k3, k4, k5, k6 = jax.random.split(key, 6)
    b = jax.random.randint(k1, (BATCH,), 0, VOCAB)
    C = jax.random.randint(k2, (BATCH, CTX), 0, VOCAB)
    nb = jax.random.randint(k3, (BATCH,), 0, VOCAB)
    nC = jax.random.randint(k4, (BATCH, CTX), 0, VOCAB)
    emb_weight = jax.random.normal(k5, (VOCAB, EMBED), dtype=jnp.float32) * 0.2745960056781769
    ctx_scheme = jnp.full((CTX,), 1.0 / CTX, dtype=jnp.float32)
    # xavier normal: std = sqrt(2/(fan_in+fan_out)) = sqrt(2/(64+64)) = 0.125
    simi_kernel = jax.random.normal(k6, (EMBED, EMBED), dtype=jnp.float32) * 0.125
    return {"b": b, "C": C, "nb": nb, "nC": nC,
            "emb_weight": emb_weight, "ctx_scheme": ctx_scheme, "simi_kernel": simi_kernel}


def _similarity_score(bv, Cv, ctx_scheme, simi_kernel):
    # h = softmax(ctx_scheme); h = matmul(h, C)  -> [batch, embed]
    h = jax.nn.softmax(ctx_scheme, axis=0)
    h = jnp.matmul(h, Cv)  # [ctx] @ [B, ctx, E] -> [B, E]
    f = jnp.matmul(h, simi_kernel)  # computed then overwritten, as in the original
    f = (bv * h).sum(axis=1)
    return f


def reference(b, C, nb, nC, emb_weight, ctx_scheme, simi_kernel):
    be = jnp.take(emb_weight, b, axis=0)        # [B, E]
    Ce = jnp.take(emb_weight, C, axis=0)        # [B, CTX, E]
    nbe = jnp.take(emb_weight, nb, axis=0)      # [B, E]
    nCe = jnp.take(emb_weight, nC, axis=0)      # [B, CTX, E]
    po = _similarity_score(be, Ce, ctx_scheme, simi_kernel)
    n1 = _similarity_score(nbe, Ce, ctx_scheme, simi_kernel)
    n2 = _similarity_score(be, nCe, ctx_scheme, simi_kernel)
    l1 = 0.1 * jnp.mean(simi_kernel ** 2)
    return (-po + 0.5 * n1 + 0.5 * n2).mean() + l1

if __name__ == "__main__":
    import jax
    _d = setup_inputs()
    print(jax.jit(kernel)(*tuple(_d.values())))

</pallas_src>

<mosaic_0001>
#map = affine_map<(d0, d1) -> (0, 0)>
#map1 = affine_map<(d0, d1) -> (0)>
module attributes {stable_mosaic.version = 14 : i64} {
  func.func @sc_kernel(%arg0: i32, %arg1: i32, %arg2: memref<1000000x64xf32, #tpu.memory_space<hbm>>, %arg3: memref<16384xi32, #tpu.memory_space<hbm>>, %arg4: memref<16384xi32, #tpu.memory_space<hbm>>, %arg5: memref<327680xi32, #tpu.memory_space<hbm>>, %arg6: memref<327680xi32, #tpu.memory_space<hbm>>, %arg7: memref<20x16xf32, #tpu.memory_space<hbm>>, %arg8: memref<64x64xf32, #tpu.memory_space<hbm>>, %arg9: memref<528xf32, #tpu.memory_space<hbm>>, %arg10: memref<512xi32, #tpu.memory_space<vmem>>, %arg11: memref<512xi32, #tpu.memory_space<vmem>>, %arg12: memref<10240xi32, #tpu.memory_space<vmem>>, %arg13: memref<10240xi32, #tpu.memory_space<vmem>>, %arg14: memref<20x16xf32, #tpu.memory_space<vmem>>, %arg15: memref<16x64xf32, #tpu.memory_space<vmem>>, %arg16: memref<16x64xf32, #tpu.memory_space<vmem>>, %arg17: memref<16x64xf32, #tpu.memory_space<vmem>>, %arg18: memref<16x64xf32, #tpu.memory_space<vmem>>, %arg19: memref<320x64xf32, #tpu.memory_space<vmem>>, %arg20: memref<320x64xf32, #tpu.memory_space<vmem>>, %arg21: memref<320x64xf32, #tpu.memory_space<vmem>>, %arg22: memref<320x64xf32, #tpu.memory_space<vmem>>, %arg23: memref<16xf32, #tpu.memory_space<vmem>>, %arg24: memref<64x64xf32, #tpu.memory_space<vmem>>, %arg25: memref<!tpu.dma_semaphore, #tpu.memory_space<semaphore_mem>>, %arg26: memref<!tpu.dma_semaphore, #tpu.memory_space<semaphore_mem>>) attributes {dimension_semantics = [#tpu.dimension_semantics<core_parallel>, #tpu.dimension_semantics<subcore_parallel>], iteration_bounds = array<i64: 2, 16>, scalar_prefetch = 0 : i64, scratch_operands = 17 : i64, tpu.core_type = #tpu.core_type<sc_vector_subcore>, window_params = [{transform_indices = #map}, {transform_indices = #map1}, {transform_indices = #map1}, {transform_indices = #map1}, {transform_indices = #map1}, {transform_indices = #map}, {transform_indices = #map}, {transform_indices = #map1}]} {
    %mul3A = arith.constant 2 : i32
    %mul3A_0 = arith.muli %arg1, %mul3A : i32
    %add3A = arith.addi %mul3A_0, %arg0 : i32
    %mul3A_1 = arith.constant 512 : i32
    %mul3A_2 = arith.muli %add3A, %mul3A_1 : i32
    "tpu.region"() ({
      %run_scoped3A = tpu.sem_alloc : memref<!tpu.dma_semaphore, #tpu.memory_space<semaphore_mem>>
      %dma_start3A_115 = tpu.memref_slice %arg3[%mul3A_2] : memref<16384xi32, #tpu.memory_space<hbm>> -> memref<512xi32, #tpu.memory_space<hbm>>
      %dma_start3A_116 = tpu.memref_slice %arg3[%mul3A_2] : memref<16384xi32, #tpu.memory_space<hbm>> -> memref<512xi32, #tpu.memory_space<hbm>>
      tpu.enqueue_dma source(%dma_start3A_116 : memref<512xi32, #tpu.memory_space<hbm>>) target(%arg10 : memref<512xi32, #tpu.memory_space<vmem>>) target_semaphore(%run_scoped3A : memref<!tpu.dma_semaphore, #tpu.memory_space<semaphore_mem>>)
      %dma_wait3A = tpu.memref_slice %arg3[%mul3A_2] : memref<16384xi32, #tpu.memory_space<hbm>> -> memref<512xi32, #tpu.memory_space<hbm>>
      %dma_wait3A_117 = tpu.memref_slice %arg3[%mul3A_2] : memref<16384xi32, #tpu.memory_space<hbm>> -> memref<512xi32, #tpu.memory_space<hbm>>
      tpu.wait_dma2 semaphore(%run_scoped3A : memref<!tpu.dma_semaphore, #tpu.memory_space<semaphore_mem>>) src(%dma_wait3A_117 : memref<512xi32, #tpu.memory_space<hbm>>) dst(%arg10 : memref<512xi32, #tpu.memory_space<vmem>>)
      tpu.yield
    }) : () -> ()
    %mul3A_3 = arith.constant 512 : i32
    %mul3A_4 = arith.muli %add3A, %mul3A_3 : i32
    "tpu.region"() ({
      %run_scoped3A = tpu.sem_alloc : memref<!tpu.dma_semaphore, #tpu.memory_space<semaphore_mem>>
      %dma_start3A_115 = tpu.memref_slice %arg4[%mul3A_4] : memref<16384xi32, #tpu.memory_space<hbm>> -> memref<512xi32, #tpu.memory_space<hbm>>
      %dma_start3A_116 = tpu.memref_slice %arg4[%mul3A_4] : memref<16384xi32, #tpu.memory_space<hbm>> -> memref<512xi32, #tpu.memory_space<hbm>>
      tpu.enqueue_dma source(%dma_start3A_116 : memref<512xi32, #tpu.memory_space<hbm>>) target(%arg11 : memref<512xi32, #tpu.memory_space<vmem>>) target_semaphore(%run_scoped3A : memref<!tpu.dma_semaphore, #tpu.memory_space<semaphore_mem>>)
      %dma_wait3A = tpu.memref_slice %arg4[%mul3A_4] : memref<16384xi32, #tpu.memory_space<hbm>> -> memref<512xi32, #tpu.memory_space<hbm>>
      %dma_wait3A_117 = tpu.memref_slice %arg4[%mul3A_4] : memref<16384xi32, #tpu.memory_space<hbm>> -> memref<512xi32, #tpu.memory_space<hbm>>
      tpu.wait_dma2 semaphore(%run_scoped3A : memref<!tpu.dma_semaphore, #tpu.memory_space<semaphore_mem>>) src(%dma_wait3A_117 : memref<512xi32, #tpu.memory_space<hbm>>) dst(%arg11 : memref<512xi32, #tpu.memory_space<vmem>>)
      tpu.yield
    }) : () -> ()
    %mul3A_5 = arith.constant 512 : i32
    %mul3A_6 = arith.muli %add3A, %mul3A_5 : i32
    %mul3A_7 = arith.constant 20 : i32
    %mul3A_8 = arith.muli %mul3A_6, %mul3A_7 : i32
    "tpu.region"() ({
      %run_scoped3A = tpu.sem_alloc : memref<!tpu.dma_semaphore, #tpu.memory_space<semaphore_mem>>
      %dma_start3A_115 = tpu.memref_slice %arg5[%mul3A_8] : memref<327680xi32, #tpu.memory_space<hbm>> -> memref<10240xi32, #tpu.memory_space<hbm>>
      %dma_start3A_116 = tpu.memref_slice %arg5[%mul3A_8] : memref<327680xi32, #tpu.memory_space<hbm>> -> memref<10240xi32, #tpu.memory_space<hbm>>
      tpu.enqueue_dma source(%dma_start3A_116 : memref<10240xi32, #tpu.memory_space<hbm>>) target(%arg12 : memref<10240xi32, #tpu.memory_space<vmem>>) target_semaphore(%run_scoped3A : memref<!tpu.dma_semaphore, #tpu.memory_space<semaphore_mem>>)
      %dma_wait3A = tpu.memref_slice %arg5[%mul3A_8] : memref<327680xi32, #tpu.memory_space<hbm>> -> memref<10240xi32, #tpu.memory_space<hbm>>
      %dma_wait3A_117 = tpu.memref_slice %arg5[%mul3A_8] : memref<327680xi32, #tpu.memory_space<hbm>> -> memref<10240xi32, #tpu.memory_space<hbm>>
      tpu.wait_dma2 semaphore(%run_scoped3A : memref<!tpu.dma_semaphore, #tpu.memory_space<semaphore_mem>>) src(%dma_wait3A_117 : memref<10240xi32, #tpu.memory_space<hbm>>) dst(%arg12 : memref<10240xi32, #tpu.memory_space<vmem>>)
      tpu.yield
    }) : () -> ()
    %mul3A_9 = arith.constant 512 : i32
    %mul3A_10 = arith.muli %add3A, %mul3A_9 : i32
    %mul3A_11 = arith.constant 20 : i32
    %mul3A_12 = arith.muli %mul3A_10, %mul3A_11 : i32
    "tpu.region"() ({
      %run_scoped3A = tpu.sem_alloc : memref<!tpu.dma_semaphore, #tpu.memory_space<semaphore_mem>>
      %dma_start3A_115 = tpu.memref_slice %arg6[%mul3A_12] : memref<327680xi32, #tpu.memory_space<hbm>> -> memref<10240xi32, #tpu.memory_space<hbm>>
      %dma_start3A_116 = tpu.memref_slice %arg6[%mul3A_12] : memref<327680xi32, #tpu.memory_space<hbm>> -> memref<10240xi32, #tpu.memory_space<hbm>>
      tpu.enqueue_dma source(%dma_start3A_116 : memref<10240xi32, #tpu.memory_space<hbm>>) target(%arg13 : memref<10240xi32, #tpu.memory_space<vmem>>) target_semaphore(%run_scoped3A : memref<!tpu.dma_semaphore, #tpu.memory_space<semaphore_mem>>)
      %dma_wait3A = tpu.memref_slice %arg6[%mul3A_12] : memref<327680xi32, #tpu.memory_space<hbm>> -> memref<10240xi32, #tpu.memory_space<hbm>>
      %dma_wait3A_117 = tpu.memref_slice %arg6[%mul3A_12] : memref<327680xi32, #tpu.memory_space<hbm>> -> memref<10240xi32, #tpu.memory_space<hbm>>
      tpu.wait_dma2 semaphore(%run_scoped3A : memref<!tpu.dma_semaphore, #tpu.memory_space<semaphore_mem>>) src(%dma_wait3A_117 : memref<10240xi32, #tpu.memory_space<hbm>>) dst(%arg13 : memref<10240xi32, #tpu.memory_space<vmem>>)
      tpu.yield
    }) : () -> ()
    "tpu.region"() ({
      %run_scoped3A = tpu.sem_alloc : memref<!tpu.dma_semaphore, #tpu.memory_space<semaphore_mem>>
      tpu.enqueue_dma source(%arg7 : memref<20x16xf32, #tpu.memory_space<hbm>>) target(%arg14 : memref<20x16xf32, #tpu.memory_space<vmem>>) target_semaphore(%run_scoped3A : memref<!tpu.dma_semaphore, #tpu.memory_space<semaphore_mem>>)
      tpu.wait_dma2 semaphore(%run_scoped3A : memref<!tpu.dma_semaphore, #tpu.memory_space<semaphore_mem>>) src(%arg7 : memref<20x16xf32, #tpu.memory_space<hbm>>) dst(%arg14 : memref<20x16xf32, #tpu.memory_space<vmem>>)
      tpu.yield
    }) : () -> ()
    %dma_start3A = arith.constant 0 : i32
    %dma_start3A_13 = tpu.memref_slice %arg10[%dma_start3A] : memref<512xi32, #tpu.memory_space<vmem>> -> memref<16xi32, #tpu.memory_space<vmem>>
    %dma_start3A_14 = arith.constant 0 : i32
    %dma_start3A_15 = arith.constant 0 : i32
    %dma_start3A_16 = tpu.memref_slice %arg2[%dma_start3A_14, %dma_start3A_15] : memref<1000000x64xf32, #tpu.memory_space<hbm>> -> memref<1000000x64xf32, #tpu.memory_space<hbm>>
    tpu.enqueue_indirect_dma source(%dma_start3A_16 : memref<1000000x64xf32, #tpu.memory_space<hbm>>) target(%arg15 : memref<16x64xf32, #tpu.memory_space<vmem>>) offsets(%dma_start3A_13 : memref<16xi32, #tpu.memory_space<vmem>>) semaphore(%arg25 : memref<!tpu.dma_semaphore, #tpu.memory_space<semaphore_mem>>)
    %dma_start3A_17 = arith.constant 0 : i32
    %dma_start3A_18 = tpu.memref_slice %arg11[%dma_start3A_17] : memref<512xi32, #tpu.memory_space<vmem>> -> memref<16xi32, #tpu.memory_space<vmem>>
    %dma_start3A_19 = arith.constant 0 : i32
    %dma_start3A_20 = arith.constant 0 : i32
    %dma_start3A_21 = tpu.memref_slice %arg2[%dma_start3A_19, %dma_start3A_20] : memref<1000000x64xf32, #tpu.memory_space<hbm>> -> memref<1000000x64xf32, #tpu.memory_space<hbm>>
    tpu.enqueue_indirect_dma source(%dma_start3A_21 : memref<1000000x64xf32, #tpu.memory_space<hbm>>) target(%arg17 : memref<16x64xf32, #tpu.memory_space<vmem>>) offsets(%dma_start3A_18 : memref<16xi32, #tpu.memory_space<vmem>>) semaphore(%arg25 : memref<!tpu.dma_semaphore, #tpu.memory_space<semaphore_mem>>)
    %dma_start3A_22 = arith.constant 0 : i32
    %dma_start3A_23 = arith.constant 0 : i32
    %dma_start3A_24 = tpu.memref_slice %arg19[%dma_start3A_22, %dma_start3A_23] : memref<320x64xf32, #tpu.memory_space<vmem>> -> memref<64x64xf32, #tpu.memory_space<vmem>>
    %dma_start3A_25 = arith.constant 0 : i32
    %dma_start3A_26 = tpu.memref_slice %arg12[%dma_start3A_25] : memref<10240xi32, #tpu.memory_space<vmem>> -> memref<64xi32, #tpu.memory_space<vmem>>
    %dma_start3A_27 = arith.constant 0 : i32
    %dma_start3A_28 = arith.constant 0 : i32
    %dma_start3A_29 = tpu.memref_slice %arg2[%dma_start3A_27, %dma_start3A_28] : memref<1000000x64xf32, #tpu.memory_space<hbm>> -> memref<1000000x64xf32, #tpu.memory_space<hbm>>
    tpu.enqueue_indirect_dma source(%dma_start3A_29 : memref<1000000x64xf32, #tpu.memory_space<hbm>>) target(%dma_start3A_24 : memref<64x64xf32, #tpu.memory_space<vmem>>) offsets(%dma_start3A_26 : memref<64xi32, #tpu.memory_space<vmem>>) semaphore(%arg25 : memref<!tpu.dma_semaphore, #tpu.memory_space<semaphore_mem>>)
    %dma_start3A_30 = arith.constant 64 : i32
    %dma_start3A_31 = arith.constant 0 : i32
    %dma_start3A_32 = tpu.memref_slice %arg19[%dma_start3A_30, %dma_start3A_31] : memref<320x64xf32, #tpu.memory_space<vmem>> -> memref<64x64xf32, #tpu.memory_space<vmem>>
    %dma_start3A_33 = arith.constant 64 : i32
    %dma_start3A_34 = tpu.memref_slice %arg12[%dma_start3A_33] : memref<10240xi32, #tpu.memory_space<vmem>> -> memref<64xi32, #tpu.memory_space<vmem>>
    %dma_start3A_35 = arith.constant 0 : i32
    %dma_start3A_36 = arith.constant 0 : i32
    %dma_start3A_37 = tpu.memref_slice %arg2[%dma_start3A_35, %dma_start3A_36] : memref<1000000x64xf32, #tpu.memory_space<hbm>> -> memref<1000000x64xf32, #tpu.memory_space<hbm>>
    tpu.enqueue_indirect_dma source(%dma_start3A_37 : memref<1000000x64xf32, #tpu.memory_space<hbm>>) target(%dma_start3A_32 : memref<64x64xf32, #tpu.memory_space<vmem>>) offsets(%dma_start3A_34 : memref<64xi32, #tpu.memory_space<vmem>>) semaphore(%arg25 : memref<!tpu.dma_semaphore, #tpu.memory_space<semaphore_mem>>)
    %dma_start3A_38 = arith.constant 128 : i32
    %dma_start3A_39 = arith.constant 0 : i32
    %dma_start3A_40 = tpu.memref_slice %arg19[%dma_start3A_38, %dma_start3A_39] : memref<320x64xf32, #tpu.memory_space<vmem>> -> memref<64x64xf32, #tpu.memory_space<vmem>>
    %dma_start3A_41 = arith.constant 128 : i32
    %dma_start3A_42 = tpu.memref_slice %arg12[%dma_start3A_41] : memref<10240xi32, #tpu.memory_space<vmem>> -> memref<64xi32, #tpu.memory_space<vmem>>
    %dma_start3A_43 = arith.constant 0 : i32
    %dma_start3A_44 = arith.constant 0 : i32
    %dma_start3A_45 = tpu.memref_slice %arg2[%dma_start3A_43, %dma_start3A_44] : memref<1000000x64xf32, #tpu.memory_space<hbm>> -> memref<1000000x64xf32, #tpu.memory_space<hbm>>
    tpu.enqueue_indirect_dma source(%dma_start3A_45 : memref<1000000x64xf32, #tpu.memory_space<hbm>>) target(%dma_start3A_40 : memref<64x64xf32, #tpu.memory_space<vmem>>) offsets(%dma_start3A_42 : memref<64xi32, #tpu.memory_space<vmem>>) semaphore(%arg25 : memref<!tpu.dma_semaphore, #tpu.memory_space<semaphore_mem>>)
    %dma_start3A_46 = arith.constant 192 : i32
    %dma_start3A_47 = arith.constant 0 : i32
    %dma_start3A_48 = tpu.memref_slice %arg19[%dma_start3A_46, %dma_start3A_47] : memref<320x64xf32, #tpu.memory_space<vmem>> -> memref<64x64xf32, #tpu.memory_space<vmem>>
    %dma_start3A_49 = arith.constant 192 : i32
    %dma_start3A_50 = tpu.memref_slice %arg12[%dma_start3A_49] : memref<10240xi32, #tpu.memory_space<vmem>> -> memref<64xi32, #tpu.memory_space<vmem>>
    %dma_start3A_51 = arith.constant 0 : i32
    %dma_start3A_52 = arith.constant 0 : i32
    %dma_start3A_53 = tpu.memref_slice %arg2[%dma_start3A_51, %dma_start3A_52] : memref<1000000x64xf32, #tpu.memory_space<hbm>> -> memref<1000000x64xf32, #tpu.memory_space<hbm>>
    tpu.enqueue_indirect_dma source(%dma_start3A_53 : memref<1000000x64xf32, #tpu.memory_space<hbm>>) target(%dma_start3A_48 : memref<64x64xf32, #tpu.memory_space<vmem>>) offsets(%dma_start3A_50 : memref<64xi32, #tpu.memory_space<vmem>>) semaphore(%arg25 : memref<!tpu.dma_semaphore, #tpu.memory_space<semaphore_mem>>)
    %dma_start3A_54 = arith.constant 256 : i32
    %dma_start3A_55 = arith.constant 0 : i32
    %dma_start3A_56 = tpu.memref_slice %arg19[%dma_start3A_54, %dma_start3A_55] : memref<320x64xf32, #tpu.memory_space<vmem>> -> memref<64x64xf32, #tpu.memory_space<vmem>>
    %dma_start3A_57 = arith.constant 256 : i32
    %dma_start3A_58 = tpu.memref_slice %arg12[%dma_start3A_57] : memref<10240xi32, #tpu.memory_space<vmem>> -> memref<64xi32, #tpu.memory_space<vmem>>
    %dma_start3A_59 = arith.constant 0 : i32
    %dma_start3A_60 = arith.constant 0 : i32
    %dma_start3A_61 = tpu.memref_slice %arg2[%dma_start3A_59, %dma_start3A_60] : memref<1000000x64xf32, #tpu.memory_space<hbm>> -> memref<1000000x64xf32, #tpu.memory_space<hbm>>
    tpu.enqueue_indirect_dma source(%dma_start3A_61 : memref<1000000x64xf32, #tpu.memory_space<hbm>>) target(%dma_start3A_56 : memref<64x64xf32, #tpu.memory_space<vmem>>) offsets(%dma_start3A_58 : memref<64xi32, #tpu.memory_space<vmem>>) semaphore(%arg25 : memref<!tpu.dma_semaphore, #tpu.memory_space<semaphore_mem>>)
    %dma_start3A_62 = arith.constant 0 : i32
    %dma_start3A_63 = arith.constant 0 : i32
    %dma_start3A_64 = tpu.memref_slice %arg21[%dma_start3A_62, %dma_start3A_63] : memref<320x64xf32, #tpu.memory_space<vmem>> -> memref<64x64xf32, #tpu.memory_space<vmem>>
    %dma_start3A_65 = arith.constant 0 : i32
    %dma_start3A_66 = tpu.memref_slice %arg13[%dma_start3A_65] : memref<10240xi32, #tpu.memory_space<vmem>> -> memref<64xi32, #tpu.memory_space<vmem>>
    %dma_start3A_67 = arith.constant 0 : i32
    %dma_start3A_68 = arith.constant 0 : i32
    %dma_start3A_69 = tpu.memref_slice %arg2[%dma_start3A_67, %dma_start3A_68] : memref<1000000x64xf32, #tpu.memory_space<hbm>> -> memref<1000000x64xf32, #tpu.memory_space<hbm>>
    tpu.enqueue_indirect_dma source(%dma_start3A_69 : memref<1000000x64xf32, #tpu.memory_space<hbm>>) target(%dma_start3A_64 : memref<64x64xf32, #tpu.memory_space<vmem>>) offsets(%dma_start3A_66 : memref<64xi32, #tpu.memory_space<vmem>>) semaphore(%arg25 : memref<!tpu.dma_semaphore, #tpu.memory_space<semaphore_mem>>)
    %dma_start3A_70 = arith.constant 64 : i32
    %dma_start3A_71 = arith.constant 0 : i32
    %dma_start3A_72 = tpu.memref_slice %arg21[%dma_start3A_70, %dma_start3A_71] : memref<320x64xf32, #tpu.memory_space<vmem>> -> memref<64x64xf32, #tpu.memory_space<vmem>>
    %dma_start3A_73 = arith.constant 64 : i32
    %dma_start3A_74 = tpu.memref_slice %arg13[%dma_start3A_73] : memref<10240xi32, #tpu.memory_space<vmem>> -> memref<64xi32, #tpu.memory_space<vmem>>
    %dma_start3A_75 = arith.constant 0 : i32
    %dma_start3A_76 = arith.constant 0 : i32
    %dma_start3A_77 = tpu.memref_slice %arg2[%dma_start3A_75, %dma_start3A_76] : memref<1000000x64xf32, #tpu.memory_space<hbm>> -> memref<1000000x64xf32, #tpu.memory_space<hbm>>
    tpu.enqueue_indirect_dma source(%dma_start3A_77 : memref<1000000x64xf32, #tpu.memory_space<hbm>>) target(%dma_start3A_72 : memref<64x64xf32, #tpu.memory_space<vmem>>) offsets(%dma_start3A_74 : memref<64xi32, #tpu.memory_space<vmem>>) semaphore(%arg25 : memref<!tpu.dma_semaphore, #tpu.memory_space<semaphore_mem>>)
    %dma_start3A_78 = arith.constant 128 : i32
    %dma_start3A_79 = arith.constant 0 : i32
    %dma_start3A_80 = tpu.memref_slice %arg21[%dma_start3A_78, %dma_start3A_79] : memref<320x64xf32, #tpu.memory_space<vmem>> -> memref<64x64xf32, #tpu.memory_space<vmem>>
    %dma_start3A_81 = arith.constant 128 : i32
    %dma_start3A_82 = tpu.memref_slice %arg13[%dma_start3A_81] : memref<10240xi32, #tpu.memory_space<vmem>> -> memref<64xi32, #tpu.memory_space<vmem>>
    %dma_start3A_83 = arith.constant 0 : i32
    %dma_start3A_84 = arith.constant 0 : i32
    %dma_start3A_85 = tpu.memref_slice %arg2[%dma_start3A_83, %dma_start3A_84] : memref<1000000x64xf32, #tpu.memory_space<hbm>> -> memref<1000000x64xf32, #tpu.memory_space<hbm>>
    tpu.enqueue_indirect_dma source(%dma_start3A_85 : memref<1000000x64xf32, #tpu.memory_space<hbm>>) target(%dma_start3A_80 : memref<64x64xf32, #tpu.memory_space<vmem>>) offsets(%dma_start3A_82 : memref<64xi32, #tpu.memory_space<vmem>>) semaphore(%arg25 : memref<!tpu.dma_semaphore, #tpu.memory_space<semaphore_mem>>)
    %dma_start3A_86 = arith.constant 192 : i32
    %dma_start3A_87 = arith.constant 0 : i32
    %dma_start3A_88 = tpu.memref_slice %arg21[%dma_start3A_86, %dma_start3A_87] : memref<320x64xf32, #tpu.memory_space<vmem>> -> memref<64x64xf32, #tpu.memory_space<vmem>>
    %dma_start3A_89 = arith.constant 192 : i32
    %dma_start3A_90 = tpu.memref_slice %arg13[%dma_start3A_89] : memref<10240xi32, #tpu.memory_space<vmem>> -> memref<64xi32, #tpu.memory_space<vmem>>
    %dma_start3A_91 = arith.constant 0 : i32
    %dma_start3A_92 = arith.constant 0 : i32
    %dma_start3A_93 = tpu.memref_slice %arg2[%dma_start3A_91, %dma_start3A_92] : memref<1000000x64xf32, #tpu.memory_space<hbm>> -> memref<1000000x64xf32, #tpu.memory_space<hbm>>
    tpu.enqueue_indirect_dma source(%dma_start3A_93 : memref<1000000x64xf32, #tpu.memory_space<hbm>>) target(%dma_start3A_88 : memref<64x64xf32, #tpu.memory_space<vmem>>) offsets(%dma_start3A_90 : memref<64xi32, #tpu.memory_space<vmem>>) semaphore(%arg25 : memref<!tpu.dma_semaphore, #tpu.memory_space<semaphore_mem>>)
    %dma_start3A_94 = arith.constant 256 : i32
    %dma_start3A_95 = arith.constant 0 : i32
    %dma_start3A_96 = tpu.memref_slice %arg21[%dma_start3A_94, %dma_start3A_95] : memref<320x64xf32, #tpu.memory_space<vmem>> -> memref<64x64xf32, #tpu.memory_space<vmem>>
    %dma_start3A_97 = arith.constant 256 : i32
    %dma_start3A_98 = tpu.memref_slice %arg13[%dma_start3A_97] : memref<10240xi32, #tpu.memory_space<vmem>> -> memref<64xi32, #tpu.memory_space<vmem>>
    %dma_start3A_99 = arith.constant 0 : i32
    %dma_start3A_100 = arith.constant 0 : i32
    %dma_start3A_101 = tpu.memref_slice %arg2[%dma_start3A_99, %dma_start3A_100] : memref<1000000x64xf32, #tpu.memory_space<hbm>> -> memref<1000000x64xf32, #tpu.memory_space<hbm>>
    tpu.enqueue_indirect_dma source(%dma_start3A_101 : memref<1000000x64xf32, #tpu.memory_space<hbm>>) target(%dma_start3A_96 : memref<64x64xf32, #tpu.memory_space<vmem>>) offsets(%dma_start3A_98 : memref<64xi32, #tpu.memory_space<vmem>>) semaphore(%arg25 : memref<!tpu.dma_semaphore, #tpu.memory_space<semaphore_mem>>)
    %broadcast_in_dim3A = arith.constant 0.000000e+00 : f32
    %broadcast_in_dim3A_102 = vector.broadcast %broadcast_in_dim3A : f32 to vector<16xf32>
    %scan3A = arith.constant 0 : i32
    %scan3A_103 = arith.constant 16 : i32
    %scan3A_104 = arith.addi %scan3A, %scan3A_103 : i32
    %scan3A_105 = arith.constant 1 : i32
    %scan3A_106 = scf.for %scan3A_115 = %scan3A to %scan3A_104 step %scan3A_105 iter_args(%scan3A_116 = %broadcast_in_dim3A_102) -> (vector<16xf32>)  : i32 {
      %mul3A_117 = arith.constant 2 : i32
      %mul3A_118 = arith.muli %mul3A_117, %scan3A_115 : i32
      %add3A_119 = arith.constant 1 : i32
      %add3A_120 = arith.addi %mul3A_118, %add3A_119 : i32
      %mul3A_121 = arith.constant 16 : i32
      %mul3A_122 = arith.muli %add3A_120, %mul3A_121 : i32
      %mul3A_123 = arith.constant 16 : i32
      %mul3A_124 = arith.muli %add3A_120, %mul3A_123 : i32
      %mul3A_125 = arith.constant 320 : i32
      %mul3A_126 = arith.muli %add3A_120, %mul3A_125 : i32
      %add3A_127 = arith.constant 0 : i32
      %add3A_128 = arith.addi %mul3A_126, %add3A_127 : i32
      %mul3A_129 = arith.constant 320 : i32
      %mul3A_130 = arith.muli %add3A_120, %mul3A_129 : i32
      %add3A_131 = arith.constant 64 : i32
      %add3A_132 = arith.addi %mul3A_130, %add3A_131 : i32
      %mul3A_133 = arith.constant 320 : i32
      %mul3A_134 = arith.muli %add3A_120, %mul3A_133 : i32
      %add3A_135 = arith.constant 128 : i32
      %add3A_136 = arith.addi %mul3A_134, %add3A_135 : i32
      %mul3A_137 = arith.constant 320 : i32
      %mul3A_138 = arith.muli %add3A_120, %mul3A_137 : i32
      %add3A_139 = arith.constant 192 : i32
      %add3A_140 = arith.addi %mul3A_138, %add3A_139 : i32
      %mul3A_141 = arith.constant 320 : i32
      %mul3A_142 = arith.muli %add3A_120, %mul3A_141 : i32
      %add3A_143 = arith.constant 256 : i32
      %add3A_144 = arith.addi %mul3A_142, %add3A_143 : i32
      %mul3A_145 = arith.constant 320 : i32
      %mul3A_146 = arith.muli %add3A_120, %mul3A_145 : i32
      %add3A_147 = arith.constant 0 : i32
      %add3A_148 = arith.addi %mul3A_146, %add3A_147 : i32
      %mul3A_149 = arith.constant 320 : i32
      %mul3A_150 = arith.muli %add3A_120, %mul3A_149 : i32
      %add3A_151 = arith.constant 64 : i32
      %add3A_152 = arith.addi %mul3A_150, %add3A_151 : i32
      %mul3A_153 = arith.constant 320 : i32
      %mul3A_154 = arith.muli %add3A_120, %mul3A_153 : i32
      %add3A_155 = arith.constant 128 : i32
      %add3A_156 = arith.addi %mul3A_154, %add3A_155 : i32
      %mul3A_157 = arith.constant 320 : i32
      %mul3A_158 = arith.muli %add3A_120, %mul3A_157 : i32
      %add3A_159 = arith.constant 192 : i32
      %add3A_160 = arith.addi %mul3A_158, %add3A_159 : i32
      %mul3A_161 = arith.constant 320 : i32
      %mul3A_162 = arith.muli %add3A_120, %mul3A_161 : i32
      %add3A_163 = arith.constant 256 : i32
      %add3A_164 = arith.addi %mul3A_162, %add3A_163 : i32
      %dma_start3A_165 = tpu.memref_slice %arg10[%mul3A_122] : memref<512xi32, #tpu.memory_space<vmem>> -> memref<16xi32, #tpu.memory_space<vmem>>
      %dma_start3A_166 = arith.constant 0 : i32
      %dma_start3A_167 = arith.constant 0 : i32
      %dma_start3A_168 = tpu.memref_slice %arg2[%dma_start3A_166, %dma_start3A_167] : memref<1000000x64xf32, #tpu.memory_space<hbm>> -> memref<1000000x64xf32, #tpu.memory_space<hbm>>
      tpu.enqueue_indirect_dma source(%dma_start3A_168 : memref<1000000x64xf32, #tpu.memory_space<hbm>>) target(%arg16 : memref<16x64xf32, #tpu.memory_space<vmem>>) offsets(%dma_start3A_165 : memref<16xi32, #tpu.memory_space<vmem>>) semaphore(%arg26 : memref<!tpu.dma_semaphore, #tpu.memory_space<semaphore_mem>>)
      %dma_start3A_169 = tpu.memref_slice %arg11[%mul3A_124] : memref<512xi32, #tpu.memory_space<vmem>> -> memref<16xi32, #tpu.memory_space<vmem>>
      %dma_start3A_170 = arith.constant 0 : i32
      %dma_start3A_171 = arith.constant 0 : i32
      %dma_start3A_172 = tpu.memref_slice %arg2[%dma_start3A_170, %dma_start3A_171] : memref<1000000x64xf32, #tpu.memory_space<hbm>> -> memref<1000000x64xf32, #tpu.memory_space<hbm>>
      tpu.enqueue_indirect_dma source(%dma_start3A_172 : memref<1000000x64xf32, #tpu.memory_space<hbm>>) target(%arg18 : memref<16x64xf32, #tpu.memory_space<vmem>>) offsets(%dma_start3A_169 : memref<16xi32, #tpu.memory_space<vmem>>) semaphore(%arg26 : memref<!tpu.dma_semaphore, #tpu.memory_space<semaphore_mem>>)
      %dma_start3A_173 = arith.constant 0 : i32
      %dma_start3A_174 = arith.constant 0 : i32
      %dma_start3A_175 = tpu.memref_slice %arg20[%dma_start3A_173, %dma_start3A_174] : memref<320x64xf32, #tpu.memory_space<vmem>> -> memref<64x64xf32, #tpu.memory_space<vmem>>
      %dma_start3A_176 = tpu.memref_slice %arg12[%add3A_128] : memref<10240xi32, #tpu.memory_space<vmem>> -> memref<64xi32, #tpu.memory_space<vmem>>
      %dma_start3A_177 = arith.constant 0 : i32
      %dma_start3A_178 = arith.constant 0 : i32
      %dma_start3A_179 = tpu.memref_slice %arg2[%dma_start3A_177, %dma_start3A_178] : memref<1000000x64xf32, #tpu.memory_space<hbm>> -> memref<1000000x64xf32, #tpu.memory_space<hbm>>
      tpu.enqueue_indirect_dma source(%dma_start3A_179 : memref<1000000x64xf32, #tpu.memory_space<hbm>>) target(%dma_start3A_175 : memref<64x64xf32, #tpu.memory_space<vmem>>) offsets(%dma_start3A_176 : memref<64xi32, #tpu.memory_space<vmem>>) semaphore(%arg26 : memref<!tpu.dma_semaphore, #tpu.memory_space<semaphore_mem>>)
      %dma_start3A_180 = arith.constant 64 : i32
      %dma_start3A_181 = arith.constant 0 : i32
      %dma_start3A_182 = tpu.memref_slice %arg20[%dma_start3A_180, %dma_start3A_181] : memref<320x64xf32, #tpu.memory_space<vmem>> -> memref<64x64xf32, #tpu.memory_space<vmem>>
      %dma_start3A_183 = tpu.memref_slice %arg12[%add3A_132] : memref<10240xi32, #tpu.memory_space<vmem>> -> memref<64xi32, #tpu.memory_space<vmem>>
      %dma_start3A_184 = arith.constant 0 : i32
      %dma_start3A_185 = arith.constant 0 : i32
      %dma_start3A_186 = tpu.memref_slice %arg2[%dma_start3A_184, %dma_start3A_185] : memref<1000000x64xf32, #tpu.memory_space<hbm>> -> memref<1000000x64xf32, #tpu.memory_space<hbm>>
      tpu.enqueue_indirect_dma source(%dma_start3A_186 : memref<1000000x64xf32, #tpu.memory_space<hbm>>) target(%dma_start3A_182 : memref<64x64xf32, #tpu.memory_space<vmem>>) offsets(%dma_start3A_183 : memref<64xi32, #tpu.memory_space<vmem>>) semaphore(%arg26 : memref<!tpu.dma_semaphore, #tpu.memory_space<semaphore_mem>>)
      %dma_start3A_187 = arith.constant 128 : i32
      %dma_start3A_188 = arith.constant 0 : i32
      %dma_start3A_189 = tpu.memref_slice %arg20[%dma_start3A_187, %dma_start3A_188] : memref<320x64xf32, #tpu.memory_space<vmem>> -> memref<64x64xf32, #tpu.memory_space<vmem>>
      %dma_start3A_190 = tpu.memref_slice %arg12[%add3A_136] : memref<10240xi32, #tpu.memory_space<vmem>> -> memref<64xi32, #tpu.memory_space<vmem>>
      %dma_start3A_191 = arith.constant 0 : i32
      %dma_start3A_192 = arith.constant 0 : i32
      %dma_start3A_193 = tpu.memref_slice %arg2[%dma_start3A_191, %dma_start3A_192] : memref<1000000x64xf32, #tpu.memory_space<hbm>> -> memref<1000000x64xf32, #tpu.memory_space<hbm>>
      tpu.enqueue_indirect_dma source(%dma_start3A_193 : memref<1000000x64xf32, #tpu.memory_space<hbm>>) target(%dma_start3A_189 : memref<64x64xf32, #tpu.memory_space<vmem>>) offsets(%dma_start3A_190 : memref<64xi32, #tpu.memory_space<vmem>>) semaphore(%arg26 : memref<!tpu.dma_semaphore, #tpu.memory_space<semaphore_mem>>)
      %dma_start3A_194 = arith.constant 192 : i32
      %dma_start3A_195 = arith.constant 0 : i32
      %dma_start3A_196 = tpu.memref_slice %arg20[%dma_start3A_194, %dma_start3A_195] : memref<320x64xf32, #tpu.memory_space<vmem>> -> memref<64x64xf32, #tpu.memory_space<vmem>>
      %dma_start3A_197 = tpu.memref_slice %arg12[%add3A_140] : memref<10240xi32, #tpu.memory_space<vmem>> -> memref<64xi32, #tpu.memory_space<vmem>>
      %dma_start3A_198 = arith.constant 0 : i32
      %dma_start3A_199 = arith.constant 0 : i32
      %dma_start3A_200 = tpu.memref_slice %arg2[%dma_start3A_198, %dma_start3A_199] : memref<1000000x64xf32, #tpu.memory_space<hbm>> -> memref<1000000x64xf32, #tpu.memory_space<hbm>>
      tpu.enqueue_indirect_dma source(%dma_start3A_200 : memref<1000000x64xf32, #tpu.memory_space<hbm>>) target(%dma_start3A_196 : memref<64x64xf32, #tpu.memory_space<vmem>>) offsets(%dma_start3A_197 : memref<64xi32, #tpu.memory_space<vmem>>) semaphore(%arg26 : memref<!tpu.dma_semaphore, #tpu.memory_space<semaphore_mem>>)
      %dma_start3A_201 = arith.constant 256 : i32
      %dma_start3A_202 = arith.constant 0 : i32
      %dma_start3A_203 = tpu.memref_slice %arg20[%dma_start3A_201, %dma_start3A_202] : memref<320x64xf32, #tpu.memory_space<vmem>> -> memref<64x64xf32, #tpu.memory_space<vmem>>
      %dma_start3A_204 = tpu.memref_slice %arg12[%add3A_144] : memref<10240xi32, #tpu.memory_space<vmem>> -> memref<64xi32, #tpu.memory_space<vmem>>
      %dma_start3A_205 = arith.constant 0 : i32
      %dma_start3A_206 = arith.constant 0 : i32
      %dma_start3A_207 = tpu.memref_slice %arg2[%dma_start3A_205, %dma_start3A_206] : memref<1000000x64xf32, #tpu.memory_space<hbm>> -> memref<1000000x64xf32, #tpu.memory_space<hbm>>
      tpu.enqueue_indirect_dma source(%dma_start3A_207 : memref<1000000x64xf32, #tpu.memory_space<hbm>>) target(%dma_start3A_203 : memref<64x64xf32, #tpu.memory_space<vmem>>) offsets(%dma_start3A_204 : memref<64xi32, #tpu.memory_space<vmem>>) semaphore(%arg26 : memref<!tpu.dma_semaphore, #tpu.memory_space<semaphore_mem>>)
      %dma_start3A_208 = arith.constant 0 : i32
      %dma_start3A_209 = arith.constant 0 : i32
      %dma_start3A_210 = tpu.memref_slice %arg22[%dma_start3A_208, %dma_start3A_209] : memref<320x64xf32, #tpu.memory_space<vmem>> -> memref<64x64xf32, #tpu.memory_space<vmem>>
      %dma_start3A_211 = tpu.memref_slice %arg13[%add3A_148] : memref<10240xi32, #tpu.memory_space<vmem>> -> memref<64xi32, #tpu.memory_space<vmem>>
      %dma_start3A_212 = arith.constant 0 : i32
      %dma_start3A_213 = arith.constant 0 : i32
      %dma_start3A_214 = tpu.memref_slice %arg2[%dma_start3A_212, %dma_start3A_213] : memref<1000000x64xf32, #tpu.memory_space<hbm>> -> memref<1000000x64xf32, #tpu.memory_space<hbm>>
      tpu.enqueue_indirect_dma source(%dma_start3A_214 : memref<1000000x64xf32, #tpu.memory_space<hbm>>) target(%dma_start3A_210 : memref<64x64xf32, #tpu.memory_space<vmem>>) offsets(%dma_start3A_211 : memref<64xi32, #tpu.memory_space<vmem>>) semaphore(%arg26 : memref<!tpu.dma_semaphore, #tpu.memory_space<semaphore_mem>>)
      %dma_start3A_215 = arith.constant 64 : i32
      %dma_start3A_216 = arith.constant 0 : i32
      %dma_start3A_217 = tpu.memref_slice %arg22[%dma_start3A_215, %dma_start3A_216] : memref<320x64xf32, #tpu.memory_space<vmem>> -> memref<64x64xf32, #tpu.memory_space<vmem>>
      %dma_start3A_218 = tpu.memref_slice %arg13[%add3A_152] : memref<10240xi32, #tpu.memory_space<vmem>> -> memref<64xi32, #tpu.memory_space<vmem>>
      %dma_start3A_219 = arith.constant 0 : i32
      %dma_start3A_220 = arith.constant 0 : i32
      %dma_start3A_221 = tpu.memref_slice %arg2[%dma_start3A_219, %dma_start3A_220] : memref<1000000x64xf32, #tpu.memory_space<hbm>> -> memref<1000000x64xf32, #tpu.memory_space<hbm>>
      tpu.enqueue_indirect_dma source(%dma_start3A_221 : memref<1000000x64xf32, #tpu.memory_space<hbm>>) target(%dma_start3A_217 : memref<64x64xf32, #tpu.memory_space<vmem>>) offsets(%dma_start3A_218 : memref<64xi32, #tpu.memory_space<vmem>>) semaphore(%arg26 : memref<!tpu.dma_semaphore, #tpu.memory_space<semaphore_mem>>)
      %dma_start3A_222 = arith.constant 128 : i32
      %dma_start3A_223 = arith.constant 0 : i32
      %dma_start3A_224 = tpu.memref_slice %arg22[%dma_start3A_222, %dma_start3A_223] : memref<320x64xf32, #tpu.memory_space<vmem>> -> memref<64x64xf32, #tpu.memory_space<vmem>>
      %dma_start3A_225 = tpu.memref_slice %arg13[%add3A_156] : memref<10240xi32, #tpu.memory_space<vmem>> -> memref<64xi32, #tpu.memory_space<vmem>>
      %dma_start3A_226 = arith.constant 0 : i32
      %dma_start3A_227 = arith.constant 0 : i32
      %dma_start3A_228 = tpu.memref_slice %arg2[%dma_start3A_226, %dma_start3A_227] : memref<1000000x64xf32, #tpu.memory_space<hbm>> -> memref<1000000x64xf32, #tpu.memory_space<hbm>>
      tpu.enqueue_indirect_dma source(%dma_start3A_228 : memref<1000000x64xf32, #tpu.memory_space<hbm>>) target(%dma_start3A_224 : memref<64x64xf32, #tpu.memory_space<vmem>>) offsets(%dma_start3A_225 : memref<64xi32, #tpu.memory_space<vmem>>) semaphore(%arg26 : memref<!tpu.dma_semaphore, #tpu.memory_space<semaphore_mem>>)
      %dma_start3A_229 = arith.constant 192 : i32
      %dma_start3A_230 = arith.constant 0 : i32
      %dma_start3A_231 = tpu.memref_slice %arg22[%dma_start3A_229, %dma_start3A_230] : memref<320x64xf32, #tpu.memory_space<vmem>> -> memref<64x64xf32, #tpu.memory_space<vmem>>
      %dma_start3A_232 = tpu.memref_slice %arg13[%add3A_160] : memref<10240xi32, #tpu.memory_space<vmem>> -> memref<64xi32, #tpu.memory_space<vmem>>
      %dma_start3A_233 = arith.constant 0 : i32
      %dma_start3A_234 = arith.constant 0 : i32
      %dma_start3A_235 = tpu.memref_slice %arg2[%dma_start3A_233, %dma_start3A_234] : memref<1000000x64xf32, #tpu.memory_space<hbm>> -> memref<1000000x64xf32, #tpu.memory_space<hbm>>
      tpu.enqueue_indirect_dma source(%dma_start3A_235 : memref<1000000x64xf32, #tpu.memory_space<hbm>>) target(%dma_start3A_231 : memref<64x64xf32, #tpu.memory_space<vmem>>) offsets(%dma_start3A_232 : memref<64xi32, #tpu.memory_space<vmem>>) semaphore(%arg26 : memref<!tpu.dma_semaphore, #tpu.memory_space<semaphore_mem>>)
      %dma_start3A_236 = arith.constant 256 : i32
      %dma_start3A_237 = arith.constant 0 : i32
      %dma_start3A_238 = tpu.memref_slice %arg22[%dma_start3A_236, %dma_start3A_237] : memref<320x64xf32, #tpu.memory_space<vmem>> -> memref<64x64xf32, #tpu.memory_space<vmem>>
      %dma_start3A_239 = tpu.memref_slice %arg13[%add3A_164] : memref<10240xi32, #tpu.memory_space<vmem>> -> memref<64xi32, #tpu.memory_space<vmem>>
      %dma_start3A_240 = arith.constant 0 : i32
      %dma_start3A_241 = arith.constant 0 : i32
      %dma_start3A_242 = tpu.memref_slice %arg2[%dma_start3A_240, %dma_start3A_241] : memref<1000000x64xf32, #tpu.memory_space<hbm>> -> memref<1000000x64xf32, #tpu.memory_space<hbm>>
      tpu.enqueue_indirect_dma source(%dma_start3A_242 : memref<1000000x64xf32, #tpu.memory_space<hbm>>) target(%dma_start3A_238 : memref<64x64xf32, #tpu.memory_space<vmem>>) offsets(%dma_start3A_239 : memref<64xi32, #tpu.memory_space<vmem>>) semaphore(%arg26 : memref<!tpu.dma_semaphore, #tpu.memory_space<semaphore_mem>>)
      %mul3A_243 = arith.constant 16 : i32
      %mul3A_244 = arith.muli %mul3A_118, %mul3A_243 : i32
      %mul3A_245 = arith.constant 16 : i32
      %mul3A_246 = arith.muli %mul3A_118, %mul3A_245 : i32
      %mul3A_247 = arith.constant 320 : i32
      %mul3A_248 = arith.muli %mul3A_118, %mul3A_247 : i32
      %add3A_249 = arith.constant 0 : i32
      %add3A_250 = arith.addi %mul3A_248, %add3A_249 : i32
      %mul3A_251 = arith.constant 320 : i32
      %mul3A_252 = arith.muli %mul3A_118, %mul3A_251 : i32
      %add3A_253 = arith.constant 64 : i32
      %add3A_254 = arith.addi %mul3A_252, %add3A_253 : i32
      %mul3A_255 = arith.constant 320 : i32
      %mul3A_256 = arith.muli %mul3A_118, %mul3A_255 : i32
      %add3A_257 = arith.constant 128 : i32
      %add3A_258 = arith.addi %mul3A_256, %add3A_257 : i32
      %mul3A_259 = arith.constant 320 : i32
      %mul3A_260 = arith.muli %mul3A_118, %mul3A_259 : i32
      %add3A_261 = arith.constant 192 : i32
      %add3A_262 = arith.addi %mul3A_260, %add3A_261 : i32
      %mul3A_263 = arith.constant 320 : i32
      %mul3A_264 = arith.muli %mul3A_118, %mul3A_263 : i32
      %add3A_265 = arith.constant 256 : i32
      %add3A_266 = arith.addi %mul3A_264, %add3A_265 : i32
      %mul3A_267 = arith.constant 320 : i32
      %mul3A_268 = arith.muli %mul3A_118, %mul3A_267 : i32
      %add3A_269 = arith.constant 0 : i32
      %add3A_270 = arith.addi %mul3A_268, %add3A_269 : i32
      %mul3A_271 = arith.constant 320 : i32
      %mul3A_272 = arith.muli %mul3A_118, %mul3A_271 : i32
      %add3A_273 = arith.constant 64 : i32
      %add3A_274 = arith.addi %mul3A_272, %add3A_273 : i32
      %mul3A_275 = arith.constant 320 : i32
      %mul3A_276 = arith.muli %mul3A_118, %mul3A_275 : i32
      %add3A_277 = arith.constant 128 : i32
      %add3A_278 = arith.addi %mul3A_276, %add3A_277 : i32
      %mul3A_279 = arith.constant 320 : i32
      %mul3A_280 = arith.muli %mul3A_118, %mul3A_279 : i32
      %add3A_281 = arith.constant 192 : i32
      %add3A_282 = arith.addi %mul3A_280, %add3A_281 : i32
      %mul3A_283 = arith.constant 320 : i32
      %mul3A_284 = arith.muli %mul3A_118, %mul3A_283 : i32
      %add3A_285 = arith.constant 256 : i32
      %add3A_286 = arith.addi %mul3A_284, %add3A_285 : i32
      %dma_wait3A = tpu.memref_slice %arg10[%mul3A_244] : memref<512xi32, #tpu.memory_space<vmem>> -> memref<16xi32, #tpu.memory_space<vmem>>
      %dma_wait3A_287 = arith.constant 0 : i32
      %dma_wait3A_288 = arith.constant 0 : i32
      %dma_wait3A_289 = tpu.memref_slice %arg2[%dma_wait3A_287, %dma_wait3A_288] : memref<1000000x64xf32, #tpu.memory_space<hbm>> -> memref<1000000x64xf32, #tpu.memory_space<hbm>>
      tpu.wait_indirect_dma semaphore(%arg25 : memref<!tpu.dma_semaphore, #tpu.memory_space<semaphore_mem>>) src(%dma_wait3A_289 : memref<1000000x64xf32, #tpu.memory_space<hbm>>) dst(%arg15 : memref<16x64xf32, #tpu.memory_space<vmem>>)
      %dma_wait3A_290 = tpu.memref_slice %arg11[%mul3A_246] : memref<512xi32, #tpu.memory_space<vmem>> -> memref<16xi32, #tpu.memory_space<vmem>>
      %dma_wait3A_291 = arith.constant 0 : i32
      %dma_wait3A_292 = arith.constant 0 : i32
      %dma_wait3A_293 = tpu.memref_slice %arg2[%dma_wait3A_291, %dma_wait3A_292] : memref<1000000x64xf32, #tpu.memory_space<hbm>> -> memref<1000000x64xf32, #tpu.memory_space<hbm>>
      tpu.wait_indirect_dma semaphore(%arg25 : memref<!tpu.dma_semaphore, #tpu.memory_space<semaphore_mem>>) src(%dma_wait3A_293 : memref<1000000x64xf32, #tpu.memory_space<hbm>>) dst(%arg17 : memref<16x64xf32, #tpu.memory_space<vmem>>)
      %dma_wait3A_294 = arith.constant 0 : i32
      %dma_wait3A_295 = arith.constant 0 : i32
      %dma_wait3A_296 = tpu.memref_slice %arg19[%dma_wait3A_294, %dma_wait3A_295] : memref<320x64xf32, #tpu.memory_space<vmem>> -> memref<64x64xf32, #tpu.memory_space<vmem>>
      %dma_wait3A_297 = tpu.memref_slice %arg12[%add3A_250] : memref<10240xi32, #tpu.memory_space<vmem>> -> memref<64xi32, #tpu.memory_space<vmem>>
      %dma_wait3A_298 = arith.constant 0 : i32
      %dma_wait3A_299 = arith.constant 0 : i32
      %dma_wait3A_300 = tpu.memref_slice %arg2[%dma_wait3A_298, %dma_wait3A_299] : memref<1000000x64xf32, #tpu.memory_space<hbm>> -> memref<1000000x64xf32, #tpu.memory_space<hbm>>
      tpu.wait_indirect_dma semaphore(%arg25 : memref<!tpu.dma_semaphore, #tpu.memory_space<semaphore_mem>>) src(%dma_wait3A_300 : memref<1000000x64xf32, #tpu.memory_space<hbm>>) dst(%dma_wait3A_296 : memref<64x64xf32, #tpu.memory_space<vmem>>)
      %dma_wait3A_301 = arith.constant 64 : i32
      %dma_wait3A_302 = arith.constant 0 : i32
      %dma_wait3A_303 = tpu.memref_slice %arg19[%dma_wait3A_301, %dma_wait3A_302] : memref<320x64xf32, #tpu.memory_space<vmem>> -> memref<64x64xf32, #tpu.memory_space<vmem>>
      %dma_wait3A_304 = tpu.memref_slice %arg12[%add3A_254] : memref<10240xi32, #tpu.memory_space<vmem>> -> memref<64xi32, #tpu.memory_space<vmem>>
      %dma_wait3A_305 = arith.constant 0 : i32
      %dma_wait3A_306 = arith.constant 0 : i32
      %dma_wait3A_307 = tpu.memref_slice %arg2[%dma_wait3A_305, %dma_wait3A_306] : memref<1000000x64xf32, #tpu.memory_space<hbm>> -> memref<1000000x64xf32, #tpu.memory_space<hbm>>
      tpu.wait_indirect_dma semaphore(%arg25 : memref<!tpu.dma_semaphore, #tpu.memory_space<semaphore_mem>>) src(%dma_wait3A_307 : memref<1000000x64xf32, #tpu.memory_space<hbm>>) dst(%dma_wait3A_303 : memref<64x64xf32, #tpu.memory_space<vmem>>)
      %dma_wait3A_308 = arith.constant 128 : i32
      %dma_wait3A_309 = arith.constant 0 : i32
      %dma_wait3A_310 = tpu.memref_slice %arg19[%dma_wait3A_308, %dma_wait3A_309] : memref<320x64xf32, #tpu.memory_space<vmem>> -> memref<64x64xf32, #tpu.memory_space<vmem>>
      %dma_wait3A_311 = tpu.memref_slice %arg12[%add3A_258] : memref<10240xi32, #tpu.memory_space<vmem>> -> memref<64xi32, #tpu.memory_space<vmem>>
      %dma_wait3A_312 = arith.constant 0 : i32
      %dma_wait3A_313 = arith.constant 0 : i32
      %dma_wait3A_314 = tpu.memref_slice %arg2[%dma_wait3A_312, %dma_wait3A_313] : memref<1000000x64xf32, #tpu.memory_space<hbm>> -> memref<1000000x64xf32, #tpu.memory_space<hbm>>
      tpu.wait_indirect_dma semaphore(%arg25 : memref<!tpu.dma_semaphore, #tpu.memory_space<semaphore_mem>>) src(%dma_wait3A_314 : memref<1000000x64xf32, #tpu.memory_space<hbm>>) dst(%dma_wait3A_310 : memref<64x64xf32, #tpu.memory_space<vmem>>)
      %dma_wait3A_315 = arith.constant 192 : i32
      %dma_wait3A_316 = arith.constant 0 : i32
      %dma_wait3A_317 = tpu.memref_slice %arg19[%dma_wait3A_315, %dma_wait3A_316] : memref<320x64xf32, #tpu.memory_space<vmem>> -> memref<64x64xf32, #tpu.memory_space<vmem>>
      %dma_wait3A_318 = tpu.memref_slice %arg12[%add3A_262] : memref<10240xi32, #tpu.memory_space<vmem>> -> memref<64xi32, #tpu.memory_space<vmem>>
      %dma_wait3A_319 = arith.constant 0 : i32
      %dma_wait3A_320 = arith.constant 0 : i32
      %dma_wait3A_321 = tpu.memref_slice %arg2[%dma_wait3A_319, %dma_wait3A_320] : memref<1000000x64xf32, #tpu.memory_space<hbm>> -> memref<1000000x64xf32, #tpu.memory_space<hbm>>
      tpu.wait_indirect_dma semaphore(%arg25 : memref<!tpu.dma_semaphore, #tpu.memory_space<semaphore_mem>>) src(%dma_wait3A_321 : memref<1000000x64xf32, #tpu.memory_space<hbm>>) dst(%dma_wait3A_317 : memref<64x64xf32, #tpu.memory_space<vmem>>)
      %dma_wait3A_322 = arith.constant 256 : i32
      %dma_wait3A_323 = arith.constant 0 : i32
      %dma_wait3A_324 = tpu.memref_slice %arg19[%dma_wait3A_322, %dma_wait3A_323] : memref<320x64xf32, #tpu.memory_space<vmem>> -> memref<64x64xf32, #tpu.memory_space<vmem>>
      %dma_wait3A_325 = tpu.memref_slice %arg12[%add3A_266] : memref<10240xi32, #tpu.memory_space<vmem>> -> memref<64xi32, #tpu.memory_space<vmem>>
      %dma_wait3A_326 = arith.constant 0 : i32
      %dma_wait3A_327 = arith.constant 0 : i32
      %dma_wait3A_328 = tpu.memref_slice %arg2[%dma_wait3A_326, %dma_wait3A_327] : memref<1000000x64xf32, #tpu.memory_space<hbm>> -> memref<1000000x64xf32, #tpu.memory_space<hbm>>
      tpu.wait_indirect_dma semaphore(%arg25 : memref<!tpu.dma_semaphore, #tpu.memory_space<semaphore_mem>>) src(%dma_wait3A_328 : memref<1000000x64xf32, #tpu.memory_space<hbm>>) dst(%dma_wait3A_324 : memref<64x64xf32, #tpu.memory_space<vmem>>)
      %dma_wait3A_329 = arith.constant 0 : i32
      %dma_wait3A_330 = arith.constant 0 : i32
      %dma_wait3A_331 = tpu.memref_slice %arg21[%dma_wait3A_329, %dma_wait3A_330] : memref<320x64xf32, #tpu.memory_space<vmem>> -> memref<64x64xf32, #tpu.memory_space<vmem>>
      %dma_wait3A_332 = tpu.memref_slice %arg13[%add3A_270] : memref<10240xi32, #tpu.memory_space<vmem>> -> memref<64xi32, #tpu.memory_space<vmem>>
      %dma_wait3A_333 = arith.constant 0 : i32
      %dma_wait3A_334 = arith.constant 0 : i32
      %dma_wait3A_335 = tpu.memref_slice %arg2[%dma_wait3A_333, %dma_wait3A_334] : memref<1000000x64xf32, #tpu.memory_space<hbm>> -> memref<1000000x64xf32, #tpu.memory_space<hbm>>
      tpu.wait_indirect_dma semaphore(%arg25 : memref<!tpu.dma_semaphore, #tpu.memory_space<semaphore_mem>>) src(%dma_wait3A_335 : memref<1000000x64xf32, #tpu.memory_space<hbm>>) dst(%dma_wait3A_331 : memref<64x64xf32, #tpu.memory_space<vmem>>)
      %dma_wait3A_336 = arith.constant 64 : i32
      %dma_wait3A_337 = arith.constant 0 : i32
      %dma_wait3A_338 = tpu.memref_slice %arg21[%dma_wait3A_336, %dma_wait3A_337] : memref<320x64xf32, #tpu.memory_space<vmem>> -> memref<64x64xf32, #tpu.memory_space<vmem>>
      %dma_wait3A_339 = tpu.memref_slice %arg13[%add3A_274] : memref<10240xi32, #tpu.memory_space<vmem>> -> memref<64xi32, #tpu.memory_space<vmem>>
      %dma_wait3A_340 = arith.constant 0 : i32
      %dma_wait3A_341 = arith.constant 0 : i32
      %dma_wait3A_342 = tpu.memref_slice %arg2[%dma_wait3A_340, %dma_wait3A_341] : memref<1000000x64xf32, #tpu.memory_space<hbm>> -> memref<1000000x64xf32, #tpu.memory_space<hbm>>
      tpu.wait_indirect_dma semaphore(%arg25 : memref<!tpu.dma_semaphore, #tpu.memory_space<semaphore_mem>>) src(%dma_wait3A_342 : memref<1000000x64xf32, #tpu.memory_space<hbm>>) dst(%dma_wait3A_338 : memref<64x64xf32, #tpu.memory_space<vmem>>)
      %dma_wait3A_343 = arith.constant 128 : i32
      %dma_wait3A_344 = arith.constant 0 : i32
      %dma_wait3A_345 = tpu.memref_slice %arg21[%dma_wait3A_343, %dma_wait3A_344] : memref<320x64xf32, #tpu.memory_space<vmem>> -> memref<64x64xf32, #tpu.memory_space<vmem>>
      %dma_wait3A_346 = tpu.memref_slice %arg13[%add3A_278] : memref<10240xi32, #tpu.memory_space<vmem>> -> memref<64xi32, #tpu.memory_space<vmem>>
      %dma_wait3A_347 = arith.constant 0 : i32
      %dma_wait3A_348 = arith.constant 0 : i32
      %dma_wait3A_349 = tpu.memref_slice %arg2[%dma_wait3A_347, %dma_wait3A_348] : memref<1000000x64xf32, #tpu.memory_space<hbm>> -> memref<1000000x64xf32, #tpu.memory_space<hbm>>
      tpu.wait_indirect_dma semaphore(%arg25 : memref<!tpu.dma_semaphore, #tpu.memory_space<semaphore_mem>>) src(%dma_wait3A_349 : memref<1000000x64xf32, #tpu.memory_space<hbm>>) dst(%dma_wait3A_345 : memref<64x64xf32, #tpu.memory_space<vmem>>)
      %dma_wait3A_350 = arith.constant 192 : i32
      %dma_wait3A_351 = arith.constant 0 : i32
      %dma_wait3A_352 = tpu.memref_slice %arg21[%dma_wait3A_350, %dma_wait3A_351] : memref<320x64xf32, #tpu.memory_space<vmem>> -> memref<64x64xf32, #tpu.memory_space<vmem>>
      %dma_wait3A_353 = tpu.memref_slice %arg13[%add3A_282] : memref<10240xi32, #tpu.memory_space<vmem>> -> memref<64xi32, #tpu.memory_space<vmem>>
      %dma_wait3A_354 = arith.constant 0 : i32
      %dma_wait3A_355 = arith.constant 0 : i32
      %dma_wait3A_356 = tpu.memref_slice %arg2[%dma_wait3A_354, %dma_wait3A_355] : memref<1000000x64xf32, #tpu.memory_space<hbm>> -> memref<1000000x64xf32, #tpu.memory_space<hbm>>
      tpu.wait_indirect_dma semaphore(%arg25 : memref<!tpu.dma_semaphore, #tpu.memory_space<semaphore_mem>>) src(%dma_wait3A_356 : memref<1000000x64xf32, #tpu.memory_space<hbm>>) dst(%dma_wait3A_352 : memref<64x64xf32, #tpu.memory_space<vmem>>)
      %dma_wait3A_357 = arith.constant 256 : i32
      %dma_wait3A_358 = arith.constant 0 : i32
      %dma_wait3A_359 = tpu.memref_slice %arg21[%dma_wait3A_357, %dma_wait3A_358] : memref<320x64xf32, #tpu.memory_space<vmem>> -> memref<64x64xf32, #tpu.memory_space<vmem>>
      %dma_wait3A_360 = tpu.memref_slice %arg13[%add3A_286] : memref<10240xi32, #tpu.memory_space<vmem>> -> memref<64xi32, #tpu.memory_space<vmem>>
      %dma_wait3A_361 = arith.constant 0 : i32
      %dma_wait3A_362 = arith.constant 0 : i32
      %dma_wait3A_363 = tpu.memref_slice %arg2[%dma_wait3A_361, %dma_wait3A_362] : memref<1000000x64xf32, #tpu.memory_space<hbm>> -> memref<1000000x64xf32, #tpu.memory_space<hbm>>
      tpu.wait_indirect_dma semaphore(%arg25 : memref<!tpu.dma_semaphore, #tpu.memory_space<semaphore_mem>>) src(%dma_wait3A_363 : memref<1000000x64xf32, #tpu.memory_space<hbm>>) dst(%dma_wait3A_359 : memref<64x64xf32, #tpu.memory_space<vmem>>)
      %scan3A_364 = arith.constant 0 : i32
      %scan3A_365 = arith.constant 16 : i32
      %scan3A_366 = arith.addi %scan3A_364, %scan3A_365 : i32
      %scan3A_367 = arith.constant 1 : i32
      %scan3A_368 = scf.for %scan3A_506 = %scan3A_364 to %scan3A_366 step %scan3A_367 iter_args(%scan3A_507 = %scan3A_116) -> (vector<16xf32>)  : i32 {
        %get3A = arith.index_cast %scan3A_506 : i32 to index
        %get3A_508 = arith.constant 0 : index
        %get3A_509 = tpu.vector_load %arg15[%get3A, %get3A_508] {strides = array<i32>} : memref<16x64xf32, #tpu.memory_space<vmem>>, vector<1x16xf32>,
        %get3A_510 = vector.shape_cast %get3A_509 : vector<1x16xf32> to vector<16xf32>
        %get3A_511 = arith.index_cast %scan3A_506 : i32 to index
        %get3A_512 = arith.constant 16 : index
        %get3A_513 = tpu.vector_load %arg15[%get3A_511, %get3A_512] {strides = array<i32>} : memref<16x64xf32, #tpu.memory_space<vmem>>, vector<1x16xf32>,
        %get3A_514 = vector.shape_cast %get3A_513 : vector<1x16xf32> to vector<16xf32>
        %get3A_515 = arith.index_cast %scan3A_506 : i32 to index
        %get3A_516 = arith.constant 32 : index
        %get3A_517 = tpu.vector_load %arg15[%get3A_515, %get3A_516] {strides = array<i32>} : memref<16x64xf32, #tpu.memory_space<vmem>>, vector<1x16xf32>,
        %get3A_518 = vector.shape_cast %get3A_517 : vector<1x16xf32> to vector<16xf32>
        %get3A_519 = arith.index_cast %scan3A_506 : i32 to index
        %get3A_520 = arith.constant 48 : index
        %get3A_521 = tpu.vector_load %arg15[%get3A_519, %get3A_520] {strides = array<i32>} : memref<16x64xf32, #tpu.memory_space<vmem>>, vector<1x16xf32>,
        %get3A_522 = vector.shape_cast %get3A_521 : vector<1x16xf32> to vector<16xf32>
        %get3A_523 = arith.index_cast %scan3A_506 : i32 to index
        %get3A_524 = arith.constant 0 : index
        %get3A_525 = tpu.vector_load %arg17[%get3A_523, %get3A_524] {strides = array<i32>} : memref<16x64xf32, #tpu.memory_space<vmem>>, vector<1x16xf32>,
        %get3A_526 = vector.shape_cast %get3A_525 : vector<1x16xf32> to vector<16xf32>
        %get3A_527 = arith.index_cast %scan3A_506 : i32 to index
        %get3A_528 = arith.constant 16 : index
        %get3A_529 = tpu.vector_load %arg17[%get3A_527, %get3A_528] {strides = array<i32>} : memref<16x64xf32, #tpu.memory_space<vmem>>, vector<1x16xf32>,
        %get3A_530 = vector.shape_cast %get3A_529 : vector<1x16xf32> to vector<16xf32>
        %get3A_531 = arith.index_cast %scan3A_506 : i32 to index
        %get3A_532 = arith.constant 32 : index
        %get3A_533 = tpu.vector_load %arg17[%get3A_531, %get3A_532] {strides = array<i32>} : memref<16x64xf32, #tpu.memory_space<vmem>>, vector<1x16xf32>,
        %get3A_534 = vector.shape_cast %get3A_533 : vector<1x16xf32> to vector<16xf32>
        %get3A_535 = arith.index_cast %scan3A_506 : i32 to index
        %get3A_536 = arith.constant 48 : index
        %get3A_537 = tpu.vector_load %arg17[%get3A_535, %get3A_536] {strides = array<i32>} : memref<16x64xf32, #tpu.memory_space<vmem>>, vector<1x16xf32>,
        %get3A_538 = vector.shape_cast %get3A_537 : vector<1x16xf32> to vector<16xf32>
        %mul3A_539 = arith.constant 20 : i32
        %mul3A_540 = arith.muli %scan3A_506, %mul3A_539 : i32
        %get3A_541 = arith.constant 0 : i32
        %get3A_542 = arith.index_cast %get3A_541 : i32 to index
        %get3A_543 = arith.constant 0 : index
        %get3A_544 = tpu.vector_load %arg14[%get3A_542, %get3A_543] {strides = array<i32>} : memref<20x16xf32, #tpu.memory_space<vmem>>, vector<1x16xf32>,
        %get3A_545 = vector.shape_cast %get3A_544 : vector<1x16xf32> to vector<16xf32>
        %add3A_546 = arith.constant 0 : i32
        %add3A_547 = arith.addi %mul3A_540, %add3A_546 : i32
        %get3A_548 = arith.index_cast %add3A_547 : i32 to index
        %get3A_549 = arith.constant 0 : index
        %get3A_550 = tpu.vector_load %arg19[%get3A_548, %get3A_549] {strides = array<i32>} : memref<320x64xf32, #tpu.memory_space<vmem>>, vector<1x16xf32>,
        %get3A_551 = vector.shape_cast %get3A_550 : vector<1x16xf32> to vector<16xf32>
        %mul3A_552 = arith.mulf %get3A_545, %get3A_551 : vector<16xf32>
        %add3A_553 = arith.constant 0 : i32
        %add3A_554 = arith.addi %mul3A_540, %add3A_553 : i32
        %get3A_555 = arith.index_cast %add3A_554 : i32 to index
        %get3A_556 = arith.constant 0 : index
        %get3A_557 = tpu.vector_load %arg21[%get3A_555, %get3A_556] {strides = array<i32>} : memref<320x64xf32, #tpu.memory_space<vmem>>, vector<1x16xf32>,
        %get3A_558 = vector.shape_cast %get3A_557 : vector<1x16xf32> to vector<16xf32>
        %mul3A_559 = arith.mulf %get3A_545, %get3A_558 : vector<16xf32>
        %add3A_560 = arith.constant 0 : i32
        %add3A_561 = arith.addi %mul3A_540, %add3A_560 : i32
        %get3A_562 = arith.index_cast %add3A_561 : i32 to index
        %get3A_563 = arith.constant 16 : index
        %get3A_564 = tpu.vector_load %arg19[%get3A_562, %get3A_563] {strides = array<i32>} : memref<320x64xf32, #tpu.memory_space<vmem>>, vector<1x16xf32>,
        %get3A_565 = vector.shape_cast %get3A_564 : vector<1x16xf32> to vector<16xf32>
        %mul3A_566 = arith.mulf %get3A_545, %get3A_565 : vector<16xf32>
        %add3A_567 = arith.constant 0 : i32
        %add3A_568 = arith.addi %mul3A_540, %add3A_567 : i32
        %get3A_569 = arith.index_cast %add3A_568 : i32 to index
        %get3A_570 = arith.constant 16 : index
        %get3A_571 = tpu.vector_load %arg21[%get3A_569, %get3A_570] {strides = array<i32>} : memref<320x64xf32, #tpu.memory_space<vmem>>, vector<1x16xf32>,
        %get3A_572 = vector.shape_cast %get3A_571 : vector<1x16xf32> to vector<16xf32>
        %mul3A_573 = arith.mulf %get3A_545, %get3A_572 : vector<16xf32>
        %add3A_574 = arith.constant 0 : i32
        %add3A_575 = arith.addi %mul3A_540, %add3A_574 : i32
        %get3A_576 = arith.index_cast %add3A_575 : i32 to index
        %get3A_577 = arith.constant 32 : index
        %get3A_578 = tpu.vector_load %arg19[%get3A_576, %get3A_577] {strides = array<i32>} : memref<320x64xf32, #tpu.memory_space<vmem>>, vector<1x16xf32>,
        %get3A_579 = vector.shape_cast %get3A_578 : vector<1x16xf32> to vector<16xf32>
        %mul3A_580 = arith.mulf %get3A_545, %get3A_579 : vector<16xf32>
        %add3A_581 = arith.constant 0 : i32
        %add3A_582 = arith.addi %mul3A_540, %add3A_581 : i32
        %get3A_583 = arith.index_cast %add3A_582 : i32 to index
        %get3A_584 = arith.constant 32 : index
        %get3A_585 = tpu.vector_load %arg21[%get3A_583, %get3A_584] {strides = array<i32>} : memref<320x64xf32, #tpu.memory_space<vmem>>, vector<1x16xf32>,
        %get3A_586 = vector.shape_cast %get3A_585 : vector<1x16xf32> to vector<16xf32>
        %mul3A_587 = arith.mulf %get3A_545, %get3A_586 : vector<16xf32>
        %add3A_588 = arith.constant 0 : i32
        %add3A_589 = arith.addi %mul3A_540, %add3A_588 : i32
        %get3A_590 = arith.index_cast %add3A_589 : i32 to index
        %get3A_591 = arith.constant 48 : index
        %get3A_592 = tpu.vector_load %arg19[%get3A_590, %get3A_591] {strides = array<i32>} : memref<320x64xf32, #tpu.memory_space<vmem>>, vector<1x16xf32>,
        %get3A_593 = vector.shape_cast %get3A_592 : vector<1x16xf32> to vector<16xf32>
        %mul3A_594 = arith.mulf %get3A_545, %get3A_593 : vector<16xf32>
        %add3A_595 = arith.constant 0 : i32
        %add3A_596 = arith.addi %mul3A_540, %add3A_595 : i32
        %get3A_597 = arith.index_cast %add3A_596 : i32 to index
        %get3A_598 = arith.constant 48 : index
        %get3A_599 = tpu.vector_load %arg21[%get3A_597, %get3A_598] {strides = array<i32>} : memref<320x64xf32, #tpu.memory_space<vmem>>, vector<1x16xf32>,
        %get3A_600 = vector.shape_cast %get3A_599 : vector<1x16xf32> to vector<16xf32>
        %mul3A_601 = arith.mulf %get3A_545, %get3A_600 : vector<16xf32>
        %get3A_602 = arith.constant 1 : i32
        %get3A_603 = arith.index_cast %get3A_602 : i32 to index
        %get3A_604 = arith.constant 0 : index
        %get3A_605 = tpu.vector_load %arg14[%get3A_603, %get3A_604] {strides = array<i32>} : memref<20x16xf32, #tpu.memory_space<vmem>>, vector<1x16xf32>,
        %get3A_606 = vector.shape_cast %get3A_605 : vector<1x16xf32> to vector<16xf32>
        %add3A_607 = arith.constant 1 : i32
        %add3A_608 = arith.addi %mul3A_540, %add3A_607 : i32
        %get3A_609 = arith.index_cast %add3A_608 : i32 to index
        %get3A_610 = arith.constant 0 : index
        %get3A_611 = tpu.vector_load %arg19[%get3A_609, %get3A_610] {strides = array<i32>} : memref<320x64xf32, #tpu.memory_space<vmem>>, vector<1x16xf32>,
        %get3A_612 = vector.shape_cast %get3A_611 : vector<1x16xf32> to vector<16xf32>
        %mul3A_613 = arith.mulf %get3A_606, %get3A_612 : vector<16xf32>
        %add3A_614 = arith.constant 1 : i32
        %add3A_615 = arith.addi %mul3A_540, %add3A_614 : i32
        %get3A_616 = arith.index_cast %add3A_615 : i32 to index
        %get3A_617 = arith.constant 0 : index
        %get3A_618 = tpu.vector_load %arg21[%get3A_616, %get3A_617] {strides = array<i32>} : memref<320x64xf32, #tpu.memory_space<vmem>>, vector<1x16xf32>,
        %get3A_619 = vector.shape_cast %get3A_618 : vector<1x16xf32> to vector<16xf32>
        %mul3A_620 = arith.mulf %get3A_606, %get3A_619 : vector<16xf32>
        %add3A_621 = arith.addf %mul3A_552, %mul3A_613 : vector<16xf32>
        %add3A_622 = arith.addf %mul3A_559, %mul3A_620 : vector<16xf32>
        %add3A_623 = arith.constant 1 : i32
        %add3A_624 = arith.addi %mul3A_540, %add3A_623 : i32
        %get3A_625 = arith.index_cast %add3A_624 : i32 to index
        %get3A_626 = arith.constant 16 : index
        %get3A_627 = tpu.vector_load %arg19[%get3A_625, %get3A_626] {strides = array<i32>} : memref<320x64xf32, #tpu.memory_space<vmem>>, vector<1x16xf32>,
        %get3A_628 = vector.shape_cast %get3A_627 : vector<1x16xf32> to vector<16xf32>
        %mul3A_629 = arith.mulf %get3A_606, %get3A_628 : vector<16xf32>
        %add3A_630 = arith.constant 1 : i32
        %add3A_631 = arith.addi %mul3A_540, %add3A_630 : i32
        %get3A_632 = arith.index_cast %add3A_631 : i32 to index
        %get3A_633 = arith.constant 16 : index
        %get3A_634 = tpu.vector_load %arg21[%get3A_632, %get3A_633] {strides = array<i32>} : memref<320x64xf32, #tpu.memory_space<vmem>>, vector<1x16xf32>,
        %get3A_635 = vector.shape_cast %get3A_634 : vector<1x16xf32> to vector<16xf32>
        %mul3A_636 = arith.mulf %get3A_606, %get3A_635 : vector<16xf32>
        %add3A_637 = arith.addf %mul3A_566, %mul3A_629 : vector<16xf32>
        %add3A_638 = arith.addf %mul3A_573, %mul3A_636 : vector<16xf32>
        %add3A_639 = arith.constant 1 : i32
        %add3A_640 = arith.addi %mul3A_540, %add3A_639 : i32
        %get3A_641 = arith.index_cast %add3A_640 : i32 to index
        %get3A_642 = arith.constant 32 : index
        %get3A_643 = tpu.vector_load %arg19[%get3A_641, %get3A_642] {strides = array<i32>} : memref<320x64xf32, #tpu.memory_space<vmem>>, vector<1x16xf32>,
        %get3A_644 = vector.shape_cast %get3A_643 : vector<1x16xf32> to vector<16xf32>
        %mul3A_645 = arith.mulf %get3A_606, %get3A_644 : vector<16xf32>
        %add3A_646 = arith.constant 1 : i32
        %add3A_647 = arith.addi %mul3A_540, %add3A_646 : i32
        %get3A_648 = arith.index_cast %add3A_647 : i32 to index
        %get3A_649 = arith.constant 32 : index
        %get3A_650 = tpu.vector_load %arg21[%get3A_648, %get3A_649] {strides = array<i32>} : memref<320x64xf32, #tpu.memory_space<vmem>>, vector<1x16xf32>,
        %get3A_651 = vector.shape_cast %get3A_650 : vector<1x16xf32> to vector<16xf32>
        %mul3A_652 = arith.mulf %get3A_606, %get3A_651 : vector<16xf32>
        %add3A_653 = arith.addf %mul3A_580, %mul3A_645 : vector<16xf32>
        %add3A_654 = arith.addf %mul3A_587, %mul3A_652 : vector<16xf32>
        %add3A_655 = arith.constant 1 : i32
        %add3A_656 = arith.addi %mul3A_540, %add3A_655 : i32
        %get3A_657 = arith.index_cast %add3A_656 : i32 to index
        %get3A_658 = arith.constant 48 : index
        %get3A_659 = tpu.vector_load %arg19[%get3A_657, %get3A_658] {strides = array<i32>} : memref<320x64xf32, #tpu.memory_space<vmem>>, vector<1x16xf32>,
        %get3A_660 = vector.shape_cast %get3A_659 : vector<1x16xf32> to vector<16xf32>
        %mul3A_661 = arith.mulf %get3A_606, %get3A_660 : vector<16xf32>
        %add3A_662 = arith.constant 1 : i32
        %add3A_663 = arith.addi %mul3A_540, %add3A_662 : i32
        %get3A_664 = arith.index_cast %add3A_663 : i32 to index
        %get3A_665 = arith.constant 48 : index
        %get3A_666 = tpu.vector_load %arg21[%get3A_664, %get3A_665] {strides = array<i32>} : memref<320x64xf32, #tpu.memory_space<vmem>>, vector<1x16xf32>,
        %get3A_667 = vector.shape_cast %get3A_666 : vector<1x16xf32> to vector<16xf32>
        %mul3A_668 = arith.mulf %get3A_606, %get3A_667 : vector<16xf32>
        %add3A_669 = arith.addf %mul3A_594, %mul3A_661 : vector<16xf32>
        %add3A_670 = arith.addf %mul3A_601, %mul3A_668 : vector<16xf32>
        %get3A_671 = arith.constant 2 : i32
        %get3A_672 = arith.index_cast %get3A_671 : i32 to index
        %get3A_673 = arith.constant 0 : index
        %get3A_674 = tpu.vector_load %arg14[%get3A_672, %get3A_673] {strides = array<i32>} : memref<20x16xf32, #tpu.memory_space<vmem>>, vector<1x16xf32>,
        %get3A_675 = vector.shape_cast %get3A_674 : vector<1x16xf32> to vector<16xf32>
        %add3A_676 = arith.constant 2 : i32
        %add3A_677 = arith.addi %mul3A_540, %add3A_676 : i32
        %get3A_678 = arith.index_cast %add3A_677 : i32 to index
        %get3A_679 = arith.constant 0 : index
        %get3A_680 = tpu.vector_load %arg19[%get3A_678, %get3A_679] {strides = array<i32>} : memref<320x64xf32, #tpu.memory_space<vmem>>, vector<1x16xf32>,
        %get3A_681 = vector.shape_cast %get3A_680 : vector<1x16xf32> to vector<16xf32>
        %mul3A_682 = arith.mulf %get3A_675, %get3A_681 : vector<16xf32>
        %add3A_683 = arith.constant 2 : i32
        %add3A_684 = arith.addi %mul3A_540, %add3A_683 : i32
        %get3A_685 = arith.index_cast %add3A_684 : i32 to index
        %get3A_686 = arith.constant 0 : index
        %get3A_687 = tpu.vector_load %arg21[%get3A_685, %get3A_686] {strides = array<i32>} : memref<320x64xf32, #tpu.memory_space<vmem>>, vector<1x16xf32>,
        %get3A_688 = vector.shape_cast %get3A_687 : vector<1x16xf32> to vector<16xf32>
        %mul3A_689 = arith.mulf %get3A_675, %get3A_688 : vector<16xf32>
        %add3A_690 = arith.addf %add3A_621, %mul3A_682 : vector<16xf32>
        %add3A_691 = arith.addf %add3A_622, %mul3A_689 : vector<16xf32>
        %add3A_692 = arith.constant 2 : i32
        %add3A_693 = arith.addi %mul3A_540, %add3A_692 : i32
        %get3A_694 = arith.index_cast %add3A_693 : i32 to index
        %get3A_695 = arith.constant 16 : index
        %get3A_696 = tpu.vector_load %arg19[%get3A_694, %get3A_695] {strides = array<i32>} : memref<320x64xf32, #tpu.memory_space<vmem>>, vector<1x16xf32>,
        %get3A_697 = vector.shape_cast %get3A_696 : vector<1x16xf32> to vector<16xf32>
        %mul3A_698 = arith.mulf %get3A_675, %get3A_697 : vector<16xf32>
        %add3A_699 = arith.constant 2 : i32
        %add3A_700 = arith.addi %mul3A_540, %add3A_699 : i32
        %get3A_701 = arith.index_cast %add3A_700 : i32 to index
        %get3A_702 = arith.constant 16 : index
        %get3A_703 = tpu.vector_load %arg21[%get3A_701, %get3A_702] {strides = array<i32>} : memref<320x64xf32, #tpu.memory_space<vmem>>, vector<1x16xf32>,
        %get3A_704 = vector.shape_cast %get3A_703 : vector<1x16xf32> to vector<16xf32>
        %mul3A_705 = arith.mulf %get3A_675, %get3A_704 : vector<16xf32>
        %add3A_706 = arith.addf %add3A_637, %mul3A_698 : vector<16xf32>
        %add3A_707 = arith.addf %add3A_638, %mul3A_705 : vector<16xf32>
        %add3A_708 = arith.constant 2 : i32
        %add3A_709 = arith.addi %mul3A_540, %add3A_708 : i32
        %get3A_710 = arith.index_cast %add3A_709 : i32 to index
        %get3A_711 = arith.constant 32 : index
        %get3A_712 = tpu.vector_load %arg19[%get3A_710, %get3A_711] {strides = array<i32>} : memref<320x64xf32, #tpu.memory_space<vmem>>, vector<1x16xf32>,
        %get3A_713 = vector.shape_cast %get3A_712 : vector<1x16xf32> to vector<16xf32>
        %mul3A_714 = arith.mulf %get3A_675, %get3A_713 : vector<16xf32>
        %add3A_715 = arith.constant 2 : i32
        %add3A_716 = arith.addi %mul3A_540, %add3A_715 : i32
        %get3A_717 = arith.index_cast %add3A_716 : i32 to index
        %get3A_718 = arith.constant 32 : index
        %get3A_719 = tpu.vector_load %arg21[%get3A_717, %get3A_718] {strides = array<i32>} : memref<320x64xf32, #tpu.memory_space<vmem>>, vector<1x16xf32>,
        %get3A_720 = vector.shape_cast %get3A_719 : vector<1x16xf32> to vector<16xf32>
        %mul3A_721 = arith.mulf %get3A_675, %get3A_720 : vector<16xf32>
        %add3A_722 = arith.addf %add3A_653, %mul3A_714 : vector<16xf32>
        %add3A_723 = arith.addf %add3A_654, %mul3A_721 : vector<16xf32>
        %add3A_724 = arith.constant 2 : i32
        %add3A_725 = arith.addi %mul3A_540, %add3A_724 : i32
        %get3A_726 = arith.index_cast %add3A_725 : i32 to index
        %get3A_727 = arith.constant 48 : index
        %get3A_728 = tpu.vector_load %arg19[%get3A_726, %get3A_727] {strides = array<i32>} : memref<320x64xf32, #tpu.memory_space<vmem>>, vector<1x16xf32>,
        %get3A_729 = vector.shape_cast %get3A_728 : vector<1x16xf32> to vector<16xf32>
        %mul3A_730 = arith.mulf %get3A_675, %get3A_729 : vector<16xf32>
        %add3A_731 = arith.constant 2 : i32
        %add3A_732 = arith.addi %mul3A_540, %add3A_731 : i32
        %get3A_733 = arith.index_cast %add3A_732 : i32 to index
        %get3A_734 = arith.constant 48 : index
        %get3A_735 = tpu.vector_load %arg21[%get3A_733, %get3A_734] {strides = array<i32>} : memref<320x64xf32, #tpu.memory_space<vmem>>, vector<1x16xf32>,
        %get3A_736 = vector.shape_cast %get3A_735 : vector<1x16xf32> to vector<16xf32>
        %mul3A_737 = arith.mulf %get3A_675, %get3A_736 : vector<16xf32>
        %add3A_738 = arith.addf %add3A_669, %mul3A_730 : vector<16xf32>
        %add3A_739 = arith.addf %add3A_670, %mul3A_737 : vector<16xf32>
        %get3A_740 = arith.constant 3 : i32
        %get3A_741 = arith.index_cast %get3A_740 : i32 to index
        %get3A_742 = arith.constant 0 : index
        %get3A_743 = tpu.vector_load %arg14[%get3A_741, %get3A_742] {strides = array<i32>} : memref<20x16xf32, #tpu.memory_space<vmem>>, vector<1x16xf32>,
        %get3A_744 = vector.shape_cast %get3A_743 : vector<1x16xf32> to vector<16xf32>
        %add3A_745 = arith.constant 3 : i32
        %add3A_746 = arith.addi %mul3A_540, %add3A_745 : i32
        %get3A_747 = arith.index_cast %add3A_746 : i32 to index
        %get3A_748 = arith.constant 0 : index
        %get3A_749 = tpu.vector_load %arg19[%get3A_747, %get3A_748] {strides = array<i32>} : memref<320x64xf32, #tpu.memory_space<vmem>>, vector<1x16xf32>,
        %get3A_750 = vector.shape_cast %get3A_749 : vector<1x16xf32> to vector<16xf32>
        %mul3A_751 = arith.mulf %get3A_744, %get3A_750 : vector<16xf32>
        %add3A_752 = arith.constant 3 : i32
        %add3A_753 = arith.addi %mul3A_540, %add3A_752 : i32
        %get3A_754 = arith.index_cast %add3A_753 : i32 to index
        %get3A_755 = arith.constant 0 : index
        %get3A_756 = tpu.vector_load %arg21[%get3A_754, %get3A_755] {strides = array<i32>} : memref<320x64xf32, #tpu.memory_space<vmem>>, vector<1x16xf32>,
        %get3A_757 = vector.shape_cast %get3A_756 : vector<1x16xf32> to vector<16xf32>
        %mul3A_758 = arith.mulf %get3A_744, %get3A_757 : vector<16xf32>
        %add3A_759 = arith.addf %add3A_690, %mul3A_751 : vector<16xf32>
        %add3A_760 = arith.addf %add3A_691, %mul3A_758 : vector<16xf32>
        %add3A_761 = arith.constant 3 : i32
        %add3A_762 = arith.addi %mul3A_540, %add3A_761 : i32
        %get3A_763 = arith.index_cast %add3A_762 : i32 to index
        %get3A_764 = arith.constant 16 : index
        %get3A_765 = tpu.vector_load %arg19[%get3A_763, %get3A_764] {strides = array<i32>} : memref<320x64xf32, #tpu.memory_space<vmem>>, vector<1x16xf32>,
        %get3A_766 = vector.shape_cast %get3A_765 : vector<1x16xf32> to vector<16xf32>
        %mul3A_767 = arith.mulf %get3A_744, %get3A_766 : vector<16xf32>
        %add3A_768 = arith.constant 3 : i32
        %add3A_769 = arith.addi %mul3A_540, %add3A_768 : i32
        %get3A_770 = arith.index_cast %add3A_769 : i32 to index
        %get3A_771 = arith.constant 16 : index
        %get3A_772 = tpu.vector_load %arg21[%get3A_770, %get3A_771] {strides = array<i32>} : memref<320x64xf32, #tpu.memory_space<vmem>>, vector<1x16xf32>,
        %get3A_773 = vector.shape_cast %get3A_772 : vector<1x16xf32> to vector<16xf32>
        %mul3A_774 = arith.mulf %get3A_744, %get3A_773 : vector<16xf32>
        %add3A_775 = arith.addf %add3A_706, %mul3A_767 : vector<16xf32>
        %add3A_776 = arith.addf %add3A_707, %mul3A_774 : vector<16xf32>
        %add3A_777 = arith.constant 3 : i32
        %add3A_778 = arith.addi %mul3A_540, %add3A_777 : i32
        %get3A_779 = arith.index_cast %add3A_778 : i32 to index
        %get3A_780 = arith.constant 32 : index
        %get3A_781 = tpu.vector_load %arg19[%get3A_779, %get3A_780] {strides = array<i32>} : memref<320x64xf32, #tpu.memory_space<vmem>>, vector<1x16xf32>,
        %get3A_782 = vector.shape_cast %get3A_781 : vector<1x16xf32> to vector<16xf32>
        %mul3A_783 = arith.mulf %get3A_744, %get3A_782 : vector<16xf32>
        %add3A_784 = arith.constant 3 : i32
        %add3A_785 = arith.addi %mul3A_540, %add3A_784 : i32
        %get3A_786 = arith.index_cast %add3A_785 : i32 to index
        %get3A_787 = arith.constant 32 : index
        %get3A_788 = tpu.vector_load %arg21[%get3A_786, %get3A_787] {strides = array<i32>} : memref<320x64xf32, #tpu.memory_space<vmem>>, vector<1x16xf32>,
        %get3A_789 = vector.shape_cast %get3A_788 : vector<1x16xf32> to vector<16xf32>
        %mul3A_790 = arith.mulf %get3A_744, %get3A_789 : vector<16xf32>
        %add3A_791 = arith.addf %add3A_722, %mul3A_783 : vector<16xf32>
        %add3A_792 = arith.addf %add3A_723, %mul3A_790 : vector<16xf32>
        %add3A_793 = arith.constant 3 : i32
        %add3A_794 = arith.addi %mul3A_540, %add3A_793 : i32
        %get3A_795 = arith.index_cast %add3A_794 : i32 to index
        %get3A_796 = arith.constant 48 : index
        %get3A_797 = tpu.vector_load %arg19[%get3A_795, %get3A_796] {strides = array<i32>} : memref<320x64xf32, #tpu.memory_space<vmem>>, vector<1x16xf32>,
        %get3A_798 = vector.shape_cast %get3A_797 : vector<1x16xf32> to vector<16xf32>
        %mul3A_799 = arith.mulf %get3A_744, %get3A_798 : vector<16xf32>
        %add3A_800 = arith.constant 3 : i32
        %add3A_801 = arith.addi %mul3A_540, %add3A_800 : i32
        %get3A_802 = arith.index_cast %add3A_801 : i32 to index
        %get3A_803 = arith.constant 48 : index
        %get3A_804 = tpu.vector_load %arg21[%get3A_802, %get3A_803] {strides = array<i32>} : memref<320x64xf32, #tpu.memory_space<vmem>>, vector<1x16xf32>,
        %get3A_805 = vector.shape_cast %get3A_804 : vector<1x16xf32> to vector<16xf32>
        %mul3A_806 = arith.mulf %get3A_744, %get3A_805 : vector<16xf32>
        %add3A_807 = arith.addf %add3A_738, %mul3A_799 : vector<16xf32>
        %add3A_808 = arith.addf %add3A_739, %mul3A_806 : vector<16xf32>
        %get3A_809 = arith.constant 4 : i32
        %get3A_810 = arith.index_cast %get3A_809 : i32 to index
        %get3A_811 = arith.constant 0 : index
        %get3A_812 = tpu.vector_load %arg14[%get3A_810, %get3A_811] {strides = array<i32>} : memref<20x16xf32, #tpu.memory_space<vmem>>, vector<1x16xf32>,
        %get3A_813 = vector.shape_cast %get3A_812 : vector<1x16xf32> to vector<16xf32>
        %add3A_814 = arith.constant 4 : i32
        %add3A_815 = arith.addi %mul3A_540, %add3A_814 : i32
        %get3A_816 = arith.index_cast %add3A_815 : i32 to index
        %get3A_817 = arith.constant 0 : index
        %get3A_818 = tpu.vector_load %arg19[%get3A_816, %get3A_817] {strides = array<i32>} : memref<320x64xf32, #tpu.memory_space<vmem>>, vector<1x16xf32>,
        %get3A_819 = vector.shape_cast %get3A_818 : vector<1x16xf32> to vector<16xf32>
        %mul3A_820 = arith.mulf %get3A_813, %get3A_819 : vector<16xf32>
        %add3A_821 = arith.constant 4 : i32
        %add3A_822 = arith.addi %mul3A_540, %add3A_821 : i32
        %get3A_823 = arith.index_cast %add3A_822 : i32 to index
        %get3A_824 = arith.constant 0 : index
        %get3A_825 = tpu.vector_load %arg21[%get3A_823, %get3A_824] {strides = array<i32>} : memref<320x64xf32, #tpu.memory_space<vmem>>, vector<1x16xf32>,
        %get3A_826 = vector.shape_cast %get3A_825 : vector<1x16xf32> to vector<16xf32>
        %mul3A_827 = arith.mulf %get3A_813, %get3A_826 : vector<16xf32>
        %add3A_828 = arith.addf %add3A_759, %mul3A_820 : vector<16xf32>
        %add3A_829 = arith.addf %add3A_760, %mul3A_827 : vector<16xf32>
        %add3A_830 = arith.constant 4 : i32
        %add3A_831 = arith.addi %mul3A_540, %add3A_830 : i32
        %get3A_832 = arith.index_cast %add3A_831 : i32 to index
        %get3A_833 = arith.constant 16 : index
        %get3A_834 = tpu.vector_load %arg19[%get3A_832, %get3A_833] {strides = array<i32>} : memref<320x64xf32, #tpu.memory_space<vmem>>, vector<1x16xf32>,
        %get3A_835 = vector.shape_cast %get3A_834 : vector<1x16xf32> to vector<16xf32>
        %mul3A_836 = arith.mulf %get3A_813, %get3A_835 : vector<16xf32>
        %add3A_837 = arith.constant 4 : i32
        %add3A_838 = arith.addi %mul3A_540, %add3A_837 : i32
        %get3A_839 = arith.index_cast %add3A_838 : i32 to index
        %get3A_840 = arith.constant 16 : index
        %get3A_841 = tpu.vector_load %arg21[%get3A_839, %get3A_840] {strides = array<i32>} : memref<320x64xf32, #tpu.memory_space<vmem>>, vector<1x16xf32>,
        %get3A_842 = vector.shape_cast %get3A_841 : vector<1x16xf32> to vector<16xf32>
        %mul3A_843 = arith.mulf %get3A_813, %get3A_842 : vector<16xf32>
        %add3A_844 = arith.addf %add3A_775, %mul3A_836 : vector<16xf32>
        %add3A_845 = arith.addf %add3A_776, %mul3A_843 : vector<16xf32>
        %add3A_846 = arith.constant 4 : i32
        %add3A_847 = arith.addi %mul3A_540, %add3A_846 : i32
        %get3A_848 = arith.index_cast %add3A_847 : i32 to index
        %get3A_849 = arith.constant 32 : index
        %get3A_850 = tpu.vector_load %arg19[%get3A_848, %get3A_849] {strides = array<i32>} : memref<320x64xf32, #tpu.memory_space<vmem>>, vector<1x16xf32>,
        %get3A_851 = vector.shape_cast %get3A_850 : vector<1x16xf32> to vector<16xf32>
        %mul3A_852 = arith.mulf %get3A_813, %get3A_851 : vector<16xf32>
        %add3A_853 = arith.constant 4 : i32
        %add3A_854 = arith.addi %mul3A_540, %add3A_853 : i32
        %get3A_855 = arith.index_cast %add3A_854 : i32 to index
        %get3A_856 = arith.constant 32 : index
        %get3A_857 = tpu.vector_load %arg21[%get3A_855, %get3A_856] {strides = array<i32>} : memref<320x64xf32, #tpu.memory_space<vmem>>, vector<1x16xf32>,
        %get3A_858 = vector.shape_cast %get3A_857 : vector<1x16xf32> to vector<16xf32>
        %mul3A_859 = arith.mulf %get3A_813, %get3A_858 : vector<16xf32>
        %add3A_860 = arith.addf %add3A_791, %mul3A_852 : vector<16xf32>
        %add3A_861 = arith.addf %add3A_792, %mul3A_859 : vector<16xf32>
        %add3A_862 = arith.constant 4 : i32
        %add3A_863 = arith.addi %mul3A_540, %add3A_862 : i32
        %get3A_864 = arith.index_cast %add3A_863 : i32 to index
        %get3A_865 = arith.constant 48 : index
        %get3A_866 = tpu.vector_load %arg19[%get3A_864, %get3A_865] {strides = array<i32>} : memref<320x64xf32, #tpu.memory_space<vmem>>, vector<1x16xf32>,
        %get3A_867 = vector.shape_cast %get3A_866 : vector<1x16xf32> to vector<16xf32>
        %mul3A_868 = arith.mulf %get3A_813, %get3A_867 : vector<16xf32>
        %add3A_869 = arith.constant 4 : i32
        %add3A_870 = arith.addi %mul3A_540, %add3A_869 : i32
        %get3A_871 = arith.index_cast %add3A_870 : i32 to index
        %get3A_872 = arith.constant 48 : index
        %get3A_873 = tpu.vector_load %arg21[%get3A_871, %get3A_872] {strides = array<i32>} : memref<320x64xf32, #tpu.memory_space<vmem>>, vector<1x16xf32>,
        %get3A_874 = vector.shape_cast %get3A_873 : vector<1x16xf32> to vector<16xf32>
        %mul3A_875 = arith.mulf %get3A_813, %get3A_874 : vector<16xf32>
        %add3A_876 = arith.addf %add3A_807, %mul3A_868 : vector<16xf32>
        %add3A_877 = arith.addf %add3A_808, %mul3A_875 : vector<16xf32>
        %get3A_878 = arith.constant 5 : i32
        %get3A_879 = arith.index_cast %get3A_878 : i32 to index
        %get3A_880 = arith.constant 0 : index
        %get3A_881 = tpu.vector_load %arg14[%get3A_879, %get3A_880] {strides = array<i32>} : memref<20x16xf32, #tpu.memory_space<vmem>>, vector<1x16xf32>,
        %get3A_882 = vector.shape_cast %get3A_881 : vector<1x16xf32> to vector<16xf32>
        %add3A_883 = arith.constant 5 : i32
        %add3A_884 = arith.addi %mul3A_540, %add3A_883 : i32
        %get3A_885 = arith.index_cast %add3A_884 : i32 to index
        %get3A_886 = arith.constant 0 : index
        %get3A_887 = tpu.vector_load %arg19[%get3A_885, %get3A_886] {strides = array<i32>} : memref<320x64xf32, #tpu.memory_space<vmem>>, vector<1x16xf32>,
        %get3A_888 = vector.shape_cast %get3A_887 : vector<1x16xf32> to vector<16xf32>
        %mul3A_889 = arith.mulf %get3A_882, %get3A_888 : vector<16xf32>
        %add3A_890 = arith.constant 5 : i32
        %add3A_891 = arith.addi %mul3A_540, %add3A_890 : i32
        %get3A_892 = arith.index_cast %add3A_891 : i32 to index
        %get3A_893 = arith.constant 0 : index
        %get3A_894 = tpu.vector_load %arg21[%get3A_892, %get3A_893] {strides = array<i32>} : memref<320x64xf32, #tpu.memory_space<vmem>>, vector<1x16xf32>,
        %get3A_895 = vector.shape_cast %get3A_894 : vector<1x16xf32> to vector<16xf32>
        %mul3A_896 = arith.mulf %get3A_882, %get3A_895 : vector<16xf32>
        %add3A_897 = arith.addf %add3A_828, %mul3A_889 : vector<16xf32>
        %add3A_898 = arith.addf %add3A_829, %mul3A_896 : vector<16xf32>
        %add3A_899 = arith.constant 5 : i32
        %add3A_900 = arith.addi %mul3A_540, %add3A_899 : i32
        %get3A_901 = arith.index_cast %add3A_900 : i32 to index
        %get3A_902 = arith.constant 16 : index
        %get3A_903 = tpu.vector_load %arg19[%get3A_901, %get3A_902] {strides = array<i32>} : memref<320x64xf32, #tpu.memory_space<vmem>>, vector<1x16xf32>,
        %get3A_904 = vector.shape_cast %get3A_903 : vector<1x16xf32> to vector<16xf32>
        %mul3A_905 = arith.mulf %get3A_882, %get3A_904 : vector<16xf32>
        %add3A_906 = arith.constant 5 : i32
        %add3A_907 = arith.addi %mul3A_540, %add3A_906 : i32
        %get3A_908 = arith.index_cast %add3A_907 : i32 to index
        %get3A_909 = arith.constant 16 : index
        %get3A_910 = tpu.vector_load %arg21[%get3A_908, %get3A_909] {strides = array<i32>} : memref<320x64xf32, #tpu.memory_space<vmem>>, vector<1x16xf32>,
        %get3A_911 = vector.shape_cast %get3A_910 : vector<1x16xf32> to vector<16xf32>
        %mul3A_912 = arith.mulf %get3A_882, %get3A_911 : vector<16xf32>
        %add3A_913 = arith.addf %add3A_844, %mul3A_905 : vector<16xf32>
        %add3A_914 = arith.addf %add3A_845, %mul3A_912 : vector<16xf32>
        %add3A_915 = arith.constant 5 : i32
        %add3A_916 = arith.addi %mul3A_540, %add3A_915 : i32
        %get3A_917 = arith.index_cast %add3A_916 : i32 to index
        %get3A_918 = arith.constant 32 : index
        %get3A_919 = tpu.vector_load %arg19[%get3A_917, %get3A_918] {strides = array<i32>} : memref<320x64xf32, #tpu.memory_space<vmem>>, vector<1x16xf32>,
        %get3A_920 = vector.shape_cast %get3A_919 : vector<1x16xf32> to vector<16xf32>
        %mul3A_921 = arith.mulf %get3A_882, %get3A_920 : vector<16xf32>
        %add3A_922 = arith.constant 5 : i32
        %add3A_923 = arith.addi %mul3A_540, %add3A_922 : i32
        %get3A_924 = arith.index_cast %add3A_923 : i32 to index
        %get3A_925 = arith.constant 32 : index
        %get3A_926 = tpu.vector_load %arg21[%get3A_924, %get3A_925] {strides = array<i32>} : memref<320x64xf32, #tpu.memory_space<vmem>>, vector<1x16xf32>,
        %get3A_927 = vector.shape_cast %get3A_926 : vector<1x16xf32> to vector<16xf32>
        %mul3A_928 = arith.mulf %get3A_882, %get3A_927 : vector<16xf32>
        %add3A_929 = arith.addf %add3A_860, %mul3A_921 : vector<16xf32>
        %add3A_930 = arith.addf %add3A_861, %mul3A_928 : vector<16xf32>
        %add3A_931 = arith.constant 5 : i32
        %add3A_932 = arith.addi %mul3A_540, %add3A_931 : i32
        %get3A_933 = arith.index_cast %add3A_932 : i32 to index
        %get3A_934 = arith.constant 48 : index
        %get3A_935 = tpu.vector_load %arg19[%get3A_933, %get3A_934] {strides = array<i32>} : memref<320x64xf32, #tpu.memory_space<vmem>>, vector<1x16xf32>,
        %get3A_936 = vector.shape_cast %get3A_935 : vector<1x16xf32> to vector<16xf32>
        %mul3A_937 = arith.mulf %get3A_882, %get3A_936 : vector<16xf32>
        %add3A_938 = arith.constant 5 : i32
        %add3A_939 = arith.addi %mul3A_540, %add3A_938 : i32
        %get3A_940 = arith.index_cast %add3A_939 : i32 to index
        %get3A_941 = arith.constant 48 : index
        %get3A_942 = tpu.vector_load %arg21[%get3A_940, %get3A_941] {strides = array<i32>} : memref<320x64xf32, #tpu.memory_space<vmem>>, vector<1x16xf32>,
        %get3A_943 = vector.shape_cast %get3A_942 : vector<1x16xf32> to vector<16xf32>
        %mul3A_944 = arith.mulf %get3A_882, %get3A_943 : vector<16xf32>
        %add3A_945 = arith.addf %add3A_876, %mul3A_937 : vector<16xf32>
        %add3A_946 = arith.addf %add3A_877, %mul3A_944 : vector<16xf32>
        %get3A_947 = arith.constant 6 : i32
        %get3A_948 = arith.index_cast %get3A_947 : i32 to index
        %get3A_949 = arith.constant 0 : index
        %get3A_950 = tpu.vector_load %arg14[%get3A_948, %get3A_949] {strides = array<i32>} : memref<20x16xf32, #tpu.memory_space<vmem>>, vector<1x16xf32>,
        %get3A_951 = vector.shape_cast %get3A_950 : vector<1x16xf32> to vector<16xf32>
        %add3A_952 = arith.constant 6 : i32
        %add3A_953 = arith.addi %mul3A_540, %add3A_952 : i32
        %get3A_954 = arith.index_cast %add3A_953 : i32 to index
        %get3A_955 = arith.constant 0 : index
        %get3A_956 = tpu.vector_load %arg19[%get3A_954, %get3A_955] {strides = array<i32>} : memref<320x64xf32, #tpu.memory_space<vmem>>, vector<1x16xf32>,
        %get3A_957 = vector.shape_cast %get3A_956 : vector<1x16xf32> to vector<16xf32>
        %mul3A_958 = arith.mulf %get3A_951, %get3A_957 : vector<16xf32>
        %add3A_959 = arith.constant 6 : i32
        %add3A_960 = arith.addi %mul3A_540, %add3A_959 : i32
        %get3A_961 = arith.index_cast %add3A_960 : i32 to index
        %get3A_962 = arith.constant 0 : index
        %get3A_963 = tpu.vector_load %arg21[%get3A_961, %get3A_962] {strides = array<i32>} : memref<320x64xf32, #tpu.memory_space<vmem>>, vector<1x16xf32>,
        %get3A_964 = vector.shape_cast %get3A_963 : vector<1x16xf32> to vector<16xf32>
        %mul3A_965 = arith.mulf %get3A_951, %get3A_964 : vector<16xf32>
        %add3A_966 = arith.addf %add3A_897, %mul3A_958 : vector<16xf32>
        %add3A_967 = arith.addf %add3A_898, %mul3A_965 : vector<16xf32>
        %add3A_968 = arith.constant 6 : i32
        %add3A_969 = arith.addi %mul3A_540, %add3A_968 : i32
        %get3A_970 = arith.index_cast %add3A_969 : i32 to index
        %get3A_971 = arith.constant 16 : index
        %get3A_972 = tpu.vector_load %arg19[%get3A_970, %get3A_971] {strides = array<i32>} : memref<320x64xf32, #tpu.memory_space<vmem>>, vector<1x16xf32>,
        %get3A_973 = vector.shape_cast %get3A_972 : vector<1x16xf32> to vector<16xf32>
        %mul3A_974 = arith.mulf %get3A_951, %get3A_973 : vector<16xf32>
        %add3A_975 = arith.constant 6 : i32
        %add3A_976 = arith.addi %mul3A_540, %add3A_975 : i32
        %get3A_977 = arith.index_cast %add3A_976 : i32 to index
        %get3A_978 = arith.constant 16 : index
        %get3A_979 = tpu.vector_load %arg21[%get3A_977, %get3A_978] {strides = array<i32>} : memref<320x64xf32, #tpu.memory_space<vmem>>, vector<1x16xf32>,
        %get3A_980 = vector.shape_cast %get3A_979 : vector<1x16xf32> to vector<16xf32>
        %mul3A_981 = arith.mulf %get3A_951, %get3A_980 : vector<16xf32>
        %add3A_982 = arith.addf %add3A_913, %mul3A_974 : vector<16xf32>
        %add3A_983 = arith.addf %add3A_914, %mul3A_981 : vector<16xf32>
        %add3A_984 = arith.constant 6 : i32
        %add3A_985 = arith.addi %mul3A_540, %add3A_984 : i32
        %get3A_986 = arith.index_cast %add3A_985 : i32 to index
        %get3A_987 = arith.constant 32 : index
        %get3A_988 = tpu.vector_load %arg19[%get3A_986, %get3A_987] {strides = array<i32>} : memref<320x64xf32, #tpu.memory_space<vmem>>, vector<1x16xf32>,
        %get3A_989 = vector.shape_cast %get3A_988 : vector<1x16xf32> to vector<16xf32>
        %mul3A_990 = arith.mulf %get3A_951, %get3A_989 : vector<16xf32>
        %add3A_991 = arith.constant 6 : i32
        %add3A_992 = arith.addi %mul3A_540, %add3A_991 : i32
        %get3A_993 = arith.index_cast %add3A_992 : i32 to index
        %get3A_994 = arith.constant 32 : index
        %get3A_995 = tpu.vector_load %arg21[%get3A_993, %get3A_994] {strides = array<i32>} : memref<320x64xf32, #tpu.memory_space<vmem>>, vector<1x16xf32>,
        %get3A_996 = vector.shape_cast %get3A_995 : vector<1x16xf32> to vector<16xf32>
        %mul3A_997 = arith.mulf %get3A_951, %get3A_996 : vector<16xf32>
        %add3A_998 = arith.addf %add3A_929, %mul3A_990 : vector<16xf32>
        %add3A_999 = arith.addf %add3A_930, %mul3A_997 : vector<16xf32>
        %add3A_1000 = arith.constant 6 : i32
        %add3A_1001 = arith.addi %mul3A_540, %add3A_1000 : i32
        %get3A_1002 = arith.index_cast %add3A_1001 : i32 to index
        %get3A_1003 = arith.constant 48 : index
        %get3A_1004 = tpu.vector_load %arg19[%get3A_1002, %get3A_1003] {strides = array<i32>} : memref<320x64xf32, #tpu.memory_space<vmem>>, vector<1x16xf32>,
        %get3A_1005 = vector.shape_cast %get3A_1004 : vector<1x16xf32> to vector<16xf32>
        %mul3A_1006 = arith.mulf %get3A_951, %get3A_1005 : vector<16xf32>
        %add3A_1007 = arith.constant 6 : i32
        %add3A_1008 = arith.addi %mul3A_540, %add3A_1007 : i32
        %get3A_1009 = arith.index_cast %add3A_1008 : i32 to index
        %get3A_1010 = arith.constant 48 : index
        %get3A_1011 = tpu.vector_load %arg21[%get3A_1009, %get3A_1010] {strides = array<i32>} : memref<320x64xf32, #tpu.memory_space<vmem>>, vector<1x16xf32>,
        %get3A_1012 = vector.shape_cast %get3A_1011 : vector<1x16xf32> to vector<16xf32>
        %mul3A_1013 = arith.mulf %get3A_951, %get3A_1012 : vector<16xf32>
        %add3A_1014 = arith.addf %add3A_945, %mul3A_1006 : vector<16xf32>
        %add3A_1015 = arith.addf %add3A_946, %mul3A_1013 : vector<16xf32>
        %get3A_1016 = arith.constant 7 : i32
        %get3A_1017 = arith.index_cast %get3A_1016 : i32 to index
        %get3A_1018 = arith.constant 0 : index
        %get3A_1019 = tpu.vector_load %arg14[%get3A_1017, %get3A_1018] {strides = array<i32>} : memref<20x16xf32, #tpu.memory_space<vmem>>, vector<1x16xf32>,
        %get3A_1020 = vector.shape_cast %get3A_1019 : vector<1x16xf32> to vector<16xf32>
        %add3A_1021 = arith.constant 7 : i32
        %add3A_1022 = arith.addi %mul3A_540, %add3A_1021 : i32
        %get3A_1023 = arith.index_cast %add3A_1022 : i32 to index
        %get3A_1024 = arith.constant 0 : index
        %get3A_1025 = tpu.vector_load %arg19[%get3A_1023, %get3A_1024] {strides = array<i32>} : memref<320x64xf32, #tpu.memory_space<vmem>>, vector<1x16xf32>,
        %get3A_1026 = vector.shape_cast %get3A_1025 : vector<1x16xf32> to vector<16xf32>
        %mul3A_1027 = arith.mulf %get3A_1020, %get3A_1026 : vector<16xf32>
        %add3A_1028 = arith.constant 7 : i32
        %add3A_1029 = arith.addi %mul3A_540, %add3A_1028 : i32
        %get3A_1030 = arith.index_cast %add3A_1029 : i32 to index
        %get3A_1031 = arith.constant 0 : index
        %get3A_1032 = tpu.vector_load %arg21[%get3A_1030, %get3A_1031] {strides = array<i32>} : memref<320x64xf32, #tpu.memory_space<vmem>>, vector<1x16xf32>,
        %get3A_1033 = vector.shape_cast %get3A_1032 : vector<1x16xf32> to vector<16xf32>
        %mul3A_1034 = arith.mulf %get3A_1020, %get3A_1033 : vector<16xf32>
        %add3A_1035 = arith.addf %add3A_966, %mul3A_1027 : vector<16xf32>
        %add3A_1036 = arith.addf %add3A_967, %mul3A_1034 : vector<16xf32>
        %add3A_1037 = arith.constant 7 : i32
        %add3A_1038 = arith.addi %mul3A_540, %add3A_1037 : i32
        %get3A_1039 = arith.index_cast %add3A_1038 : i32 to index
        %get3A_1040 = arith.constant 16 : index
        %get3A_1041 = tpu.vector_load %arg19[%get3A_1039, %get3A_1040] {strides = array<i32>} : memref<320x64xf32, #tpu.memory_space<vmem>>, vector<1x16xf32>,
        %get3A_1042 = vector.shape_cast %get3A_1041 : vector<1x16xf32> to vector<16xf32>
        %mul3A_1043 = arith.mulf %get3A_1020, %get3A_1042 : vector<16xf32>
        %add3A_1044 = arith.constant 7 : i32
        %add3A_1045 = arith.addi %mul3A_540, %add3A_1044 : i32
        %get3A_1046 = arith.index_cast %add3A_1045 : i32 to index
        %get3A_1047 = arith.constant 16 : index
        %get3A_1048 = tpu.vector_load %arg21[%get3A_1046, %get3A_1047] {strides = array<i32>} : memref<320x64xf32, #tpu.memory_space<vmem>>, vector<1x16xf32>,
        %get3A_1049 = vector.shape_cast %get3A_1048 : vector<1x16xf32> to vector<16xf32>
        %mul3A_1050 = arith.mulf %get3A_1020, %get3A_1049 : vector<16xf32>
        %add3A_1051 = arith.addf %add3A_982, %mul3A_1043 : vector<16xf32>
        %add3A_1052 = arith.addf %add3A_983, %mul3A_1050 : vector<16xf32>
        %add3A_1053 = arith.constant 7 : i32
        %add3A_1054 = arith.addi %mul3A_540, %add3A_1053 : i32
        %get3A_1055 = arith.index_cast %add3A_1054 : i32 to index
        %get3A_1056 = arith.constant 32 : index
        %get3A_1057 = tpu.vector_load %arg19[%get3A_1055, %get3A_1056] {strides = array<i32>} : memref<320x64xf32, #tpu.memory_space<vmem>>, vector<1x16xf32>,
        %get3A_1058 = vector.shape_cast %get3A_1057 : vector<1x16xf32> to vector<16xf32>
        %mul3A_1059 = arith.mulf %get3A_1020, %get3A_1058 : vector<16xf32>
        %add3A_1060 = arith.constant 7 : i32
        %add3A_1061 = arith.addi %mul3A_540, %add3A_1060 : i32
        %get3A_1062 = arith.index_cast %add3A_1061 : i32 to index
        %get3A_1063 = arith.constant 32 : index
        %get3A_1064 = tpu.vector_load %arg21[%get3A_1062, %get3A_1063] {strides = array<i32>} : memref<320x64xf32, #tpu.memory_space<vmem>>, vector<1x16xf32>,
        %get3A_1065 = vector.shape_cast %get3A_1064 : vector<1x16xf32> to vector<16xf32>
        %mul3A_1066 = arith.mulf %get3A_1020, %get3A_1065 : vector<16xf32>
        %add3A_1067 = arith.addf %add3A_998, %mul3A_1059 : vector<16xf32>
        %add3A_1068 = arith.addf %add3A_999, %mul3A_1066 : vector<16xf32>
        %add3A_1069 = arith.constant 7 : i32
        %add3A_1070 = arith.addi %mul3A_540, %add3A_1069 : i32
        %get3A_1071 = arith.index_cast %add3A_1070 : i32 to index
        %get3A_1072 = arith.constant 48 : index
        %get3A_1073 = tpu.vector_load %arg19[%get3A_1071, %get3A_1072] {strides = array<i32>} : memref<320x64xf32, #tpu.memory_space<vmem>>, vector<1x16xf32>,
        %get3A_1074 = vector.shape_cast %get3A_1073 : vector<1x16xf32> to vector<16xf32>
        %mul3A_1075 = arith.mulf %get3A_1020, %get3A_1074 : vector<16xf32>
        %add3A_1076 = arith.constant 7 : i32
        %add3A_1077 = arith.addi %mul3A_540, %add3A_1076 : i32
        %get3A_1078 = arith.index_cast %add3A_1077 : i32 to index
        %get3A_1079 = arith.constant 48 : index
        %get3A_1080 = tpu.vector_load %arg21[%get3A_1078, %get3A_1079] {strides = array<i32>} : memref<320x64xf32, #tpu.memory_space<vmem>>, vector<1x16xf32>,
        %get3A_1081 = vector.shape_cast %get3A_1080 : vector<1x16xf32> to vector<16xf32>
        %mul3A_1082 = arith.mulf %get3A_1020, %get3A_1081 : vector<16xf32>
        %add3A_1083 = arith.addf %add3A_1014, %mul3A_1075 : vector<16xf32>
        %add3A_1084 = arith.addf %add3A_1015, %mul3A_1082 : vector<16xf32>
        %get3A_1085 = arith.constant 8 : i32
        %get3A_1086 = arith.index_cast %get3A_1085 : i32 to index
        %get3A_1087 = arith.constant 0 : index
        %get3A_1088 = tpu.vector_load %arg14[%get3A_1086, %get3A_1087] {strides = array<i32>} : memref<20x16xf32, #tpu.memory_space<vmem>>, vector<1x16xf32>,
        %get3A_1089 = vector.shape_cast %get3A_1088 : vector<1x16xf32> to vector<16xf32>
        %add3A_1090 = arith.constant 8 : i32
        %add3A_1091 = arith.addi %mul3A_540, %add3A_1090 : i32
        %get3A_1092 = arith.index_cast %add3A_1091 : i32 to index
        %get3A_1093 = arith.constant 0 : index
        %get3A_1094 = tpu.vector_load %arg19[%get3A_1092, %get3A_1093] {strides = array<i32>} : memref<320x64xf32, #tpu.memory_space<vmem>>, vector<1x16xf32>,
        %get3A_1095 = vector.shape_cast %get3A_1094 : vector<1x16xf32> to vector<16xf32>
        %mul3A_1096 = arith.mulf %get3A_1089, %get3A_1095 : vector<16xf32>
        %add3A_1097 = arith.constant 8 : i32
        %add3A_1098 = arith.addi %mul3A_540, %add3A_1097 : i32
        %get3A_1099 = arith.index_cast %add3A_1098 : i32 to index
        %get3A_1100 = arith.constant 0 : index
        %get3A_1101 = tpu.vector_load %arg21[%get3A_1099, %get3A_1100] {strides = array<i32>} : memref<320x64xf32, #tpu.memory_space<vmem>>, vector<1x16xf32>,
        %get3A_1102 = vector.shape_cast %get3A_1101 : vector<1x16xf32> to vector<16xf32>
        %mul3A_1103 = arith.mulf %get3A_1089, %get3A_1102 : vector<16xf32>
        %add3A_1104 = arith.addf %add3A_1035, %mul3A_1096 : vector<16xf32>
        %add3A_1105 = arith.addf %add3A_1036, %mul3A_1103 : vector<16xf32>
        %add3A_1106 = arith.constant 8 : i32
        %add3A_1107 = arith.addi %mul3A_540, %add3A_1106 : i32
        %get3A_1108 = arith.index_cast %add3A_1107 : i32 to index
        %get3A_1109 = arith.constant 16 : index
        %get3A_1110 = tpu.vector_load %arg19[%get3A_1108, %get3A_1109] {strides = array<i32>} : memref<320x64xf32, #tpu.memory_space<vmem>>, vector<1x16xf32>,
        %get3A_1111 = vector.shape_cast %get3A_1110 : vector<1x16xf32> to vector<16xf32>
        %mul3A_1112 = arith.mulf %get3A_1089, %get3A_1111 : vector<16xf32>
        %add3A_1113 = arith.constant 8 : i32
        %add3A_1114 = arith.addi %mul3A_540, %add3A_1113 : i32
        %get3A_1115 = arith.index_cast %add3A_1114 : i32 to index
        %get3A_1116 = arith.constant 16 : index
        %get3A_1117 = tpu.vector_load %arg21[%get3A_1115, %get3A_1116] {strides = array<i32>} : memref<320x64xf32, #tpu.memory_space<vmem>>, vector<1x16xf32>,
        %get3A_1118 = vector.shape_cast %get3A_1117 : vector<1x16xf32> to vector<16xf32>
        %mul3A_1119 = arith.mulf %get3A_1089, %get3A_1118 : vector<16xf32>
        %add3A_1120 = arith.addf %add3A_1051, %mul3A_1112 : vector<16xf32>
        %add3A_1121 = arith.addf %add3A_1052, %mul3A_1119 : vector<16xf32>
        %add3A_1122 = arith.constant 8 : i32
        %add3A_1123 = arith.addi %mul3A_540, %add3A_1122 : i32
        %get3A_1124 = arith.index_cast %add3A_1123 : i32 to index
        %get3A_1125 = arith.constant 32 : index
        %get3A_1126 = tpu.vector_load %arg19[%get3A_1124, %get3A_1125] {strides = array<i32>} : memref<320x64xf32, #tpu.memory_space<vmem>>, vector<1x16xf32>,
        %get3A_1127 = vector.shape_cast %get3A_1126 : vector<1x16xf32> to vector<16xf32>
        %mul3A_1128 = arith.mulf %get3A_1089, %get3A_1127 : vector<16xf32>
        %add3A_1129 = arith.constant 8 : i32
        %add3A_1130 = arith.addi %mul3A_540, %add3A_1129 : i32
        %get3A_1131 = arith.index_cast %add3A_1130 : i32 to index
        %get3A_1132 = arith.constant 32 : index
        %get3A_1133 = tpu.vector_load %arg21[%get3A_1131, %get3A_1132] {strides = array<i32>} : memref<320x64xf32, #tpu.memory_space<vmem>>, vector<1x16xf32>,
        %get3A_1134 = vector.shape_cast %get3A_1133 : vector<1x16xf32> to vector<16xf32>
        %mul3A_1135 = arith.mulf %get3A_1089, %get3A_1134 : vector<16xf32>
        %add3A_1136 = arith.addf %add3A_1067, %mul3A_1128 : vector<16xf32>
        %add3A_1137 = arith.addf %add3A_1068, %mul3A_1135 : vector<16xf32>
        %add3A_1138 = arith.constant 8 : i32
        %add3A_1139 = arith.addi %mul3A_540, %add3A_1138 : i32
        %get3A_1140 = arith.index_cast %add3A_1139 : i32 to index
        %get3A_1141 = arith.constant 48 : index
        %get3A_1142 = tpu.vector_load %arg19[%get3A_1140, %get3A_1141] {strides = array<i32>} : memref<320x64xf32, #tpu.memory_space<vmem>>, vector<1x16xf32>,
        %get3A_1143 = vector.shape_cast %get3A_1142 : vector<1x16xf32> to vector<16xf32>
        %mul3A_1144 = arith.mulf %get3A_1089, %get3A_1143 : vector<16xf32>
        %add3A_1145 = arith.constant 8 : i32
        %add3A_1146 = arith.addi %mul3A_540, %add3A_1145 : i32
        %get3A_1147 = arith.index_cast %add3A_1146 : i32 to index
        %get3A_1148 = arith.constant 48 : index
        %get3A_1149 = tpu.vector_load %arg21[%get3A_1147, %get3A_1148] {strides = array<i32>} : memref<320x64xf32, #tpu.memory_space<vmem>>, vector<1x16xf32>,
        %get3A_1150 = vector.shape_cast %get3A_1149 : vector<1x16xf32> to vector<16xf32>
        %mul3A_1151 = arith.mulf %get3A_1089, %get3A_1150 : vector<16xf32>
        %add3A_1152 = arith.addf %add3A_1083, %mul3A_1144 : vector<16xf32>
        %add3A_1153 = arith.addf %add3A_1084, %mul3A_1151 : vector<16xf32>
        %get3A_1154 = arith.constant 9 : i32
        %get3A_1155 = arith.index_cast %get3A_1154 : i32 to index
        %get3A_1156 = arith.constant 0 : index
        %get3A_1157 = tpu.vector_load %arg14[%get3A_1155, %get3A_1156] {strides = array<i32>} : memref<20x16xf32, #tpu.memory_space<vmem>>, vector<1x16xf32>,
        %get3A_1158 = vector.shape_cast %get3A_1157 : vector<1x16xf32> to vector<16xf32>
        %add3A_1159 = arith.constant 9 : i32
        %add3A_1160 = arith.addi %mul3A_540, %add3A_1159 : i32
        %get3A_1161 = arith.index_cast %add3A_1160 : i32 to index
        %get3A_1162 = arith.constant 0 : index
        %get3A_1163 = tpu.vector_load %arg19[%get3A_1161, %get3A_1162] {strides = array<i32>} : memref<320x64xf32, #tpu.memory_space<vmem>>, vector<1x16xf32>,
        %get3A_1164 = vector.shape_cast %get3A_1163 : vector<1x16xf32> to vector<16xf32>
        %mul3A_1165 = arith.mulf %get3A_1158, %get3A_1164 : vector<16xf32>
        %add3A_1166 = arith.constant 9 : i32
        %add3A_1167 = arith.addi %mul3A_540, %add3A_1166 : i32
        %get3A_1168 = arith.index_cast %add3A_1167 : i32 to index
        %get3A_1169 = arith.constant 0 : index
        %get3A_1170 = tpu.vector_load %arg21[%get3A_1168, %get3A_1169] {strides = array<i32>} : memref<320x64xf32, #tpu.memory_space<vmem>>, vector<1x16xf32>,
        %get3A_1171 = vector.shape_cast %get3A_1170 : vector<1x16xf32> to vector<16xf32>
        %mul3A_1172 = arith.mulf %get3A_1158, %get3A_1171 : vector<16xf32>
        %add3A_1173 = arith.addf %add3A_1104, %mul3A_1165 : vector<16xf32>
        %add3A_1174 = arith.addf %add3A_1105, %mul3A_1172 : vector<16xf32>
        %add3A_1175 = arith.constant 9 : i32
        %add3A_1176 = arith.addi %mul3A_540, %add3A_1175 : i32
        %get3A_1177 = arith.index_cast %add3A_1176 : i32 to index
        %get3A_1178 = arith.constant 16 : index
        %get3A_1179 = tpu.vector_load %arg19[%get3A_1177, %get3A_1178] {strides = array<i32>} : memref<320x64xf32, #tpu.memory_space<vmem>>, vector<1x16xf32>,
        %get3A_1180 = vector.shape_cast %get3A_1179 : vector<1x16xf32> to vector<16xf32>
        %mul3A_1181 = arith.mulf %get3A_1158, %get3A_1180 : vector<16xf32>
        %add3A_1182 = arith.constant 9 : i32
        %add3A_1183 = arith.addi %mul3A_540, %add3A_1182 : i32
        %get3A_1184 = arith.index_cast %add3A_1183 : i32 to index
        %get3A_1185 = arith.constant 16 : index
        %get3A_1186 = tpu.vector_load %arg21[%get3A_1184, %get3A_1185] {strides = array<i32>} : memref<320x64xf32, #tpu.memory_space<vmem>>, vector<1x16xf32>,
        %get3A_1187 = vector.shape_cast %get3A_1186 : vector<1x16xf32> to vector<16xf32>
        %mul3A_1188 = arith.mulf %get3A_1158, %get3A_1187 : vector<16xf32>
        %add3A_1189 = arith.addf %add3A_1120, %mul3A_1181 : vector<16xf32>
        %add3A_1190 = arith.addf %add3A_1121, %mul3A_1188 : vector<16xf32>
        %add3A_1191 = arith.constant 9 : i32
        %add3A_1192 = arith.addi %mul3A_540, %add3A_1191 : i32
        %get3A_1193 = arith.index_cast %add3A_1192 : i32 to index
        %get3A_1194 = arith.constant 32 : index
        %get3A_1195 = tpu.vector_load %arg19[%get3A_1193, %get3A_1194] {strides = array<i32>} : memref<320x64xf32, #tpu.memory_space<vmem>>, vector<1x16xf32>,
        %get3A_1196 = vector.shape_cast %get3A_1195 : vector<1x16xf32> to vector<16xf32>
        %mul3A_1197 = arith.mulf %get3A_1158, %get3A_1196 : vector<16xf32>
        %add3A_1198 = arith.constant 9 : i32
        %add3A_1199 = arith.addi %mul3A_540, %add3A_1198 : i32
        %get3A_1200 = arith.index_cast %add3A_1199 : i32 to index
        %get3A_1201 = arith.constant 32 : index
        %get3A_1202 = tpu.vector_load %arg21[%get3A_1200, %get3A_1201] {strides = array<i32>} : memref<320x64xf32, #tpu.memory_space<vmem>>, vector<1x16xf32>,
        %get3A_1203 = vector.shape_cast %get3A_1202 : vector<1x16xf32> to vector<16xf32>
        %mul3A_1204 = arith.mulf %get3A_1158, %get3A_1203 : vector<16xf32>
        %add3A_1205 = arith.addf %add3A_1136, %mul3A_1197 : vector<16xf32>
        %add3A_1206 = arith.addf %add3A_1137, %mul3A_1204 : vector<16xf32>
        %add3A_1207 = arith.constant 9 : i32
        %add3A_1208 = arith.addi %mul3A_540, %add3A_1207 : i32
        %get3A_1209 = arith.index_cast %add3A_1208 : i32 to index
        %get3A_1210 = arith.constant 48 : index
        %get3A_1211 = tpu.vector_load %arg19[%get3A_1209, %get3A_1210] {strides = array<i32>} : memref<320x64xf32, #tpu.memory_space<vmem>>, vector<1x16xf32>,
        %get3A_1212 = vector.shape_cast %get3A_1211 : vector<1x16xf32> to vector<16xf32>
        %mul3A_1213 = arith.mulf %get3A_1158, %get3A_1212 : vector<16xf32>
        %add3A_1214 = arith.constant 9 : i32
        %add3A_1215 = arith.addi %mul3A_540, %add3A_1214 : i32
        %get3A_1216 = arith.index_cast %add3A_1215 : i32 to index
        %get3A_1217 = arith.constant 48 : index
        %get3A_1218 = tpu.vector_load %arg21[%get3A_1216, %get3A_1217] {strides = array<i32>} : memref<320x64xf32, #tpu.memory_space<vmem>>, vector<1x16xf32>,
        %get3A_1219 = vector.shape_cast %get3A_1218 : vector<1x16xf32> to vector<16xf32>
        %mul3A_1220 = arith.mulf %get3A_1158, %get3A_1219 : vector<16xf32>
        %add3A_1221 = arith.addf %add3A_1152, %mul3A_1213 : vector<16xf32>
        %add3A_1222 = arith.addf %add3A_1153, %mul3A_1220 : vector<16xf32>
        %get3A_1223 = arith.constant 10 : i32
        %get3A_1224 = arith.index_cast %get3A_1223 : i32 to index
        %get3A_1225 = arith.constant 0 : index
        %get3A_1226 = tpu.vector_load %arg14[%get3A_1224, %get3A_1225] {strides = array<i32>} : memref<20x16xf32, #tpu.memory_space<vmem>>, vector<1x16xf32>,
        %get3A_1227 = vector.shape_cast %get3A_1226 : vector<1x16xf32> to vector<16xf32>
        %add3A_1228 = arith.constant 10 : i32
        %add3A_1229 = arith.addi %mul3A_540, %add3A_1228 : i32
        %get3A_1230 = arith.index_cast %add3A_1229 : i32 to index
        %get3A_1231 = arith.constant 0 : index
        %get3A_1232 = tpu.vector_load %arg19[%get3A_1230, %get3A_1231] {strides = array<i32>} : memref<320x64xf32, #tpu.memory_space<vmem>>, vector<1x16xf32>,
        %get3A_1233 = vector.shape_cast %get3A_1232 : vector<1x16xf32> to vector<16xf32>
        %mul3A_1234 = arith.mulf %get3A_1227, %get3A_1233 : vector<16xf32>
        %add3A_1235 = arith.constant 10 : i32
        %add3A_1236 = arith.addi %mul3A_540, %add3A_1235 : i32
        %get3A_1237 = arith.index_cast %add3A_1236 : i32 to index
        %get3A_1238 = arith.constant 0 : index
        %get3A_1239 = tpu.vector_load %arg21[%get3A_1237, %get3A_1238] {strides = array<i32>} : memref<320x64xf32, #tpu.memory_space<vmem>>, vector<1x16xf32>,
        %get3A_1240 = vector.shape_cast %get3A_1239 : vector<1x16xf32> to vector<16xf32>
        %mul3A_1241 = arith.mulf %get3A_1227, %get3A_1240 : vector<16xf32>
        %add3A_1242 = arith.addf %add3A_1173, %mul3A_1234 : vector<16xf32>
        %add3A_1243 = arith.addf %add3A_1174, %mul3A_1241 : vector<16xf32>
        %add3A_1244 = arith.constant 10 : i32
        %add3A_1245 = arith.addi %mul3A_540, %add3A_1244 : i32
        %get3A_1246 = arith.index_cast %add3A_1245 : i32 to index
        %get3A_1247 = arith.constant 16 : index
        %get3A_1248 = tpu.vector_load %arg19[%get3A_1246, %get3A_1247] {strides = array<i32>} : memref<320x64xf32, #tpu.memory_space<vmem>>, vector<1x16xf32>,
        %get3A_1249 = vector.shape_cast %get3A_1248 : vector<1x16xf32> to vector<16xf32>
        %mul3A_1250 = arith.mulf %get3A_1227, %get3A_1249 : vector<16xf32>
        %add3A_1251 = arith.constant 10 : i32
        %add3A_1252 = arith.addi %mul3A_540, %add3A_1251 : i32
        %get3A_1253 = arith.index_cast %add3A_1252 : i32 to index
        %get3A_1254 = arith.constant 16 : index
        %get3A_1255 = tpu.vector_load %arg21[%get3A_1253, %get3A_1254] {strides = array<i32>} : memref<320x64xf32, #tpu.memory_space<vmem>>, vector<1x16xf32>,
        %get3A_1256 = vector.shape_cast %get3A_1255 : vector<1x16xf32> to vector<16xf32>
        %mul3A_1257 = arith.mulf %get3A_1227, %get3A_1256 : vector<16xf32>
        %add3A_1258 = arith.addf %add3A_1189, %mul3A_1250 : vector<16xf32>
        %add3A_1259 = arith.addf %add3A_1190, %mul3A_1257 : vector<16xf32>
        %add3A_1260 = arith.constant 10 : i32
        %add3A_1261 = arith.addi %mul3A_540, %add3A_1260 : i32
        %get3A_1262 = arith.index_cast %add3A_1261 : i32 to index
        %get3A_1263 = arith.constant 32 : index
        %get3A_1264 = tpu.vector_load %arg19[%get3A_1262, %get3A_1263] {strides = array<i32>} : memref<320x64xf32, #tpu.memory_space<vmem>>, vector<1x16xf32>,
        %get3A_1265 = vector.shape_cast %get3A_1264 : vector<1x16xf32> to vector<16xf32>
        %mul3A_1266 = arith.mulf %get3A_1227, %get3A_1265 : vector<16xf32>
        %add3A_1267 = arith.constant 10 : i32
        %add3A_1268 = arith.addi %mul3A_540, %add3A_1267 : i32
        %get3A_1269 = arith.index_cast %add3A_1268 : i32 to index
        %get3A_1270 = arith.constant 32 : index
        %get3A_1271 = tpu.vector_load %arg21[%get3A_1269, %get3A_1270] {strides = array<i32>} : memref<320x64xf32, #tpu.memory_space<vmem>>, vector<1x16xf32>,
        %get3A_1272 = vector.shape_cast %get3A_1271 : vector<1x16xf32> to vector<16xf32>
        %mul3A_1273 = arith.mulf %get3A_1227, %get3A_1272 : vector<16xf32>
        %add3A_1274 = arith.addf %add3A_1205, %mul3A_1266 : vector<16xf32>
        %add3A_1275 = arith.addf %add3A_1206, %mul3A_1273 : vector<16xf32>
        %add3A_1276 = arith.constant 10 : i32
        %add3A_1277 = arith.addi %mul3A_540, %add3A_1276 : i32
        %get3A_1278 = arith.index_cast %add3A_1277 : i32 to index
        %get3A_1279 = arith.constant 48 : index
        %get3A_1280 = tpu.vector_load %arg19[%get3A_1278, %get3A_1279] {strides = array<i32>} : memref<320x64xf32, #tpu.memory_space<vmem>>, vector<1x16xf32>,
        %get3A_1281 = vector.shape_cast %get3A_1280 : vector<1x16xf32> to vector<16xf32>
        %mul3A_1282 = arith.mulf %get3A_1227, %get3A_1281 : vector<16xf32>
        %add3A_1283 = arith.constant 10 : i32
        %add3A_1284 = arith.addi %mul3A_540, %add3A_1283 : i32
        %get3A_1285 = arith.index_cast %add3A_1284 : i32 to index
        %get3A_1286 = arith.constant 48 : index
        %get3A_1287 = tpu.vector_load %arg21[%get3A_1285, %get3A_1286] {strides = array<i32>} : memref<320x64xf32, #tpu.memory_space<vmem>>, vector<1x16xf32>,
        %get3A_1288 = vector.shape_cast %get3A_1287 : vector<1x16xf32> to vector<16xf32>
        %mul3A_1289 = arith.mulf %get3A_1227, %get3A_1288 : vector<16xf32>
        %add3A_1290 = arith.addf %add3A_1221, %mul3A_1282 : vector<16xf32>
        %add3A_1291 = arith.addf %add3A_1222, %mul3A_1289 : vector<16xf32>
        %get3A_1292 = arith.constant 11 : i32
        %get3A_1293 = arith.index_cast %get3A_1292 : i32 to index
        %get3A_1294 = arith.constant 0 : index
        %get3A_1295 = tpu.vector_load %arg14[%get3A_1293, %get3A_1294] {strides = array<i32>} : memref<20x16xf32, #tpu.memory_space<vmem>>, vector<1x16xf32>,
        %get3A_1296 = vector.shape_cast %get3A_1295 : vector<1x16xf32> to vector<16xf32>
        %add3A_1297 = arith.constant 11 : i32
        %add3A_1298 = arith.addi %mul3A_540, %add3A_1297 : i32
        %get3A_1299 = arith.index_cast %add3A_1298 : i32 to index
        %get3A_1300 = arith.constant 0 : index
        %get3A_1301 = tpu.vector_load %arg19[%get3A_1299, %get3A_1300] {strides = array<i32>} : memref<320x64xf32, #tpu.memory_space<vmem>>, vector<1x16xf32>,
        %get3A_1302 = vector.shape_cast %get3A_1301 : vector<1x16xf32> to vector<16xf32>
        %mul3A_1303 = arith.mulf %get3A_1296, %get3A_1302 : vector<16xf32>
        %add3A_1304 = arith.constant 11 : i32
        %add3A_1305 = arith.addi %mul3A_540, %add3A_1304 : i32
        %get3A_1306 = arith.index_cast %add3A_1305 : i32 to index
        %get3A_1307 = arith.constant 0 : index
        %get3A_1308 = tpu.vector_load %arg21[%get3A_1306, %get3A_1307] {strides = array<i32>} : memref<320x64xf32, #tpu.memory_space<vmem>>, vector<1x16xf32>,
        %get3A_1309 = vector.shape_cast %get3A_1308 : vector<1x16xf32> to vector<16xf32>
        %mul3A_1310 = arith.mulf %get3A_1296, %get3A_1309 : vector<16xf32>
        %add3A_1311 = arith.addf %add3A_1242, %mul3A_1303 : vector<16xf32>
        %add3A_1312 = arith.addf %add3A_1243, %mul3A_1310 : vector<16xf32>
        %add3A_1313 = arith.constant 11 : i32
        %add3A_1314 = arith.addi %mul3A_540, %add3A_1313 : i32
        %get3A_1315 = arith.index_cast %add3A_1314 : i32 to index
        %get3A_1316 = arith.constant 16 : index
        %get3A_1317 = tpu.vector_load %arg19[%get3A_1315, %get3A_1316] {strides = array<i32>} : memref<320x64xf32, #tpu.memory_space<vmem>>, vector<1x16xf32>,
        %get3A_1318 = vector.shape_cast %get3A_1317 : vector<1x16xf32> to vector<16xf32>
        %mul3A_1319 = arith.mulf %get3A_1296, %get3A_1318 : vector<16xf32>
        %add3A_1320 = arith.constant 11 : i32
        %add3A_1321 = arith.addi %mul3A_540, %add3A_1320 : i32
        %get3A_1322 = arith.index_cast %add3A_1321 : i32 to index
        %get3A_1323 = arith.constant 16 : index
        %get3A_1324 = tpu.vector_load %arg21[%get3A_1322, %get3A_1323] {strides = array<i32>} : memref<320x64xf32, #tpu.memory_space<vmem>>, vector<1x16xf32>,
        %get3A_1325 = vector.shape_cast %get3A_1324 : vector<1x16xf32> to vector<16xf32>
        %mul3A_1326 = arith.mulf %get3A_1296, %get3A_1325 : vector<16xf32>
        %add3A_1327 = arith.addf %add3A_1258, %mul3A_1319 : vector<16xf32>
        %add3A_1328 = arith.addf %add3A_1259, %mul3A_1326 : vector<16xf32>
        %add3A_1329 = arith.constant 11 : i32
        %add3A_1330 = arith.addi %mul3A_540, %add3A_1329 : i32
        %get3A_1331 = arith.index_cast %add3A_1330 : i32 to index
        %get3A_1332 = arith.constant 32 : index
        %get3A_1333 = tpu.vector_load %arg19[%get3A_1331, %get3A_1332] {strides = array<i32>} : memref<320x64xf32, #tpu.memory_space<vmem>>, vector<1x16xf32>,
        %get3A_1334 = vector.shape_cast %get3A_1333 : vector<1x16xf32> to vector<16xf32>
        %mul3A_1335 = arith.mulf %get3A_1296, %get3A_1334 : vector<16xf32>
        %add3A_1336 = arith.constant 11 : i32
        %add3A_1337 = arith.addi %mul3A_540, %add3A_1336 : i32
        %get3A_1338 = arith.index_cast %add3A_1337 : i32 to index
        %get3A_1339 = arith.constant 32 : index
        %get3A_1340 = tpu.vector_load %arg21[%get3A_1338, %get3A_1339] {strides = array<i32>} : memref<320x64xf32, #tpu.memory_space<vmem>>, vector<1x16xf32>,
        %get3A_1341 = vector.shape_cast %get3A_1340 : vector<1x16xf32> to vector<16xf32>
        %mul3A_1342 = arith.mulf %get3A_1296, %get3A_1341 : vector<16xf32>
        %add3A_1343 = arith.addf %add3A_1274, %mul3A_1335 : vector<16xf32>
        %add3A_1344 = arith.addf %add3A_1275, %mul3A_1342 : vector<16xf32>
        %add3A_1345 = arith.constant 11 : i32
        %add3A_1346 = arith.addi %mul3A_540, %add3A_1345 : i32
        %get3A_1347 = arith.index_cast %add3A_1346 : i32 to index
        %get3A_1348 = arith.constant 48 : index
        %get3A_1349 = tpu.vector_load %arg19[%get3A_1347, %get3A_1348] {strides = array<i32>} : memref<320x64xf32, #tpu.memory_space<vmem>>, vector<1x16xf32>,
        %get3A_1350 = vector.shape_cast %get3A_1349 : vector<1x16xf32> to vector<16xf32>
        %mul3A_1351 = arith.mulf %get3A_1296, %get3A_1350 : vector<16xf32>
        %add3A_1352 = arith.constant 11 : i32
        %add3A_1353 = arith.addi %mul3A_540, %add3A_1352 : i32
        %get3A_1354 = arith.index_cast %add3A_1353 : i32 to index
        %get3A_1355 = arith.constant 48 : index
        %get3A_1356 = tpu.vector_load %arg21[%get3A_1354, %get3A_1355] {strides = array<i32>} : memref<320x64xf32, #tpu.memory_space<vmem>>, vector<1x16xf32>,
        %get3A_1357 = vector.shape_cast %get3A_1356 : vector<1x16xf32> to vector<16xf32>
        %mul3A_1358 = arith.mulf %get3A_1296, %get3A_1357 : vector<16xf32>
        %add3A_1359 = arith.addf %add3A_1290, %mul3A_1351 : vector<16xf32>
        %add3A_1360 = arith.addf %add3A_1291, %mul3A_1358 : vector<16xf32>
        %get3A_1361 = arith.constant 12 : i32
        %get3A_1362 = arith.index_cast %get3A_1361 : i32 to index
        %get3A_1363 = arith.constant 0 : index
        %get3A_1364 = tpu.vector_load %arg14[%get3A_1362, %get3A_1363] {strides = array<i32>} : memref<20x16xf32, #tpu.memory_space<vmem>>, vector<1x16xf32>,
        %get3A_1365 = vector.shape_cast %get3A_1364 : vector<1x16xf32> to vector<16xf32>
        %add3A_1366 = arith.constant 12 : i32
        %add3A_1367 = arith.addi %mul3A_540, %add3A_1366 : i32
        %get3A_1368 = arith.index_cast %add3A_1367 : i32 to index
        %get3A_1369 = arith.constant 0 : index
        %get3A_1370 = tpu.vector_load %arg19[%get3A_1368, %get3A_1369] {strides = array<i32>} : memref<320x64xf32, #tpu.memory_space<vmem>>, vector<1x16xf32>,
        %get3A_1371 = vector.shape_cast %get3A_1370 : vector<1x16xf32> to vector<16xf32>
        %mul3A_1372 = arith.mulf %get3A_1365, %get3A_1371 : vector<16xf32>
        %add3A_1373 = arith.constant 12 : i32
        %add3A_1374 = arith.addi %mul3A_540, %add3A_1373 : i32
        %get3A_1375 = arith.index_cast %add3A_1374 : i32 to index
        %get3A_1376 = arith.constant 0 : index
        %get3A_1377 = tpu.vector_load %arg21[%get3A_1375, %get3A_1376] {strides = array<i32>} : memref<320x64xf32, #tpu.memory_space<vmem>>, vector<1x16xf32>,
        %get3A_1378 = vector.shape_cast %get3A_1377 : vector<1x16xf32> to vector<16xf32>
        %mul3A_1379 = arith.mulf %get3A_1365, %get3A_1378 : vector<16xf32>
        %add3A_1380 = arith.addf %add3A_1311, %mul3A_1372 : vector<16xf32>
        %add3A_1381 = arith.addf %add3A_1312, %mul3A_1379 : vector<16xf32>
        %add3A_1382 = arith.constant 12 : i32
        %add3A_1383 = arith.addi %mul3A_540, %add3A_1382 : i32
        %get3A_1384 = arith.index_cast %add3A_1383 : i32 to index
        %get3A_1385 = arith.constant 16 : index
        %get3A_1386 = tpu.vector_load %arg19[%get3A_1384, %get3A_1385] {strides = array<i32>} : memref<320x64xf32, #tpu.memory_space<vmem>>, vector<1x16xf32>,
        %get3A_1387 = vector.shape_cast %get3A_1386 : vector<1x16xf32> to vector<16xf32>
        %mul3A_1388 = arith.mulf %get3A_1365, %get3A_1387 : vector<16xf32>
        %add3A_1389 = arith.constant 12 : i32
        %add3A_1390 = arith.addi %mul3A_540, %add3A_1389 : i32
        %get3A_1391 = arith.index_cast %add3A_1390 : i32 to index
        %get3A_1392 = arith.constant 16 : index
        %get3A_1393 = tpu.vector_load %arg21[%get3A_1391, %get3A_1392] {strides = array<i32>} : memref<320x64xf32, #tpu.memory_space<vmem>>, vector<1x16xf32>,
        %get3A_1394 = vector.shape_cast %get3A_1393 : vector<1x16xf32> to vector<16xf32>
        %mul3A_1395 = arith.mulf %get3A_1365, %get3A_1394 : vector<16xf32>
        %add3A_1396 = arith.addf %add3A_1327, %mul3A_1388 : vector<16xf32>
        %add3A_1397 = arith.addf %add3A_1328, %mul3A_1395 : vector<16xf32>
        %add3A_1398 = arith.constant 12 : i32
        %add3A_1399 = arith.addi %mul3A_540, %add3A_1398 : i32
        %get3A_1400 = arith.index_cast %add3A_1399 : i32 to index
        %get3A_1401 = arith.constant 32 : index
        %get3A_1402 = tpu.vector_load %arg19[%get3A_1400, %get3A_1401] {strides = array<i32>} : memref<320x64xf32, #tpu.memory_space<vmem>>, vector<1x16xf32>,
        %get3A_1403 = vector.shape_cast %get3A_1402 : vector<1x16xf32> to vector<16xf32>
        %mul3A_1404 = arith.mulf %get3A_1365, %get3A_1403 : vector<16xf32>
        %add3A_1405 = arith.constant 12 : i32
        %add3A_1406 = arith.addi %mul3A_540, %add3A_1405 : i32
        %get3A_1407 = arith.index_cast %add3A_1406 : i32 to index
        %get3A_1408 = arith.constant 32 : index
        %get3A_1409 = tpu.vector_load %arg21[%get3A_1407, %get3A_1408] {strides = array<i32>} : memref<320x64xf32, #tpu.memory_space<vmem>>, vector<1x16xf32>,
        %get3A_1410 = vector.shape_cast %get3A_1409 : vector<1x16xf32> to vector<16xf32>
        %mul3A_1411 = arith.mulf %get3A_1365, %get3A_1410 : vector<16xf32>
        %add3A_1412 = arith.addf %add3A_1343, %mul3A_1404 : vector<16xf32>
        %add3A_1413 = arith.addf %add3A_1344, %mul3A_1411 : vector<16xf32>
        %add3A_1414 = arith.constant 12 : i32
        %add3A_1415 = arith.addi %mul3A_540, %add3A_1414 : i32
        %get3A_1416 = arith.index_cast %add3A_1415 : i32 to index
        %get3A_1417 = arith.constant 48 : index
        %get3A_1418 = tpu.vector_load %arg19[%get3A_1416, %get3A_1417] {strides = array<i32>} : memref<320x64xf32, #tpu.memory_space<vmem>>, vector<1x16xf32>,
        %get3A_1419 = vector.shape_cast %get3A_1418 : vector<1x16xf32> to vector<16xf32>
        %mul3A_1420 = arith.mulf %get3A_1365, %get3A_1419 : vector<16xf32>
        %add3A_1421 = arith.constant 12 : i32
        %add3A_1422 = arith.addi %mul3A_540, %add3A_1421 : i32
        %get3A_1423 = arith.index_cast %add3A_1422 : i32 to index
        %get3A_1424 = arith.constant 48 : index
        %get3A_1425 = tpu.vector_load %arg21[%get3A_1423, %get3A_1424] {strides = array<i32>} : memref<320x64xf32, #tpu.memory_space<vmem>>, vector<1x16xf32>,
        %get3A_1426 = vector.shape_cast %get3A_1425 : vector<1x16xf32> to vector<16xf32>
        %mul3A_1427 = arith.mulf %get3A_1365, %get3A_1426 : vector<16xf32>
        %add3A_1428 = arith.addf %add3A_1359, %mul3A_1420 : vector<16xf32>
        %add3A_1429 = arith.addf %add3A_1360, %mul3A_1427 : vector<16xf32>
        %get3A_1430 = arith.constant 13 : i32
        %get3A_1431 = arith.index_cast %get3A_1430 : i32 to index
        %get3A_1432 = arith.constant 0 : index
        %get3A_1433 = tpu.vector_load %arg14[%get3A_1431, %get3A_1432] {strides = array<i32>} : memref<20x16xf32, #tpu.memory_space<vmem>>, vector<1x16xf32>,
        %get3A_1434 = vector.shape_cast %get3A_1433 : vector<1x16xf32> to vector<16xf32>
        %add3A_1435 = arith.constant 13 : i32
        %add3A_1436 = arith.addi %mul3A_540, %add3A_1435 : i32
        %get3A_1437 = arith.index_cast %add3A_1436 : i32 to index
        %get3A_1438 = arith.constant 0 : index
        %get3A_1439 = tpu.vector_load %arg19[%get3A_1437, %get3A_1438] {strides = array<i32>} : memref<320x64xf32, #tpu.memory_space<vmem>>, vector<1x16xf32>,
        %get3A_1440 = vector.shape_cast %get3A_1439 : vector<1x16xf32> to vector<16xf32>
        %mul3A_1441 = arith.mulf %get3A_1434, %get3A_1440 : vector<16xf32>
        %add3A_1442 = arith.constant 13 : i32
        %add3A_1443 = arith.addi %mul3A_540, %add3A_1442 : i32
        %get3A_1444 = arith.index_cast %add3A_1443 : i32 to index
        %get3A_1445 = arith.constant 0 : index
        %get3A_1446 = tpu.vector_load %arg21[%get3A_1444, %get3A_1445] {strides = array<i32>} : memref<320x64xf32, #tpu.memory_space<vmem>>, vector<1x16xf32>,
        %get3A_1447 = vector.shape_cast %get3A_1446 : vector<1x16xf32> to vector<16xf32>
        %mul3A_1448 = arith.mulf %get3A_1434, %get3A_1447 : vector<16xf32>
        %add3A_1449 = arith.addf %add3A_1380, %mul3A_1441 : vector<16xf32>
        %add3A_1450 = arith.addf %add3A_1381, %mul3A_1448 : vector<16xf32>
        %add3A_1451 = arith.constant 13 : i32
        %add3A_1452 = arith.addi %mul3A_540, %add3A_1451 : i32
        %get3A_1453 = arith.index_cast %add3A_1452 : i32 to index
        %get3A_1454 = arith.constant 16 : index
        %get3A_1455 = tpu.vector_load %arg19[%get3A_1453, %get3A_1454] {strides = array<i32>} : memref<320x64xf32, #tpu.memory_space<vmem>>, vector<1x16xf32>,
        %get3A_1456 = vector.shape_cast %get3A_1455 : vector<1x16xf32> to vector<16xf32>
        %mul3A_1457 = arith.mulf %get3A_1434, %get3A_1456 : vector<16xf32>
        %add3A_1458 = arith.constant 13 : i32
        %add3A_1459 = arith.addi %mul3A_540, %add3A_1458 : i32
        %get3A_1460 = arith.index_cast %add3A_1459 : i32 to index
        %get3A_1461 = arith.constant 16 : index
        %get3A_1462 = tpu.vector_load %arg21[%get3A_1460, %get3A_1461] {strides = array<i32>} : memref<320x64xf32, #tpu.memory_space<vmem>>, vector<1x16xf32>,
        %get3A_1463 = vector.shape_cast %get3A_1462 : vector<1x16xf32> to vector<16xf32>
        %mul3A_1464 = arith.mulf %get3A_1434, %get3A_1463 : vector<16xf32>
        %add3A_1465 = arith.addf %add3A_1396, %mul3A_1457 : vector<16xf32>
        %add3A_1466 = arith.addf %add3A_1397, %mul3A_1464 : vector<16xf32>
        %add3A_1467 = arith.constant 13 : i32
        %add3A_1468 = arith.addi %mul3A_540, %add3A_1467 : i32
        %get3A_1469 = arith.index_cast %add3A_1468 : i32 to index
        %get3A_1470 = arith.constant 32 : index
        %get3A_1471 = tpu.vector_load %arg19[%get3A_1469, %get3A_1470] {strides = array<i32>} : memref<320x64xf32, #tpu.memory_space<vmem>>, vector<1x16xf32>,
        %get3A_1472 = vector.shape_cast %get3A_1471 : vector<1x16xf32> to vector<16xf32>
        %mul3A_1473 = arith.mulf %get3A_1434, %get3A_1472 : vector<16xf32>
        %add3A_1474 = arith.constant 13 : i32
        %add3A_1475 = arith.addi %mul3A_540, %add3A_1474 : i32
        %get3A_1476 = arith.index_cast %add3A_1475 : i32 to index
        %get3A_1477 = arith.constant 32 : index
        %get3A_1478 = tpu.vector_load %arg21[%get3A_1476, %get3A_1477] {strides = array<i32>} : memref<320x64xf32, #tpu.memory_space<vmem>>, vector<1x16xf32>,
        %get3A_1479 = vector.shape_cast %get3A_1478 : vector<1x16xf32> to vector<16xf32>
        %mul3A_1480 = arith.mulf %get3A_1434, %get3A_1479 : vector<16xf32>
        %add3A_1481 = arith.addf %add3A_1412, %mul3A_1473 : vector<16xf32>
        %add3A_1482 = arith.addf %add3A_1413, %mul3A_1480 : vector<16xf32>
        %add3A_1483 = arith.constant 13 : i32
        %add3A_1484 = arith.addi %mul3A_540, %add3A_1483 : i32
        %get3A_1485 = arith.index_cast %add3A_1484 : i32 to index
        %get3A_1486 = arith.constant 48 : index
        %get3A_1487 = tpu.vector_load %arg19[%get3A_1485, %get3A_1486] {strides = array<i32>} : memref<320x64xf32, #tpu.memory_space<vmem>>, vector<1x16xf32>,
        %get3A_1488 = vector.shape_cast %get3A_1487 : vector<1x16xf32> to vector<16xf32>
        %mul3A_1489 = arith.mulf %get3A_1434, %get3A_1488 : vector<16xf32>
        %add3A_1490 = arith.constant 13 : i32
        %add3A_1491 = arith.addi %mul3A_540, %add3A_1490 : i32
        %get3A_1492 = arith.index_cast %add3A_1491 : i32 to index
        %get3A_1493 = arith.constant 48 : index
        %get3A_1494 = tpu.vector_load %arg21[%get3A_1492, %get3A_1493] {strides = array<i32>} : memref<320x64xf32, #tpu.memory_space<vmem>>, vector<1x16xf32>,
        %get3A_1495 = vector.shape_cast %get3A_1494 : vector<1x16xf32> to vector<16xf32>
        %mul3A_1496 = arith.mulf %get3A_1434, %get3A_1495 : vector<16xf32>
        %add3A_1497 = arith.addf %add3A_1428, %mul3A_1489 : vector<16xf32>
        %add3A_1498 = arith.addf %add3A_1429, %mul3A_1496 : vector<16xf32>
        %get3A_1499 = arith.constant 14 : i32
        %get3A_1500 = arith.index_cast %get3A_1499 : i32 to index
        %get3A_1501 = arith.constant 0 : index
        %get3A_1502 = tpu.vector_load %arg14[%get3A_1500, %get3A_1501] {strides = array<i32>} : memref<20x16xf32, #tpu.memory_space<vmem>>, vector<1x16xf32>,
        %get3A_1503 = vector.shape_cast %get3A_1502 : vector<1x16xf32> to vector<16xf32>
        %add3A_1504 = arith.constant 14 : i32
        %add3A_1505 = arith.addi %mul3A_540, %add3A_1504 : i32
        %get3A_1506 = arith.index_cast %add3A_1505 : i32 to index
        %get3A_1507 = arith.constant 0 : index
        %get3A_1508 = tpu.vector_load %arg19[%get3A_1506, %get3A_1507] {strides = array<i32>} : memref<320x64xf32, #tpu.memory_space<vmem>>, vector<1x16xf32>,
        %get3A_1509 = vector.shape_cast %get3A_1508 : vector<1x16xf32> to vector<16xf32>
        %mul3A_1510 = arith.mulf %get3A_1503, %get3A_1509 : vector<16xf32>
        %add3A_1511 = arith.constant 14 : i32
        %add3A_1512 = arith.addi %mul3A_540, %add3A_1511 : i32
        %get3A_1513 = arith.index_cast %add3A_1512 : i32 to index
        %get3A_1514 = arith.constant 0 : index
        %get3A_1515 = tpu.vector_load %arg21[%get3A_1513, %get3A_1514] {strides = array<i32>} : memref<320x64xf32, #tpu.memory_space<vmem>>, vector<1x16xf32>,
        %get3A_1516 = vector.shape_cast %get3A_1515 : vector<1x16xf32> to vector<16xf32>
        %mul3A_1517 = arith.mulf %get3A_1503, %get3A_1516 : vector<16xf32>
        %add3A_1518 = arith.addf %add3A_1449, %mul3A_1510 : vector<16xf32>
        %add3A_1519 = arith.addf %add3A_1450, %mul3A_1517 : vector<16xf32>
        %add3A_1520 = arith.constant 14 : i32
        %add3A_1521 = arith.addi %mul3A_540, %add3A_1520 : i32
        %get3A_1522 = arith.index_cast %add3A_1521 : i32 to index
        %get3A_1523 = arith.constant 16 : index
        %get3A_1524 = tpu.vector_load %arg19[%get3A_1522, %get3A_1523] {strides = array<i32>} : memref<320x64xf32, #tpu.memory_space<vmem>>, vector<1x16xf32>,
        %get3A_1525 = vector.shape_cast %get3A_1524 : vector<1x16xf32> to vector<16xf32>
        %mul3A_1526 = arith.mulf %get3A_1503, %get3A_1525 : vector<16xf32>
        %add3A_1527 = arith.constant 14 : i32
        %add3A_1528 = arith.addi %mul3A_540, %add3A_1527 : i32
        %get3A_1529 = arith.index_cast %add3A_1528 : i32 to index
        %get3A_1530 = arith.constant 16 : index
        %get3A_1531 = tpu.vector_load %arg21[%get3A_1529, %get3A_1530] {strides = array<i32>} : memref<320x64xf32, #tpu.memory_space<vmem>>, vector<1x16xf32>,
        %get3A_1532 = vector.shape_cast %get3A_1531 : vector<1x16xf32> to vector<16xf32>
        %mul3A_1533 = arith.mulf %get3A_1503, %get3A_1532 : vector<16xf32>
        %add3A_1534 = arith.addf %add3A_1465, %mul3A_1526 : vector<16xf32>
        %add3A_1535 = arith.addf %add3A_1466, %mul3A_1533 : vector<16xf32>
        %add3A_1536 = arith.constant 14 : i32
        %add3A_1537 = arith.addi %mul3A_540, %add3A_1536 : i32
        %get3A_1538 = arith.index_cast %add3A_1537 : i32 to index
        %get3A_1539 = arith.constant 32 : index
        %get3A_1540 = tpu.vector_load %arg19[%get3A_1538, %get3A_1539] {strides = array<i32>} : memref<320x64xf32, #tpu.memory_space<vmem>>, vector<1x16xf32>,
        %get3A_1541 = vector.shape_cast %get3A_1540 : vector<1x16xf32> to vector<16xf32>
        %mul3A_1542 = arith.mulf %get3A_1503, %get3A_1541 : vector<16xf32>
        %add3A_1543 = arith.constant 14 : i32
        %add3A_1544 = arith.addi %mul3A_540, %add3A_1543 : i32
        %get3A_1545 = arith.index_cast %add3A_1544 : i32 to index
        %get3A_1546 = arith.constant 32 : index
        %get3A_1547 = tpu.vector_load %arg21[%get3A_1545, %get3A_1546] {strides = array<i32>} : memref<320x64xf32, #tpu.memory_space<vmem>>, vector<1x16xf32>,
        %get3A_1548 = vector.shape_cast %get3A_1547 : vector<1x16xf32> to vector<16xf32>
        %mul3A_1549 = arith.mulf %get3A_1503, %get3A_1548 : vector<16xf32>
        %add3A_1550 = arith.addf %add3A_1481, %mul3A_1542 : vector<16xf32>
        %add3A_1551 = arith.addf %add3A_1482, %mul3A_1549 : vector<16xf32>
        %add3A_1552 = arith.constant 14 : i32
        %add3A_1553 = arith.addi %mul3A_540, %add3A_1552 : i32
        %get3A_1554 = arith.index_cast %add3A_1553 : i32 to index
        %get3A_1555 = arith.constant 48 : index
        %get3A_1556 = tpu.vector_load %arg19[%get3A_1554, %get3A_1555] {strides = array<i32>} : memref<320x64xf32, #tpu.memory_space<vmem>>, vector<1x16xf32>,
        %get3A_1557 = vector.shape_cast %get3A_1556 : vector<1x16xf32> to vector<16xf32>
        %mul3A_1558 = arith.mulf %get3A_1503, %get3A_1557 : vector<16xf32>
        %add3A_1559 = arith.constant 14 : i32
        %add3A_1560 = arith.addi %mul3A_540, %add3A_1559 : i32
        %get3A_1561 = arith.index_cast %add3A_1560 : i32 to index
        %get3A_1562 = arith.constant 48 : index
        %get3A_1563 = tpu.vector_load %arg21[%get3A_1561, %get3A_1562] {strides = array<i32>} : memref<320x64xf32, #tpu.memory_space<vmem>>, vector<1x16xf32>,
        %get3A_1564 = vector.shape_cast %get3A_1563 : vector<1x16xf32> to vector<16xf32>
        %mul3A_1565 = arith.mulf %get3A_1503, %get3A_1564 : vector<16xf32>
        %add3A_1566 = arith.addf %add3A_1497, %mul3A_1558 : vector<16xf32>
        %add3A_1567 = arith.addf %add3A_1498, %mul3A_1565 : vector<16xf32>
        %get3A_1568 = arith.constant 15 : i32
        %get3A_1569 = arith.index_cast %get3A_1568 : i32 to index
        %get3A_1570 = arith.constant 0 : index
        %get3A_1571 = tpu.vector_load %arg14[%get3A_1569, %get3A_1570] {strides = array<i32>} : memref<20x16xf32, #tpu.memory_space<vmem>>, vector<1x16xf32>,
        %get3A_1572 = vector.shape_cast %get3A_1571 : vector<1x16xf32> to vector<16xf32>
        %add3A_1573 = arith.constant 15 : i32
        %add3A_1574 = arith.addi %mul3A_540, %add3A_1573 : i32
        %get3A_1575 = arith.index_cast %add3A_1574 : i32 to index
        %get3A_1576 = arith.constant 0 : index
        %get3A_1577 = tpu.vector_load %arg19[%get3A_1575, %get3A_1576] {strides = array<i32>} : memref<320x64xf32, #tpu.memory_space<vmem>>, vector<1x16xf32>,
        %get3A_1578 = vector.shape_cast %get3A_1577 : vector<1x16xf32> to vector<16xf32>
        %mul3A_1579 = arith.mulf %get3A_1572, %get3A_1578 : vector<16xf32>
        %add3A_1580 = arith.constant 15 : i32
        %add3A_1581 = arith.addi %mul3A_540, %add3A_1580 : i32
        %get3A_1582 = arith.index_cast %add3A_1581 : i32 to index
        %get3A_1583 = arith.constant 0 : index
        %get3A_1584 = tpu.vector_load %arg21[%get3A_1582, %get3A_1583] {strides = array<i32>} : memref<320x64xf32, #tpu.memory_space<vmem>>, vector<1x16xf32>,
        %get3A_1585 = vector.shape_cast %get3A_1584 : vector<1x16xf32> to vector<16xf32>
        %mul3A_1586 = arith.mulf %get3A_1572, %get3A_1585 : vector<16xf32>
        %add3A_1587 = arith.addf %add3A_1518, %mul3A_1579 : vector<16xf32>
        %add3A_1588 = arith.addf %add3A_1519, %mul3A_1586 : vector<16xf32>
        %add3A_1589 = arith.constant 15 : i32
        %add3A_1590 = arith.addi %mul3A_540, %add3A_1589 : i32
        %get3A_1591 = arith.index_cast %add3A_1590 : i32 to index
        %get3A_1592 = arith.constant 16 : index
        %get3A_1593 = tpu.vector_load %arg19[%get3A_1591, %get3A_1592] {strides = array<i32>} : memref<320x64xf32, #tpu.memory_space<vmem>>, vector<1x16xf32>,
        %get3A_1594 = vector.shape_cast %get3A_1593 : vector<1x16xf32> to vector<16xf32>
        %mul3A_1595 = arith.mulf %get3A_1572, %get3A_1594 : vector<16xf32>
        %add3A_1596 = arith.constant 15 : i32
        %add3A_1597 = arith.addi %mul3A_540, %add3A_1596 : i32
        %get3A_1598 = arith.index_cast %add3A_1597 : i32 to index
        %get3A_1599 = arith.constant 16 : index
        %get3A_1600 = tpu.vector_load %arg21[%get3A_1598, %get3A_1599] {strides = array<i32>} : memref<320x64xf32, #tpu.memory_space<vmem>>, vector<1x16xf32>,
        %get3A_1601 = vector.shape_cast %get3A_1600 : vector<1x16xf32> to vector<16xf32>
        %mul3A_1602 = arith.mulf %get3A_1572, %get3A_1601 : vector<16xf32>
        %add3A_1603 = arith.addf %add3A_1534, %mul3A_1595 : vector<16xf32>
        %add3A_1604 = arith.addf %add3A_1535, %mul3A_1602 : vector<16xf32>
        %add3A_1605 = arith.constant 15 : i32
        %add3A_1606 = arith.addi %mul3A_540, %add3A_1605 : i32
        %get3A_1607 = arith.index_cast %add3A_1606 : i32 to index
        %get3A_1608 = arith.constant 32 : index
        %get3A_1609 = tpu.vector_load %arg19[%get3A_1607, %get3A_1608] {strides = array<i32>} : memref<320x64xf32, #tpu.memory_space<vmem>>, vector<1x16xf32>,
        %get3A_1610 = vector.shape_cast %get3A_1609 : vector<1x16xf32> to vector<16xf32>
        %mul3A_1611 = arith.mulf %get3A_1572, %get3A_1610 : vector<16xf32>
        %add3A_1612 = arith.constant 15 : i32
        %add3A_1613 = arith.addi %mul3A_540, %add3A_1612 : i32
        %get3A_1614 = arith.index_cast %add3A_1613 : i32 to index
        %get3A_1615 = arith.constant 32 : index
        %get3A_1616 = tpu.vector_load %arg21[%get3A_1614, %get3A_1615] {strides = array<i32>} : memref<320x64xf32, #tpu.memory_space<vmem>>, vector<1x16xf32>,
        %get3A_1617 = vector.shape_cast %get3A_1616 : vector<1x16xf32> to vector<16xf32>
        %mul3A_1618 = arith.mulf %get3A_1572, %get3A_1617 : vector<16xf32>
        %add3A_1619 = arith.addf %add3A_1550, %mul3A_1611 : vector<16xf32>
        %add3A_1620 = arith.addf %add3A_1551, %mul3A_1618 : vector<16xf32>
        %add3A_1621 = arith.constant 15 : i32
        %add3A_1622 = arith.addi %mul3A_540, %add3A_1621 : i32
        %get3A_1623 = arith.index_cast %add3A_1622 : i32 to index
        %get3A_1624 = arith.constant 48 : index
        %get3A_1625 = tpu.vector_load %arg19[%get3A_1623, %get3A_1624] {strides = array<i32>} : memref<320x64xf32, #tpu.memory_space<vmem>>, vector<1x16xf32>,
        %get3A_1626 = vector.shape_cast %get3A_1625 : vector<1x16xf32> to vector<16xf32>
        %mul3A_1627 = arith.mulf %get3A_1572, %get3A_1626 : vector<16xf32>
        %add3A_1628 = arith.constant 15 : i32
        %add3A_1629 = arith.addi %mul3A_540, %add3A_1628 : i32
        %get3A_1630 = arith.index_cast %add3A_1629 : i32 to index
        %get3A_1631 = arith.constant 48 : index
        %get3A_1632 = tpu.vector_load %arg21[%get3A_1630, %get3A_1631] {strides = array<i32>} : memref<320x64xf32, #tpu.memory_space<vmem>>, vector<1x16xf32>,
        %get3A_1633 = vector.shape_cast %get3A_1632 : vector<1x16xf32> to vector<16xf32>
        %mul3A_1634 = arith.mulf %get3A_1572, %get3A_1633 : vector<16xf32>
        %add3A_1635 = arith.addf %add3A_1566, %mul3A_1627 : vector<16xf32>
        %add3A_1636 = arith.addf %add3A_1567, %mul3A_1634 : vector<16xf32>
        %get3A_1637 = arith.constant 16 : i32
        %get3A_1638 = arith.index_cast %get3A_1637 : i32 to index
        %get3A_1639 = arith.constant 0 : index
        %get3A_1640 = tpu.vector_load %arg14[%get3A_1638, %get3A_1639] {strides = array<i32>} : memref<20x16xf32, #tpu.memory_space<vmem>>, vector<1x16xf32>,
        %get3A_1641 = vector.shape_cast %get3A_1640 : vector<1x16xf32> to vector<16xf32>
        %add3A_1642 = arith.constant 16 : i32
        %add3A_1643 = arith.addi %mul3A_540, %add3A_1642 : i32
        %get3A_1644 = arith.index_cast %add3A_1643 : i32 to index
        %get3A_1645 = arith.constant 0 : index
        %get3A_1646 = tpu.vector_load %arg19[%get3A_1644, %get3A_1645] {strides = array<i32>} : memref<320x64xf32, #tpu.memory_space<vmem>>, vector<1x16xf32>,
        %get3A_1647 = vector.shape_cast %get3A_1646 : vector<1x16xf32> to vector<16xf32>
        %mul3A_1648 = arith.mulf %get3A_1641, %get3A_1647 : vector<16xf32>
        %add3A_1649 = arith.constant 16 : i32
        %add3A_1650 = arith.addi %mul3A_540, %add3A_1649 : i32
        %get3A_1651 = arith.index_cast %add3A_1650 : i32 to index
        %get3A_1652 = arith.constant 0 : index
        %get3A_1653 = tpu.vector_load %arg21[%get3A_1651, %get3A_1652] {strides = array<i32>} : memref<320x64xf32, #tpu.memory_space<vmem>>, vector<1x16xf32>,
        %get3A_1654 = vector.shape_cast %get3A_1653 : vector<1x16xf32> to vector<16xf32>
        %mul3A_1655 = arith.mulf %get3A_1641, %get3A_1654 : vector<16xf32>
        %add3A_1656 = arith.addf %add3A_1587, %mul3A_1648 : vector<16xf32>
        %add3A_1657 = arith.addf %add3A_1588, %mul3A_1655 : vector<16xf32>
        %add3A_1658 = arith.constant 16 : i32
        %add3A_1659 = arith.addi %mul3A_540, %add3A_1658 : i32
        %get3A_1660 = arith.index_cast %add3A_1659 : i32 to index
        %get3A_1661 = arith.constant 16 : index
        %get3A_1662 = tpu.vector_load %arg19[%get3A_1660, %get3A_1661] {strides = array<i32>} : memref<320x64xf32, #tpu.memory_space<vmem>>, vector<1x16xf32>,
        %get3A_1663 = vector.shape_cast %get3A_1662 : vector<1x16xf32> to vector<16xf32>
        %mul3A_1664 = arith.mulf %get3A_1641, %get3A_1663 : vector<16xf32>
        %add3A_1665 = arith.constant 16 : i32
        %add3A_1666 = arith.addi %mul3A_540, %add3A_1665 : i32
        %get3A_1667 = arith.index_cast %add3A_1666 : i32 to index
        %get3A_1668 = arith.constant 16 : index
        %get3A_1669 = tpu.vector_load %arg21[%get3A_1667, %get3A_1668] {strides = array<i32>} : memref<320x64xf32, #tpu.memory_space<vmem>>, vector<1x16xf32>,
        %get3A_1670 = vector.shape_cast %get3A_1669 : vector<1x16xf32> to vector<16xf32>
        %mul3A_1671 = arith.mulf %get3A_1641, %get3A_1670 : vector<16xf32>
        %add3A_1672 = arith.addf %add3A_1603, %mul3A_1664 : vector<16xf32>
        %add3A_1673 = arith.addf %add3A_1604, %mul3A_1671 : vector<16xf32>
        %add3A_1674 = arith.constant 16 : i32
        %add3A_1675 = arith.addi %mul3A_540, %add3A_1674 : i32
        %get3A_1676 = arith.index_cast %add3A_1675 : i32 to index
        %get3A_1677 = arith.constant 32 : index
        %get3A_1678 = tpu.vector_load %arg19[%get3A_1676, %get3A_1677] {strides = array<i32>} : memref<320x64xf32, #tpu.memory_space<vmem>>, vector<1x16xf32>,
        %get3A_1679 = vector.shape_cast %get3A_1678 : vector<1x16xf32> to vector<16xf32>
        %mul3A_1680 = arith.mulf %get3A_1641, %get3A_1679 : vector<16xf32>
        %add3A_1681 = arith.constant 16 : i32
        %add3A_1682 = arith.addi %mul3A_540, %add3A_1681 : i32
        %get3A_1683 = arith.index_cast %add3A_1682 : i32 to index
        %get3A_1684 = arith.constant 32 : index
        %get3A_1685 = tpu.vector_load %arg21[%get3A_1683, %get3A_1684] {strides = array<i32>} : memref<320x64xf32, #tpu.memory_space<vmem>>, vector<1x16xf32>,
        %get3A_1686 = vector.shape_cast %get3A_1685 : vector<1x16xf32> to vector<16xf32>
        %mul3A_1687 = arith.mulf %get3A_1641, %get3A_1686 : vector<16xf32>
        %add3A_1688 = arith.addf %add3A_1619, %mul3A_1680 : vector<16xf32>
        %add3A_1689 = arith.addf %add3A_1620, %mul3A_1687 : vector<16xf32>
        %add3A_1690 = arith.constant 16 : i32
        %add3A_1691 = arith.addi %mul3A_540, %add3A_1690 : i32
        %get3A_1692 = arith.index_cast %add3A_1691 : i32 to index
        %get3A_1693 = arith.constant 48 : index
        %get3A_1694 = tpu.vector_load %arg19[%get3A_1692, %get3A_1693] {strides = array<i32>} : memref<320x64xf32, #tpu.memory_space<vmem>>, vector<1x16xf32>,
        %get3A_1695 = vector.shape_cast %get3A_1694 : vector<1x16xf32> to vector<16xf32>
        %mul3A_1696 = arith.mulf %get3A_1641, %get3A_1695 : vector<16xf32>
        %add3A_1697 = arith.constant 16 : i32
        %add3A_1698 = arith.addi %mul3A_540, %add3A_1697 : i32
        %get3A_1699 = arith.index_cast %add3A_1698 : i32 to index
        %get3A_1700 = arith.constant 48 : index
        %get3A_1701 = tpu.vector_load %arg21[%get3A_1699, %get3A_1700] {strides = array<i32>} : memref<320x64xf32, #tpu.memory_space<vmem>>, vector<1x16xf32>,
        %get3A_1702 = vector.shape_cast %get3A_1701 : vector<1x16xf32> to vector<16xf32>
        %mul3A_1703 = arith.mulf %get3A_1641, %get3A_1702 : vector<16xf32>
        %add3A_1704 = arith.addf %add3A_1635, %mul3A_1696 : vector<16xf32>
        %add3A_1705 = arith.addf %add3A_1636, %mul3A_1703 : vector<16xf32>
        %get3A_1706 = arith.constant 17 : i32
        %get3A_1707 = arith.index_cast %get3A_1706 : i32 to index
        %get3A_1708 = arith.constant 0 : index
        %get3A_1709 = tpu.vector_load %arg14[%get3A_1707, %get3A_1708] {strides = array<i32>} : memref<20x16xf32, #tpu.memory_space<vmem>>, vector<1x16xf32>,
        %get3A_1710 = vector.shape_cast %get3A_1709 : vector<1x16xf32> to vector<16xf32>
        %add3A_1711 = arith.constant 17 : i32
        %add3A_1712 = arith.addi %mul3A_540, %add3A_1711 : i32
        %get3A_1713 = arith.index_cast %add3A_1712 : i32 to index
        %get3A_1714 = arith.constant 0 : index
        %get3A_1715 = tpu.vector_load %arg19[%get3A_1713, %get3A_1714] {strides = array<i32>} : memref<320x64xf32, #tpu.memory_space<vmem>>, vector<1x16xf32>,
        %get3A_1716 = vector.shape_cast %get3A_1715 : vector<1x16xf32> to vector<16xf32>
        %mul3A_1717 = arith.mulf %get3A_1710, %get3A_1716 : vector<16xf32>
        %add3A_1718 = arith.constant 17 : i32
        %add3A_1719 = arith.addi %mul3A_540, %add3A_1718 : i32
        %get3A_1720 = arith.index_cast %add3A_1719 : i32 to index
        %get3A_1721 = arith.constant 0 : index
        %get3A_1722 = tpu.vector_load %arg21[%get3A_1720, %get3A_1721] {strides = array<i32>} : memref<320x64xf32, #tpu.memory_space<vmem>>, vector<1x16xf32>,
        %get3A_1723 = vector.shape_cast %get3A_1722 : vector<1x16xf32> to vector<16xf32>
        %mul3A_1724 = arith.mulf %get3A_1710, %get3A_1723 : vector<16xf32>
        %add3A_1725 = arith.addf %add3A_1656, %mul3A_1717 : vector<16xf32>
        %add3A_1726 = arith.addf %add3A_1657, %mul3A_1724 : vector<16xf32>
        %add3A_1727 = arith.constant 17 : i32
        %add3A_1728 = arith.addi %mul3A_540, %add3A_1727 : i32
        %get3A_1729 = arith.index_cast %add3A_1728 : i32 to index
        %get3A_1730 = arith.constant 16 : index
        %get3A_1731 = tpu.vector_load %arg19[%get3A_1729, %get3A_1730] {strides = array<i32>} : memref<320x64xf32, #tpu.memory_space<vmem>>, vector<1x16xf32>,
        %get3A_1732 = vector.shape_cast %get3A_1731 : vector<1x16xf32> to vector<16xf32>
        %mul3A_1733 = arith.mulf %get3A_1710, %get3A_1732 : vector<16xf32>
        %add3A_1734 = arith.constant 17 : i32
        %add3A_1735 = arith.addi %mul3A_540, %add3A_1734 : i32
        %get3A_1736 = arith.index_cast %add3A_1735 : i32 to index
        %get3A_1737 = arith.constant 16 : index
        %get3A_1738 = tpu.vector_load %arg21[%get3A_1736, %get3A_1737] {strides = array<i32>} : memref<320x64xf32, #tpu.memory_space<vmem>>, vector<1x16xf32>,
        %get3A_1739 = vector.shape_cast %get3A_1738 : vector<1x16xf32> to vector<16xf32>
        %mul3A_1740 = arith.mulf %get3A_1710, %get3A_1739 : vector<16xf32>
        %add3A_1741 = arith.addf %add3A_1672, %mul3A_1733 : vector<16xf32>
        %add3A_1742 = arith.addf %add3A_1673, %mul3A_1740 : vector<16xf32>
        %add3A_1743 = arith.constant 17 : i32
        %add3A_1744 = arith.addi %mul3A_540, %add3A_1743 : i32
        %get3A_1745 = arith.index_cast %add3A_1744 : i32 to index
        %get3A_1746 = arith.constant 32 : index
        %get3A_1747 = tpu.vector_load %arg19[%get3A_1745, %get3A_1746] {strides = array<i32>} : memref<320x64xf32, #tpu.memory_space<vmem>>, vector<1x16xf32>,
        %get3A_1748 = vector.shape_cast %get3A_1747 : vector<1x16xf32> to vector<16xf32>
        %mul3A_1749 = arith.mulf %get3A_1710, %get3A_1748 : vector<16xf32>
        %add3A_1750 = arith.constant 17 : i32
        %add3A_1751 = arith.addi %mul3A_540, %add3A_1750 : i32
        %get3A_1752 = arith.index_cast %add3A_1751 : i32 to index
        %get3A_1753 = arith.constant 32 : index
        %get3A_1754 = tpu.vector_load %arg21[%get3A_1752, %get3A_1753] {strides = array<i32>} : memref<320x64xf32, #tpu.memory_space<vmem>>, vector<1x16xf32>,
        %get3A_1755 = vector.shape_cast %get3A_1754 : vector<1x16xf32> to vector<16xf32>
        %mul3A_1756 = arith.mulf %get3A_1710, %get3A_1755 : vector<16xf32>
        %add3A_1757 = arith.addf %add3A_1688, %mul3A_1749 : vector<16xf32>
        %add3A_1758 = arith.addf %add3A_1689, %mul3A_1756 : vector<16xf32>
        %add3A_1759 = arith.constant 17 : i32
        %add3A_1760 = arith.addi %mul3A_540, %add3A_1759 : i32
        %get3A_1761 = arith.index_cast %add3A_1760 : i32 to index
        %get3A_1762 = arith.constant 48 : index
        %get3A_1763 = tpu.vector_load %arg19[%get3A_1761, %get3A_1762] {strides = array<i32>} : memref<320x64xf32, #tpu.memory_space<vmem>>, vector<1x16xf32>,
        %get3A_1764 = vector.shape_cast %get3A_1763 : vector<1x16xf32> to vector<16xf32>
        %mul3A_1765 = arith.mulf %get3A_1710, %get3A_1764 : vector<16xf32>
        %add3A_1766 = arith.constant 17 : i32
        %add3A_1767 = arith.addi %mul3A_540, %add3A_1766 : i32
        %get3A_1768 = arith.index_cast %add3A_1767 : i32 to index
        %get3A_1769 = arith.constant 48 : index
        %get3A_1770 = tpu.vector_load %arg21[%get3A_1768, %get3A_1769] {strides = array<i32>} : memref<320x64xf32, #tpu.memory_space<vmem>>, vector<1x16xf32>,
        %get3A_1771 = vector.shape_cast %get3A_1770 : vector<1x16xf32> to vector<16xf32>
        %mul3A_1772 = arith.mulf %get3A_1710, %get3A_1771 : vector<16xf32>
        %add3A_1773 = arith.addf %add3A_1704, %mul3A_1765 : vector<16xf32>
        %add3A_1774 = arith.addf %add3A_1705, %mul3A_1772 : vector<16xf32>
        %get3A_1775 = arith.constant 18 : i32
        %get3A_1776 = arith.index_cast %get3A_1775 : i32 to index
        %get3A_1777 = arith.constant 0 : index
        %get3A_1778 = tpu.vector_load %arg14[%get3A_1776, %get3A_1777] {strides = array<i32>} : memref<20x16xf32, #tpu.memory_space<vmem>>, vector<1x16xf32>,
        %get3A_1779 = vector.shape_cast %get3A_1778 : vector<1x16xf32> to vector<16xf32>
        %add3A_1780 = arith.constant 18 : i32
        %add3A_1781 = arith.addi %mul3A_540, %add3A_1780 : i32
        %get3A_1782 = arith.index_cast %add3A_1781 : i32 to index
        %get3A_1783 = arith.constant 0 : index
        %get3A_1784 = tpu.vector_load %arg19[%get3A_1782, %get3A_1783] {strides = array<i32>} : memref<320x64xf32, #tpu.memory_space<vmem>>, vector<1x16xf32>,
        %get3A_1785 = vector.shape_cast %get3A_1784 : vector<1x16xf32> to vector<16xf32>
        %mul3A_1786 = arith.mulf %get3A_1779, %get3A_1785 : vector<16xf32>
        %add3A_1787 = arith.constant 18 : i32
        %add3A_1788 = arith.addi %mul3A_540, %add3A_1787 : i32
        %get3A_1789 = arith.index_cast %add3A_1788 : i32 to index
        %get3A_1790 = arith.constant 0 : index
        %get3A_1791 = tpu.vector_load %arg21[%get3A_1789, %get3A_1790] {strides = array<i32>} : memref<320x64xf32, #tpu.memory_space<vmem>>, vector<1x16xf32>,
        %get3A_1792 = vector.shape_cast %get3A_1791 : vector<1x16xf32> to vector<16xf32>
        %mul3A_1793 = arith.mulf %get3A_1779, %get3A_1792 : vector<16xf32>
        %add3A_1794 = arith.addf %add3A_1725, %mul3A_1786 : vector<16xf32>
        %add3A_1795 = arith.addf %add3A_1726, %mul3A_1793 : vector<16xf32>
        %add3A_1796 = arith.constant 18 : i32
        %add3A_1797 = arith.addi %mul3A_540, %add3A_1796 : i32
        %get3A_1798 = arith.index_cast %add3A_1797 : i32 to index
        %get3A_1799 = arith.constant 16 : index
        %get3A_1800 = tpu.vector_load %arg19[%get3A_1798, %get3A_1799] {strides = array<i32>} : memref<320x64xf32, #tpu.memory_space<vmem>>, vector<1x16xf32>,
        %get3A_1801 = vector.shape_cast %get3A_1800 : vector<1x16xf32> to vector<16xf32>
        %mul3A_1802 = arith.mulf %get3A_1779, %get3A_1801 : vector<16xf32>
        %add3A_1803 = arith.constant 18 : i32
        %add3A_1804 = arith.addi %mul3A_540, %add3A_1803 : i32
        %get3A_1805 = arith.index_cast %add3A_1804 : i32 to index
        %get3A_1806 = arith.constant 16 : index
        %get3A_1807 = tpu.vector_load %arg21[%get3A_1805, %get3A_1806] {strides = array<i32>} : memref<320x64xf32, #tpu.memory_space<vmem>>, vector<1x16xf32>,
        %get3A_1808 = vector.shape_cast %get3A_1807 : vector<1x16xf32> to vector<16xf32>
        %mul3A_1809 = arith.mulf %get3A_1779, %get3A_1808 : vector<16xf32>
        %add3A_1810 = arith.addf %add3A_1741, %mul3A_1802 : vector<16xf32>
        %add3A_1811 = arith.addf %add3A_1742, %mul3A_1809 : vector<16xf32>
        %add3A_1812 = arith.constant 18 : i32
        %add3A_1813 = arith.addi %mul3A_540, %add3A_1812 : i32
        %get3A_1814 = arith.index_cast %add3A_1813 : i32 to index
        %get3A_1815 = arith.constant 32 : index
        %get3A_1816 = tpu.vector_load %arg19[%get3A_1814, %get3A_1815] {strides = array<i32>} : memref<320x64xf32, #tpu.memory_space<vmem>>, vector<1x16xf32>,
        %get3A_1817 = vector.shape_cast %get3A_1816 : vector<1x16xf32> to vector<16xf32>
        %mul3A_1818 = arith.mulf %get3A_1779, %get3A_1817 : vector<16xf32>
        %add3A_1819 = arith.constant 18 : i32
        %add3A_1820 = arith.addi %mul3A_540, %add3A_1819 : i32
        %get3A_1821 = arith.index_cast %add3A_1820 : i32 to index
        %get3A_1822 = arith.constant 32 : index
        %get3A_1823 = tpu.vector_load %arg21[%get3A_1821, %get3A_1822] {strides = array<i32>} : memref<320x64xf32, #tpu.memory_space<vmem>>, vector<1x16xf32>,
        %get3A_1824 = vector.shape_cast %get3A_1823 : vector<1x16xf32> to vector<16xf32>
        %mul3A_1825 = arith.mulf %get3A_1779, %get3A_1824 : vector<16xf32>
        %add3A_1826 = arith.addf %add3A_1757, %mul3A_1818 : vector<16xf32>
        %add3A_1827 = arith.addf %add3A_1758, %mul3A_1825 : vector<16xf32>
        %add3A_1828 = arith.constant 18 : i32
        %add3A_1829 = arith.addi %mul3A_540, %add3A_1828 : i32
        %get3A_1830 = arith.index_cast %add3A_1829 : i32 to index
        %get3A_1831 = arith.constant 48 : index
        %get3A_1832 = tpu.vector_load %arg19[%get3A_1830, %get3A_1831] {strides = array<i32>} : memref<320x64xf32, #tpu.memory_space<vmem>>, vector<1x16xf32>,
        %get3A_1833 = vector.shape_cast %get3A_1832 : vector<1x16xf32> to vector<16xf32>
        %mul3A_1834 = arith.mulf %get3A_1779, %get3A_1833 : vector<16xf32>
        %add3A_1835 = arith.constant 18 : i32
        %add3A_1836 = arith.addi %mul3A_540, %add3A_1835 : i32
        %get3A_1837 = arith.index_cast %add3A_1836 : i32 to index
        %get3A_1838 = arith.constant 48 : index
        %get3A_1839 = tpu.vector_load %arg21[%get3A_1837, %get3A_1838] {strides = array<i32>} : memref<320x64xf32, #tpu.memory_space<vmem>>, vector<1x16xf32>,
        %get3A_1840 = vector.shape_cast %get3A_1839 : vector<1x16xf32> to vector<16xf32>
        %mul3A_1841 = arith.mulf %get3A_1779, %get3A_1840 : vector<16xf32>
        %add3A_1842 = arith.addf %add3A_1773, %mul3A_1834 : vector<16xf32>
        %add3A_1843 = arith.addf %add3A_1774, %mul3A_1841 : vector<16xf32>
        %get3A_1844 = arith.constant 19 : i32
        %get3A_1845 = arith.index_cast %get3A_1844 : i32 to index
        %get3A_1846 = arith.constant 0 : index
        %get3A_1847 = tpu.vector_load %arg14[%get3A_1845, %get3A_1846] {strides = array<i32>} : memref<20x16xf32, #tpu.memory_space<vmem>>, vector<1x16xf32>,
        %get3A_1848 = vector.shape_cast %get3A_1847 : vector<1x16xf32> to vector<16xf32>
        %add3A_1849 = arith.constant 19 : i32
        %add3A_1850 = arith.addi %mul3A_540, %add3A_1849 : i32
        %get3A_1851 = arith.index_cast %add3A_1850 : i32 to index
        %get3A_1852 = arith.constant 0 : index
        %get3A_1853 = tpu.vector_load %arg19[%get3A_1851, %get3A_1852] {strides = array<i32>} : memref<320x64xf32, #tpu.memory_space<vmem>>, vector<1x16xf32>,
        %get3A_1854 = vector.shape_cast %get3A_1853 : vector<1x16xf32> to vector<16xf32>
        %mul3A_1855 = arith.mulf %get3A_1848, %get3A_1854 : vector<16xf32>
        %add3A_1856 = arith.constant 19 : i32
        %add3A_1857 = arith.addi %mul3A_540, %add3A_1856 : i32
        %get3A_1858 = arith.index_cast %add3A_1857 : i32 to index
        %get3A_1859 = arith.constant 0 : index
        %get3A_1860 = tpu.vector_load %arg21[%get3A_1858, %get3A_1859] {strides = array<i32>} : memref<320x64xf32, #tpu.memory_space<vmem>>, vector<1x16xf32>,
        %get3A_1861 = vector.shape_cast %get3A_1860 : vector<1x16xf32> to vector<16xf32>
        %mul3A_1862 = arith.mulf %get3A_1848, %get3A_1861 : vector<16xf32>
        %add3A_1863 = arith.addf %add3A_1794, %mul3A_1855 : vector<16xf32>
        %add3A_1864 = arith.addf %add3A_1795, %mul3A_1862 : vector<16xf32>
        %add3A_1865 = arith.constant 19 : i32
        %add3A_1866 = arith.addi %mul3A_540, %add3A_1865 : i32
        %get3A_1867 = arith.index_cast %add3A_1866 : i32 to index
        %get3A_1868 = arith.constant 16 : index
        %get3A_1869 = tpu.vector_load %arg19[%get3A_1867, %get3A_1868] {strides = array<i32>} : memref<320x64xf32, #tpu.memory_space<vmem>>, vector<1x16xf32>,
        %get3A_1870 = vector.shape_cast %get3A_1869 : vector<1x16xf32> to vector<16xf32>
        %mul3A_1871 = arith.mulf %get3A_1848, %get3A_1870 : vector<16xf32>
        %add3A_1872 = arith.constant 19 : i32
        %add3A_1873 = arith.addi %mul3A_540, %add3A_1872 : i32
        %get3A_1874 = arith.index_cast %add3A_1873 : i32 to index
        %get3A_1875 = arith.constant 16 : index
        %get3A_1876 = tpu.vector_load %arg21[%get3A_1874, %get3A_1875] {strides = array<i32>} : memref<320x64xf32, #tpu.memory_space<vmem>>, vector<1x16xf32>,
        %get3A_1877 = vector.shape_cast %get3A_1876 : vector<1x16xf32> to vector<16xf32>
        %mul3A_1878 = arith.mulf %get3A_1848, %get3A_1877 : vector<16xf32>
        %add3A_1879 = arith.addf %add3A_1810, %mul3A_1871 : vector<16xf32>
        %add3A_1880 = arith.addf %add3A_1811, %mul3A_1878 : vector<16xf32>
        %add3A_1881 = arith.constant 19 : i32
        %add3A_1882 = arith.addi %mul3A_540, %add3A_1881 : i32
        %get3A_1883 = arith.index_cast %add3A_1882 : i32 to index
        %get3A_1884 = arith.constant 32 : index
        %get3A_1885 = tpu.vector_load %arg19[%get3A_1883, %get3A_1884] {strides = array<i32>} : memref<320x64xf32, #tpu.memory_space<vmem>>, vector<1x16xf32>,
        %get3A_1886 = vector.shape_cast %get3A_1885 : vector<1x16xf32> to vector<16xf32>
        %mul3A_1887 = arith.mulf %get3A_1848, %get3A_1886 : vector<16xf32>
        %add3A_1888 = arith.constant 19 : i32
        %add3A_1889 = arith.addi %mul3A_540, %add3A_1888 : i32
        %get3A_1890 = arith.index_cast %add3A_1889 : i32 to index
        %get3A_1891 = arith.constant 32 : index
        %get3A_1892 = tpu.vector_load %arg21[%get3A_1890, %get3A_1891] {strides = array<i32>} : memref<320x64xf32, #tpu.memory_space<vmem>>, vector<1x16xf32>,
        %get3A_1893 = vector.shape_cast %get3A_1892 : vector<1x16xf32> to vector<16xf32>
        %mul3A_1894 = arith.mulf %get3A_1848, %get3A_1893 : vector<16xf32>
        %add3A_1895 = arith.addf %add3A_1826, %mul3A_1887 : vector<16xf32>
        %add3A_1896 = arith.addf %add3A_1827, %mul3A_1894 : vector<16xf32>
        %add3A_1897 = arith.constant 19 : i32
        %add3A_1898 = arith.addi %mul3A_540, %add3A_1897 : i32
        %get3A_1899 = arith.index_cast %add3A_1898 : i32 to index
        %get3A_1900 = arith.constant 48 : index
        %get3A_1901 = tpu.vector_load %arg19[%get3A_1899, %get3A_1900] {strides = array<i32>} : memref<320x64xf32, #tpu.memory_space<vmem>>, vector<1x16xf32>,
        %get3A_1902 = vector.shape_cast %get3A_1901 : vector<1x16xf32> to vector<16xf32>
        %mul3A_1903 = arith.mulf %get3A_1848, %get3A_1902 : vector<16xf32>
        %add3A_1904 = arith.constant 19 : i32
        %add3A_1905 = arith.addi %mul3A_540, %add3A_1904 : i32
        %get3A_1906 = arith.index_cast %add3A_1905 : i32 to index
        %get3A_1907 = arith.constant 48 : index
        %get3A_1908 = tpu.vector_load %arg21[%get3A_1906, %get3A_1907] {strides = array<i32>} : memref<320x64xf32, #tpu.memory_space<vmem>>, vector<1x16xf32>,
        %get3A_1909 = vector.shape_cast %get3A_1908 : vector<1x16xf32> to vector<16xf32>
        %mul3A_1910 = arith.mulf %get3A_1848, %get3A_1909 : vector<16xf32>
        %add3A_1911 = arith.addf %add3A_1842, %mul3A_1903 : vector<16xf32>
        %add3A_1912 = arith.addf %add3A_1843, %mul3A_1910 : vector<16xf32>
        %mul3A_1913 = arith.constant 5.000000e-01 : f32
        %mul3A_1914 = vector.broadcast %mul3A_1913 : f32 to vector<16xf32>
        %mul3A_1915 = arith.mulf %mul3A_1914, %get3A_526 : vector<16xf32>
        %sub3A = arith.subf %mul3A_1915, %get3A_510 : vector<16xf32>
        %mul3A_1916 = arith.mulf %sub3A, %add3A_1863 : vector<16xf32>
        %add3A_1917 = arith.addf %scan3A_507, %mul3A_1916 : vector<16xf32>
        %mul3A_1918 = arith.constant 5.000000e-01 : f32
        %mul3A_1919 = vector.broadcast %mul3A_1918 : f32 to vector<16xf32>
        %mul3A_1920 = arith.mulf %mul3A_1919, %get3A_510 : vector<16xf32>
        %mul3A_1921 = arith.mulf %mul3A_1920, %add3A_1864 : vector<16xf32>
        %add3A_1922 = arith.addf %add3A_1917, %mul3A_1921 : vector<16xf32>
        %mul3A_1923 = arith.constant 5.000000e-01 : f32
        %mul3A_1924 = vector.broadcast %mul3A_1923 : f32 to vector<16xf32>
        %mul3A_1925 = arith.mulf %mul3A_1924, %get3A_530 : vector<16xf32>
        %sub3A_1926 = arith.subf %mul3A_1925, %get3A_514 : vector<16xf32>
        %mul3A_1927 = arith.mulf %sub3A_1926, %add3A_1879 : vector<16xf32>
        %add3A_1928 = arith.addf %add3A_1922, %mul3A_1927 : vector<16xf32>
        %mul3A_1929 = arith.constant 5.000000e-01 : f32
        %mul3A_1930 = vector.broadcast %mul3A_1929 : f32 to vector<16xf32>
        %mul3A_1931 = arith.mulf %mul3A_1930, %get3A_514 : vector<16xf32>
        %mul3A_1932 = arith.mulf %mul3A_1931, %add3A_1880 : vector<16xf32>
        %add3A_1933 = arith.addf %add3A_1928, %mul3A_1932 : vector<16xf32>
        %mul3A_1934 = arith.constant 5.000000e-01 : f32
        %mul3A_1935 = vector.broadcast %mul3A_1934 : f32 to vector<16xf32>
        %mul3A_1936 = arith.mulf %mul3A_1935, %get3A_534 : vector<16xf32>
        %sub3A_1937 = arith.subf %mul3A_1936, %get3A_518 : vector<16xf32>
        %mul3A_1938 = arith.mulf %sub3A_1937, %add3A_1895 : vector<16xf32>
        %add3A_1939 = arith.addf %add3A_1933, %mul3A_1938 : vector<16xf32>
        %mul3A_1940 = arith.constant 5.000000e-01 : f32
        %mul3A_1941 = vector.broadcast %mul3A_1940 : f32 to vector<16xf32>
        %mul3A_1942 = arith.mulf %mul3A_1941, %get3A_518 : vector<16xf32>
        %mul3A_1943 = arith.mulf %mul3A_1942, %add3A_1896 : vector<16xf32>
        %add3A_1944 = arith.addf %add3A_1939, %mul3A_1943 : vector<16xf32>
        %mul3A_1945 = arith.constant 5.000000e-01 : f32
        %mul3A_1946 = vector.broadcast %mul3A_1945 : f32 to vector<16xf32>
        %mul3A_1947 = arith.mulf %mul3A_1946, %get3A_538 : vector<16xf32>
        %sub3A_1948 = arith.subf %mul3A_1947, %get3A_522 : vector<16xf32>
        %mul3A_1949 = arith.mulf %sub3A_1948, %add3A_1911 : vector<16xf32>
        %add3A_1950 = arith.addf %add3A_1944, %mul3A_1949 : vector<16xf32>
        %mul3A_1951 = arith.constant 5.000000e-01 : f32
        %mul3A_1952 = vector.broadcast %mul3A_1951 : f32 to vector<16xf32>
        %mul3A_1953 = arith.mulf %mul3A_1952, %get3A_522 : vector<16xf32>
        %mul3A_1954 = arith.mulf %mul3A_1953, %add3A_1912 : vector<16xf32>
        %add3A_1955 = arith.addf %add3A_1950, %mul3A_1954 : vector<16xf32>
        scf.yield %add3A_1955 : vector<16xf32>
      }
      %scan3A_369 = arith.constant 16 : i32
      %add3A_370 = arith.constant 2 : i32
      %add3A_371 = arith.addi %mul3A_118, %add3A_370 : i32
      %lt3A = arith.constant 32 : i32
      %lt3A_372 = arith.cmpi slt, %add3A_371, %lt3A : i32
      %convert_element_type3A_373 = arith.extui %lt3A_372 : i1 to i32
      %cond3A_374 = arith.constant 0 : i32
      %cond3A_375 = arith.cmpi ne, %convert_element_type3A_373, %cond3A_374 : i32
      scf.if %cond3A_375 {
        %add3A_506 = arith.constant 2 : i32
        %add3A_507 = arith.addi %mul3A_118, %add3A_506 : i32
        %mul3A_508 = arith.constant 16 : i32
        %mul3A_509 = arith.muli %add3A_507, %mul3A_508 : i32
        %mul3A_510 = arith.constant 16 : i32
        %mul3A_511 = arith.muli %add3A_507, %mul3A_510 : i32
        %mul3A_512 = arith.constant 320 : i32
        %mul3A_513 = arith.muli %add3A_507, %mul3A_512 : i32
        %add3A_514 = arith.constant 0 : i32
        %add3A_515 = arith.addi %mul3A_513, %add3A_514 : i32
        %mul3A_516 = arith.constant 320 : i32
        %mul3A_517 = arith.muli %add3A_507, %mul3A_516 : i32
        %add3A_518 = arith.constant 64 : i32
        %add3A_519 = arith.addi %mul3A_517, %add3A_518 : i32
        %mul3A_520 = arith.constant 320 : i32
        %mul3A_521 = arith.muli %add3A_507, %mul3A_520 : i32
        %add3A_522 = arith.constant 128 : i32
        %add3A_523 = arith.addi %mul3A_521, %add3A_522 : i32
        %mul3A_524 = arith.constant 320 : i32
        %mul3A_525 = arith.muli %add3A_507, %mul3A_524 : i32
        %add3A_526 = arith.constant 192 : i32
        %add3A_527 = arith.addi %mul3A_525, %add3A_526 : i32
        %mul3A_528 = arith.constant 320 : i32
        %mul3A_529 = arith.muli %add3A_507, %mul3A_528 : i32
        %add3A_530 = arith.constant 256 : i32
        %add3A_531 = arith.addi %mul3A_529, %add3A_530 : i32
        %mul3A_532 = arith.constant 320 : i32
        %mul3A_533 = arith.muli %add3A_507, %mul3A_532 : i32
        %add3A_534 = arith.constant 0 : i32
        %add3A_535 = arith.addi %mul3A_533, %add3A_534 : i32
        %mul3A_536 = arith.constant 320 : i32
        %mul3A_537 = arith.muli %add3A_507, %mul3A_536 : i32
        %add3A_538 = arith.constant 64 : i32
        %add3A_539 = arith.addi %mul3A_537, %add3A_538 : i32
        %mul3A_540 = arith.constant 320 : i32
        %mul3A_541 = arith.muli %add3A_507, %mul3A_540 : i32
        %add3A_542 = arith.constant 128 : i32
        %add3A_543 = arith.addi %mul3A_541, %add3A_542 : i32
        %mul3A_544 = arith.constant 320 : i32
        %mul3A_545 = arith.muli %add3A_507, %mul3A_544 : i32
        %add3A_546 = arith.constant 192 : i32
        %add3A_547 = arith.addi %mul3A_545, %add3A_546 : i32
        %mul3A_548 = arith.constant 320 : i32
        %mul3A_549 = arith.muli %add3A_507, %mul3A_548 : i32
        %add3A_550 = arith.constant 256 : i32
        %add3A_551 = arith.addi %mul3A_549, %add3A_550 : i32
        %dma_start3A_552 = tpu.memref_slice %arg10[%mul3A_509] : memref<512xi32, #tpu.memory_space<vmem>> -> memref<16xi32, #tpu.memory_space<vmem>>
        %dma_start3A_553 = arith.constant 0 : i32
        %dma_start3A_554 = arith.constant 0 : i32
        %dma_start3A_555 = tpu.memref_slice %arg2[%dma_start3A_553, %dma_start3A_554] : memref<1000000x64xf32, #tpu.memory_space<hbm>> -> memref<1000000x64xf32, #tpu.memory_space<hbm>>
        tpu.enqueue_indirect_dma source(%dma_start3A_555 : memref<1000000x64xf32, #tpu.memory_space<hbm>>) target(%arg15 : memref<16x64xf32, #tpu.memory_space<vmem>>) offsets(%dma_start3A_552 : memref<16xi32, #tpu.memory_space<vmem>>) semaphore(%arg25 : memref<!tpu.dma_semaphore, #tpu.memory_space<semaphore_mem>>)
        %dma_start3A_556 = tpu.memref_slice %arg11[%mul3A_511] : memref<512xi32, #tpu.memory_space<vmem>> -> memref<16xi32, #tpu.memory_space<vmem>>
        %dma_start3A_557 = arith.constant 0 : i32
        %dma_start3A_558 = arith.constant 0 : i32
        %dma_start3A_559 = tpu.memref_slice %arg2[%dma_start3A_557, %dma_start3A_558] : memref<1000000x64xf32, #tpu.memory_space<hbm>> -> memref<1000000x64xf32, #tpu.memory_space<hbm>>
        tpu.enqueue_indirect_dma source(%dma_start3A_559 : memref<1000000x64xf32, #tpu.memory_space<hbm>>) target(%arg17 : memref<16x64xf32, #tpu.memory_space<vmem>>) offsets(%dma_start3A_556 : memref<16xi32, #tpu.memory_space<vmem>>) semaphore(%arg25 : memref<!tpu.dma_semaphore, #tpu.memory_space<semaphore_mem>>)
        %dma_start3A_560 = arith.constant 0 : i32
        %dma_start3A_561 = arith.constant 0 : i32
        %dma_start3A_562 = tpu.memref_slice %arg19[%dma_start3A_560, %dma_start3A_561] : memref<320x64xf32, #tpu.memory_space<vmem>> -> memref<64x64xf32, #tpu.memory_space<vmem>>
        %dma_start3A_563 = tpu.memref_slice %arg12[%add3A_515] : memref<10240xi32, #tpu.memory_space<vmem>> -> memref<64xi32, #tpu.memory_space<vmem>>
        %dma_start3A_564 = arith.constant 0 : i32
        %dma_start3A_565 = arith.constant 0 : i32
        %dma_start3A_566 = tpu.memref_slice %arg2[%dma_start3A_564, %dma_start3A_565] : memref<1000000x64xf32, #tpu.memory_space<hbm>> -> memref<1000000x64xf32, #tpu.memory_space<hbm>>
        tpu.enqueue_indirect_dma source(%dma_start3A_566 : memref<1000000x64xf32, #tpu.memory_space<hbm>>) target(%dma_start3A_562 : memref<64x64xf32, #tpu.memory_space<vmem>>) offsets(%dma_start3A_563 : memref<64xi32, #tpu.memory_space<vmem>>) semaphore(%arg25 : memref<!tpu.dma_semaphore, #tpu.memory_space<semaphore_mem>>)
        %dma_start3A_567 = arith.constant 64 : i32
        %dma_start3A_568 = arith.constant 0 : i32
        %dma_start3A_569 = tpu.memref_slice %arg19[%dma_start3A_567, %dma_start3A_568] : memref<320x64xf32, #tpu.memory_space<vmem>> -> memref<64x64xf32, #tpu.memory_space<vmem>>
        %dma_start3A_570 = tpu.memref_slice %arg12[%add3A_519] : memref<10240xi32, #tpu.memory_space<vmem>> -> memref<64xi32, #tpu.memory_space<vmem>>
        %dma_start3A_571 = arith.constant 0 : i32
        %dma_start3A_572 = arith.constant 0 : i32
        %dma_start3A_573 = tpu.memref_slice %arg2[%dma_start3A_571, %dma_start3A_572] : memref<1000000x64xf32, #tpu.memory_space<hbm>> -> memref<1000000x64xf32, #tpu.memory_space<hbm>>
        tpu.enqueue_indirect_dma source(%dma_start3A_573 : memref<1000000x64xf32, #tpu.memory_space<hbm>>) target(%dma_start3A_569 : memref<64x64xf32, #tpu.memory_space<vmem>>) offsets(%dma_start3A_570 : memref<64xi32, #tpu.memory_space<vmem>>) semaphore(%arg25 : memref<!tpu.dma_semaphore, #tpu.memory_space<semaphore_mem>>)
        %dma_start3A_574 = arith.constant 128 : i32
        %dma_start3A_575 = arith.constant 0 : i32
        %dma_start3A_576 = tpu.memref_slice %arg19[%dma_start3A_574, %dma_start3A_575] : memref<320x64xf32, #tpu.memory_space<vmem>> -> memref<64x64xf32, #tpu.memory_space<vmem>>
        %dma_start3A_577 = tpu.memref_slice %arg12[%add3A_523] : memref<10240xi32, #tpu.memory_space<vmem>> -> memref<64xi32, #tpu.memory_space<vmem>>
        %dma_start3A_578 = arith.constant 0 : i32
        %dma_start3A_579 = arith.constant 0 : i32
        %dma_start3A_580 = tpu.memref_slice %arg2[%dma_start3A_578, %dma_start3A_579] : memref<1000000x64xf32, #tpu.memory_space<hbm>> -> memref<1000000x64xf32, #tpu.memory_space<hbm>>
        tpu.enqueue_indirect_dma source(%dma_start3A_580 : memref<1000000x64xf32, #tpu.memory_space<hbm>>) target(%dma_start3A_576 : memref<64x64xf32, #tpu.memory_space<vmem>>) offsets(%dma_start3A_577 : memref<64xi32, #tpu.memory_space<vmem>>) semaphore(%arg25 : memref<!tpu.dma_semaphore, #tpu.memory_space<semaphore_mem>>)
        %dma_start3A_581 = arith.constant 192 : i32
        %dma_start3A_582 = arith.constant 0 : i32
        %dma_start3A_583 = tpu.memref_slice %arg19[%dma_start3A_581, %dma_start3A_582] : memref<320x64xf32, #tpu.memory_space<vmem>> -> memref<64x64xf32, #tpu.memory_space<vmem>>
        %dma_start3A_584 = tpu.memref_slice %arg12[%add3A_527] : memref<10240xi32, #tpu.memory_space<vmem>> -> memref<64xi32, #tpu.memory_space<vmem>>
        %dma_start3A_585 = arith.constant 0 : i32
        %dma_start3A_586 = arith.constant 0 : i32
        %dma_start3A_587 = tpu.memref_slice %arg2[%dma_start3A_585, %dma_start3A_586] : memref<1000000x64xf32, #tpu.memory_space<hbm>> -> memref<1000000x64xf32, #tpu.memory_space<hbm>>
        tpu.enqueue_indirect_dma source(%dma_start3A_587 : memref<1000000x64xf32, #tpu.memory_space<hbm>>) target(%dma_start3A_583 : memref<64x64xf32, #tpu.memory_space<vmem>>) offsets(%dma_start3A_584 : memref<64xi32, #tpu.memory_space<vmem>>) semaphore(%arg25 : memref<!tpu.dma_semaphore, #tpu.memory_space<semaphore_mem>>)
        %dma_start3A_588 = arith.constant 256 : i32
        %dma_start3A_589 = arith.constant 0 : i32
        %dma_start3A_590 = tpu.memref_slice %arg19[%dma_start3A_588, %dma_start3A_589] : memref<320x64xf32, #tpu.memory_space<vmem>> -> memref<64x64xf32, #tpu.memory_space<vmem>>
        %dma_start3A_591 = tpu.memref_slice %arg12[%add3A_531] : memref<10240xi32, #tpu.memory_space<vmem>> -> memref<64xi32, #tpu.memory_space<vmem>>
        %dma_start3A_592 = arith.constant 0 : i32
        %dma_start3A_593 = arith.constant 0 : i32
        %dma_start3A_594 = tpu.memref_slice %arg2[%dma_start3A_592, %dma_start3A_593] : memref<1000000x64xf32, #tpu.memory_space<hbm>> -> memref<1000000x64xf32, #tpu.memory_space<hbm>>
        tpu.enqueue_indirect_dma source(%dma_start3A_594 : memref<1000000x64xf32, #tpu.memory_space<hbm>>) target(%dma_start3A_590 : memref<64x64xf32, #tpu.memory_space<vmem>>) offsets(%dma_start3A_591 : memref<64xi32, #tpu.memory_space<vmem>>) semaphore(%arg25 : memref<!tpu.dma_semaphore, #tpu.memory_space<semaphore_mem>>)
        %dma_start3A_595 = arith.constant 0 : i32
        %dma_start3A_596 = arith.constant 0 : i32
        %dma_start3A_597 = tpu.memref_slice %arg21[%dma_start3A_595, %dma_start3A_596] : memref<320x64xf32, #tpu.memory_space<vmem>> -> memref<64x64xf32, #tpu.memory_space<vmem>>
        %dma_start3A_598 = tpu.memref_slice %arg13[%add3A_535] : memref<10240xi32, #tpu.memory_space<vmem>> -> memref<64xi32, #tpu.memory_space<vmem>>
        %dma_start3A_599 = arith.constant 0 : i32
        %dma_start3A_600 = arith.constant 0 : i32
        %dma_start3A_601 = tpu.memref_slice %arg2[%dma_start3A_599, %dma_start3A_600] : memref<1000000x64xf32, #tpu.memory_space<hbm>> -> memref<1000000x64xf32, #tpu.memory_space<hbm>>
        tpu.enqueue_indirect_dma source(%dma_start3A_601 : memref<1000000x64xf32, #tpu.memory_space<hbm>>) target(%dma_start3A_597 : memref<64x64xf32, #tpu.memory_space<vmem>>) offsets(%dma_start3A_598 : memref<64xi32, #tpu.memory_space<vmem>>) semaphore(%arg25 : memref<!tpu.dma_semaphore, #tpu.memory_space<semaphore_mem>>)
        %dma_start3A_602 = arith.constant 64 : i32
        %dma_start3A_603 = arith.constant 0 : i32
        %dma_start3A_604 = tpu.memref_slice %arg21[%dma_start3A_602, %dma_start3A_603] : memref<320x64xf32, #tpu.memory_space<vmem>> -> memref<64x64xf32, #tpu.memory_space<vmem>>
        %dma_start3A_605 = tpu.memref_slice %arg13[%add3A_539] : memref<10240xi32, #tpu.memory_space<vmem>> -> memref<64xi32, #tpu.memory_space<vmem>>
        %dma_start3A_606 = arith.constant 0 : i32
        %dma_start3A_607 = arith.constant 0 : i32
        %dma_start3A_608 = tpu.memref_slice %arg2[%dma_start3A_606, %dma_start3A_607] : memref<1000000x64xf32, #tpu.memory_space<hbm>> -> memref<1000000x64xf32, #tpu.memory_space<hbm>>
        tpu.enqueue_indirect_dma source(%dma_start3A_608 : memref<1000000x64xf32, #tpu.memory_space<hbm>>) target(%dma_start3A_604 : memref<64x64xf32, #tpu.memory_space<vmem>>) offsets(%dma_start3A_605 : memref<64xi32, #tpu.memory_space<vmem>>) semaphore(%arg25 : memref<!tpu.dma_semaphore, #tpu.memory_space<semaphore_mem>>)
        %dma_start3A_609 = arith.constant 128 : i32
        %dma_start3A_610 = arith.constant 0 : i32
        %dma_start3A_611 = tpu.memref_slice %arg21[%dma_start3A_609, %dma_start3A_610] : memref<320x64xf32, #tpu.memory_space<vmem>> -> memref<64x64xf32, #tpu.memory_space<vmem>>
        %dma_start3A_612 = tpu.memref_slice %arg13[%add3A_543] : memref<10240xi32, #tpu.memory_space<vmem>> -> memref<64xi32, #tpu.memory_space<vmem>>
        %dma_start3A_613 = arith.constant 0 : i32
        %dma_start3A_614 = arith.constant 0 : i32
        %dma_start3A_615 = tpu.memref_slice %arg2[%dma_start3A_613, %dma_start3A_614] : memref<1000000x64xf32, #tpu.memory_space<hbm>> -> memref<1000000x64xf32, #tpu.memory_space<hbm>>
        tpu.enqueue_indirect_dma source(%dma_start3A_615 : memref<1000000x64xf32, #tpu.memory_space<hbm>>) target(%dma_start3A_611 : memref<64x64xf32, #tpu.memory_space<vmem>>) offsets(%dma_start3A_612 : memref<64xi32, #tpu.memory_space<vmem>>) semaphore(%arg25 : memref<!tpu.dma_semaphore, #tpu.memory_space<semaphore_mem>>)
        %dma_start3A_616 = arith.constant 192 : i32
        %dma_start3A_617 = arith.constant 0 : i32
        %dma_start3A_618 = tpu.memref_slice %arg21[%dma_start3A_616, %dma_start3A_617] : memref<320x64xf32, #tpu.memory_space<vmem>> -> memref<64x64xf32, #tpu.memory_space<vmem>>
        %dma_start3A_619 = tpu.memref_slice %arg13[%add3A_547] : memref<10240xi32, #tpu.memory_space<vmem>> -> memref<64xi32, #tpu.memory_space<vmem>>
        %dma_start3A_620 = arith.constant 0 : i32
        %dma_start3A_621 = arith.constant 0 : i32
        %dma_start3A_622 = tpu.memref_slice %arg2[%dma_start3A_620, %dma_start3A_621] : memref<1000000x64xf32, #tpu.memory_space<hbm>> -> memref<1000000x64xf32, #tpu.memory_space<hbm>>
        tpu.enqueue_indirect_dma source(%dma_start3A_622 : memref<1000000x64xf32, #tpu.memory_space<hbm>>) target(%dma_start3A_618 : memref<64x64xf32, #tpu.memory_space<vmem>>) offsets(%dma_start3A_619 : memref<64xi32, #tpu.memory_space<vmem>>) semaphore(%arg25 : memref<!tpu.dma_semaphore, #tpu.memory_space<semaphore_mem>>)
        %dma_start3A_623 = arith.constant 256 : i32
        %dma_start3A_624 = arith.constant 0 : i32
        %dma_start3A_625 = tpu.memref_slice %arg21[%dma_start3A_623, %dma_start3A_624] : memref<320x64xf32, #tpu.memory_space<vmem>> -> memref<64x64xf32, #tpu.memory_space<vmem>>
        %dma_start3A_626 = tpu.memref_slice %arg13[%add3A_551] : memref<10240xi32, #tpu.memory_space<vmem>> -> memref<64xi32, #tpu.memory_space<vmem>>
        %dma_start3A_627 = arith.constant 0 : i32
        %dma_start3A_628 = arith.constant 0 : i32
        %dma_start3A_629 = tpu.memref_slice %arg2[%dma_start3A_627, %dma_start3A_628] : memref<1000000x64xf32, #tpu.memory_space<hbm>> -> memref<1000000x64xf32, #tpu.memory_space<hbm>>
        tpu.enqueue_indirect_dma source(%dma_start3A_629 : memref<1000000x64xf32, #tpu.memory_space<hbm>>) target(%dma_start3A_625 : memref<64x64xf32, #tpu.memory_space<vmem>>) offsets(%dma_start3A_626 : memref<64xi32, #tpu.memory_space<vmem>>) semaphore(%arg25 : memref<!tpu.dma_semaphore, #tpu.memory_space<semaphore_mem>>)
      } else {
      }
      %add3A_376 = arith.constant 1 : i32
      %add3A_377 = arith.addi %mul3A_118, %add3A_376 : i32
      %mul3A_378 = arith.constant 16 : i32
      %mul3A_379 = arith.muli %add3A_377, %mul3A_378 : i32
      %mul3A_380 = arith.constant 16 : i32
      %mul3A_381 = arith.muli %add3A_377, %mul3A_380 : i32
      %mul3A_382 = arith.constant 320 : i32
      %mul3A_383 = arith.muli %add3A_377, %mul3A_382 : i32
      %add3A_384 = arith.constant 0 : i32
      %add3A_385 = arith.addi %mul3A_383, %add3A_384 : i32
      %mul3A_386 = arith.constant 320 : i32
      %mul3A_387 = arith.muli %add3A_377, %mul3A_386 : i32
      %add3A_388 = arith.constant 64 : i32
      %add3A_389 = arith.addi %mul3A_387, %add3A_388 : i32
      %mul3A_390 = arith.constant 320 : i32
      %mul3A_391 = arith.muli %add3A_377, %mul3A_390 : i32
      %add3A_392 = arith.constant 128 : i32
      %add3A_393 = arith.addi %mul3A_391, %add3A_392 : i32
      %mul3A_394 = arith.constant 320 : i32
      %mul3A_395 = arith.muli %add3A_377, %mul3A_394 : i32
      %add3A_396 = arith.constant 192 : i32
      %add3A_397 = arith.addi %mul3A_395, %add3A_396 : i32
      %mul3A_398 = arith.constant 320 : i32
      %mul3A_399 = arith.muli %add3A_377, %mul3A_398 : i32
      %add3A_400 = arith.constant 256 : i32
      %add3A_401 = arith.addi %mul3A_399, %add3A_400 : i32
      %mul3A_402 = arith.constant 320 : i32
      %mul3A_403 = arith.muli %add3A_377, %mul3A_402 : i32
      %add3A_404 = arith.constant 0 : i32
      %add3A_405 = arith.addi %mul3A_403, %add3A_404 : i32
      %mul3A_406 = arith.constant 320 : i32
      %mul3A_407 = arith.muli %add3A_377, %mul3A_406 : i32
      %add3A_408 = arith.constant 64 : i32
      %add3A_409 = arith.addi %mul3A_407, %add3A_408 : i32
      %mul3A_410 = arith.constant 320 : i32
      %mul3A_411 = arith.muli %add3A_377, %mul3A_410 : i32
      %add3A_412 = arith.constant 128 : i32
      %add3A_413 = arith.addi %mul3A_411, %add3A_412 : i32
      %mul3A_414 = arith.constant 320 : i32
      %mul3A_415 = arith.muli %add3A_377, %mul3A_414 : i32
      %add3A_416 = arith.constant 192 : i32
      %add3A_417 = arith.addi %mul3A_415, %add3A_416 : i32
      %mul3A_418 = arith.constant 320 : i32
      %mul3A_419 = arith.muli %add3A_377, %mul3A_418 : i32
      %add3A_420 = arith.constant 256 : i32
      %add3A_421 = arith.addi %mul3A_419, %add3A_420 : i32
      %dma_wait3A_422 = tpu.memref_slice %arg10[%mul3A_379] : memref<512xi32, #tpu.memory_space<vmem>> -> memref<16xi32, #tpu.memory_space<vmem>>
      %dma_wait3A_423 = arith.constant 0 : i32
      %dma_wait3A_424 = arith.constant 0 : i32
      %dma_wait3A_425 = tpu.memref_slice %arg2[%dma_wait3A_423, %dma_wait3A_424] : memref<1000000x64xf32, #tpu.memory_space<hbm>> -> memref<1000000x64xf32, #tpu.memory_space<hbm>>
      tpu.wait_indirect_dma semaphore(%arg26 : memref<!tpu.dma_semaphore, #tpu.memory_space<semaphore_mem>>) src(%dma_wait3A_425 : memref<1000000x64xf32, #tpu.memory_space<hbm>>) dst(%arg16 : memref<16x64xf32, #tpu.memory_space<vmem>>)
      %dma_wait3A_426 = tpu.memref_slice %arg11[%mul3A_381] : memref<512xi32, #tpu.memory_space<vmem>> -> memref<16xi32, #tpu.memory_space<vmem>>
      %dma_wait3A_427 = arith.constant 0 : i32
      %dma_wait3A_428 = arith.constant 0 : i32
      %dma_wait3A_429 = tpu.memref_slice %arg2[%dma_wait3A_427, %dma_wait3A_428] : memref<1000000x64xf32, #tpu.memory_space<hbm>> -> memref<1000000x64xf32, #tpu.memory_space<hbm>>
      tpu.wait_indirect_dma semaphore(%arg26 : memref<!tpu.dma_semaphore, #tpu.memory_space<semaphore_mem>>) src(%dma_wait3A_429 : memref<1000000x64xf32, #tpu.memory_space<hbm>>) dst(%arg18 : memref<16x64xf32, #tpu.memory_space<vmem>>)
      %dma_wait3A_430 = arith.constant 0 : i32
      %dma_wait3A_431 = arith.constant 0 : i32
      %dma_wait3A_432 = tpu.memref_slice %arg20[%dma_wait3A_430, %dma_wait3A_431] : memref<320x64xf32, #tpu.memory_space<vmem>> -> memref<64x64xf32, #tpu.memory_space<vmem>>
      %dma_wait3A_433 = tpu.memref_slice %arg12[%add3A_385] : memref<10240xi32, #tpu.memory_space<vmem>> -> memref<64xi32, #tpu.memory_space<vmem>>
      %dma_wait3A_434 = arith.constant 0 : i32
      %dma_wait3A_435 = arith.constant 0 : i32
      %dma_wait3A_436 = tpu.memref_slice %arg2[%dma_wait3A_434, %dma_wait3A_435] : memref<1000000x64xf32, #tpu.memory_space<hbm>> -> memref<1000000x64xf32, #tpu.memory_space<hbm>>
      tpu.wait_indirect_dma semaphore(%arg26 : memref<!tpu.dma_semaphore, #tpu.memory_space<semaphore_mem>>) src(%dma_wait3A_436 : memref<1000000x64xf32, #tpu.memory_space<hbm>>) dst(%dma_wait3A_432 : memref<64x64xf32, #tpu.memory_space<vmem>>)
      %dma_wait3A_437 = arith.constant 64 : i32
      %dma_wait3A_438 = arith.constant 0 : i32
      %dma_wait3A_439 = tpu.memref_slice %arg20[%dma_wait3A_437, %dma_wait3A_438] : memref<320x64xf32, #tpu.memory_space<vmem>> -> memref<64x64xf32, #tpu.memory_space<vmem>>
      %dma_wait3A_440 = tpu.memref_slice %arg12[%add3A_389] : memref<10240xi32, #tpu.memory_space<vmem>> -> memref<64xi32, #tpu.memory_space<vmem>>
      %dma_wait3A_441 = arith.constant 0 : i32
      %dma_wait3A_442 = arith.constant 0 : i32
      %dma_wait3A_443 = tpu.memref_slice %arg2[%dma_wait3A_441, %dma_wait3A_442] : memref<1000000x64xf32, #tpu.memory_space<hbm>> -> memref<1000000x64xf32, #tpu.memory_space<hbm>>
      tpu.wait_indirect_dma semaphore(%arg26 : memref<!tpu.dma_semaphore, #tpu.memory_space<semaphore_mem>>) src(%dma_wait3A_443 : memref<1000000x64xf32, #tpu.memory_space<hbm>>) dst(%dma_wait3A_439 : memref<64x64xf32, #tpu.memory_space<vmem>>)
      %dma_wait3A_444 = arith.constant 128 : i32
      %dma_wait3A_445 = arith.constant 0 : i32
      %dma_wait3A_446 = tpu.memref_slice %arg20[%dma_wait3A_444, %dma_wait3A_445] : memref<320x64xf32, #tpu.memory_space<vmem>> -> memref<64x64xf32, #tpu.memory_space<vmem>>
      %dma_wait3A_447 = tpu.memref_slice %arg12[%add3A_393] : memref<10240xi32, #tpu.memory_space<vmem>> -> memref<64xi32, #tpu.memory_space<vmem>>
      %dma_wait3A_448 = arith.constant 0 : i32
      %dma_wait3A_449 = arith.constant 0 : i32
      %dma_wait3A_450 = tpu.memref_slice %arg2[%dma_wait3A_448, %dma_wait3A_449] : memref<1000000x64xf32, #tpu.memory_space<hbm>> -> memref<1000000x64xf32, #tpu.memory_space<hbm>>
      tpu.wait_indirect_dma semaphore(%arg26 : memref<!tpu.dma_semaphore, #tpu.memory_space<semaphore_mem>>) src(%dma_wait3A_450 : memref<1000000x64xf32, #tpu.memory_space<hbm>>) dst(%dma_wait3A_446 : memref<64x64xf32, #tpu.memory_space<vmem>>)
      %dma_wait3A_451 = arith.constant 192 : i32
      %dma_wait3A_452 = arith.constant 0 : i32
      %dma_wait3A_453 = tpu.memref_slice %arg20[%dma_wait3A_451, %dma_wait3A_452] : memref<320x64xf32, #tpu.memory_space<vmem>> -> memref<64x64xf32, #tpu.memory_space<vmem>>
      %dma_wait3A_454 = tpu.memref_slice %arg12[%add3A_397] : memref<10240xi32, #tpu.memory_space<vmem>> -> memref<64xi32, #tpu.memory_space<vmem>>
      %dma_wait3A_455 = arith.constant 0 : i32
      %dma_wait3A_456 = arith.constant 0 : i32
      %dma_wait3A_457 = tpu.memref_slice %arg2[%dma_wait3A_455, %dma_wait3A_456] : memref<1000000x64xf32, #tpu.memory_space<hbm>> -> memref<1000000x64xf32, #tpu.memory_space<hbm>>
      tpu.wait_indirect_dma semaphore(%arg26 : memref<!tpu.dma_semaphore, #tpu.memory_space<semaphore_mem>>) src(%dma_wait3A_457 : memref<1000000x64xf32, #tpu.memory_space<hbm>>) dst(%dma_wait3A_453 : memref<64x64xf32, #tpu.memory_space<vmem>>)
      %dma_wait3A_458 = arith.constant 256 : i32
      %dma_wait3A_459 = arith.constant 0 : i32
      %dma_wait3A_460 = tpu.memref_slice %arg20[%dma_wait3A_458, %dma_wait3A_459] : memref<320x64xf32, #tpu.memory_space<vmem>> -> memref<64x64xf32, #tpu.memory_space<vmem>>
      %dma_wait3A_461 = tpu.memref_slice %arg12[%add3A_401] : memref<10240xi32, #tpu.memory_space<vmem>> -> memref<64xi32, #tpu.memory_space<vmem>>
      %dma_wait3A_462 = arith.constant 0 : i32
      %dma_wait3A_463 = arith.constant 0 : i32
      %dma_wait3A_464 = tpu.memref_slice %arg2[%dma_wait3A_462, %dma_wait3A_463] : memref<1000000x64xf32, #tpu.memory_space<hbm>> -> memref<1000000x64xf32, #tpu.memory_space<hbm>>
      tpu.wait_indirect_dma semaphore(%arg26 : memref<!tpu.dma_semaphore, #tpu.memory_space<semaphore_mem>>) src(%dma_wait3A_464 : memref<1000000x64xf32, #tpu.memory_space<hbm>>) dst(%dma_wait3A_460 : memref<64x64xf32, #tpu.memory_space<vmem>>)
      %dma_wait3A_465 = arith.constant 0 : i32
      %dma_wait3A_466 = arith.constant 0 : i32
      %dma_wait3A_467 = tpu.memref_slice %arg22[%dma_wait3A_465, %dma_wait3A_466] : memref<320x64xf32, #tpu.memory_space<vmem>> -> memref<64x64xf32, #tpu.memory_space<vmem>>
      %dma_wait3A_468 = tpu.memref_slice %arg13[%add3A_405] : memref<10240xi32, #tpu.memory_space<vmem>> -> memref<64xi32, #tpu.memory_space<vmem>>
      %dma_wait3A_469 = arith.constant 0 : i32
      %dma_wait3A_470 = arith.constant 0 : i32
      %dma_wait3A_471 = tpu.memref_slice %arg2[%dma_wait3A_469, %dma_wait3A_470] : memref<1000000x64xf32, #tpu.memory_space<hbm>> -> memref<1000000x64xf32, #tpu.memory_space<hbm>>
      tpu.wait_indirect_dma semaphore(%arg26 : memref<!tpu.dma_semaphore, #tpu.memory_space<semaphore_mem>>) src(%dma_wait3A_471 : memref<1000000x64xf32, #tpu.memory_space<hbm>>) dst(%dma_wait3A_467 : memref<64x64xf32, #tpu.memory_space<vmem>>)
      %dma_wait3A_472 = arith.constant 64 : i32
      %dma_wait3A_473 = arith.constant 0 : i32
      %dma_wait3A_474 = tpu.memref_slice %arg22[%dma_wait3A_472, %dma_wait3A_473] : memref<320x64xf32, #tpu.memory_space<vmem>> -> memref<64x64xf32, #tpu.memory_space<vmem>>
      %dma_wait3A_475 = tpu.memref_slice %arg13[%add3A_409] : memref<10240xi32, #tpu.memory_space<vmem>> -> memref<64xi32, #tpu.memory_space<vmem>>
      %dma_wait3A_476 = arith.constant 0 : i32
      %dma_wait3A_477 = arith.constant 0 : i32
      %dma_wait3A_478 = tpu.memref_slice %arg2[%dma_wait3A_476, %dma_wait3A_477] : memref<1000000x64xf32, #tpu.memory_space<hbm>> -> memref<1000000x64xf32, #tpu.memory_space<hbm>>
      tpu.wait_indirect_dma semaphore(%arg26 : memref<!tpu.dma_semaphore, #tpu.memory_space<semaphore_mem>>) src(%dma_wait3A_478 : memref<1000000x64xf32, #tpu.memory_space<hbm>>) dst(%dma_wait3A_474 : memref<64x64xf32, #tpu.memory_space<vmem>>)
      %dma_wait3A_479 = arith.constant 128 : i32
      %dma_wait3A_480 = arith.constant 0 : i32
      %dma_wait3A_481 = tpu.memref_slice %arg22[%dma_wait3A_479, %dma_wait3A_480] : memref<320x64xf32, #tpu.memory_space<vmem>> -> memref<64x64xf32, #tpu.memory_space<vmem>>
      %dma_wait3A_482 = tpu.memref_slice %arg13[%add3A_413] : memref<10240xi32, #tpu.memory_space<vmem>> -> memref<64xi32, #tpu.memory_space<vmem>>
      %dma_wait3A_483 = arith.constant 0 : i32
      %dma_wait3A_484 = arith.constant 0 : i32
      %dma_wait3A_485 = tpu.memref_slice %arg2[%dma_wait3A_483, %dma_wait3A_484] : memref<1000000x64xf32, #tpu.memory_space<hbm>> -> memref<1000000x64xf32, #tpu.memory_space<hbm>>
      tpu.wait_indirect_dma semaphore(%arg26 : memref<!tpu.dma_semaphore, #tpu.memory_space<semaphore_mem>>) src(%dma_wait3A_485 : memref<1000000x64xf32, #tpu.memory_space<hbm>>) dst(%dma_wait3A_481 : memref<64x64xf32, #tpu.memory_space<vmem>>)
      %dma_wait3A_486 = arith.constant 192 : i32
      %dma_wait3A_487 = arith.constant 0 : i32
      %dma_wait3A_488 = tpu.memref_slice %arg22[%dma_wait3A_486, %dma_wait3A_487] : memref<320x64xf32, #tpu.memory_space<vmem>> -> memref<64x64xf32, #tpu.memory_space<vmem>>
      %dma_wait3A_489 = tpu.memref_slice %arg13[%add3A_417] : memref<10240xi32, #tpu.memory_space<vmem>> -> memref<64xi32, #tpu.memory_space<vmem>>
      %dma_wait3A_490 = arith.constant 0 : i32
      %dma_wait3A_491 = arith.constant 0 : i32
      %dma_wait3A_492 = tpu.memref_slice %arg2[%dma_wait3A_490, %dma_wait3A_491] : memref<1000000x64xf32, #tpu.memory_space<hbm>> -> memref<1000000x64xf32, #tpu.memory_space<hbm>>
      tpu.wait_indirect_dma semaphore(%arg26 : memref<!tpu.dma_semaphore, #tpu.memory_space<semaphore_mem>>) src(%dma_wait3A_492 : memref<1000000x64xf32, #tpu.memory_space<hbm>>) dst(%dma_wait3A_488 : memref<64x64xf32, #tpu.memory_space<vmem>>)
      %dma_wait3A_493 = arith.constant 256 : i32
      %dma_wait3A_494 = arith.constant 0 : i32
      %dma_wait3A_495 = tpu.memref_slice %arg22[%dma_wait3A_493, %dma_wait3A_494] : memref<320x64xf32, #tpu.memory_space<vmem>> -> memref<64x64xf32, #tpu.memory_space<vmem>>
      %dma_wait3A_496 = tpu.memref_slice %arg13[%add3A_421] : memref<10240xi32, #tpu.memory_space<vmem>> -> memref<64xi32, #tpu.memory_space<vmem>>
      %dma_wait3A_497 = arith.constant 0 : i32
      %dma_wait3A_498 = arith.constant 0 : i32
      %dma_wait3A_499 = tpu.memref_slice %arg2[%dma_wait3A_497, %dma_wait3A_498] : memref<1000000x64xf32, #tpu.memory_space<hbm>> -> memref<1000000x64xf32, #tpu.memory_space<hbm>>
      tpu.wait_indirect_dma semaphore(%arg26 : memref<!tpu.dma_semaphore, #tpu.memory_space<semaphore_mem>>) src(%dma_wait3A_499 : memref<1000000x64xf32, #tpu.memory_space<hbm>>) dst(%dma_wait3A_495 : memref<64x64xf32, #tpu.memory_space<vmem>>)
      %scan3A_500 = arith.constant 0 : i32
      %scan3A_501 = arith.constant 16 : i32
      %scan3A_502 = arith.addi %scan3A_500, %scan3A_501 : i32
      %scan3A_503 = arith.constant 1 : i32
      %scan3A_504 = scf.for %scan3A_506 = %scan3A_500 to %scan3A_502 step %scan3A_503 iter_args(%scan3A_507 = %scan3A_368) -> (vector<16xf32>)  : i32 {
        %get3A = arith.index_cast %scan3A_506 : i32 to index
        %get3A_508 = arith.constant 0 : index
        %get3A_509 = tpu.vector_load %arg16[%get3A, %get3A_508] {strides = array<i32>} : memref<16x64xf32, #tpu.memory_space<vmem>>, vector<1x16xf32>,
        %get3A_510 = vector.shape_cast %get3A_509 : vector<1x16xf32> to vector<16xf32>
        %get3A_511 = arith.index_cast %scan3A_506 : i32 to index
        %get3A_512 = arith.constant 16 : index
        %get3A_513 = tpu.vector_load %arg16[%get3A_511, %get3A_512] {strides = array<i32>} : memref<16x64xf32, #tpu.memory_space<vmem>>, vector<1x16xf32>,
        %get3A_514 = vector.shape_cast %get3A_513 : vector<1x16xf32> to vector<16xf32>
        %get3A_515 = arith.index_cast %scan3A_506 : i32 to index
        %get3A_516 = arith.constant 32 : index
        %get3A_517 = tpu.vector_load %arg16[%get3A_515, %get3A_516] {strides = array<i32>} : memref<16x64xf32, #tpu.memory_space<vmem>>, vector<1x16xf32>,
        %get3A_518 = vector.shape_cast %get3A_517 : vector<1x16xf32> to vector<16xf32>
        %get3A_519 = arith.index_cast %scan3A_506 : i32 to index
        %get3A_520 = arith.constant 48 : index
        %get3A_521 = tpu.vector_load %arg16[%get3A_519, %get3A_520] {strides = array<i32>} : memref<16x64xf32, #tpu.memory_space<vmem>>, vector<1x16xf32>,
        %get3A_522 = vector.shape_cast %get3A_521 : vector<1x16xf32> to vector<16xf32>
        %get3A_523 = arith.index_cast %scan3A_506 : i32 to index
        %get3A_524 = arith.constant 0 : index
        %get3A_525 = tpu.vector_load %arg18[%get3A_523, %get3A_524] {strides = array<i32>} : memref<16x64xf32, #tpu.memory_space<vmem>>, vector<1x16xf32>,
        %get3A_526 = vector.shape_cast %get3A_525 : vector<1x16xf32> to vector<16xf32>
        %get3A_527 = arith.index_cast %scan3A_506 : i32 to index
        %get3A_528 = arith.constant 16 : index
        %get3A_529 = tpu.vector_load %arg18[%get3A_527, %get3A_528] {strides = array<i32>} : memref<16x64xf32, #tpu.memory_space<vmem>>, vector<1x16xf32>,
        %get3A_530 = vector.shape_cast %get3A_529 : vector<1x16xf32> to vector<16xf32>
        %get3A_531 = arith.index_cast %scan3A_506 : i32 to index
        %get3A_532 = arith.constant 32 : index
        %get3A_533 = tpu.vector_load %arg18[%get3A_531, %get3A_532] {strides = array<i32>} : memref<16x64xf32, #tpu.memory_space<vmem>>, vector<1x16xf32>,
        %get3A_534 = vector.shape_cast %get3A_533 : vector<1x16xf32> to vector<16xf32>
        %get3A_535 = arith.index_cast %scan3A_506 : i32 to index
        %get3A_536 = arith.constant 48 : index
        %get3A_537 = tpu.vector_load %arg18[%get3A_535, %get3A_536] {strides = array<i32>} : memref<16x64xf32, #tpu.memory_space<vmem>>, vector<1x16xf32>,
        %get3A_538 = vector.shape_cast %get3A_537 : vector<1x16xf32> to vector<16xf32>
        %mul3A_539 = arith.constant 20 : i32
        %mul3A_540 = arith.muli %scan3A_506, %mul3A_539 : i32
        %get3A_541 = arith.constant 0 : i32
        %get3A_542 = arith.index_cast %get3A_541 : i32 to index
        %get3A_543 = arith.constant 0 : index
        %get3A_544 = tpu.vector_load %arg14[%get3A_542, %get3A_543] {strides = array<i32>} : memref<20x16xf32, #tpu.memory_space<vmem>>, vector<1x16xf32>,
        %get3A_545 = vector.shape_cast %get3A_544 : vector<1x16xf32> to vector<16xf32>
        %add3A_546 = arith.constant 0 : i32
        %add3A_547 = arith.addi %mul3A_540, %add3A_546 : i32
        %get3A_548 = arith.index_cast %add3A_547 : i32 to index
        %get3A_549 = arith.constant 0 : index
        %get3A_550 = tpu.vector_load %arg20[%get3A_548, %get3A_549] {strides = array<i32>} : memref<320x64xf32, #tpu.memory_space<vmem>>, vector<1x16xf32>,
        %get3A_551 = vector.shape_cast %get3A_550 : vector<1x16xf32> to vector<16xf32>
        %mul3A_552 = arith.mulf %get3A_545, %get3A_551 : vector<16xf32>
        %add3A_553 = arith.constant 0 : i32
        %add3A_554 = arith.addi %mul3A_540, %add3A_553 : i32
        %get3A_555 = arith.index_cast %add3A_554 : i32 to index
        %get3A_556 = arith.constant 0 : index
        %get3A_557 = tpu.vector_load %arg22[%get3A_555, %get3A_556] {strides = array<i32>} : memref<320x64xf32, #tpu.memory_space<vmem>>, vector<1x16xf32>,
        %get3A_558 = vector.shape_cast %get3A_557 : vector<1x16xf32> to vector<16xf32>
        %mul3A_559 = arith.mulf %get3A_545, %get3A_558 : vector<16xf32>
        %add3A_560 = arith.constant 0 : i32
        %add3A_561 = arith.addi %mul3A_540, %add3A_560 : i32
        %get3A_562 = arith.index_cast %add3A_561 : i32 to index
        %get3A_563 = arith.constant 16 : index
        %get3A_564 = tpu.vector_load %arg20[%get3A_562, %get3A_563] {strides = array<i32>} : memref<320x64xf32, #tpu.memory_space<vmem>>, vector<1x16xf32>,
        %get3A_565 = vector.shape_cast %get3A_564 : vector<1x16xf32> to vector<16xf32>
        %mul3A_566 = arith.mulf %get3A_545, %get3A_565 : vector<16xf32>
        %add3A_567 = arith.constant 0 : i32
        %add3A_568 = arith.addi %mul3A_540, %add3A_567 : i32
        %get3A_569 = arith.index_cast %add3A_568 : i32 to index
        %get3A_570 = arith.constant 16 : index
        %get3A_571 = tpu.vector_load %arg22[%get3A_569, %get3A_570] {strides = array<i32>} : memref<320x64xf32, #tpu.memory_space<vmem>>, vector<1x16xf32>,
        %get3A_572 = vector.shape_cast %get3A_571 : vector<1x16xf32> to vector<16xf32>
        %mul3A_573 = arith.mulf %get3A_545, %get3A_572 : vector<16xf32>
        %add3A_574 = arith.constant 0 : i32
        %add3A_575 = arith.addi %mul3A_540, %add3A_574 : i32
        %get3A_576 = arith.index_cast %add3A_575 : i32 to index
        %get3A_577 = arith.constant 32 : index
        %get3A_578 = tpu.vector_load %arg20[%get3A_576, %get3A_577] {strides = array<i32>} : memref<320x64xf32, #tpu.memory_space<vmem>>, vector<1x16xf32>,
        %get3A_579 = vector.shape_cast %get3A_578 : vector<1x16xf32> to vector<16xf32>
        %mul3A_580 = arith.mulf %get3A_545, %get3A_579 : vector<16xf32>
        %add3A_581 = arith.constant 0 : i32
        %add3A_582 = arith.addi %mul3A_540, %add3A_581 : i32
        %get3A_583 = arith.index_cast %add3A_582 : i32 to index
        %get3A_584 = arith.constant 32 : index
        %get3A_585 = tpu.vector_load %arg22[%get3A_583, %get3A_584] {strides = array<i32>} : memref<320x64xf32, #tpu.memory_space<vmem>>, vector<1x16xf32>,
        %get3A_586 = vector.shape_cast %get3A_585 : vector<1x16xf32> to vector<16xf32>
        %mul3A_587 = arith.mulf %get3A_545, %get3A_586 : vector<16xf32>
        %add3A_588 = arith.constant 0 : i32
        %add3A_589 = arith.addi %mul3A_540, %add3A_588 : i32
        %get3A_590 = arith.index_cast %add3A_589 : i32 to index
        %get3A_591 = arith.constant 48 : index
        %get3A_592 = tpu.vector_load %arg20[%get3A_590, %get3A_591] {strides = array<i32>} : memref<320x64xf32, #tpu.memory_space<vmem>>, vector<1x16xf32>,
        %get3A_593 = vector.shape_cast %get3A_592 : vector<1x16xf32> to vector<16xf32>
        %mul3A_594 = arith.mulf %get3A_545, %get3A_593 : vector<16xf32>
        %add3A_595 = arith.constant 0 : i32
        %add3A_596 = arith.addi %mul3A_540, %add3A_595 : i32
        %get3A_597 = arith.index_cast %add3A_596 : i32 to index
        %get3A_598 = arith.constant 48 : index
        %get3A_599 = tpu.vector_load %arg22[%get3A_597, %get3A_598] {strides = array<i32>} : memref<320x64xf32, #tpu.memory_space<vmem>>, vector<1x16xf32>,
        %get3A_600 = vector.shape_cast %get3A_599 : vector<1x16xf32> to vector<16xf32>
        %mul3A_601 = arith.mulf %get3A_545, %get3A_600 : vector<16xf32>
        %get3A_602 = arith.constant 1 : i32
        %get3A_603 = arith.index_cast %get3A_602 : i32 to index
        %get3A_604 = arith.constant 0 : index
        %get3A_605 = tpu.vector_load %arg14[%get3A_603, %get3A_604] {strides = array<i32>} : memref<20x16xf32, #tpu.memory_space<vmem>>, vector<1x16xf32>,
        %get3A_606 = vector.shape_cast %get3A_605 : vector<1x16xf32> to vector<16xf32>
        %add3A_607 = arith.constant 1 : i32
        %add3A_608 = arith.addi %mul3A_540, %add3A_607 : i32
        %get3A_609 = arith.index_cast %add3A_608 : i32 to index
        %get3A_610 = arith.constant 0 : index
        %get3A_611 = tpu.vector_load %arg20[%get3A_609, %get3A_610] {strides = array<i32>} : memref<320x64xf32, #tpu.memory_space<vmem>>, vector<1x16xf32>,
        %get3A_612 = vector.shape_cast %get3A_611 : vector<1x16xf32> to vector<16xf32>
        %mul3A_613 = arith.mulf %get3A_606, %get3A_612 : vector<16xf32>
        %add3A_614 = arith.constant 1 : i32
        %add3A_615 = arith.addi %mul3A_540, %add3A_614 : i32
        %get3A_616 = arith.index_cast %add3A_615 : i32 to index
        %get3A_617 = arith.constant 0 : index
        %get3A_618 = tpu.vector_load %arg22[%get3A_616, %get3A_617] {strides = array<i32>} : memref<320x64xf32, #tpu.memory_space<vmem>>, vector<1x16xf32>,
        %get3A_619 = vector.shape_cast %get3A_618 : vector<1x16xf32> to vector<16xf32>
        %mul3A_620 = arith.mulf %get3A_606, %get3A_619 : vector<16xf32>
        %add3A_621 = arith.addf %mul3A_552, %mul3A_613 : vector<16xf32>
        %add3A_622 = arith.addf %mul3A_559, %mul3A_620 : vector<16xf32>
        %add3A_623 = arith.constant 1 : i32
        %add3A_624 = arith.addi %mul3A_540, %add3A_623 : i32
        %get3A_625 = arith.index_cast %add3A_624 : i32 to index
        %get3A_626 = arith.constant 16 : index
        %get3A_627 = tpu.vector_load %arg20[%get3A_625, %get3A_626] {strides = array<i32>} : memref<320x64xf32, #tpu.memory_space<vmem>>, vector<1x16xf32>,
        %get3A_628 = vector.shape_cast %get3A_627 : vector<1x16xf32> to vector<16xf32>
        %mul3A_629 = arith.mulf %get3A_606, %get3A_628 : vector<16xf32>
        %add3A_630 = arith.constant 1 : i32
        %add3A_631 = arith.addi %mul3A_540, %add3A_630 : i32
        %get3A_632 = arith.index_cast %add3A_631 : i32 to index
        %get3A_633 = arith.constant 16 : index
        %get3A_634 = tpu.vector_load %arg22[%get3A_632, %get3A_633] {strides = array<i32>} : memref<320x64xf32, #tpu.memory_space<vmem>>, vector<1x16xf32>,
        %get3A_635 = vector.shape_cast %get3A_634 : vector<1x16xf32> to vector<16xf32>
        %mul3A_636 = arith.mulf %get3A_606, %get3A_635 : vector<16xf32>
        %add3A_637 = arith.addf %mul3A_566, %mul3A_629 : vector<16xf32>
        %add3A_638 = arith.addf %mul3A_573, %mul3A_636 : vector<16xf32>
        %add3A_639 = arith.constant 1 : i32
        %add3A_640 = arith.addi %mul3A_540, %add3A_639 : i32
        %get3A_641 = arith.index_cast %add3A_640 : i32 to index
        %get3A_642 = arith.constant 32 : index
        %get3A_643 = tpu.vector_load %arg20[%get3A_641, %get3A_642] {strides = array<i32>} : memref<320x64xf32, #tpu.memory_space<vmem>>, vector<1x16xf32>,
        %get3A_644 = vector.shape_cast %get3A_643 : vector<1x16xf32> to vector<16xf32>
        %mul3A_645 = arith.mulf %get3A_606, %get3A_644 : vector<16xf32>
        %add3A_646 = arith.constant 1 : i32
        %add3A_647 = arith.addi %mul3A_540, %add3A_646 : i32
        %get3A_648 = arith.index_cast %add3A_647 : i32 to index
        %get3A_649 = arith.constant 32 : index
        %get3A_650 = tpu.vector_load %arg22[%get3A_648, %get3A_649] {strides = array<i32>} : memref<320x64xf32, #tpu.memory_space<vmem>>, vector<1x16xf32>,
        %get3A_651 = vector.shape_cast %get3A_650 : vector<1x16xf32> to vector<16xf32>
        %mul3A_652 = arith.mulf %get3A_606, %get3A_651 : vector<16xf32>
        %add3A_653 = arith.addf %mul3A_580, %mul3A_645 : vector<16xf32>
        %add3A_654 = arith.addf %mul3A_587, %mul3A_652 : vector<16xf32>
        %add3A_655 = arith.constant 1 : i32
        %add3A_656 = arith.addi %mul3A_540, %add3A_655 : i32
        %get3A_657 = arith.index_cast %add3A_656 : i32 to index
        %get3A_658 = arith.constant 48 : index
        %get3A_659 = tpu.vector_load %arg20[%get3A_657, %get3A_658] {strides = array<i32>} : memref<320x64xf32, #tpu.memory_space<vmem>>, vector<1x16xf32>,
        %get3A_660 = vector.shape_cast %get3A_659 : vector<1x16xf32> to vector<16xf32>
        %mul3A_661 = arith.mulf %get3A_606, %get3A_660 : vector<16xf32>
        %add3A_662 = arith.constant 1 : i32
        %add3A_663 = arith.addi %mul3A_540, %add3A_662 : i32
        %get3A_664 = arith.index_cast %add3A_663 : i32 to index
        %get3A_665 = arith.constant 48 : index
        %get3A_666 = tpu.vector_load %arg22[%get3A_664, %get3A_665] {strides = array<i32>} : memref<320x64xf32, #tpu.memory_space<vmem>>, vector<1x16xf32>,
        %get3A_667 = vector.shape_cast %get3A_666 : vector<1x16xf32> to vector<16xf32>
        %mul3A_668 = arith.mulf %get3A_606, %get3A_667 : vector<16xf32>
        %add3A_669 = arith.addf %mul3A_594, %mul3A_661 : vector<16xf32>
        %add3A_670 = arith.addf %mul3A_601, %mul3A_668 : vector<16xf32>
        %get3A_671 = arith.constant 2 : i32
        %get3A_672 = arith.index_cast %get3A_671 : i32 to index
        %get3A_673 = arith.constant 0 : index
        %get3A_674 = tpu.vector_load %arg14[%get3A_672, %get3A_673] {strides = array<i32>} : memref<20x16xf32, #tpu.memory_space<vmem>>, vector<1x16xf32>,
        %get3A_675 = vector.shape_cast %get3A_674 : vector<1x16xf32> to vector<16xf32>
        %add3A_676 = arith.constant 2 : i32
        %add3A_677 = arith.addi %mul3A_540, %add3A_676 : i32
        %get3A_678 = arith.index_cast %add3A_677 : i32 to index
        %get3A_679 = arith.constant 0 : index
        %get3A_680 = tpu.vector_load %arg20[%get3A_678, %get3A_679] {strides = array<i32>} : memref<320x64xf32, #tpu.memory_space<vmem>>, vector<1x16xf32>,
        %get3A_681 = vector.shape_cast %get3A_680 : vector<1x16xf32> to vector<16xf32>
        %mul3A_682 = arith.mulf %get3A_675, %get3A_681 : vector<16xf32>
        %add3A_683 = arith.constant 2 : i32
        %add3A_684 = arith.addi %mul3A_540, %add3A_683 : i32
        %get3A_685 = arith.index_cast %add3A_684 : i32 to index
        %get3A_686 = arith.constant 0 : index
        %get3A_687 = tpu.vector_load %arg22[%get3A_685, %get3A_686] {strides = array<i32>} : memref<320x64xf32, #tpu.memory_space<vmem>>, vector<1x16xf32>,
        %get3A_688 = vector.shape_cast %get3A_687 : vector<1x16xf32> to vector<16xf32>
        %mul3A_689 = arith.mulf %get3A_675, %get3A_688 : vector<16xf32>
        %add3A_690 = arith.addf %add3A_621, %mul3A_682 : vector<16xf32>
        %add3A_691 = arith.addf %add3A_622, %mul3A_689 : vector<16xf32>
        %add3A_692 = arith.constant 2 : i32
        %add3A_693 = arith.addi %mul3A_540, %add3A_692 : i32
        %get3A_694 = arith.index_cast %add3A_693 : i32 to index
        %get3A_695 = arith.constant 16 : index
        %get3A_696 = tpu.vector_load %arg20[%get3A_694, %get3A_695] {strides = array<i32>} : memref<320x64xf32, #tpu.memory_space<vmem>>, vector<1x16xf32>,
        %get3A_697 = vector.shape_cast %get3A_696 : vector<1x16xf32> to vector<16xf32>
        %mul3A_698 = arith.mulf %get3A_675, %get3A_697 : vector<16xf32>
        %add3A_699 = arith.constant 2 : i32
        %add3A_700 = arith.addi %mul3A_540, %add3A_699 : i32
        %get3A_701 = arith.index_cast %add3A_700 : i32 to index
        %get3A_702 = arith.constant 16 : index
        %get3A_703 = tpu.vector_load %arg22[%get3A_701, %get3A_702] {strides = array<i32>} : memref<320x64xf32, #tpu.memory_space<vmem>>, vector<1x16xf32>,
        %get3A_704 = vector.shape_cast %get3A_703 : vector<1x16xf32> to vector<16xf32>
        %mul3A_705 = arith.mulf %get3A_675, %get3A_704 : vector<16xf32>
        %add3A_706 = arith.addf %add3A_637, %mul3A_698 : vector<16xf32>
        %add3A_707 = arith.addf %add3A_638, %mul3A_705 : vector<16xf32>
        %add3A_708 = arith.constant 2 : i32
        %add3A_709 = arith.addi %mul3A_540, %add3A_708 : i32
        %get3A_710 = arith.index_cast %add3A_709 : i32 to index
        %get3A_711 = arith.constant 32 : index
        %get3A_712 = tpu.vector_load %arg20[%get3A_710, %get3A_711] {strides = array<i32>} : memref<320x64xf32, #tpu.memory_space<vmem>>, vector<1x16xf32>,
        %get3A_713 = vector.shape_cast %get3A_712 : vector<1x16xf32> to vector<16xf32>
        %mul3A_714 = arith.mulf %get3A_675, %get3A_713 : vector<16xf32>
        %add3A_715 = arith.constant 2 : i32
        %add3A_716 = arith.addi %mul3A_540, %add3A_715 : i32
        %get3A_717 = arith.index_cast %add3A_716 : i32 to index
        %get3A_718 = arith.constant 32 : index
        %get3A_719 = tpu.vector_load %arg22[%get3A_717, %get3A_718] {strides = array<i32>} : memref<320x64xf32, #tpu.memory_space<vmem>>, vector<1x16xf32>,
        %get3A_720 = vector.shape_cast %get3A_719 : vector<1x16xf32> to vector<16xf32>
        %mul3A_721 = arith.mulf %get3A_675, %get3A_720 : vector<16xf32>
        %add3A_722 = arith.addf %add3A_653, %mul3A_714 : vector<16xf32>
        %add3A_723 = arith.addf %add3A_654, %mul3A_721 : vector<16xf32>
        %add3A_724 = arith.constant 2 : i32
        %add3A_725 = arith.addi %mul3A_540, %add3A_724 : i32
        %get3A_726 = arith.index_cast %add3A_725 : i32 to index
        %get3A_727 = arith.constant 48 : index
        %get3A_728 = tpu.vector_load %arg20[%get3A_726, %get3A_727] {strides = array<i32>} : memref<320x64xf32, #tpu.memory_space<vmem>>, vector<1x16xf32>,
        %get3A_729 = vector.shape_cast %get3A_728 : vector<1x16xf32> to vector<16xf32>
        %mul3A_730 = arith.mulf %get3A_675, %get3A_729 : vector<16xf32>
        %add3A_731 = arith.constant 2 : i32
        %add3A_732 = arith.addi %mul3A_540, %add3A_731 : i32
        %get3A_733 = arith.index_cast %add3A_732 : i32 to index
        %get3A_734 = arith.constant 48 : index
        %get3A_735 = tpu.vector_load %arg22[%get3A_733, %get3A_734] {strides = array<i32>} : memref<320x64xf32, #tpu.memory_space<vmem>>, vector<1x16xf32>,
        %get3A_736 = vector.shape_cast %get3A_735 : vector<1x16xf32> to vector<16xf32>
        %mul3A_737 = arith.mulf %get3A_675, %get3A_736 : vector<16xf32>
        %add3A_738 = arith.addf %add3A_669, %mul3A_730 : vector<16xf32>
        %add3A_739 = arith.addf %add3A_670, %mul3A_737 : vector<16xf32>
        %get3A_740 = arith.constant 3 : i32
        %get3A_741 = arith.index_cast %get3A_740 : i32 to index
        %get3A_742 = arith.constant 0 : index
        %get3A_743 = tpu.vector_load %arg14[%get3A_741, %get3A_742] {strides = array<i32>} : memref<20x16xf32, #tpu.memory_space<vmem>>, vector<1x16xf32>,
        %get3A_744 = vector.shape_cast %get3A_743 : vector<1x16xf32> to vector<16xf32>
        %add3A_745 = arith.constant 3 : i32
        %add3A_746 = arith.addi %mul3A_540, %add3A_745 : i32
        %get3A_747 = arith.index_cast %add3A_746 : i32 to index
        %get3A_748 = arith.constant 0 : index
        %get3A_749 = tpu.vector_load %arg20[%get3A_747, %get3A_748] {strides = array<i32>} : memref<320x64xf32, #tpu.memory_space<vmem>>, vector<1x16xf32>,
        %get3A_750 = vector.shape_cast %get3A_749 : vector<1x16xf32> to vector<16xf32>
        %mul3A_751 = arith.mulf %get3A_744, %get3A_750 : vector<16xf32>
        %add3A_752 = arith.constant 3 : i32
        %add3A_753 = arith.addi %mul3A_540, %add3A_752 : i32
        %get3A_754 = arith.index_cast %add3A_753 : i32 to index
        %get3A_755 = arith.constant 0 : index
        %get3A_756 = tpu.vector_load %arg22[%get3A_754, %get3A_755] {strides = array<i32>} : memref<320x64xf32, #tpu.memory_space<vmem>>, vector<1x16xf32>,
        %get3A_757 = vector.shape_cast %get3A_756 : vector<1x16xf32> to vector<16xf32>
        %mul3A_758 = arith.mulf %get3A_744, %get3A_757 : vector<16xf32>
        %add3A_759 = arith.addf %add3A_690, %mul3A_751 : vector<16xf32>
        %add3A_760 = arith.addf %add3A_691, %mul3A_758 : vector<16xf32>
        %add3A_761 = arith.constant 3 : i32
        %add3A_762 = arith.addi %mul3A_540, %add3A_761 : i32
        %get3A_763 = arith.index_cast %add3A_762 : i32 to index
        %get3A_764 = arith.constant 16 : index
        %get3A_765 = tpu.vector_load %arg20[%get3A_763, %get3A_764] {strides = array<i32>} : memref<320x64xf32, #tpu.memory_space<vmem>>, vector<1x16xf32>,
        %get3A_766 = vector.shape_cast %get3A_765 : vector<1x16xf32> to vector<16xf32>
        %mul3A_767 = arith.mulf %get3A_744, %get3A_766 : vector<16xf32>
        %add3A_768 = arith.constant 3 : i32
        %add3A_769 = arith.addi %mul3A_540, %add3A_768 : i32
        %get3A_770 = arith.index_cast %add3A_769 : i32 to index
        %get3A_771 = arith.constant 16 : index
        %get3A_772 = tpu.vector_load %arg22[%get3A_770, %get3A_771] {strides = array<i32>} : memref<320x64xf32, #tpu.memory_space<vmem>>, vector<1x16xf32>,
        %get3A_773 = vector.shape_cast %get3A_772 : vector<1x16xf32> to vector<16xf32>
        %mul3A_774 = arith.mulf %get3A_744, %get3A_773 : vector<16xf32>
        %add3A_775 = arith.addf %add3A_706, %mul3A_767 : vector<16xf32>
        %add3A_776 = arith.addf %add3A_707, %mul3A_774 : vector<16xf32>
        %add3A_777 = arith.constant 3 : i32
        %add3A_778 = arith.addi %mul3A_540, %add3A_777 : i32
        %get3A_779 = arith.index_cast %add3A_778 : i32 to index
        %get3A_780 = arith.constant 32 : index
        %get3A_781 = tpu.vector_load %arg20[%get3A_779, %get3A_780] {strides = array<i32>} : memref<320x64xf32, #tpu.memory_space<vmem>>, vector<1x16xf32>,
        %get3A_782 = vector.shape_cast %get3A_781 : vector<1x16xf32> to vector<16xf32>
        %mul3A_783 = arith.mulf %get3A_744, %get3A_782 : vector<16xf32>
        %add3A_784 = arith.constant 3 : i32
        %add3A_785 = arith.addi %mul3A_540, %add3A_784 : i32
        %get3A_786 = arith.index_cast %add3A_785 : i32 to index
        %get3A_787 = arith.constant 32 : index
        %get3A_788 = tpu.vector_load %arg22[%get3A_786, %get3A_787] {strides = array<i32>} : memref<320x64xf32, #tpu.memory_space<vmem>>, vector<1x16xf32>,
        %get3A_789 = vector.shape_cast %get3A_788 : vector<1x16xf32> to vector<16xf32>
        %mul3A_790 = arith.mulf %get3A_744, %get3A_789 : vector<16xf32>
        %add3A_791 = arith.addf %add3A_722, %mul3A_783 : vector<16xf32>
        %add3A_792 = arith.addf %add3A_723, %mul3A_790 : vector<16xf32>
        %add3A_793 = arith.constant 3 : i32
        %add3A_794 = arith.addi %mul3A_540, %add3A_793 : i32
        %get3A_795 = arith.index_cast %add3A_794 : i32 to index
        %get3A_796 = arith.constant 48 : index
        %get3A_797 = tpu.vector_load %arg20[%get3A_795, %get3A_796] {strides = array<i32>} : memref<320x64xf32, #tpu.memory_space<vmem>>, vector<1x16xf32>,
        %get3A_798 = vector.shape_cast %get3A_797 : vector<1x16xf32> to vector<16xf32>
        %mul3A_799 = arith.mulf %get3A_744, %get3A_798 : vector<16xf32>
        %add3A_800 = arith.constant 3 : i32
        %add3A_801 = arith.addi %mul3A_540, %add3A_800 : i32
        %get3A_802 = arith.index_cast %add3A_801 : i32 to index
        %get3A_803 = arith.constant 48 : index
        %get3A_804 = tpu.vector_load %arg22[%get3A_802, %get3A_803] {strides = array<i32>} : memref<320x64xf32, #tpu.memory_space<vmem>>, vector<1x16xf32>,
        %get3A_805 = vector.shape_cast %get3A_804 : vector<1x16xf32> to vector<16xf32>
        %mul3A_806 = arith.mulf %get3A_744, %get3A_805 : vector<16xf32>
        %add3A_807 = arith.addf %add3A_738, %mul3A_799 : vector<16xf32>
        %add3A_808 = arith.addf %add3A_739, %mul3A_806 : vector<16xf32>
        %get3A_809 = arith.constant 4 : i32
        %get3A_810 = arith.index_cast %get3A_809 : i32 to index
        %get3A_811 = arith.constant 0 : index
        %get3A_812 = tpu.vector_load %arg14[%get3A_810, %get3A_811] {strides = array<i32>} : memref<20x16xf32, #tpu.memory_space<vmem>>, vector<1x16xf32>,
        %get3A_813 = vector.shape_cast %get3A_812 : vector<1x16xf32> to vector<16xf32>
        %add3A_814 = arith.constant 4 : i32
        %add3A_815 = arith.addi %mul3A_540, %add3A_814 : i32
        %get3A_816 = arith.index_cast %add3A_815 : i32 to index
        %get3A_817 = arith.constant 0 : index
        %get3A_818 = tpu.vector_load %arg20[%get3A_816, %get3A_817] {strides = array<i32>} : memref<320x64xf32, #tpu.memory_space<vmem>>, vector<1x16xf32>,
        %get3A_819 = vector.shape_cast %get3A_818 : vector<1x16xf32> to vector<16xf32>
        %mul3A_820 = arith.mulf %get3A_813, %get3A_819 : vector<16xf32>
        %add3A_821 = arith.constant 4 : i32
        %add3A_822 = arith.addi %mul3A_540, %add3A_821 : i32
        %get3A_823 = arith.index_cast %add3A_822 : i32 to index
        %get3A_824 = arith.constant 0 : index
        %get3A_825 = tpu.vector_load %arg22[%get3A_823, %get3A_824] {strides = array<i32>} : memref<320x64xf32, #tpu.memory_space<vmem>>, vector<1x16xf32>,
        %get3A_826 = vector.shape_cast %get3A_825 : vector<1x16xf32> to vector<16xf32>
        %mul3A_827 = arith.mulf %get3A_813, %get3A_826 : vector<16xf32>
        %add3A_828 = arith.addf %add3A_759, %mul3A_820 : vector<16xf32>
        %add3A_829 = arith.addf %add3A_760, %mul3A_827 : vector<16xf32>
        %add3A_830 = arith.constant 4 : i32
        %add3A_831 = arith.addi %mul3A_540, %add3A_830 : i32
        %get3A_832 = arith.index_cast %add3A_831 : i32 to index
        %get3A_833 = arith.constant 16 : index
        %get3A_834 = tpu.vector_load %arg20[%get3A_832, %get3A_833] {strides = array<i32>} : memref<320x64xf32, #tpu.memory_space<vmem>>, vector<1x16xf32>,
        %get3A_835 = vector.shape_cast %get3A_834 : vector<1x16xf32> to vector<16xf32>
        %mul3A_836 = arith.mulf %get3A_813, %get3A_835 : vector<16xf32>
        %add3A_837 = arith.constant 4 : i32
        %add3A_838 = arith.addi %mul3A_540, %add3A_837 : i32
        %get3A_839 = arith.index_cast %add3A_838 : i32 to index
        %get3A_840 = arith.constant 16 : index
        %get3A_841 = tpu.vector_load %arg22[%get3A_839, %get3A_840] {strides = array<i32>} : memref<320x64xf32, #tpu.memory_space<vmem>>, vector<1x16xf32>,
        %get3A_842 = vector.shape_cast %get3A_841 : vector<1x16xf32> to vector<16xf32>
        %mul3A_843 = arith.mulf %get3A_813, %get3A_842 : vector<16xf32>
        %add3A_844 = arith.addf %add3A_775, %mul3A_836 : vector<16xf32>
        %add3A_845 = arith.addf %add3A_776, %mul3A_843 : vector<16xf32>
        %add3A_846 = arith.constant 4 : i32
        %add3A_847 = arith.addi %mul3A_540, %add3A_846 : i32
        %get3A_848 = arith.index_cast %add3A_847 : i32 to index
        %get3A_849 = arith.constant 32 : index
        %get3A_850 = tpu.vector_load %arg20[%get3A_848, %get3A_849] {strides = array<i32>} : memref<320x64xf32, #tpu.memory_space<vmem>>, vector<1x16xf32>,
        %get3A_851 = vector.shape_cast %get3A_850 : vector<1x16xf32> to vector<16xf32>
        %mul3A_852 = arith.mulf %get3A_813, %get3A_851 : vector<16xf32>
        %add3A_853 = arith.constant 4 : i32
        %add3A_854 = arith.addi %mul3A_540, %add3A_853 : i32
        %get3A_855 = arith.index_cast %add3A_854 : i32 to index
        %get3A_856 = arith.constant 32 : index
        %get3A_857 = tpu.vector_load %arg22[%get3A_855, %get3A_856] {strides = array<i32>} : memref<320x64xf32, #tpu.memory_space<vmem>>, vector<1x16xf32>,
        %get3A_858 = vector.shape_cast %get3A_857 : vector<1x16xf32> to vector<16xf32>
        %mul3A_859 = arith.mulf %get3A_813, %get3A_858 : vector<16xf32>
        %add3A_860 = arith.addf %add3A_791, %mul3A_852 : vector<16xf32>
        %add3A_861 = arith.addf %add3A_792, %mul3A_859 : vector<16xf32>
        %add3A_862 = arith.constant 4 : i32
        %add3A_863 = arith.addi %mul3A_540, %add3A_862 : i32
        %get3A_864 = arith.index_cast %add3A_863 : i32 to index
        %get3A_865 = arith.constant 48 : index
        %get3A_866 = tpu.vector_load %arg20[%get3A_864, %get3A_865] {strides = array<i32>} : memref<320x64xf32, #tpu.memory_space<vmem>>, vector<1x16xf32>,
        %get3A_867 = vector.shape_cast %get3A_866 : vector<1x16xf32> to vector<16xf32>
        %mul3A_868 = arith.mulf %get3A_813, %get3A_867 : vector<16xf32>
        %add3A_869 = arith.constant 4 : i32
        %add3A_870 = arith.addi %mul3A_540, %add3A_869 : i32
        %get3A_871 = arith.index_cast %add3A_870 : i32 to index
        %get3A_872 = arith.constant 48 : index
        %get3A_873 = tpu.vector_load %arg22[%get3A_871, %get3A_872] {strides = array<i32>} : memref<320x64xf32, #tpu.memory_space<vmem>>, vector<1x16xf32>,
        %get3A_874 = vector.shape_cast %get3A_873 : vector<1x16xf32> to vector<16xf32>
        %mul3A_875 = arith.mulf %get3A_813, %get3A_874 : vector<16xf32>
        %add3A_876 = arith.addf %add3A_807, %mul3A_868 : vector<16xf32>
        %add3A_877 = arith.addf %add3A_808, %mul3A_875 : vector<16xf32>
        %get3A_878 = arith.constant 5 : i32
        %get3A_879 = arith.index_cast %get3A_878 : i32 to index
        %get3A_880 = arith.constant 0 : index
        %get3A_881 = tpu.vector_load %arg14[%get3A_879, %get3A_880] {strides = array<i32>} : memref<20x16xf32, #tpu.memory_space<vmem>>, vector<1x16xf32>,
        %get3A_882 = vector.shape_cast %get3A_881 : vector<1x16xf32> to vector<16xf32>
        %add3A_883 = arith.constant 5 : i32
        %add3A_884 = arith.addi %mul3A_540, %add3A_883 : i32
        %get3A_885 = arith.index_cast %add3A_884 : i32 to index
        %get3A_886 = arith.constant 0 : index
        %get3A_887 = tpu.vector_load %arg20[%get3A_885, %get3A_886] {strides = array<i32>} : memref<320x64xf32, #tpu.memory_space<vmem>>, vector<1x16xf32>,
        %get3A_888 = vector.shape_cast %get3A_887 : vector<1x16xf32> to vector<16xf32>
        %mul3A_889 = arith.mulf %get3A_882, %get3A_888 : vector<16xf32>
        %add3A_890 = arith.constant 5 : i32
        %add3A_891 = arith.addi %mul3A_540, %add3A_890 : i32
        %get3A_892 = arith.index_cast %add3A_891 : i32 to index
        %get3A_893 = arith.constant 0 : index
        %get3A_894 = tpu.vector_load %arg22[%get3A_892, %get3A_893] {strides = array<i32>} : memref<320x64xf32, #tpu.memory_space<vmem>>, vector<1x16xf32>,
        %get3A_895 = vector.shape_cast %get3A_894 : vector<1x16xf32> to vector<16xf32>
        %mul3A_896 = arith.mulf %get3A_882, %get3A_895 : vector<16xf32>
        %add3A_897 = arith.addf %add3A_828, %mul3A_889 : vector<16xf32>
        %add3A_898 = arith.addf %add3A_829, %mul3A_896 : vector<16xf32>
        %add3A_899 = arith.constant 5 : i32
        %add3A_900 = arith.addi %mul3A_540, %add3A_899 : i32
        %get3A_901 = arith.index_cast %add3A_900 : i32 to index
        %get3A_902 = arith.constant 16 : index
        %get3A_903 = tpu.vector_load %arg20[%get3A_901, %get3A_902] {strides = array<i32>} : memref<320x64xf32, #tpu.memory_space<vmem>>, vector<1x16xf32>,
        %get3A_904 = vector.shape_cast %get3A_903 : vector<1x16xf32> to vector<16xf32>
        %mul3A_905 = arith.mulf %get3A_882, %get3A_904 : vector<16xf32>
        %add3A_906 = arith.constant 5 : i32
        %add3A_907 = arith.addi %mul3A_540, %add3A_906 : i32
        %get3A_908 = arith.index_cast %add3A_907 : i32 to index
        %get3A_909 = arith.constant 16 : index
        %get3A_910 = tpu.vector_load %arg22[%get3A_908, %get3A_909] {strides = array<i32>} : memref<320x64xf32, #tpu.memory_space<vmem>>, vector<1x16xf32>,
        %get3A_911 = vector.shape_cast %get3A_910 : vector<1x16xf32> to vector<16xf32>
        %mul3A_912 = arith.mulf %get3A_882, %get3A_911 : vector<16xf32>
        %add3A_913 = arith.addf %add3A_844, %mul3A_905 : vector<16xf32>
        %add3A_914 = arith.addf %add3A_845, %mul3A_912 : vector<16xf32>
        %add3A_915 = arith.constant 5 : i32
        %add3A_916 = arith.addi %mul3A_540, %add3A_915 : i32
        %get3A_917 = arith.index_cast %add3A_916 : i32 to index
        %get3A_918 = arith.constant 32 : index
        %get3A_919 = tpu.vector_load %arg20[%get3A_917, %get3A_918] {strides = array<i32>} : memref<320x64xf32, #tpu.memory_space<vmem>>, vector<1x16xf32>,
        %get3A_920 = vector.shape_cast %get3A_919 : vector<1x16xf32> to vector<16xf32>
        %mul3A_921 = arith.mulf %get3A_882, %get3A_920 : vector<16xf32>
        %add3A_922 = arith.constant 5 : i32
        %add3A_923 = arith.addi %mul3A_540, %add3A_922 : i32
        %get3A_924 = arith.index_cast %add3A_923 : i32 to index
        %get3A_925 = arith.constant 32 : index
        %get3A_926 = tpu.vector_load %arg22[%get3A_924, %get3A_925] {strides = array<i32>} : memref<320x64xf32, #tpu.memory_space<vmem>>, vector<1x16xf32>,
        %get3A_927 = vector.shape_cast %get3A_926 : vector<1x16xf32> to vector<16xf32>
        %mul3A_928 = arith.mulf %get3A_882, %get3A_927 : vector<16xf32>
        %add3A_929 = arith.addf %add3A_860, %mul3A_921 : vector<16xf32>
        %add3A_930 = arith.addf %add3A_861, %mul3A_928 : vector<16xf32>
        %add3A_931 = arith.constant 5 : i32
        %add3A_932 = arith.addi %mul3A_540, %add3A_931 : i32
        %get3A_933 = arith.index_cast %add3A_932 : i32 to index
        %get3A_934 = arith.constant 48 : index
        %get3A_935 = tpu.vector_load %arg20[%get3A_933, %get3A_934] {strides = array<i32>} : memref<320x64xf32, #tpu.memory_space<vmem>>, vector<1x16xf32>,
        %get3A_936 = vector.shape_cast %get3A_935 : vector<1x16xf32> to vector<16xf32>
        %mul3A_937 = arith.mulf %get3A_882, %get3A_936 : vector<16xf32>
        %add3A_938 = arith.constant 5 : i32
        %add3A_939 = arith.addi %mul3A_540, %add3A_938 : i32
        %get3A_940 = arith.index_cast %add3A_939 : i32 to index
        %get3A_941 = arith.constant 48 : index
        %get3A_942 = tpu.vector_load %arg22[%get3A_940, %get3A_941] {strides = array<i32>} : memref<320x64xf32, #tpu.memory_space<vmem>>, vector<1x16xf32>,
        %get3A_943 = vector.shape_cast %get3A_942 : vector<1x16xf32> to vector<16xf32>
        %mul3A_944 = arith.mulf %get3A_882, %get3A_943 : vector<16xf32>
        %add3A_945 = arith.addf %add3A_876, %mul3A_937 : vector<16xf32>
        %add3A_946 = arith.addf %add3A_877, %mul3A_944 : vector<16xf32>
        %get3A_947 = arith.constant 6 : i32
        %get3A_948 = arith.index_cast %get3A_947 : i32 to index
        %get3A_949 = arith.constant 0 : index
        %get3A_950 = tpu.vector_load %arg14[%get3A_948, %get3A_949] {strides = array<i32>} : memref<20x16xf32, #tpu.memory_space<vmem>>, vector<1x16xf32>,
        %get3A_951 = vector.shape_cast %get3A_950 : vector<1x16xf32> to vector<16xf32>
        %add3A_952 = arith.constant 6 : i32
        %add3A_953 = arith.addi %mul3A_540, %add3A_952 : i32
        %get3A_954 = arith.index_cast %add3A_953 : i32 to index
        %get3A_955 = arith.constant 0 : index
        %get3A_956 = tpu.vector_load %arg20[%get3A_954, %get3A_955] {strides = array<i32>} : memref<320x64xf32, #tpu.memory_space<vmem>>, vector<1x16xf32>,
        %get3A_957 = vector.shape_cast %get3A_956 : vector<1x16xf32> to vector<16xf32>
        %mul3A_958 = arith.mulf %get3A_951, %get3A_957 : vector<16xf32>
        %add3A_959 = arith.constant 6 : i32
        %add3A_960 = arith.addi %mul3A_540, %add3A_959 : i32
        %get3A_961 = arith.index_cast %add3A_960 : i32 to index
        %get3A_962 = arith.constant 0 : index
        %get3A_963 = tpu.vector_load %arg22[%get3A_961, %get3A_962] {strides = array<i32>} : memref<320x64xf32, #tpu.memory_space<vmem>>, vector<1x16xf32>,
        %get3A_964 = vector.shape_cast %get3A_963 : vector<1x16xf32> to vector<16xf32>
        %mul3A_965 = arith.mulf %get3A_951, %get3A_964 : vector<16xf32>
        %add3A_966 = arith.addf %add3A_897, %mul3A_958 : vector<16xf32>
        %add3A_967 = arith.addf %add3A_898, %mul3A_965 : vector<16xf32>
        %add3A_968 = arith.constant 6 : i32
        %add3A_969 = arith.addi %mul3A_540, %add3A_968 : i32
        %get3A_970 = arith.index_cast %add3A_969 : i32 to index
        %get3A_971 = arith.constant 16 : index
        %get3A_972 = tpu.vector_load %arg20[%get3A_970, %get3A_971] {strides = array<i32>} : memref<320x64xf32, #tpu.memory_space<vmem>>, vector<1x16xf32>,
        %get3A_973 = vector.shape_cast %get3A_972 : vector<1x16xf32> to vector<16xf32>
        %mul3A_974 = arith.mulf %get3A_951, %get3A_973 : vector<16xf32>
        %add3A_975 = arith.constant 6 : i32
        %add3A_976 = arith.addi %mul3A_540, %add3A_975 : i32
        %get3A_977 = arith.index_cast %add3A_976 : i32 to index
        %get3A_978 = arith.constant 16 : index
        %get3A_979 = tpu.vector_load %arg22[%get3A_977, %get3A_978] {strides = array<i32>} : memref<320x64xf32, #tpu.memory_space<vmem>>, vector<1x16xf32>,
        %get3A_980 = vector.shape_cast %get3A_979 : vector<1x16xf32> to vector<16xf32>
        %mul3A_981 = arith.mulf %get3A_951, %get3A_980 : vector<16xf32>
        %add3A_982 = arith.addf %add3A_913, %mul3A_974 : vector<16xf32>
        %add3A_983 = arith.addf %add3A_914, %mul3A_981 : vector<16xf32>
        %add3A_984 = arith.constant 6 : i32
        %add3A_985 = arith.addi %mul3A_540, %add3A_984 : i32
        %get3A_986 = arith.index_cast %add3A_985 : i32 to index
        %get3A_987 = arith.constant 32 : index
        %get3A_988 = tpu.vector_load %arg20[%get3A_986, %get3A_987] {strides = array<i32>} : memref<320x64xf32, #tpu.memory_space<vmem>>, vector<1x16xf32>,
        %get3A_989 = vector.shape_cast %get3A_988 : vector<1x16xf32> to vector<16xf32>
        %mul3A_990 = arith.mulf %get3A_951, %get3A_989 : vector<16xf32>
        %add3A_991 = arith.constant 6 : i32
        %add3A_992 = arith.addi %mul3A_540, %add3A_991 : i32
        %get3A_993 = arith.index_cast %add3A_992 : i32 to index
        %get3A_994 = arith.constant 32 : index
        %get3A_995 = tpu.vector_load %arg22[%get3A_993, %get3A_994] {strides = array<i32>} : memref<320x64xf32, #tpu.memory_space<vmem>>, vector<1x16xf32>,
        %get3A_996 = vector.shape_cast %get3A_995 : vector<1x16xf32> to vector<16xf32>
        %mul3A_997 = arith.mulf %get3A_951, %get3A_996 : vector<16xf32>
        %add3A_998 = arith.addf %add3A_929, %mul3A_990 : vector<16xf32>
        %add3A_999 = arith.addf %add3A_930, %mul3A_997 : vector<16xf32>
        %add3A_1000 = arith.constant 6 : i32
        %add3A_1001 = arith.addi %mul3A_540, %add3A_1000 : i32
        %get3A_1002 = arith.index_cast %add3A_1001 : i32 to index
        %get3A_1003 = arith.constant 48 : index
        %get3A_1004 = tpu.vector_load %arg20[%get3A_1002, %get3A_1003] {strides = array<i32>} : memref<320x64xf32, #tpu.memory_space<vmem>>, vector<1x16xf32>,
        %get3A_1005 = vector.shape_cast %get3A_1004 : vector<1x16xf32> to vector<16xf32>
        %mul3A_1006 = arith.mulf %get3A_951, %get3A_1005 : vector<16xf32>
        %add3A_1007 = arith.constant 6 : i32
        %add3A_1008 = arith.addi %mul3A_540, %add3A_1007 : i32
        %get3A_1009 = arith.index_cast %add3A_1008 : i32 to index
        %get3A_1010 = arith.constant 48 : index
        %get3A_1011 = tpu.vector_load %arg22[%get3A_1009, %get3A_1010] {strides = array<i32>} : memref<320x64xf32, #tpu.memory_space<vmem>>, vector<1x16xf32>,
        %get3A_1012 = vector.shape_cast %get3A_1011 : vector<1x16xf32> to vector<16xf32>
        %mul3A_1013 = arith.mulf %get3A_951, %get3A_1012 : vector<16xf32>
        %add3A_1014 = arith.addf %add3A_945, %mul3A_1006 : vector<16xf32>
        %add3A_1015 = arith.addf %add3A_946, %mul3A_1013 : vector<16xf32>
        %get3A_1016 = arith.constant 7 : i32
        %get3A_1017 = arith.index_cast %get3A_1016 : i32 to index
        %get3A_1018 = arith.constant 0 : index
        %get3A_1019 = tpu.vector_load %arg14[%get3A_1017, %get3A_1018] {strides = array<i32>} : memref<20x16xf32, #tpu.memory_space<vmem>>, vector<1x16xf32>,
        %get3A_1020 = vector.shape_cast %get3A_1019 : vector<1x16xf32> to vector<16xf32>
        %add3A_1021 = arith.constant 7 : i32
        %add3A_1022 = arith.addi %mul3A_540, %add3A_1021 : i32
        %get3A_1023 = arith.index_cast %add3A_1022 : i32 to index
        %get3A_1024 = arith.constant 0 : index
        %get3A_1025 = tpu.vector_load %arg20[%get3A_1023, %get3A_1024] {strides = array<i32>} : memref<320x64xf32, #tpu.memory_space<vmem>>, vector<1x16xf32>,
        %get3A_1026 = vector.shape_cast %get3A_1025 : vector<1x16xf32> to vector<16xf32>
        %mul3A_1027 = arith.mulf %get3A_1020, %get3A_1026 : vector<16xf32>
        %add3A_1028 = arith.constant 7 : i32
        %add3A_1029 = arith.addi %mul3A_540, %add3A_1028 : i32
        %get3A_1030 = arith.index_cast %add3A_1029 : i32 to index
        %get3A_1031 = arith.constant 0 : index
        %get3A_1032 = tpu.vector_load %arg22[%get3A_1030, %get3A_1031] {strides = array<i32>} : memref<320x64xf32, #tpu.memory_space<vmem>>, vector<1x16xf32>,
        %get3A_1033 = vector.shape_cast %get3A_1032 : vector<1x16xf32> to vector<16xf32>
        %mul3A_1034 = arith.mulf %get3A_1020, %get3A_1033 : vector<16xf32>
        %add3A_1035 = arith.addf %add3A_966, %mul3A_1027 : vector<16xf32>
        %add3A_1036 = arith.addf %add3A_967, %mul3A_1034 : vector<16xf32>
        %add3A_1037 = arith.constant 7 : i32
        %add3A_1038 = arith.addi %mul3A_540, %add3A_1037 : i32
        %get3A_1039 = arith.index_cast %add3A_1038 : i32 to index
        %get3A_1040 = arith.constant 16 : index
        %get3A_1041 = tpu.vector_load %arg20[%get3A_1039, %get3A_1040] {strides = array<i32>} : memref<320x64xf32, #tpu.memory_space<vmem>>, vector<1x16xf32>,
        %get3A_1042 = vector.shape_cast %get3A_1041 : vector<1x16xf32> to vector<16xf32>
        %mul3A_1043 = arith.mulf %get3A_1020, %get3A_1042 : vector<16xf32>
        %add3A_1044 = arith.constant 7 : i32
        %add3A_1045 = arith.addi %mul3A_540, %add3A_1044 : i32
        %get3A_1046 = arith.index_cast %add3A_1045 : i32 to index
        %get3A_1047 = arith.constant 16 : index
        %get3A_1048 = tpu.vector_load %arg22[%get3A_1046, %get3A_1047] {strides = array<i32>} : memref<320x64xf32, #tpu.memory_space<vmem>>, vector<1x16xf32>,
        %get3A_1049 = vector.shape_cast %get3A_1048 : vector<1x16xf32> to vector<16xf32>
        %mul3A_1050 = arith.mulf %get3A_1020, %get3A_1049 : vector<16xf32>
        %add3A_1051 = arith.addf %add3A_982, %mul3A_1043 : vector<16xf32>
        %add3A_1052 = arith.addf %add3A_983, %mul3A_1050 : vector<16xf32>
        %add3A_1053 = arith.constant 7 : i32
        %add3A_1054 = arith.addi %mul3A_540, %add3A_1053 : i32
        %get3A_1055 = arith.index_cast %add3A_1054 : i32 to index
        %get3A_1056 = arith.constant 32 : index
        %get3A_1057 = tpu.vector_load %arg20[%get3A_1055, %get3A_1056] {strides = array<i32>} : memref<320x64xf32, #tpu.memory_space<vmem>>, vector<1x16xf32>,
        %get3A_1058 = vector.shape_cast %get3A_1057 : vector<1x16xf32> to vector<16xf32>
        %mul3A_1059 = arith.mulf %get3A_1020, %get3A_1058 : vector<16xf32>
        %add3A_1060 = arith.constant 7 : i32
        %add3A_1061 = arith.addi %mul3A_540, %add3A_1060 : i32
        %get3A_1062 = arith.index_cast %add3A_1061 : i32 to index
        %get3A_1063 = arith.constant 32 : index
        %get3A_1064 = tpu.vector_load %arg22[%get3A_1062, %get3A_1063] {strides = array<i32>} : memref<320x64xf32, #tpu.memory_space<vmem>>, vector<1x16xf32>,
        %get3A_1065 = vector.shape_cast %get3A_1064 : vector<1x16xf32> to vector<16xf32>
        %mul3A_1066 = arith.mulf %get3A_1020, %get3A_1065 : vector<16xf32>
        %add3A_1067 = arith.addf %add3A_998, %mul3A_1059 : vector<16xf32>
        %add3A_1068 = arith.addf %add3A_999, %mul3A_1066 : vector<16xf32>
        %add3A_1069 = arith.constant 7 : i32
        %add3A_1070 = arith.addi %mul3A_540, %add3A_1069 : i32
        %get3A_1071 = arith.index_cast %add3A_1070 : i32 to index
        %get3A_1072 = arith.constant 48 : index
        %get3A_1073 = tpu.vector_load %arg20[%get3A_1071, %get3A_1072] {strides = array<i32>} : memref<320x64xf32, #tpu.memory_space<vmem>>, vector<1x16xf32>,
        %get3A_1074 = vector.shape_cast %get3A_1073 : vector<1x16xf32> to vector<16xf32>
        %mul3A_1075 = arith.mulf %get3A_1020, %get3A_1074 : vector<16xf32>
        %add3A_1076 = arith.constant 7 : i32
        %add3A_1077 = arith.addi %mul3A_540, %add3A_1076 : i32
        %get3A_1078 = arith.index_cast %add3A_1077 : i32 to index
        %get3A_1079 = arith.constant 48 : index
        %get3A_1080 = tpu.vector_load %arg22[%get3A_1078, %get3A_1079] {strides = array<i32>} : memref<320x64xf32, #tpu.memory_space<vmem>>, vector<1x16xf32>,
        %get3A_1081 = vector.shape_cast %get3A_1080 : vector<1x16xf32> to vector<16xf32>
        %mul3A_1082 = arith.mulf %get3A_1020, %get3A_1081 : vector<16xf32>
        %add3A_1083 = arith.addf %add3A_1014, %mul3A_1075 : vector<16xf32>
        %add3A_1084 = arith.addf %add3A_1015, %mul3A_1082 : vector<16xf32>
        %get3A_1085 = arith.constant 8 : i32
        %get3A_1086 = arith.index_cast %get3A_1085 : i32 to index
        %get3A_1087 = arith.constant 0 : index
        %get3A_1088 = tpu.vector_load %arg14[%get3A_1086, %get3A_1087] {strides = array<i32>} : memref<20x16xf32, #tpu.memory_space<vmem>>, vector<1x16xf32>,
        %get3A_1089 = vector.shape_cast %get3A_1088 : vector<1x16xf32> to vector<16xf32>
        %add3A_1090 = arith.constant 8 : i32
        %add3A_1091 = arith.addi %mul3A_540, %add3A_1090 : i32
        %get3A_1092 = arith.index_cast %add3A_1091 : i32 to index
        %get3A_1093 = arith.constant 0 : index
        %get3A_1094 = tpu.vector_load %arg20[%get3A_1092, %get3A_1093] {strides = array<i32>} : memref<320x64xf32, #tpu.memory_space<vmem>>, vector<1x16xf32>,
        %get3A_1095 = vector.shape_cast %get3A_1094 : vector<1x16xf32> to vector<16xf32>
        %mul3A_1096 = arith.mulf %get3A_1089, %get3A_1095 : vector<16xf32>
        %add3A_1097 = arith.constant 8 : i32
        %add3A_1098 = arith.addi %mul3A_540, %add3A_1097 : i32
        %get3A_1099 = arith.index_cast %add3A_1098 : i32 to index
        %get3A_1100 = arith.constant 0 : index
        %get3A_1101 = tpu.vector_load %arg22[%get3A_1099, %get3A_1100] {strides = array<i32>} : memref<320x64xf32, #tpu.memory_space<vmem>>, vector<1x16xf32>,
        %get3A_1102 = vector.shape_cast %get3A_1101 : vector<1x16xf32> to vector<16xf32>
        %mul3A_1103 = arith.mulf %get3A_1089, %get3A_1102 : vector<16xf32>
        %add3A_1104 = arith.addf %add3A_1035, %mul3A_1096 : vector<16xf32>
        %add3A_1105 = arith.addf %add3A_1036, %mul3A_1103 : vector<16xf32>
        %add3A_1106 = arith.constant 8 : i32
        %add3A_1107 = arith.addi %mul3A_540, %add3A_1106 : i32
        %get3A_1108 = arith.index_cast %add3A_1107 : i32 to index
        %get3A_1109 = arith.constant 16 : index
        %get3A_1110 = tpu.vector_load %arg20[%get3A_1108, %get3A_1109] {strides = array<i32>} : memref<320x64xf32, #tpu.memory_space<vmem>>, vector<1x16xf32>,
        %get3A_1111 = vector.shape_cast %get3A_1110 : vector<1x16xf32> to vector<16xf32>
        %mul3A_1112 = arith.mulf %get3A_1089, %get3A_1111 : vector<16xf32>
        %add3A_1113 = arith.constant 8 : i32
        %add3A_1114 = arith.addi %mul3A_540, %add3A_1113 : i32
        %get3A_1115 = arith.index_cast %add3A_1114 : i32 to index
        %get3A_1116 = arith.constant 16 : index
        %get3A_1117 = tpu.vector_load %arg22[%get3A_1115, %get3A_1116] {strides = array<i32>} : memref<320x64xf32, #tpu.memory_space<vmem>>, vector<1x16xf32>,
        %get3A_1118 = vector.shape_cast %get3A_1117 : vector<1x16xf32> to vector<16xf32>
        %mul3A_1119 = arith.mulf %get3A_1089, %get3A_1118 : vector<16xf32>
        %add3A_1120 = arith.addf %add3A_1051, %mul3A_1112 : vector<16xf32>
        %add3A_1121 = arith.addf %add3A_1052, %mul3A_1119 : vector<16xf32>
        %add3A_1122 = arith.constant 8 : i32
        %add3A_1123 = arith.addi %mul3A_540, %add3A_1122 : i32
        %get3A_1124 = arith.index_cast %add3A_1123 : i32 to index
        %get3A_1125 = arith.constant 32 : index
        %get3A_1126 = tpu.vector_load %arg20[%get3A_1124, %get3A_1125] {strides = array<i32>} : memref<320x64xf32, #tpu.memory_space<vmem>>, vector<1x16xf32>,
        %get3A_1127 = vector.shape_cast %get3A_1126 : vector<1x16xf32> to vector<16xf32>
        %mul3A_1128 = arith.mulf %get3A_1089, %get3A_1127 : vector<16xf32>
        %add3A_1129 = arith.constant 8 : i32
        %add3A_1130 = arith.addi %mul3A_540, %add3A_1129 : i32
        %get3A_1131 = arith.index_cast %add3A_1130 : i32 to index
        %get3A_1132 = arith.constant 32 : index
        %get3A_1133 = tpu.vector_load %arg22[%get3A_1131, %get3A_1132] {strides = array<i32>} : memref<320x64xf32, #tpu.memory_space<vmem>>, vector<1x16xf32>,
        %get3A_1134 = vector.shape_cast %get3A_1133 : vector<1x16xf32> to vector<16xf32>
        %mul3A_1135 = arith.mulf %get3A_1089, %get3A_1134 : vector<16xf32>
        %add3A_1136 = arith.addf %add3A_1067, %mul3A_1128 : vector<16xf32>
        %add3A_1137 = arith.addf %add3A_1068, %mul3A_1135 : vector<16xf32>
        %add3A_1138 = arith.constant 8 : i32
        %add3A_1139 = arith.addi %mul3A_540, %add3A_1138 : i32
        %get3A_1140 = arith.index_cast %add3A_1139 : i32 to index
        %get3A_1141 = arith.constant 48 : index
        %get3A_1142 = tpu.vector_load %arg20[%get3A_1140, %get3A_1141] {strides = array<i32>} : memref<320x64xf32, #tpu.memory_space<vmem>>, vector<1x16xf32>,
        %get3A_1143 = vector.shape_cast %get3A_1142 : vector<1x16xf32> to vector<16xf32>
        %mul3A_1144 = arith.mulf %get3A_1089, %get3A_1143 : vector<16xf32>
        %add3A_1145 = arith.constant 8 : i32
        %add3A_1146 = arith.addi %mul3A_540, %add3A_1145 : i32
        %get3A_1147 = arith.index_cast %add3A_1146 : i32 to index
        %get3A_1148 = arith.constant 48 : index
        %get3A_1149 = tpu.vector_load %arg22[%get3A_1147, %get3A_1148] {strides = array<i32>} : memref<320x64xf32, #tpu.memory_space<vmem>>, vector<1x16xf32>,
        %get3A_1150 = vector.shape_cast %get3A_1149 : vector<1x16xf32> to vector<16xf32>
        %mul3A_1151 = arith.mulf %get3A_1089, %get3A_1150 : vector<16xf32>
        %add3A_1152 = arith.addf %add3A_1083, %mul3A_1144 : vector<16xf32>
        %add3A_1153 = arith.addf %add3A_1084, %mul3A_1151 : vector<16xf32>
        %get3A_1154 = arith.constant 9 : i32
        %get3A_1155 = arith.index_cast %get3A_1154 : i32 to index
        %get3A_1156 = arith.constant 0 : index
        %get3A_1157 = tpu.vector_load %arg14[%get3A_1155, %get3A_1156] {strides = array<i32>} : memref<20x16xf32, #tpu.memory_space<vmem>>, vector<1x16xf32>,
        %get3A_1158 = vector.shape_cast %get3A_1157 : vector<1x16xf32> to vector<16xf32>
        %add3A_1159 = arith.constant 9 : i32
        %add3A_1160 = arith.addi %mul3A_540, %add3A_1159 : i32
        %get3A_1161 = arith.index_cast %add3A_1160 : i32 to index
        %get3A_1162 = arith.constant 0 : index
        %get3A_1163 = tpu.vector_load %arg20[%get3A_1161, %get3A_1162] {strides = array<i32>} : memref<320x64xf32, #tpu.memory_space<vmem>>, vector<1x16xf32>,
        %get3A_1164 = vector.shape_cast %get3A_1163 : vector<1x16xf32> to vector<16xf32>
        %mul3A_1165 = arith.mulf %get3A_1158, %get3A_1164 : vector<16xf32>
        %add3A_1166 = arith.constant 9 : i32
        %add3A_1167 = arith.addi %mul3A_540, %add3A_1166 : i32
        %get3A_1168 = arith.index_cast %add3A_1167 : i32 to index
        %get3A_1169 = arith.constant 0 : index
        %get3A_1170 = tpu.vector_load %arg22[%get3A_1168, %get3A_1169] {strides = array<i32>} : memref<320x64xf32, #tpu.memory_space<vmem>>, vector<1x16xf32>,
        %get3A_1171 = vector.shape_cast %get3A_1170 : vector<1x16xf32> to vector<16xf32>
        %mul3A_1172 = arith.mulf %get3A_1158, %get3A_1171 : vector<16xf32>
        %add3A_1173 = arith.addf %add3A_1104, %mul3A_1165 : vector<16xf32>
        %add3A_1174 = arith.addf %add3A_1105, %mul3A_1172 : vector<16xf32>
        %add3A_1175 = arith.constant 9 : i32
        %add3A_1176 = arith.addi %mul3A_540, %add3A_1175 : i32
        %get3A_1177 = arith.index_cast %add3A_1176 : i32 to index
        %get3A_1178 = arith.constant 16 : index
        %get3A_1179 = tpu.vector_load %arg20[%get3A_1177, %get3A_1178] {strides = array<i32>} : memref<320x64xf32, #tpu.memory_space<vmem>>, vector<1x16xf32>,
        %get3A_1180 = vector.shape_cast %get3A_1179 : vector<1x16xf32> to vector<16xf32>
        %mul3A_1181 = arith.mulf %get3A_1158, %get3A_1180 : vector<16xf32>
        %add3A_1182 = arith.constant 9 : i32
        %add3A_1183 = arith.addi %mul3A_540, %add3A_1182 : i32
        %get3A_1184 = arith.index_cast %add3A_1183 : i32 to index
        %get3A_1185 = arith.constant 16 : index
        %get3A_1186 = tpu.vector_load %arg22[%get3A_1184, %get3A_1185] {strides = array<i32>} : memref<320x64xf32, #tpu.memory_space<vmem>>, vector<1x16xf32>,
        %get3A_1187 = vector.shape_cast %get3A_1186 : vector<1x16xf32> to vector<16xf32>
        %mul3A_1188 = arith.mulf %get3A_1158, %get3A_1187 : vector<16xf32>
        %add3A_1189 = arith.addf %add3A_1120, %mul3A_1181 : vector<16xf32>
        %add3A_1190 = arith.addf %add3A_1121, %mul3A_1188 : vector<16xf32>
        %add3A_1191 = arith.constant 9 : i32
        %add3A_1192 = arith.addi %mul3A_540, %add3A_1191 : i32
        %get3A_1193 = arith.index_cast %add3A_1192 : i32 to index
        %get3A_1194 = arith.constant 32 : index
        %get3A_1195 = tpu.vector_load %arg20[%get3A_1193, %get3A_1194] {strides = array<i32>} : memref<320x64xf32, #tpu.memory_space<vmem>>, vector<1x16xf32>,
        %get3A_1196 = vector.shape_cast %get3A_1195 : vector<1x16xf32> to vector<16xf32>
        %mul3A_1197 = arith.mulf %get3A_1158, %get3A_1196 : vector<16xf32>
        %add3A_1198 = arith.constant 9 : i32
        %add3A_1199 = arith.addi %mul3A_540, %add3A_1198 : i32
        %get3A_1200 = arith.index_cast %add3A_1199 : i32 to index
        %get3A_1201 = arith.constant 32 : index
        %get3A_1202 = tpu.vector_load %arg22[%get3A_1200, %get3A_1201] {strides = array<i32>} : memref<320x64xf32, #tpu.memory_space<vmem>>, vector<1x16xf32>,
        %get3A_1203 = vector.shape_cast %get3A_1202 : vector<1x16xf32> to vector<16xf32>
        %mul3A_1204 = arith.mulf %get3A_1158, %get3A_1203 : vector<16xf32>
        %add3A_1205 = arith.addf %add3A_1136, %mul3A_1197 : vector<16xf32>
        %add3A_1206 = arith.addf %add3A_1137, %mul3A_1204 : vector<16xf32>
        %add3A_1207 = arith.constant 9 : i32
        %add3A_1208 = arith.addi %mul3A_540, %add3A_1207 : i32
        %get3A_1209 = arith.index_cast %add3A_1208 : i32 to index
        %get3A_1210 = arith.constant 48 : index
        %get3A_1211 = tpu.vector_load %arg20[%get3A_1209, %get3A_1210] {strides = array<i32>} : memref<320x64xf32, #tpu.memory_space<vmem>>, vector<1x16xf32>,
        %get3A_1212 = vector.shape_cast %get3A_1211 : vector<1x16xf32> to vector<16xf32>
        %mul3A_1213 = arith.mulf %get3A_1158, %get3A_1212 : vector<16xf32>
        %add3A_1214 = arith.constant 9 : i32
        %add3A_1215 = arith.addi %mul3A_540, %add3A_1214 : i32
        %get3A_1216 = arith.index_cast %add3A_1215 : i32 to index
        %get3A_1217 = arith.constant 48 : index
        %get3A_1218 = tpu.vector_load %arg22[%get3A_1216, %get3A_1217] {strides = array<i32>} : memref<320x64xf32, #tpu.memory_space<vmem>>, vector<1x16xf32>,
        %get3A_1219 = vector.shape_cast %get3A_1218 : vector<1x16xf32> to vector<16xf32>
        %mul3A_1220 = arith.mulf %get3A_1158, %get3A_1219 : vector<16xf32>
        %add3A_1221 = arith.addf %add3A_1152, %mul3A_1213 : vector<16xf32>
        %add3A_1222 = arith.addf %add3A_1153, %mul3A_1220 : vector<16xf32>
        %get3A_1223 = arith.constant 10 : i32
        %get3A_1224 = arith.index_cast %get3A_1223 : i32 to index
        %get3A_1225 = arith.constant 0 : index
        %get3A_1226 = tpu.vector_load %arg14[%get3A_1224, %get3A_1225] {strides = array<i32>} : memref<20x16xf32, #tpu.memory_space<vmem>>, vector<1x16xf32>,
        %get3A_1227 = vector.shape_cast %get3A_1226 : vector<1x16xf32> to vector<16xf32>
        %add3A_1228 = arith.constant 10 : i32
        %add3A_1229 = arith.addi %mul3A_540, %add3A_1228 : i32
        %get3A_1230 = arith.index_cast %add3A_1229 : i32 to index
        %get3A_1231 = arith.constant 0 : index
        %get3A_1232 = tpu.vector_load %arg20[%get3A_1230, %get3A_1231] {strides = array<i32>} : memref<320x64xf32, #tpu.memory_space<vmem>>, vector<1x16xf32>,
        %get3A_1233 = vector.shape_cast %get3A_1232 : vector<1x16xf32> to vector<16xf32>
        %mul3A_1234 = arith.mulf %get3A_1227, %get3A_1233 : vector<16xf32>
        %add3A_1235 = arith.constant 10 : i32
        %add3A_1236 = arith.addi %mul3A_540, %add3A_1235 : i32
        %get3A_1237 = arith.index_cast %add3A_1236 : i32 to index
        %get3A_1238 = arith.constant 0 : index
        %get3A_1239 = tpu.vector_load %arg22[%get3A_1237, %get3A_1238] {strides = array<i32>} : memref<320x64xf32, #tpu.memory_space<vmem>>, vector<1x16xf32>,
        %get3A_1240 = vector.shape_cast %get3A_1239 : vector<1x16xf32> to vector<16xf32>
        %mul3A_1241 = arith.mulf %get3A_1227, %get3A_1240 : vector<16xf32>
        %add3A_1242 = arith.addf %add3A_1173, %mul3A_1234 : vector<16xf32>
        %add3A_1243 = arith.addf %add3A_1174, %mul3A_1241 : vector<16xf32>
        %add3A_1244 = arith.constant 10 : i32
        %add3A_1245 = arith.addi %mul3A_540, %add3A_1244 : i32
        %get3A_1246 = arith.index_cast %add3A_1245 : i32 to index
        %get3A_1247 = arith.constant 16 : index
        %get3A_1248 = tpu.vector_load %arg20[%get3A_1246, %get3A_1247] {strides = array<i32>} : memref<320x64xf32, #tpu.memory_space<vmem>>, vector<1x16xf32>,
        %get3A_1249 = vector.shape_cast %get3A_1248 : vector<1x16xf32> to vector<16xf32>
        %mul3A_1250 = arith.mulf %get3A_1227, %get3A_1249 : vector<16xf32>
        %add3A_1251 = arith.constant 10 : i32
        %add3A_1252 = arith.addi %mul3A_540, %add3A_1251 : i32
        %get3A_1253 = arith.index_cast %add3A_1252 : i32 to index
        %get3A_1254 = arith.constant 16 : index
        %get3A_1255 = tpu.vector_load %arg22[%get3A_1253, %get3A_1254] {strides = array<i32>} : memref<320x64xf32, #tpu.memory_space<vmem>>, vector<1x16xf32>,
        %get3A_1256 = vector.shape_cast %get3A_1255 : vector<1x16xf32> to vector<16xf32>
        %mul3A_1257 = arith.mulf %get3A_1227, %get3A_1256 : vector<16xf32>
        %add3A_1258 = arith.addf %add3A_1189, %mul3A_1250 : vector<16xf32>
        %add3A_1259 = arith.addf %add3A_1190, %mul3A_1257 : vector<16xf32>
        %add3A_1260 = arith.constant 10 : i32
        %add3A_1261 = arith.addi %mul3A_540, %add3A_1260 : i32
        %get3A_1262 = arith.index_cast %add3A_1261 : i32 to index
        %get3A_1263 = arith.constant 32 : index
        %get3A_1264 = tpu.vector_load %arg20[%get3A_1262, %get3A_1263] {strides = array<i32>} : memref<320x64xf32, #tpu.memory_space<vmem>>, vector<1x16xf32>,
        %get3A_1265 = vector.shape_cast %get3A_1264 : vector<1x16xf32> to vector<16xf32>
        %mul3A_1266 = arith.mulf %get3A_1227, %get3A_1265 : vector<16xf32>
        %add3A_1267 = arith.constant 10 : i32
        %add3A_1268 = arith.addi %mul3A_540, %add3A_1267 : i32
        %get3A_1269 = arith.index_cast %add3A_1268 : i32 to index
        %get3A_1270 = arith.constant 32 : index
        %get3A_1271 = tpu.vector_load %arg22[%get3A_1269, %get3A_1270] {strides = array<i32>} : memref<320x64xf32, #tpu.memory_space<vmem>>, vector<1x16xf32>,
        %get3A_1272 = vector.shape_cast %get3A_1271 : vector<1x16xf32> to vector<16xf32>
        %mul3A_1273 = arith.mulf %get3A_1227, %get3A_1272 : vector<16xf32>
        %add3A_1274 = arith.addf %add3A_1205, %mul3A_1266 : vector<16xf32>
        %add3A_1275 = arith.addf %add3A_1206, %mul3A_1273 : vector<16xf32>
        %add3A_1276 = arith.constant 10 : i32
        %add3A_1277 = arith.addi %mul3A_540, %add3A_1276 : i32
        %get3A_1278 = arith.index_cast %add3A_1277 : i32 to index
        %get3A_1279 = arith.constant 48 : index
        %get3A_1280 = tpu.vector_load %arg20[%get3A_1278, %get3A_1279] {strides = array<i32>} : memref<320x64xf32, #tpu.memory_space<vmem>>, vector<1x16xf32>,
        %get3A_1281 = vector.shape_cast %get3A_1280 : vector<1x16xf32> to vector<16xf32>
        %mul3A_1282 = arith.mulf %get3A_1227, %get3A_1281 : vector<16xf32>
        %add3A_1283 = arith.constant 10 : i32
        %add3A_1284 = arith.addi %mul3A_540, %add3A_1283 : i32
        %get3A_1285 = arith.index_cast %add3A_1284 : i32 to index
        %get3A_1286 = arith.constant 48 : index
        %get3A_1287 = tpu.vector_load %arg22[%get3A_1285, %get3A_1286] {strides = array<i32>} : memref<320x64xf32, #tpu.memory_space<vmem>>, vector<1x16xf32>,
        %get3A_1288 = vector.shape_cast %get3A_1287 : vector<1x16xf32> to vector<16xf32>
        %mul3A_1289 = arith.mulf %get3A_1227, %get3A_1288 : vector<16xf32>
        %add3A_1290 = arith.addf %add3A_1221, %mul3A_1282 : vector<16xf32>
        %add3A_1291 = arith.addf %add3A_1222, %mul3A_1289 : vector<16xf32>
        %get3A_1292 = arith.constant 11 : i32
        %get3A_1293 = arith.index_cast %get3A_1292 : i32 to index
        %get3A_1294 = arith.constant 0 : index
        %get3A_1295 = tpu.vector_load %arg14[%get3A_1293, %get3A_1294] {strides = array<i32>} : memref<20x16xf32, #tpu.memory_space<vmem>>, vector<1x16xf32>,
        %get3A_1296 = vector.shape_cast %get3A_1295 : vector<1x16xf32> to vector<16xf32>
        %add3A_1297 = arith.constant 11 : i32
        %add3A_1298 = arith.addi %mul3A_540, %add3A_1297 : i32
        %get3A_1299 = arith.index_cast %add3A_1298 : i32 to index
        %get3A_1300 = arith.constant 0 : index
        %get3A_1301 = tpu.vector_load %arg20[%get3A_1299, %get3A_1300] {strides = array<i32>} : memref<320x64xf32, #tpu.memory_space<vmem>>, vector<1x16xf32>,
        %get3A_1302 = vector.shape_cast %get3A_1301 : vector<1x16xf32> to vector<16xf32>
        %mul3A_1303 = arith.mulf %get3A_1296, %get3A_1302 : vector<16xf32>
        %add3A_1304 = arith.constant 11 : i32
        %add3A_1305 = arith.addi %mul3A_540, %add3A_1304 : i32
        %get3A_1306 = arith.index_cast %add3A_1305 : i32 to index
        %get3A_1307 = arith.constant 0 : index
        %get3A_1308 = tpu.vector_load %arg22[%get3A_1306, %get3A_1307] {strides = array<i32>} : memref<320x64xf32, #tpu.memory_space<vmem>>, vector<1x16xf32>,
        %get3A_1309 = vector.shape_cast %get3A_1308 : vector<1x16xf32> to vector<16xf32>
        %mul3A_1310 = arith.mulf %get3A_1296, %get3A_1309 : vector<16xf32>
        %add3A_1311 = arith.addf %add3A_1242, %mul3A_1303 : vector<16xf32>
        %add3A_1312 = arith.addf %add3A_1243, %mul3A_1310 : vector<16xf32>
        %add3A_1313 = arith.constant 11 : i32
        %add3A_1314 = arith.addi %mul3A_540, %add3A_1313 : i32
        %get3A_1315 = arith.index_cast %add3A_1314 : i32 to index
        %get3A_1316 = arith.constant 16 : index
        %get3A_1317 = tpu.vector_load %arg20[%get3A_1315, %get3A_1316] {strides = array<i32>} : memref<320x64xf32, #tpu.memory_space<vmem>>, vector<1x16xf32>,
        %get3A_1318 = vector.shape_cast %get3A_1317 : vector<1x16xf32> to vector<16xf32>
        %mul3A_1319 = arith.mulf %get3A_1296, %get3A_1318 : vector<16xf32>
        %add3A_1320 = arith.constant 11 : i32
        %add3A_1321 = arith.addi %mul3A_540, %add3A_1320 : i32
        %get3A_1322 = arith.index_cast %add3A_1321 : i32 to index
        %get3A_1323 = arith.constant 16 : index
        %get3A_1324 = tpu.vector_load %arg22[%get3A_1322, %get3A_1323] {strides = array<i32>} : memref<320x64xf32, #tpu.memory_space<vmem>>, vector<1x16xf32>,
        %get3A_1325 = vector.shape_cast %get3A_1324 : vector<1x16xf32> to vector<16xf32>
        %mul3A_1326 = arith.mulf %get3A_1296, %get3A_1325 : vector<16xf32>
        %add3A_1327 = arith.addf %add3A_1258, %mul3A_1319 : vector<16xf32>
        %add3A_1328 = arith.addf %add3A_1259, %mul3A_1326 : vector<16xf32>
        %add3A_1329 = arith.constant 11 : i32
        %add3A_1330 = arith.addi %mul3A_540, %add3A_1329 : i32
        %get3A_1331 = arith.index_cast %add3A_1330 : i32 to index
        %get3A_1332 = arith.constant 32 : index
        %get3A_1333 = tpu.vector_load %arg20[%get3A_1331, %get3A_1332] {strides = array<i32>} : memref<320x64xf32, #tpu.memory_space<vmem>>, vector<1x16xf32>,
        %get3A_1334 = vector.shape_cast %get3A_1333 : vector<1x16xf32> to vector<16xf32>
        %mul3A_1335 = arith.mulf %get3A_1296, %get3A_1334 : vector<16xf32>
        %add3A_1336 = arith.constant 11 : i32
        %add3A_1337 = arith.addi %mul3A_540, %add3A_1336 : i32
        %get3A_1338 = arith.index_cast %add3A_1337 : i32 to index
        %get3A_1339 = arith.constant 32 : index
        %get3A_1340 = tpu.vector_load %arg22[%get3A_1338, %get3A_1339] {strides = array<i32>} : memref<320x64xf32, #tpu.memory_space<vmem>>, vector<1x16xf32>,
        %get3A_1341 = vector.shape_cast %get3A_1340 : vector<1x16xf32> to vector<16xf32>
        %mul3A_1342 = arith.mulf %get3A_1296, %get3A_1341 : vector<16xf32>
        %add3A_1343 = arith.addf %add3A_1274, %mul3A_1335 : vector<16xf32>
        %add3A_1344 = arith.addf %add3A_1275, %mul3A_1342 : vector<16xf32>
        %add3A_1345 = arith.constant 11 : i32
        %add3A_1346 = arith.addi %mul3A_540, %add3A_1345 : i32
        %get3A_1347 = arith.index_cast %add3A_1346 : i32 to index
        %get3A_1348 = arith.constant 48 : index
        %get3A_1349 = tpu.vector_load %arg20[%get3A_1347, %get3A_1348] {strides = array<i32>} : memref<320x64xf32, #tpu.memory_space<vmem>>, vector<1x16xf32>,
        %get3A_1350 = vector.shape_cast %get3A_1349 : vector<1x16xf32> to vector<16xf32>
        %mul3A_1351 = arith.mulf %get3A_1296, %get3A_1350 : vector<16xf32>
        %add3A_1352 = arith.constant 11 : i32
        %add3A_1353 = arith.addi %mul3A_540, %add3A_1352 : i32
        %get3A_1354 = arith.index_cast %add3A_1353 : i32 to index
        %get3A_1355 = arith.constant 48 : index
        %get3A_1356 = tpu.vector_load %arg22[%get3A_1354, %get3A_1355] {strides = array<i32>} : memref<320x64xf32, #tpu.memory_space<vmem>>, vector<1x16xf32>,
        %get3A_1357 = vector.shape_cast %get3A_1356 : vector<1x16xf32> to vector<16xf32>
        %mul3A_1358 = arith.mulf %get3A_1296, %get3A_1357 : vector<16xf32>
        %add3A_1359 = arith.addf %add3A_1290, %mul3A_1351 : vector<16xf32>
        %add3A_1360 = arith.addf %add3A_1291, %mul3A_1358 : vector<16xf32>
        %get3A_1361 = arith.constant 12 : i32
        %get3A_1362 = arith.index_cast %get3A_1361 : i32 to index
        %get3A_1363 = arith.constant 0 : index
        %get3A_1364 = tpu.vector_load %arg14[%get3A_1362, %get3A_1363] {strides = array<i32>} : memref<20x16xf32, #tpu.memory_space<vmem>>, vector<1x16xf32>,
        %get3A_1365 = vector.shape_cast %get3A_1364 : vector<1x16xf32> to vector<16xf32>
        %add3A_1366 = arith.constant 12 : i32
        %add3A_1367 = arith.addi %mul3A_540, %add3A_1366 : i32
        %get3A_1368 = arith.index_cast %add3A_1367 : i32 to index
        %get3A_1369 = arith.constant 0 : index
        %get3A_1370 = tpu.vector_load %arg20[%get3A_1368, %get3A_1369] {strides = array<i32>} : memref<320x64xf32, #tpu.memory_space<vmem>>, vector<1x16xf32>,
        %get3A_1371 = vector.shape_cast %get3A_1370 : vector<1x16xf32> to vector<16xf32>
        %mul3A_1372 = arith.mulf %get3A_1365, %get3A_1371 : vector<16xf32>
        %add3A_1373 = arith.constant 12 : i32
        %add3A_1374 = arith.addi %mul3A_540, %add3A_1373 : i32
        %get3A_1375 = arith.index_cast %add3A_1374 : i32 to index
        %get3A_1376 = arith.constant 0 : index
        %get3A_1377 = tpu.vector_load %arg22[%get3A_1375, %get3A_1376] {strides = array<i32>} : memref<320x64xf32, #tpu.memory_space<vmem>>, vector<1x16xf32>,
        %get3A_1378 = vector.shape_cast %get3A_1377 : vector<1x16xf32> to vector<16xf32>
        %mul3A_1379 = arith.mulf %get3A_1365, %get3A_1378 : vector<16xf32>
        %add3A_1380 = arith.addf %add3A_1311, %mul3A_1372 : vector<16xf32>
        %add3A_1381 = arith.addf %add3A_1312, %mul3A_1379 : vector<16xf32>
        %add3A_1382 = arith.constant 12 : i32
        %add3A_1383 = arith.addi %mul3A_540, %add3A_1382 : i32
        %get3A_1384 = arith.index_cast %add3A_1383 : i32 to index
        %get3A_1385 = arith.constant 16 : index
        %get3A_1386 = tpu.vector_load %arg20[%get3A_1384, %get3A_1385] {strides = array<i32>} : memref<320x64xf32, #tpu.memory_space<vmem>>, vector<1x16xf32>,
        %get3A_1387 = vector.shape_cast %get3A_1386 : vector<1x16xf32> to vector<16xf32>
        %mul3A_1388 = arith.mulf %get3A_1365, %get3A_1387 : vector<16xf32>
        %add3A_1389 = arith.constant 12 : i32
        %add3A_1390 = arith.addi %mul3A_540, %add3A_1389 : i32
        %get3A_1391 = arith.index_cast %add3A_1390 : i32 to index
        %get3A_1392 = arith.constant 16 : index
        %get3A_1393 = tpu.vector_load %arg22[%get3A_1391, %get3A_1392] {strides = array<i32>} : memref<320x64xf32, #tpu.memory_space<vmem>>, vector<1x16xf32>,
        %get3A_1394 = vector.shape_cast %get3A_1393 : vector<1x16xf32> to vector<16xf32>
        %mul3A_1395 = arith.mulf %get3A_1365, %get3A_1394 : vector<16xf32>
        %add3A_1396 = arith.addf %add3A_1327, %mul3A_1388 : vector<16xf32>
        %add3A_1397 = arith.addf %add3A_1328, %mul3A_1395 : vector<16xf32>
        %add3A_1398 = arith.constant 12 : i32
        %add3A_1399 = arith.addi %mul3A_540, %add3A_1398 : i32
        %get3A_1400 = arith.index_cast %add3A_1399 : i32 to index
        %get3A_1401 = arith.constant 32 : index
        %get3A_1402 = tpu.vector_load %arg20[%get3A_1400, %get3A_1401] {strides = array<i32>} : memref<320x64xf32, #tpu.memory_space<vmem>>, vector<1x16xf32>,
        %get3A_1403 = vector.shape_cast %get3A_1402 : vector<1x16xf32> to vector<16xf32>
        %mul3A_1404 = arith.mulf %get3A_1365, %get3A_1403 : vector<16xf32>
        %add3A_1405 = arith.constant 12 : i32
        %add3A_1406 = arith.addi %mul3A_540, %add3A_1405 : i32
        %get3A_1407 = arith.index_cast %add3A_1406 : i32 to index
        %get3A_1408 = arith.constant 32 : index
        %get3A_1409 = tpu.vector_load %arg22[%get3A_1407, %get3A_1408] {strides = array<i32>} : memref<320x64xf32, #tpu.memory_space<vmem>>, vector<1x16xf32>,
        %get3A_1410 = vector.shape_cast %get3A_1409 : vector<1x16xf32> to vector<16xf32>
        %mul3A_1411 = arith.mulf %get3A_1365, %get3A_1410 : vector<16xf32>
        %add3A_1412 = arith.addf %add3A_1343, %mul3A_1404 : vector<16xf32>
        %add3A_1413 = arith.addf %add3A_1344, %mul3A_1411 : vector<16xf32>
        %add3A_1414 = arith.constant 12 : i32
        %add3A_1415 = arith.addi %mul3A_540, %add3A_1414 : i32
        %get3A_1416 = arith.index_cast %add3A_1415 : i32 to index
        %get3A_1417 = arith.constant 48 : index
        %get3A_1418 = tpu.vector_load %arg20[%get3A_1416, %get3A_1417] {strides = array<i32>} : memref<320x64xf32, #tpu.memory_space<vmem>>, vector<1x16xf32>,
        %get3A_1419 = vector.shape_cast %get3A_1418 : vector<1x16xf32> to vector<16xf32>
        %mul3A_1420 = arith.mulf %get3A_1365, %get3A_1419 : vector<16xf32>
        %add3A_1421 = arith.constant 12 : i32
        %add3A_1422 = arith.addi %mul3A_540, %add3A_1421 : i32
        %get3A_1423 = arith.index_cast %add3A_1422 : i32 to index
        %get3A_1424 = arith.constant 48 : index
        %get3A_1425 = tpu.vector_load %arg22[%get3A_1423, %get3A_1424] {strides = array<i32>} : memref<320x64xf32, #tpu.memory_space<vmem>>, vector<1x16xf32>,
        %get3A_1426 = vector.shape_cast %get3A_1425 : vector<1x16xf32> to vector<16xf32>
        %mul3A_1427 = arith.mulf %get3A_1365, %get3A_1426 : vector<16xf32>
        %add3A_1428 = arith.addf %add3A_1359, %mul3A_1420 : vector<16xf32>
        %add3A_1429 = arith.addf %add3A_1360, %mul3A_1427 : vector<16xf32>
        %get3A_1430 = arith.constant 13 : i32
        %get3A_1431 = arith.index_cast %get3A_1430 : i32 to index
        %get3A_1432 = arith.constant 0 : index
        %get3A_1433 = tpu.vector_load %arg14[%get3A_1431, %get3A_1432] {strides = array<i32>} : memref<20x16xf32, #tpu.memory_space<vmem>>, vector<1x16xf32>,
        %get3A_1434 = vector.shape_cast %get3A_1433 : vector<1x16xf32> to vector<16xf32>
        %add3A_1435 = arith.constant 13 : i32
        %add3A_1436 = arith.addi %mul3A_540, %add3A_1435 : i32
        %get3A_1437 = arith.index_cast %add3A_1436 : i32 to index
        %get3A_1438 = arith.constant 0 : index
        %get3A_1439 = tpu.vector_load %arg20[%get3A_1437, %get3A_1438] {strides = array<i32>} : memref<320x64xf32, #tpu.memory_space<vmem>>, vector<1x16xf32>,
        %get3A_1440 = vector.shape_cast %get3A_1439 : vector<1x16xf32> to vector<16xf32>
        %mul3A_1441 = arith.mulf %get3A_1434, %get3A_1440 : vector<16xf32>
        %add3A_1442 = arith.constant 13 : i32
        %add3A_1443 = arith.addi %mul3A_540, %add3A_1442 : i32
        %get3A_1444 = arith.index_cast %add3A_1443 : i32 to index
        %get3A_1445 = arith.constant 0 : index
        %get3A_1446 = tpu.vector_load %arg22[%get3A_1444, %get3A_1445] {strides = array<i32>} : memref<320x64xf32, #tpu.memory_space<vmem>>, vector<1x16xf32>,
        %get3A_1447 = vector.shape_cast %get3A_1446 : vector<1x16xf32> to vector<16xf32>
        %mul3A_1448 = arith.mulf %get3A_1434, %get3A_1447 : vector<16xf32>
        %add3A_1449 = arith.addf %add3A_1380, %mul3A_1441 : vector<16xf32>
        %add3A_1450 = arith.addf %add3A_1381, %mul3A_1448 : vector<16xf32>
        %add3A_1451 = arith.constant 13 : i32
        %add3A_1452 = arith.addi %mul3A_540, %add3A_1451 : i32
        %get3A_1453 = arith.index_cast %add3A_1452 : i32 to index
        %get3A_1454 = arith.constant 16 : index
        %get3A_1455 = tpu.vector_load %arg20[%get3A_1453, %get3A_1454] {strides = array<i32>} : memref<320x64xf32, #tpu.memory_space<vmem>>, vector<1x16xf32>,
        %get3A_1456 = vector.shape_cast %get3A_1455 : vector<1x16xf32> to vector<16xf32>
        %mul3A_1457 = arith.mulf %get3A_1434, %get3A_1456 : vector<16xf32>
        %add3A_1458 = arith.constant 13 : i32
        %add3A_1459 = arith.addi %mul3A_540, %add3A_1458 : i32
        %get3A_1460 = arith.index_cast %add3A_1459 : i32 to index
        %get3A_1461 = arith.constant 16 : index
        %get3A_1462 = tpu.vector_load %arg22[%get3A_1460, %get3A_1461] {strides = array<i32>} : memref<320x64xf32, #tpu.memory_space<vmem>>, vector<1x16xf32>,
        %get3A_1463 = vector.shape_cast %get3A_1462 : vector<1x16xf32> to vector<16xf32>
        %mul3A_1464 = arith.mulf %get3A_1434, %get3A_1463 : vector<16xf32>
        %add3A_1465 = arith.addf %add3A_1396, %mul3A_1457 : vector<16xf32>
        %add3A_1466 = arith.addf %add3A_1397, %mul3A_1464 : vector<16xf32>
        %add3A_1467 = arith.constant 13 : i32
        %add3A_1468 = arith.addi %mul3A_540, %add3A_1467 : i32
        %get3A_1469 = arith.index_cast %add3A_1468 : i32 to index
        %get3A_1470 = arith.constant 32 : index
        %get3A_1471 = tpu.vector_load %arg20[%get3A_1469, %get3A_1470] {strides = array<i32>} : memref<320x64xf32, #tpu.memory_space<vmem>>, vector<1x16xf32>,
        %get3A_1472 = vector.shape_cast %get3A_1471 : vector<1x16xf32> to vector<16xf32>
        %mul3A_1473 = arith.mulf %get3A_1434, %get3A_1472 : vector<16xf32>
        %add3A_1474 = arith.constant 13 : i32
        %add3A_1475 = arith.addi %mul3A_540, %add3A_1474 : i32
        %get3A_1476 = arith.index_cast %add3A_1475 : i32 to index
        %get3A_1477 = arith.constant 32 : index
        %get3A_1478 = tpu.vector_load %arg22[%get3A_1476, %get3A_1477] {strides = array<i32>} : memref<320x64xf32, #tpu.memory_space<vmem>>, vector<1x16xf32>,
        %get3A_1479 = vector.shape_cast %get3A_1478 : vector<1x16xf32> to vector<16xf32>
        %mul3A_1480 = arith.mulf %get3A_1434, %get3A_1479 : vector<16xf32>
        %add3A_1481 = arith.addf %add3A_1412, %mul3A_1473 : vector<16xf32>
        %add3A_1482 = arith.addf %add3A_1413, %mul3A_1480 : vector<16xf32>
        %add3A_1483 = arith.constant 13 : i32
        %add3A_1484 = arith.addi %mul3A_540, %add3A_1483 : i32
        %get3A_1485 = arith.index_cast %add3A_1484 : i32 to index
        %get3A_1486 = arith.constant 48 : index
        %get3A_1487 = tpu.vector_load %arg20[%get3A_1485, %get3A_1486] {strides = array<i32>} : memref<320x64xf32, #tpu.memory_space<vmem>>, vector<1x16xf32>,
        %get3A_1488 = vector.shape_cast %get3A_1487 : vector<1x16xf32> to vector<16xf32>
        %mul3A_1489 = arith.mulf %get3A_1434, %get3A_1488 : vector<16xf32>
        %add3A_1490 = arith.constant 13 : i32
        %add3A_1491 = arith.addi %mul3A_540, %add3A_1490 : i32
        %get3A_1492 = arith.index_cast %add3A_1491 : i32 to index
        %get3A_1493 = arith.constant 48 : index
        %get3A_1494 = tpu.vector_load %arg22[%get3A_1492, %get3A_1493] {strides = array<i32>} : memref<320x64xf32, #tpu.memory_space<vmem>>, vector<1x16xf32>,
        %get3A_1495 = vector.shape_cast %get3A_1494 : vector<1x16xf32> to vector<16xf32>
        %mul3A_1496 = arith.mulf %get3A_1434, %get3A_1495 : vector<16xf32>
        %add3A_1497 = arith.addf %add3A_1428, %mul3A_1489 : vector<16xf32>
        %add3A_1498 = arith.addf %add3A_1429, %mul3A_1496 : vector<16xf32>
        %get3A_1499 = arith.constant 14 : i32
        %get3A_1500 = arith.index_cast %get3A_1499 : i32 to index
        %get3A_1501 = arith.constant 0 : index
        %get3A_1502 = tpu.vector_load %arg14[%get3A_1500, %get3A_1501] {strides = array<i32>} : memref<20x16xf32, #tpu.memory_space<vmem>>, vector<1x16xf32>,
        %get3A_1503 = vector.shape_cast %get3A_1502 : vector<1x16xf32> to vector<16xf32>
        %add3A_1504 = arith.constant 14 : i32
        %add3A_1505 = arith.addi %mul3A_540, %add3A_1504 : i32
        %get3A_1506 = arith.index_cast %add3A_1505 : i32 to index
        %get3A_1507 = arith.constant 0 : index
        %get3A_1508 = tpu.vector_load %arg20[%get3A_1506, %get3A_1507] {strides = array<i32>} : memref<320x64xf32, #tpu.memory_space<vmem>>, vector<1x16xf32>,
        %get3A_1509 = vector.shape_cast %get3A_1508 : vector<1x16xf32> to vector<16xf32>
        %mul3A_1510 = arith.mulf %get3A_1503, %get3A_1509 : vector<16xf32>
        %add3A_1511 = arith.constant 14 : i32
        %add3A_1512 = arith.addi %mul3A_540, %add3A_1511 : i32
        %get3A_1513 = arith.index_cast %add3A_1512 : i32 to index
        %get3A_1514 = arith.constant 0 : index
        %get3A_1515 = tpu.vector_load %arg22[%get3A_1513, %get3A_1514] {strides = array<i32>} : memref<320x64xf32, #tpu.memory_space<vmem>>, vector<1x16xf32>,
        %get3A_1516 = vector.shape_cast %get3A_1515 : vector<1x16xf32> to vector<16xf32>
        %mul3A_1517 = arith.mulf %get3A_1503, %get3A_1516 : vector<16xf32>
        %add3A_1518 = arith.addf %add3A_1449, %mul3A_1510 : vector<16xf32>
        %add3A_1519 = arith.addf %add3A_1450, %mul3A_1517 : vector<16xf32>
        %add3A_1520 = arith.constant 14 : i32
        %add3A_1521 = arith.addi %mul3A_540, %add3A_1520 : i32
        %get3A_1522 = arith.index_cast %add3A_1521 : i32 to index
        %get3A_1523 = arith.constant 16 : index
        %get3A_1524 = tpu.vector_load %arg20[%get3A_1522, %get3A_1523] {strides = array<i32>} : memref<320x64xf32, #tpu.memory_space<vmem>>, vector<1x16xf32>,
        %get3A_1525 = vector.shape_cast %get3A_1524 : vector<1x16xf32> to vector<16xf32>
        %mul3A_1526 = arith.mulf %get3A_1503, %get3A_1525 : vector<16xf32>
        %add3A_1527 = arith.constant 14 : i32
        %add3A_1528 = arith.addi %mul3A_540, %add3A_1527 : i32
        %get3A_1529 = arith.index_cast %add3A_1528 : i32 to index
        %get3A_1530 = arith.constant 16 : index
        %get3A_1531 = tpu.vector_load %arg22[%get3A_1529, %get3A_1530] {strides = array<i32>} : memref<320x64xf32, #tpu.memory_space<vmem>>, vector<1x16xf32>,
        %get3A_1532 = vector.shape_cast %get3A_1531 : vector<1x16xf32> to vector<16xf32>
        %mul3A_1533 = arith.mulf %get3A_1503, %get3A_1532 : vector<16xf32>
        %add3A_1534 = arith.addf %add3A_1465, %mul3A_1526 : vector<16xf32>
        %add3A_1535 = arith.addf %add3A_1466, %mul3A_1533 : vector<16xf32>
        %add3A_1536 = arith.constant 14 : i32
        %add3A_1537 = arith.addi %mul3A_540, %add3A_1536 : i32
        %get3A_1538 = arith.index_cast %add3A_1537 : i32 to index
        %get3A_1539 = arith.constant 32 : index
        %get3A_1540 = tpu.vector_load %arg20[%get3A_1538, %get3A_1539] {strides = array<i32>} : memref<320x64xf32, #tpu.memory_space<vmem>>, vector<1x16xf32>,
        %get3A_1541 = vector.shape_cast %get3A_1540 : vector<1x16xf32> to vector<16xf32>
        %mul3A_1542 = arith.mulf %get3A_1503, %get3A_1541 : vector<16xf32>
        %add3A_1543 = arith.constant 14 : i32
        %add3A_1544 = arith.addi %mul3A_540, %add3A_1543 : i32
        %get3A_1545 = arith.index_cast %add3A_1544 : i32 to index
        %get3A_1546 = arith.constant 32 : index
        %get3A_1547 = tpu.vector_load %arg22[%get3A_1545, %get3A_1546] {strides = array<i32>} : memref<320x64xf32, #tpu.memory_space<vmem>>, vector<1x16xf32>,
        %get3A_1548 = vector.shape_cast %get3A_1547 : vector<1x16xf32> to vector<16xf32>
        %mul3A_1549 = arith.mulf %get3A_1503, %get3A_1548 : vector<16xf32>
        %add3A_1550 = arith.addf %add3A_1481, %mul3A_1542 : vector<16xf32>
        %add3A_1551 = arith.addf %add3A_1482, %mul3A_1549 : vector<16xf32>
        %add3A_1552 = arith.constant 14 : i32
        %add3A_1553 = arith.addi %mul3A_540, %add3A_1552 : i32
        %get3A_1554 = arith.index_cast %add3A_1553 : i32 to index
        %get3A_1555 = arith.constant 48 : index
        %get3A_1556 = tpu.vector_load %arg20[%get3A_1554, %get3A_1555] {strides = array<i32>} : memref<320x64xf32, #tpu.memory_space<vmem>>, vector<1x16xf32>,
        %get3A_1557 = vector.shape_cast %get3A_1556 : vector<1x16xf32> to vector<16xf32>
        %mul3A_1558 = arith.mulf %get3A_1503, %get3A_1557 : vector<16xf32>
        %add3A_1559 = arith.constant 14 : i32
        %add3A_1560 = arith.addi %mul3A_540, %add3A_1559 : i32
        %get3A_1561 = arith.index_cast %add3A_1560 : i32 to index
        %get3A_1562 = arith.constant 48 : index
        %get3A_1563 = tpu.vector_load %arg22[%get3A_1561, %get3A_1562] {strides = array<i32>} : memref<320x64xf32, #tpu.memory_space<vmem>>, vector<1x16xf32>,
        %get3A_1564 = vector.shape_cast %get3A_1563 : vector<1x16xf32> to vector<16xf32>
        %mul3A_1565 = arith.mulf %get3A_1503, %get3A_1564 : vector<16xf32>
        %add3A_1566 = arith.addf %add3A_1497, %mul3A_1558 : vector<16xf32>
        %add3A_1567 = arith.addf %add3A_1498, %mul3A_1565 : vector<16xf32>
        %get3A_1568 = arith.constant 15 : i32
        %get3A_1569 = arith.index_cast %get3A_1568 : i32 to index
        %get3A_1570 = arith.constant 0 : index
        %get3A_1571 = tpu.vector_load %arg14[%get3A_1569, %get3A_1570] {strides = array<i32>} : memref<20x16xf32, #tpu.memory_space<vmem>>, vector<1x16xf32>,
        %get3A_1572 = vector.shape_cast %get3A_1571 : vector<1x16xf32> to vector<16xf32>
        %add3A_1573 = arith.constant 15 : i32
        %add3A_1574 = arith.addi %mul3A_540, %add3A_1573 : i32
        %get3A_1575 = arith.index_cast %add3A_1574 : i32 to index
        %get3A_1576 = arith.constant 0 : index
        %get3A_1577 = tpu.vector_load %arg20[%get3A_1575, %get3A_1576] {strides = array<i32>} : memref<320x64xf32, #tpu.memory_space<vmem>>, vector<1x16xf32>,
        %get3A_1578 = vector.shape_cast %get3A_1577 : vector<1x16xf32> to vector<16xf32>
        %mul3A_1579 = arith.mulf %get3A_1572, %get3A_1578 : vector<16xf32>
        %add3A_1580 = arith.constant 15 : i32
        %add3A_1581 = arith.addi %mul3A_540, %add3A_1580 : i32
        %get3A_1582 = arith.index_cast %add3A_1581 : i32 to index
        %get3A_1583 = arith.constant 0 : index
        %get3A_1584 = tpu.vector_load %arg22[%get3A_1582, %get3A_1583] {strides = array<i32>} : memref<320x64xf32, #tpu.memory_space<vmem>>, vector<1x16xf32>,
        %get3A_1585 = vector.shape_cast %get3A_1584 : vector<1x16xf32> to vector<16xf32>
        %mul3A_1586 = arith.mulf %get3A_1572, %get3A_1585 : vector<16xf32>
        %add3A_1587 = arith.addf %add3A_1518, %mul3A_1579 : vector<16xf32>
        %add3A_1588 = arith.addf %add3A_1519, %mul3A_1586 : vector<16xf32>
        %add3A_1589 = arith.constant 15 : i32
        %add3A_1590 = arith.addi %mul3A_540, %add3A_1589 : i32
        %get3A_1591 = arith.index_cast %add3A_1590 : i32 to index
        %get3A_1592 = arith.constant 16 : index
        %get3A_1593 = tpu.vector_load %arg20[%get3A_1591, %get3A_1592] {strides = array<i32>} : memref<320x64xf32, #tpu.memory_space<vmem>>, vector<1x16xf32>,
        %get3A_1594 = vector.shape_cast %get3A_1593 : vector<1x16xf32> to vector<16xf32>
        %mul3A_1595 = arith.mulf %get3A_1572, %get3A_1594 : vector<16xf32>
        %add3A_1596 = arith.constant 15 : i32
        %add3A_1597 = arith.addi %mul3A_540, %add3A_1596 : i32
        %get3A_1598 = arith.index_cast %add3A_1597 : i32 to index
        %get3A_1599 = arith.constant 16 : index
        %get3A_1600 = tpu.vector_load %arg22[%get3A_1598, %get3A_1599] {strides = array<i32>} : memref<320x64xf32, #tpu.memory_space<vmem>>, vector<1x16xf32>,
        %get3A_1601 = vector.shape_cast %get3A_1600 : vector<1x16xf32> to vector<16xf32>
        %mul3A_1602 = arith.mulf %get3A_1572, %get3A_1601 : vector<16xf32>
        %add3A_1603 = arith.addf %add3A_1534, %mul3A_1595 : vector<16xf32>
        %add3A_1604 = arith.addf %add3A_1535, %mul3A_1602 : vector<16xf32>
        %add3A_1605 = arith.constant 15 : i32
        %add3A_1606 = arith.addi %mul3A_540, %add3A_1605 : i32
        %get3A_1607 = arith.index_cast %add3A_1606 : i32 to index
        %get3A_1608 = arith.constant 32 : index
        %get3A_1609 = tpu.vector_load %arg20[%get3A_1607, %get3A_1608] {strides = array<i32>} : memref<320x64xf32, #tpu.memory_space<vmem>>, vector<1x16xf32>,
        %get3A_1610 = vector.shape_cast %get3A_1609 : vector<1x16xf32> to vector<16xf32>
        %mul3A_1611 = arith.mulf %get3A_1572, %get3A_1610 : vector<16xf32>
        %add3A_1612 = arith.constant 15 : i32
        %add3A_1613 = arith.addi %mul3A_540, %add3A_1612 : i32
        %get3A_1614 = arith.index_cast %add3A_1613 : i32 to index
        %get3A_1615 = arith.constant 32 : index
        %get3A_1616 = tpu.vector_load %arg22[%get3A_1614, %get3A_1615] {strides = array<i32>} : memref<320x64xf32, #tpu.memory_space<vmem>>, vector<1x16xf32>,
        %get3A_1617 = vector.shape_cast %get3A_1616 : vector<1x16xf32> to vector<16xf32>
        %mul3A_1618 = arith.mulf %get3A_1572, %get3A_1617 : vector<16xf32>
        %add3A_1619 = arith.addf %add3A_1550, %mul3A_1611 : vector<16xf32>
        %add3A_1620 = arith.addf %add3A_1551, %mul3A_1618 : vector<16xf32>
        %add3A_1621 = arith.constant 15 : i32
        %add3A_1622 = arith.addi %mul3A_540, %add3A_1621 : i32
        %get3A_1623 = arith.index_cast %add3A_1622 : i32 to index
        %get3A_1624 = arith.constant 48 : index
        %get3A_1625 = tpu.vector_load %arg20[%get3A_1623, %get3A_1624] {strides = array<i32>} : memref<320x64xf32, #tpu.memory_space<vmem>>, vector<1x16xf32>,
        %get3A_1626 = vector.shape_cast %get3A_1625 : vector<1x16xf32> to vector<16xf32>
        %mul3A_1627 = arith.mulf %get3A_1572, %get3A_1626 : vector<16xf32>
        %add3A_1628 = arith.constant 15 : i32
        %add3A_1629 = arith.addi %mul3A_540, %add3A_1628 : i32
        %get3A_1630 = arith.index_cast %add3A_1629 : i32 to index
        %get3A_1631 = arith.constant 48 : index
        %get3A_1632 = tpu.vector_load %arg22[%get3A_1630, %get3A_1631] {strides = array<i32>} : memref<320x64xf32, #tpu.memory_space<vmem>>, vector<1x16xf32>,
        %get3A_1633 = vector.shape_cast %get3A_1632 : vector<1x16xf32> to vector<16xf32>
        %mul3A_1634 = arith.mulf %get3A_1572, %get3A_1633 : vector<16xf32>
        %add3A_1635 = arith.addf %add3A_1566, %mul3A_1627 : vector<16xf32>
        %add3A_1636 = arith.addf %add3A_1567, %mul3A_1634 : vector<16xf32>
        %get3A_1637 = arith.constant 16 : i32
        %get3A_1638 = arith.index_cast %get3A_1637 : i32 to index
        %get3A_1639 = arith.constant 0 : index
        %get3A_1640 = tpu.vector_load %arg14[%get3A_1638, %get3A_1639] {strides = array<i32>} : memref<20x16xf32, #tpu.memory_space<vmem>>, vector<1x16xf32>,
        %get3A_1641 = vector.shape_cast %get3A_1640 : vector<1x16xf32> to vector<16xf32>
        %add3A_1642 = arith.constant 16 : i32
        %add3A_1643 = arith.addi %mul3A_540, %add3A_1642 : i32
        %get3A_1644 = arith.index_cast %add3A_1643 : i32 to index
        %get3A_1645 = arith.constant 0 : index
        %get3A_1646 = tpu.vector_load %arg20[%get3A_1644, %get3A_1645] {strides = array<i32>} : memref<320x64xf32, #tpu.memory_space<vmem>>, vector<1x16xf32>,
        %get3A_1647 = vector.shape_cast %get3A_1646 : vector<1x16xf32> to vector<16xf32>
        %mul3A_1648 = arith.mulf %get3A_1641, %get3A_1647 : vector<16xf32>
        %add3A_1649 = arith.constant 16 : i32
        %add3A_1650 = arith.addi %mul3A_540, %add3A_1649 : i32
        %get3A_1651 = arith.index_cast %add3A_1650 : i32 to index
        %get3A_1652 = arith.constant 0 : index
        %get3A_1653 = tpu.vector_load %arg22[%get3A_1651, %get3A_1652] {strides = array<i32>} : memref<320x64xf32, #tpu.memory_space<vmem>>, vector<1x16xf32>,
        %get3A_1654 = vector.shape_cast %get3A_1653 : vector<1x16xf32> to vector<16xf32>
        %mul3A_1655 = arith.mulf %get3A_1641, %get3A_1654 : vector<16xf32>
        %add3A_1656 = arith.addf %add3A_1587, %mul3A_1648 : vector<16xf32>
        %add3A_1657 = arith.addf %add3A_1588, %mul3A_1655 : vector<16xf32>
        %add3A_1658 = arith.constant 16 : i32
        %add3A_1659 = arith.addi %mul3A_540, %add3A_1658 : i32
        %get3A_1660 = arith.index_cast %add3A_1659 : i32 to index
        %get3A_1661 = arith.constant 16 : index
        %get3A_1662 = tpu.vector_load %arg20[%get3A_1660, %get3A_1661] {strides = array<i32>} : memref<320x64xf32, #tpu.memory_space<vmem>>, vector<1x16xf32>,
        %get3A_1663 = vector.shape_cast %get3A_1662 : vector<1x16xf32> to vector<16xf32>
        %mul3A_1664 = arith.mulf %get3A_1641, %get3A_1663 : vector<16xf32>
        %add3A_1665 = arith.constant 16 : i32
        %add3A_1666 = arith.addi %mul3A_540, %add3A_1665 : i32
        %get3A_1667 = arith.index_cast %add3A_1666 : i32 to index
        %get3A_1668 = arith.constant 16 : index
        %get3A_1669 = tpu.vector_load %arg22[%get3A_1667, %get3A_1668] {strides = array<i32>} : memref<320x64xf32, #tpu.memory_space<vmem>>, vector<1x16xf32>,
        %get3A_1670 = vector.shape_cast %get3A_1669 : vector<1x16xf32> to vector<16xf32>
        %mul3A_1671 = arith.mulf %get3A_1641, %get3A_1670 : vector<16xf32>
        %add3A_1672 = arith.addf %add3A_1603, %mul3A_1664 : vector<16xf32>
        %add3A_1673 = arith.addf %add3A_1604, %mul3A_1671 : vector<16xf32>
        %add3A_1674 = arith.constant 16 : i32
        %add3A_1675 = arith.addi %mul3A_540, %add3A_1674 : i32
        %get3A_1676 = arith.index_cast %add3A_1675 : i32 to index
        %get3A_1677 = arith.constant 32 : index
        %get3A_1678 = tpu.vector_load %arg20[%get3A_1676, %get3A_1677] {strides = array<i32>} : memref<320x64xf32, #tpu.memory_space<vmem>>, vector<1x16xf32>,
        %get3A_1679 = vector.shape_cast %get3A_1678 : vector<1x16xf32> to vector<16xf32>
        %mul3A_1680 = arith.mulf %get3A_1641, %get3A_1679 : vector<16xf32>
        %add3A_1681 = arith.constant 16 : i32
        %add3A_1682 = arith.addi %mul3A_540, %add3A_1681 : i32
        %get3A_1683 = arith.index_cast %add3A_1682 : i32 to index
        %get3A_1684 = arith.constant 32 : index
        %get3A_1685 = tpu.vector_load %arg22[%get3A_1683, %get3A_1684] {strides = array<i32>} : memref<320x64xf32, #tpu.memory_space<vmem>>, vector<1x16xf32>,
        %get3A_1686 = vector.shape_cast %get3A_1685 : vector<1x16xf32> to vector<16xf32>
        %mul3A_1687 = arith.mulf %get3A_1641, %get3A_1686 : vector<16xf32>
        %add3A_1688 = arith.addf %add3A_1619, %mul3A_1680 : vector<16xf32>
        %add3A_1689 = arith.addf %add3A_1620, %mul3A_1687 : vector<16xf32>
        %add3A_1690 = arith.constant 16 : i32
        %add3A_1691 = arith.addi %mul3A_540, %add3A_1690 : i32
        %get3A_1692 = arith.index_cast %add3A_1691 : i32 to index
        %get3A_1693 = arith.constant 48 : index
        %get3A_1694 = tpu.vector_load %arg20[%get3A_1692, %get3A_1693] {strides = array<i32>} : memref<320x64xf32, #tpu.memory_space<vmem>>, vector<1x16xf32>,
        %get3A_1695 = vector.shape_cast %get3A_1694 : vector<1x16xf32> to vector<16xf32>
        %mul3A_1696 = arith.mulf %get3A_1641, %get3A_1695 : vector<16xf32>
        %add3A_1697 = arith.constant 16 : i32
        %add3A_1698 = arith.addi %mul3A_540, %add3A_1697 : i32
        %get3A_1699 = arith.index_cast %add3A_1698 : i32 to index
        %get3A_1700 = arith.constant 48 : index
        %get3A_1701 = tpu.vector_load %arg22[%get3A_1699, %get3A_1700] {strides = array<i32>} : memref<320x64xf32, #tpu.memory_space<vmem>>, vector<1x16xf32>,
        %get3A_1702 = vector.shape_cast %get3A_1701 : vector<1x16xf32> to vector<16xf32>
        %mul3A_1703 = arith.mulf %get3A_1641, %get3A_1702 : vector<16xf32>
        %add3A_1704 = arith.addf %add3A_1635, %mul3A_1696 : vector<16xf32>
        %add3A_1705 = arith.addf %add3A_1636, %mul3A_1703 : vector<16xf32>
        %get3A_1706 = arith.constant 17 : i32
        %get3A_1707 = arith.index_cast %get3A_1706 : i32 to index
        %get3A_1708 = arith.constant 0 : index
        %get3A_1709 = tpu.vector_load %arg14[%get3A_1707, %get3A_1708] {strides = array<i32>} : memref<20x16xf32, #tpu.memory_space<vmem>>, vector<1x16xf32>,
        %get3A_1710 = vector.shape_cast %get3A_1709 : vector<1x16xf32> to vector<16xf32>
        %add3A_1711 = arith.constant 17 : i32
        %add3A_1712 = arith.addi %mul3A_540, %add3A_1711 : i32
        %get3A_1713 = arith.index_cast %add3A_1712 : i32 to index
        %get3A_1714 = arith.constant 0 : index
        %get3A_1715 = tpu.vector_load %arg20[%get3A_1713, %get3A_1714] {strides = array<i32>} : memref<320x64xf32, #tpu.memory_space<vmem>>, vector<1x16xf32>,
        %get3A_1716 = vector.shape_cast %get3A_1715 : vector<1x16xf32> to vector<16xf32>
        %mul3A_1717 = arith.mulf %get3A_1710, %get3A_1716 : vector<16xf32>
        %add3A_1718 = arith.constant 17 : i32
        %add3A_1719 = arith.addi %mul3A_540, %add3A_1718 : i32
        %get3A_1720 = arith.index_cast %add3A_1719 : i32 to index
        %get3A_1721 = arith.constant 0 : index
        %get3A_1722 = tpu.vector_load %arg22[%get3A_1720, %get3A_1721] {strides = array<i32>} : memref<320x64xf32, #tpu.memory_space<vmem>>, vector<1x16xf32>,
        %get3A_1723 = vector.shape_cast %get3A_1722 : vector<1x16xf32> to vector<16xf32>
        %mul3A_1724 = arith.mulf %get3A_1710, %get3A_1723 : vector<16xf32>
        %add3A_1725 = arith.addf %add3A_1656, %mul3A_1717 : vector<16xf32>
        %add3A_1726 = arith.addf %add3A_1657, %mul3A_1724 : vector<16xf32>
        %add3A_1727 = arith.constant 17 : i32
        %add3A_1728 = arith.addi %mul3A_540, %add3A_1727 : i32
        %get3A_1729 = arith.index_cast %add3A_1728 : i32 to index
        %get3A_1730 = arith.constant 16 : index
        %get3A_1731 = tpu.vector_load %arg20[%get3A_1729, %get3A_1730] {strides = array<i32>} : memref<320x64xf32, #tpu.memory_space<vmem>>, vector<1x16xf32>,
        %get3A_1732 = vector.shape_cast %get3A_1731 : vector<1x16xf32> to vector<16xf32>
        %mul3A_1733 = arith.mulf %get3A_1710, %get3A_1732 : vector<16xf32>
        %add3A_1734 = arith.constant 17 : i32
        %add3A_1735 = arith.addi %mul3A_540, %add3A_1734 : i32
        %get3A_1736 = arith.index_cast %add3A_1735 : i32 to index
        %get3A_1737 = arith.constant 16 : index
        %get3A_1738 = tpu.vector_load %arg22[%get3A_1736, %get3A_1737] {strides = array<i32>} : memref<320x64xf32, #tpu.memory_space<vmem>>, vector<1x16xf32>,
        %get3A_1739 = vector.shape_cast %get3A_1738 : vector<1x16xf32> to vector<16xf32>
        %mul3A_1740 = arith.mulf %get3A_1710, %get3A_1739 : vector<16xf32>
        %add3A_1741 = arith.addf %add3A_1672, %mul3A_1733 : vector<16xf32>
        %add3A_1742 = arith.addf %add3A_1673, %mul3A_1740 : vector<16xf32>
        %add3A_1743 = arith.constant 17 : i32
        %add3A_1744 = arith.addi %mul3A_540, %add3A_1743 : i32
        %get3A_1745 = arith.index_cast %add3A_1744 : i32 to index
        %get3A_1746 = arith.constant 32 : index
        %get3A_1747 = tpu.vector_load %arg20[%get3A_1745, %get3A_1746] {strides = array<i32>} : memref<320x64xf32, #tpu.memory_space<vmem>>, vector<1x16xf32>,
        %get3A_1748 = vector.shape_cast %get3A_1747 : vector<1x16xf32> to vector<16xf32>
        %mul3A_1749 = arith.mulf %get3A_1710, %get3A_1748 : vector<16xf32>
        %add3A_1750 = arith.constant 17 : i32
        %add3A_1751 = arith.addi %mul3A_540, %add3A_1750 : i32
        %get3A_1752 = arith.index_cast %add3A_1751 : i32 to index
        %get3A_1753 = arith.constant 32 : index
        %get3A_1754 = tpu.vector_load %arg22[%get3A_1752, %get3A_1753] {strides = array<i32>} : memref<320x64xf32, #tpu.memory_space<vmem>>, vector<1x16xf32>,
        %get3A_1755 = vector.shape_cast %get3A_1754 : vector<1x16xf32> to vector<16xf32>
        %mul3A_1756 = arith.mulf %get3A_1710, %get3A_1755 : vector<16xf32>
        %add3A_1757 = arith.addf %add3A_1688, %mul3A_1749 : vector<16xf32>
        %add3A_1758 = arith.addf %add3A_1689, %mul3A_1756 : vector<16xf32>
        %add3A_1759 = arith.constant 17 : i32
        %add3A_1760 = arith.addi %mul3A_540, %add3A_1759 : i32
        %get3A_1761 = arith.index_cast %add3A_1760 : i32 to index
        %get3A_1762 = arith.constant 48 : index
        %get3A_1763 = tpu.vector_load %arg20[%get3A_1761, %get3A_1762] {strides = array<i32>} : memref<320x64xf32, #tpu.memory_space<vmem>>, vector<1x16xf32>,
        %get3A_1764 = vector.shape_cast %get3A_1763 : vector<1x16xf32> to vector<16xf32>
        %mul3A_1765 = arith.mulf %get3A_1710, %get3A_1764 : vector<16xf32>
        %add3A_1766 = arith.constant 17 : i32
        %add3A_1767 = arith.addi %mul3A_540, %add3A_1766 : i32
        %get3A_1768 = arith.index_cast %add3A_1767 : i32 to index
        %get3A_1769 = arith.constant 48 : index
        %get3A_1770 = tpu.vector_load %arg22[%get3A_1768, %get3A_1769] {strides = array<i32>} : memref<320x64xf32, #tpu.memory_space<vmem>>, vector<1x16xf32>,
        %get3A_1771 = vector.shape_cast %get3A_1770 : vector<1x16xf32> to vector<16xf32>
        %mul3A_1772 = arith.mulf %get3A_1710, %get3A_1771 : vector<16xf32>
        %add3A_1773 = arith.addf %add3A_1704, %mul3A_1765 : vector<16xf32>
        %add3A_1774 = arith.addf %add3A_1705, %mul3A_1772 : vector<16xf32>
        %get3A_1775 = arith.constant 18 : i32
        %get3A_1776 = arith.index_cast %get3A_1775 : i32 to index
        %get3A_1777 = arith.constant 0 : index
        %get3A_1778 = tpu.vector_load %arg14[%get3A_1776, %get3A_1777] {strides = array<i32>} : memref<20x16xf32, #tpu.memory_space<vmem>>, vector<1x16xf32>,
        %get3A_1779 = vector.shape_cast %get3A_1778 : vector<1x16xf32> to vector<16xf32>
        %add3A_1780 = arith.constant 18 : i32
        %add3A_1781 = arith.addi %mul3A_540, %add3A_1780 : i32
        %get3A_1782 = arith.index_cast %add3A_1781 : i32 to index
        %get3A_1783 = arith.constant 0 : index
        %get3A_1784 = tpu.vector_load %arg20[%get3A_1782, %get3A_1783] {strides = array<i32>} : memref<320x64xf32, #tpu.memory_space<vmem>>, vector<1x16xf32>,
        %get3A_1785 = vector.shape_cast %get3A_1784 : vector<1x16xf32> to vector<16xf32>
        %mul3A_1786 = arith.mulf %get3A_1779, %get3A_1785 : vector<16xf32>
        %add3A_1787 = arith.constant 18 : i32
        %add3A_1788 = arith.addi %mul3A_540, %add3A_1787 : i32
        %get3A_1789 = arith.index_cast %add3A_1788 : i32 to index
        %get3A_1790 = arith.constant 0 : index
        %get3A_1791 = tpu.vector_load %arg22[%get3A_1789, %get3A_1790] {strides = array<i32>} : memref<320x64xf32, #tpu.memory_space<vmem>>, vector<1x16xf32>,
        %get3A_1792 = vector.shape_cast %get3A_1791 : vector<1x16xf32> to vector<16xf32>
        %mul3A_1793 = arith.mulf %get3A_1779, %get3A_1792 : vector<16xf32>
        %add3A_1794 = arith.addf %add3A_1725, %mul3A_1786 : vector<16xf32>
        %add3A_1795 = arith.addf %add3A_1726, %mul3A_1793 : vector<16xf32>
        %add3A_1796 = arith.constant 18 : i32
        %add3A_1797 = arith.addi %mul3A_540, %add3A_1796 : i32
        %get3A_1798 = arith.index_cast %add3A_1797 : i32 to index
        %get3A_1799 = arith.constant 16 : index
        %get3A_1800 = tpu.vector_load %arg20[%get3A_1798, %get3A_1799] {strides = array<i32>} : memref<320x64xf32, #tpu.memory_space<vmem>>, vector<1x16xf32>,
        %get3A_1801 = vector.shape_cast %get3A_1800 : vector<1x16xf32> to vector<16xf32>
        %mul3A_1802 = arith.mulf %get3A_1779, %get3A_1801 : vector<16xf32>
        %add3A_1803 = arith.constant 18 : i32
        %add3A_1804 = arith.addi %mul3A_540, %add3A_1803 : i32
        %get3A_1805 = arith.index_cast %add3A_1804 : i32 to index
        %get3A_1806 = arith.constant 16 : index
        %get3A_1807 = tpu.vector_load %arg22[%get3A_1805, %get3A_1806] {strides = array<i32>} : memref<320x64xf32, #tpu.memory_space<vmem>>, vector<1x16xf32>,
        %get3A_1808 = vector.shape_cast %get3A_1807 : vector<1x16xf32> to vector<16xf32>
        %mul3A_1809 = arith.mulf %get3A_1779, %get3A_1808 : vector<16xf32>
        %add3A_1810 = arith.addf %add3A_1741, %mul3A_1802 : vector<16xf32>
        %add3A_1811 = arith.addf %add3A_1742, %mul3A_1809 : vector<16xf32>
        %add3A_1812 = arith.constant 18 : i32
        %add3A_1813 = arith.addi %mul3A_540, %add3A_1812 : i32
        %get3A_1814 = arith.index_cast %add3A_1813 : i32 to index
        %get3A_1815 = arith.constant 32 : index
        %get3A_1816 = tpu.vector_load %arg20[%get3A_1814, %get3A_1815] {strides = array<i32>} : memref<320x64xf32, #tpu.memory_space<vmem>>, vector<1x16xf32>,
        %get3A_1817 = vector.shape_cast %get3A_1816 : vector<1x16xf32> to vector<16xf32>
        %mul3A_1818 = arith.mulf %get3A_1779, %get3A_1817 : vector<16xf32>
        %add3A_1819 = arith.constant 18 : i32
        %add3A_1820 = arith.addi %mul3A_540, %add3A_1819 : i32
        %get3A_1821 = arith.index_cast %add3A_1820 : i32 to index
        %get3A_1822 = arith.constant 32 : index
        %get3A_1823 = tpu.vector_load %arg22[%get3A_1821, %get3A_1822] {strides = array<i32>} : memref<320x64xf32, #tpu.memory_space<vmem>>, vector<1x16xf32>,
        %get3A_1824 = vector.shape_cast %get3A_1823 : vector<1x16xf32> to vector<16xf32>
        %mul3A_1825 = arith.mulf %get3A_1779, %get3A_1824 : vector<16xf32>
        %add3A_1826 = arith.addf %add3A_1757, %mul3A_1818 : vector<16xf32>
        %add3A_1827 = arith.addf %add3A_1758, %mul3A_1825 : vector<16xf32>
        %add3A_1828 = arith.constant 18 : i32
        %add3A_1829 = arith.addi %mul3A_540, %add3A_1828 : i32
        %get3A_1830 = arith.index_cast %add3A_1829 : i32 to index
        %get3A_1831 = arith.constant 48 : index
        %get3A_1832 = tpu.vector_load %arg20[%get3A_1830, %get3A_1831] {strides = array<i32>} : memref<320x64xf32, #tpu.memory_space<vmem>>, vector<1x16xf32>,
        %get3A_1833 = vector.shape_cast %get3A_1832 : vector<1x16xf32> to vector<16xf32>
        %mul3A_1834 = arith.mulf %get3A_1779, %get3A_1833 : vector<16xf32>
        %add3A_1835 = arith.constant 18 : i32
        %add3A_1836 = arith.addi %mul3A_540, %add3A_1835 : i32
        %get3A_1837 = arith.index_cast %add3A_1836 : i32 to index
        %get3A_1838 = arith.constant 48 : index
        %get3A_1839 = tpu.vector_load %arg22[%get3A_1837, %get3A_1838] {strides = array<i32>} : memref<320x64xf32, #tpu.memory_space<vmem>>, vector<1x16xf32>,
        %get3A_1840 = vector.shape_cast %get3A_1839 : vector<1x16xf32> to vector<16xf32>
        %mul3A_1841 = arith.mulf %get3A_1779, %get3A_1840 : vector<16xf32>
        %add3A_1842 = arith.addf %add3A_1773, %mul3A_1834 : vector<16xf32>
        %add3A_1843 = arith.addf %add3A_1774, %mul3A_1841 : vector<16xf32>
        %get3A_1844 = arith.constant 19 : i32
        %get3A_1845 = arith.index_cast %get3A_1844 : i32 to index
        %get3A_1846 = arith.constant 0 : index
        %get3A_1847 = tpu.vector_load %arg14[%get3A_1845, %get3A_1846] {strides = array<i32>} : memref<20x16xf32, #tpu.memory_space<vmem>>, vector<1x16xf32>,
        %get3A_1848 = vector.shape_cast %get3A_1847 : vector<1x16xf32> to vector<16xf32>
        %add3A_1849 = arith.constant 19 : i32
        %add3A_1850 = arith.addi %mul3A_540, %add3A_1849 : i32
        %get3A_1851 = arith.index_cast %add3A_1850 : i32 to index
        %get3A_1852 = arith.constant 0 : index
        %get3A_1853 = tpu.vector_load %arg20[%get3A_1851, %get3A_1852] {strides = array<i32>} : memref<320x64xf32, #tpu.memory_space<vmem>>, vector<1x16xf32>,
        %get3A_1854 = vector.shape_cast %get3A_1853 : vector<1x16xf32> to vector<16xf32>
        %mul3A_1855 = arith.mulf %get3A_1848, %get3A_1854 : vector<16xf32>
        %add3A_1856 = arith.constant 19 : i32
        %add3A_1857 = arith.addi %mul3A_540, %add3A_1856 : i32
        %get3A_1858 = arith.index_cast %add3A_1857 : i32 to index
        %get3A_1859 = arith.constant 0 : index
        %get3A_1860 = tpu.vector_load %arg22[%get3A_1858, %get3A_1859] {strides = array<i32>} : memref<320x64xf32, #tpu.memory_space<vmem>>, vector<1x16xf32>,
        %get3A_1861 = vector.shape_cast %get3A_1860 : vector<1x16xf32> to vector<16xf32>
        %mul3A_1862 = arith.mulf %get3A_1848, %get3A_1861 : vector<16xf32>
        %add3A_1863 = arith.addf %add3A_1794, %mul3A_1855 : vector<16xf32>
        %add3A_1864 = arith.addf %add3A_1795, %mul3A_1862 : vector<16xf32>
        %add3A_1865 = arith.constant 19 : i32
        %add3A_1866 = arith.addi %mul3A_540, %add3A_1865 : i32
        %get3A_1867 = arith.index_cast %add3A_1866 : i32 to index
        %get3A_1868 = arith.constant 16 : index
        %get3A_1869 = tpu.vector_load %arg20[%get3A_1867, %get3A_1868] {strides = array<i32>} : memref<320x64xf32, #tpu.memory_space<vmem>>, vector<1x16xf32>,
        %get3A_1870 = vector.shape_cast %get3A_1869 : vector<1x16xf32> to vector<16xf32>
        %mul3A_1871 = arith.mulf %get3A_1848, %get3A_1870 : vector<16xf32>
        %add3A_1872 = arith.constant 19 : i32
        %add3A_1873 = arith.addi %mul3A_540, %add3A_1872 : i32
        %get3A_1874 = arith.index_cast %add3A_1873 : i32 to index
        %get3A_1875 = arith.constant 16 : index
        %get3A_1876 = tpu.vector_load %arg22[%get3A_1874, %get3A_1875] {strides = array<i32>} : memref<320x64xf32, #tpu.memory_space<vmem>>, vector<1x16xf32>,
        %get3A_1877 = vector.shape_cast %get3A_1876 : vector<1x16xf32> to vector<16xf32>
        %mul3A_1878 = arith.mulf %get3A_1848, %get3A_1877 : vector<16xf32>
        %add3A_1879 = arith.addf %add3A_1810, %mul3A_1871 : vector<16xf32>
        %add3A_1880 = arith.addf %add3A_1811, %mul3A_1878 : vector<16xf32>
        %add3A_1881 = arith.constant 19 : i32
        %add3A_1882 = arith.addi %mul3A_540, %add3A_1881 : i32
        %get3A_1883 = arith.index_cast %add3A_1882 : i32 to index
        %get3A_1884 = arith.constant 32 : index
        %get3A_1885 = tpu.vector_load %arg20[%get3A_1883, %get3A_1884] {strides = array<i32>} : memref<320x64xf32, #tpu.memory_space<vmem>>, vector<1x16xf32>,
        %get3A_1886 = vector.shape_cast %get3A_1885 : vector<1x16xf32> to vector<16xf32>
        %mul3A_1887 = arith.mulf %get3A_1848, %get3A_1886 : vector<16xf32>
        %add3A_1888 = arith.constant 19 : i32
        %add3A_1889 = arith.addi %mul3A_540, %add3A_1888 : i32
        %get3A_1890 = arith.index_cast %add3A_1889 : i32 to index
        %get3A_1891 = arith.constant 32 : index
        %get3A_1892 = tpu.vector_load %arg22[%get3A_1890, %get3A_1891] {strides = array<i32>} : memref<320x64xf32, #tpu.memory_space<vmem>>, vector<1x16xf32>,
        %get3A_1893 = vector.shape_cast %get3A_1892 : vector<1x16xf32> to vector<16xf32>
        %mul3A_1894 = arith.mulf %get3A_1848, %get3A_1893 : vector<16xf32>
        %add3A_1895 = arith.addf %add3A_1826, %mul3A_1887 : vector<16xf32>
        %add3A_1896 = arith.addf %add3A_1827, %mul3A_1894 : vector<16xf32>
        %add3A_1897 = arith.constant 19 : i32
        %add3A_1898 = arith.addi %mul3A_540, %add3A_1897 : i32
        %get3A_1899 = arith.index_cast %add3A_1898 : i32 to index
        %get3A_1900 = arith.constant 48 : index
        %get3A_1901 = tpu.vector_load %arg20[%get3A_1899, %get3A_1900] {strides = array<i32>} : memref<320x64xf32, #tpu.memory_space<vmem>>, vector<1x16xf32>,
        %get3A_1902 = vector.shape_cast %get3A_1901 : vector<1x16xf32> to vector<16xf32>
        %mul3A_1903 = arith.mulf %get3A_1848, %get3A_1902 : vector<16xf32>
        %add3A_1904 = arith.constant 19 : i32
        %add3A_1905 = arith.addi %mul3A_540, %add3A_1904 : i32
        %get3A_1906 = arith.index_cast %add3A_1905 : i32 to index
        %get3A_1907 = arith.constant 48 : index
        %get3A_1908 = tpu.vector_load %arg22[%get3A_1906, %get3A_1907] {strides = array<i32>} : memref<320x64xf32, #tpu.memory_space<vmem>>, vector<1x16xf32>,
        %get3A_1909 = vector.shape_cast %get3A_1908 : vector<1x16xf32> to vector<16xf32>
        %mul3A_1910 = arith.mulf %get3A_1848, %get3A_1909 : vector<16xf32>
        %add3A_1911 = arith.addf %add3A_1842, %mul3A_1903 : vector<16xf32>
        %add3A_1912 = arith.addf %add3A_1843, %mul3A_1910 : vector<16xf32>
        %mul3A_1913 = arith.constant 5.000000e-01 : f32
        %mul3A_1914 = vector.broadcast %mul3A_1913 : f32 to vector<16xf32>
        %mul3A_1915 = arith.mulf %mul3A_1914, %get3A_526 : vector<16xf32>
        %sub3A = arith.subf %mul3A_1915, %get3A_510 : vector<16xf32>
        %mul3A_1916 = arith.mulf %sub3A, %add3A_1863 : vector<16xf32>
        %add3A_1917 = arith.addf %scan3A_507, %mul3A_1916 : vector<16xf32>
        %mul3A_1918 = arith.constant 5.000000e-01 : f32
        %mul3A_1919 = vector.broadcast %mul3A_1918 : f32 to vector<16xf32>
        %mul3A_1920 = arith.mulf %mul3A_1919, %get3A_510 : vector<16xf32>
        %mul3A_1921 = arith.mulf %mul3A_1920, %add3A_1864 : vector<16xf32>
        %add3A_1922 = arith.addf %add3A_1917, %mul3A_1921 : vector<16xf32>
        %mul3A_1923 = arith.constant 5.000000e-01 : f32
        %mul3A_1924 = vector.broadcast %mul3A_1923 : f32 to vector<16xf32>
        %mul3A_1925 = arith.mulf %mul3A_1924, %get3A_530 : vector<16xf32>
        %sub3A_1926 = arith.subf %mul3A_1925, %get3A_514 : vector<16xf32>
        %mul3A_1927 = arith.mulf %sub3A_1926, %add3A_1879 : vector<16xf32>
        %add3A_1928 = arith.addf %add3A_1922, %mul3A_1927 : vector<16xf32>
        %mul3A_1929 = arith.constant 5.000000e-01 : f32
        %mul3A_1930 = vector.broadcast %mul3A_1929 : f32 to vector<16xf32>
        %mul3A_1931 = arith.mulf %mul3A_1930, %get3A_514 : vector<16xf32>
        %mul3A_1932 = arith.mulf %mul3A_1931, %add3A_1880 : vector<16xf32>
        %add3A_1933 = arith.addf %add3A_1928, %mul3A_1932 : vector<16xf32>
        %mul3A_1934 = arith.constant 5.000000e-01 : f32
        %mul3A_1935 = vector.broadcast %mul3A_1934 : f32 to vector<16xf32>
        %mul3A_1936 = arith.mulf %mul3A_1935, %get3A_534 : vector<16xf32>
        %sub3A_1937 = arith.subf %mul3A_1936, %get3A_518 : vector<16xf32>
        %mul3A_1938 = arith.mulf %sub3A_1937, %add3A_1895 : vector<16xf32>
        %add3A_1939 = arith.addf %add3A_1933, %mul3A_1938 : vector<16xf32>
        %mul3A_1940 = arith.constant 5.000000e-01 : f32
        %mul3A_1941 = vector.broadcast %mul3A_1940 : f32 to vector<16xf32>
        %mul3A_1942 = arith.mulf %mul3A_1941, %get3A_518 : vector<16xf32>
        %mul3A_1943 = arith.mulf %mul3A_1942, %add3A_1896 : vector<16xf32>
        %add3A_1944 = arith.addf %add3A_1939, %mul3A_1943 : vector<16xf32>
        %mul3A_1945 = arith.constant 5.000000e-01 : f32
        %mul3A_1946 = vector.broadcast %mul3A_1945 : f32 to vector<16xf32>
        %mul3A_1947 = arith.mulf %mul3A_1946, %get3A_538 : vector<16xf32>
        %sub3A_1948 = arith.subf %mul3A_1947, %get3A_522 : vector<16xf32>
        %mul3A_1949 = arith.mulf %sub3A_1948, %add3A_1911 : vector<16xf32>
        %add3A_1950 = arith.addf %add3A_1944, %mul3A_1949 : vector<16xf32>
        %mul3A_1951 = arith.constant 5.000000e-01 : f32
        %mul3A_1952 = vector.broadcast %mul3A_1951 : f32 to vector<16xf32>
        %mul3A_1953 = arith.mulf %mul3A_1952, %get3A_522 : vector<16xf32>
        %mul3A_1954 = arith.mulf %mul3A_1953, %add3A_1912 : vector<16xf32>
        %add3A_1955 = arith.addf %add3A_1950, %mul3A_1954 : vector<16xf32>
        scf.yield %add3A_1955 : vector<16xf32>
      }
      %scan3A_505 = arith.constant 16 : i32
      scf.yield %scan3A_504 : vector<16xf32>
    }
    %scan3A_107 = arith.constant 16 : i32
    %swap3A = arith.constant 0 : index
    %swap3A_108 = tpu.vector_load %arg23[%swap3A] {strides = array<i32>} : memref<16xf32, #tpu.memory_space<vmem>>, vector<16xf32>,
    %swap3A_109 = vector.shape_cast %swap3A_108 : vector<16xf32> to vector<16xf32>
    %swap3A_110 = vector.shape_cast %scan3A_106 : vector<16xf32> to vector<16xf32>
    tpu.vector_store %arg23[%swap3A], %swap3A_110 {strides = array<i32>} : memref<16xf32, #tpu.memory_space<vmem>>, vector<16xf32>,
    %mul3A_111 = arith.constant 16 : i32
    %mul3A_112 = arith.muli %add3A, %mul3A_111 : i32
    "tpu.region"() ({
      %run_scoped3A = tpu.sem_alloc : memref<!tpu.dma_semaphore, #tpu.memory_space<semaphore_mem>>
      %dma_start3A_115 = tpu.memref_slice %arg9[%mul3A_112] : memref<528xf32, #tpu.memory_space<hbm>> -> memref<16xf32, #tpu.memory_space<hbm>>
      %dma_start3A_116 = tpu.memref_slice %arg9[%mul3A_112] : memref<528xf32, #tpu.memory_space<hbm>> -> memref<16xf32, #tpu.memory_space<hbm>>
      tpu.enqueue_dma source(%arg23 : memref<16xf32, #tpu.memory_space<vmem>>) target(%dma_start3A_116 : memref<16xf32, #tpu.memory_space<hbm>>) target_semaphore(%run_scoped3A : memref<!tpu.dma_semaphore, #tpu.memory_space<semaphore_mem>>)
      %dma_wait3A = tpu.memref_slice %arg9[%mul3A_112] : memref<528xf32, #tpu.memory_space<hbm>> -> memref<16xf32, #tpu.memory_space<hbm>>
      %dma_wait3A_117 = tpu.memref_slice %arg9[%mul3A_112] : memref<528xf32, #tpu.memory_space<hbm>> -> memref<16xf32, #tpu.memory_space<hbm>>
      tpu.wait_dma2 semaphore(%run_scoped3A : memref<!tpu.dma_semaphore, #tpu.memory_space<semaphore_mem>>) src(%arg23 : memref<16xf32, #tpu.memory_space<vmem>>) dst(%dma_wait3A_117 : memref<16xf32, #tpu.memory_space<hbm>>)
      tpu.yield
    }) : () -> ()
    %eq3A = arith.constant 0 : i32
    %eq3A_113 = arith.cmpi eq, %add3A, %eq3A : i32
    %convert_element_type3A = arith.extui %eq3A_113 : i1 to i32
    %cond3A = arith.constant 0 : i32
    %cond3A_114 = arith.cmpi ne, %convert_element_type3A, %cond3A : i32
    scf.if %cond3A_114 {
      "tpu.region"() ({
        %run_scoped3A = tpu.sem_alloc : memref<!tpu.dma_semaphore, #tpu.memory_space<semaphore_mem>>
        tpu.enqueue_dma source(%arg8 : memref<64x64xf32, #tpu.memory_space<hbm>>) target(%arg24 : memref<64x64xf32, #tpu.memory_space<vmem>>) target_semaphore(%run_scoped3A : memref<!tpu.dma_semaphore, #tpu.memory_space<semaphore_mem>>)
        tpu.wait_dma2 semaphore(%run_scoped3A : memref<!tpu.dma_semaphore, #tpu.memory_space<semaphore_mem>>) src(%arg8 : memref<64x64xf32, #tpu.memory_space<hbm>>) dst(%arg24 : memref<64x64xf32, #tpu.memory_space<vmem>>)
        tpu.yield
      }) : () -> ()
      %broadcast_in_dim3A_115 = arith.constant 0.000000e+00 : f32
      %broadcast_in_dim3A_116 = vector.broadcast %broadcast_in_dim3A_115 : f32 to vector<16xf32>
      %scan3A_117 = arith.constant 0 : i32
      %scan3A_118 = arith.constant 64 : i32
      %scan3A_119 = arith.addi %scan3A_117, %scan3A_118 : i32
      %scan3A_120 = arith.constant 1 : i32
      %scan3A_121 = scf.for %scan3A_127 = %scan3A_117 to %scan3A_119 step %scan3A_120 iter_args(%scan3A_128 = %broadcast_in_dim3A_116) -> (vector<16xf32>)  : i32 {
        %get3A = arith.index_cast %scan3A_127 : i32 to index
        %get3A_129 = arith.constant 0 : index
        %get3A_130 = tpu.vector_load %arg24[%get3A, %get3A_129] {strides = array<i32>} : memref<64x64xf32, #tpu.memory_space<vmem>>, vector<1x16xf32>,
        %get3A_131 = vector.shape_cast %get3A_130 : vector<1x16xf32> to vector<16xf32>
        %mul3A_132 = arith.mulf %get3A_131, %get3A_131 : vector<16xf32>
        %add3A_133 = arith.addf %scan3A_128, %mul3A_132 : vector<16xf32>
        %get3A_134 = arith.index_cast %scan3A_127 : i32 to index
        %get3A_135 = arith.constant 16 : index
        %get3A_136 = tpu.vector_load %arg24[%get3A_134, %get3A_135] {strides = array<i32>} : memref<64x64xf32, #tpu.memory_space<vmem>>, vector<1x16xf32>,
        %get3A_137 = vector.shape_cast %get3A_136 : vector<1x16xf32> to vector<16xf32>
        %mul3A_138 = arith.mulf %get3A_137, %get3A_137 : vector<16xf32>
        %add3A_139 = arith.addf %add3A_133, %mul3A_138 : vector<16xf32>
        %get3A_140 = arith.index_cast %scan3A_127 : i32 to index
        %get3A_141 = arith.constant 32 : index
        %get3A_142 = tpu.vector_load %arg24[%get3A_140, %get3A_141] {strides = array<i32>} : memref<64x64xf32, #tpu.memory_space<vmem>>, vector<1x16xf32>,
        %get3A_143 = vector.shape_cast %get3A_142 : vector<1x16xf32> to vector<16xf32>
        %mul3A_144 = arith.mulf %get3A_143, %get3A_143 : vector<16xf32>
        %add3A_145 = arith.addf %add3A_139, %mul3A_144 : vector<16xf32>
        %get3A_146 = arith.index_cast %scan3A_127 : i32 to index
        %get3A_147 = arith.constant 48 : index
        %get3A_148 = tpu.vector_load %arg24[%get3A_146, %get3A_147] {strides = array<i32>} : memref<64x64xf32, #tpu.memory_space<vmem>>, vector<1x16xf32>,
        %get3A_149 = vector.shape_cast %get3A_148 : vector<1x16xf32> to vector<16xf32>
        %mul3A_150 = arith.mulf %get3A_149, %get3A_149 : vector<16xf32>
        %add3A_151 = arith.addf %add3A_145, %mul3A_150 : vector<16xf32>
        scf.yield %add3A_151 : vector<16xf32>
      }
      %scan3A_122 = arith.constant 64 : i32
      %swap3A_123 = arith.constant 0 : index
      %swap3A_124 = tpu.vector_load %arg23[%swap3A_123] {strides = array<i32>} : memref<16xf32, #tpu.memory_space<vmem>>, vector<16xf32>,
      %swap3A_125 = vector.shape_cast %swap3A_124 : vector<16xf32> to vector<16xf32>
      %swap3A_126 = vector.shape_cast %scan3A_121 : vector<16xf32> to vector<16xf32>
      tpu.vector_store %arg23[%swap3A_123], %swap3A_126 {strides = array<i32>} : memref<16xf32, #tpu.memory_space<vmem>>, vector<16xf32>,
      "tpu.region"() ({
        %run_scoped3A = tpu.sem_alloc : memref<!tpu.dma_semaphore, #tpu.memory_space<semaphore_mem>>
        %dma_start3A_127 = arith.constant 512 : i32
        %dma_start3A_128 = tpu.memref_slice %arg9[%dma_start3A_127] : memref<528xf32, #tpu.memory_space<hbm>> -> memref<16xf32, #tpu.memory_space<hbm>>
        %dma_start3A_129 = arith.constant 512 : i32
        %dma_start3A_130 = tpu.memref_slice %arg9[%dma_start3A_129] : memref<528xf32, #tpu.memory_space<hbm>> -> memref<16xf32, #tpu.memory_space<hbm>>
        tpu.enqueue_dma source(%arg23 : memref<16xf32, #tpu.memory_space<vmem>>) target(%dma_start3A_130 : memref<16xf32, #tpu.memory_space<hbm>>) target_semaphore(%run_scoped3A : memref<!tpu.dma_semaphore, #tpu.memory_space<semaphore_mem>>)
        %dma_wait3A = arith.constant 512 : i32
        %dma_wait3A_131 = tpu.memref_slice %arg9[%dma_wait3A] : memref<528xf32, #tpu.memory_space<hbm>> -> memref<16xf32, #tpu.memory_space<hbm>>
        %dma_wait3A_132 = arith.constant 512 : i32
        %dma_wait3A_133 = tpu.memref_slice %arg9[%dma_wait3A_132] : memref<528xf32, #tpu.memory_space<hbm>> -> memref<16xf32, #tpu.memory_space<hbm>>
        tpu.wait_dma2 semaphore(%run_scoped3A : memref<!tpu.dma_semaphore, #tpu.memory_space<semaphore_mem>>) src(%arg23 : memref<16xf32, #tpu.memory_space<vmem>>) dst(%dma_wait3A_133 : memref<16xf32, #tpu.memory_space<hbm>>)
        tpu.yield
      }) : () -> ()
    } else {
    }
    return
  }
}

</mosaic_0001>

<sc_bundles>
// kernel: kernel.3.cloned.1.call-start
scs
__scs_entry_jumppad:
0x0: {  	(pc) =	sbr.rel $0x88, $3  }
0x1: {  	(tag) =	ssettag $0x0;
	lr =	simm.s32 $0x1  }
0x2: {  	[smem:$0x3F9A] =	sst lr;
	_ =	strace $0xD0000000  }
0x3: {  	_ = 	snop  }
0x4: {  	_ = 	snop  }
0x5: {  	_ = 	snop  }
0x6: {  	_ = 	snop  }
0x7: {  	_ = 	snop  }
__scs_overlays_trampoline_lowered:
0x8: {  	[smem:$0x3FA9] =	sst s0  }
0x9: {  	[smem:$0x3FAA] =	sst s1  }
0xa: {  	[smem:$0x3FAB] =	sst s2  }
0xb: {  	[smem:$0x3FAC] =	sst s3  }
0xc: {  	[smem:$0x3FAD] =	sst s4  }
0xd: {  	[smem:$0x3FAE] =	sst s5  }
0xe: {  	[smem:$0x3FAF] =	sst s6  }
0xf: {  	[smem:$0x3FB0] =	sst s7  }
0x10: {  	[smem:$0x3FB1] =	sst s8  }
0x11: {  	[smem:$0x3FB2] =	sst s9;
	s0 =	simm.s32 @!p0 $0x0  }
0x12: {  	s1 =	sld [smem:$0x3F98];
	s0 =	simm.s32 @p0 $0x1  }
0x13: {  	[smem:$0x3FB3] =	sst s0;
	s0 =	simm.s32 @!p1 $0x0  }
0x14: {  	s2 =	sld [smem:$0x3F97];
	s0 =	simm.s32 @p1 $0x1  }
0x15: {  	[smem:$0x3FB4] =	sst s0;
	s0 =	simm.s32 @!p2 $0x0  }
0x16: {  	s3 =	sld [smem:$0x3FDB];
	s0 =	simm.s32 @p2 $0x1  }
0x17: {  	s4 =	simm.s32 $0x1BF5;
	[smem:$0x3FB6] =	sst s0  }
0x18: {  	s0 =	sld [smem:$0x3F99];
	_ =	swait.ge [sflag:s4], $0x0  }
0x19: {  	s7 =	sld [smem:$0x3F9A]  }
0x1a: {  	s8 =	sadd.s32 $0xFFFFE003, lr  }
0x1b: {  	s9 =	sadd.s32 $0xFFFFFEF7, lr;
	s5 =	simm.s32 $0xFFFFFFFF;
	p2 =	slt.u32 s8, $0xFFFFF086  }
0x1c: {  	p1 =	slt.u32 s9, $0xF7A;
	s5 =	simm.s32 @!p2 $0x0  }
0x1d: {  	s5 =	simm.s32 @p1 $0x1;
	p0 =	seq.s32 s7, s2  }
0x1e: {  	s7 =	smul.u32 @!p0 $0xF7A, s2;
	p2 =	seq.s32 @!p0 s5, $0x0  }
0x1f: {  	s9 =	smul.u32 $0xF7A, s1;
	s8 =	simm.s32 @!p0 $0x1BF5;
	p2 =	por !p2, p0  }
0x20: {  	[sflag:s8] =	ssyncset.s32 @!p0 $0xFFFFF086;
	s6 =	sadd.s32 @!p0 s3, s7;
	s7 =	simm.s32 @!p0 $0x108  }
0x21: {  	s3 =	sadd.s32 s3, s9;
	s6 =	sadd.s32 @!p0 $0x88, s6;
	s7 =	simm.s32 @p2 $0x1082  }
0x22: {  	[simem:s7], [sflag:s8] =	dma.local @!p0 [hbm:s6], $0xF7A  }
0x23: {  	s9 =	sor.u32 $0xD0000000, s2;
	s6 =	simm.s32 $0x108;
	_ =	swait.ge @!p0 [sflag:s8], $0x0  }
0x24: {  	s3 =	sadd.s32 $0x88, s3;
	s6 =	simm.s32 @!p1 $0x1082;
	[sflag:s4] =	ssyncset.s32 $0xFFFFF086  }
0x25: {  	[simem:s6], [sflag:s4] =	dma.local [hbm:s3], $0xF7A  }
0x26: {  	[smem:$0x3F9A] =	sst s1;
	(tag) =	ssettag s2;
	_ =	strace s9  }
0x27: {  	s1 =	sld [smem:$0x3FAA]  }
0x28: {  	s2 =	sld [smem:$0x3FAB]  }
0x29: {  	s4 =	sld [smem:$0x3FAD]  }
0x2a: {  	p0 =	seq.s32 s5, $0x0;
	s5 =	sld [smem:$0x3FAE]  }
0x2b: {  	s6 =	sld [smem:$0x3FAF]  }
0x2c: {  	s7 =	sld [smem:$0x3FB0]  }
0x2d: {  	s3 =	simm.s32 $0x108;
	s8 =	sld [smem:$0x3FB1]  }
0x2e: {  	s3 =	simm.s32 @!p0 $0x1082;
	s9 =	sld [smem:$0x3FB2]  }
0x2f: {  	lr =	sadd.s32 s0, s3;
	s0 =	sld [smem:$0x3FA9]  }
0x30: {  	s3 =	sld [smem:$0x3FAC]  }
0x31: {  	[smem:$0x3FB5] =	sst s10  }
0x32: {  	s10 =	sld [smem:$0x3FB3];
	_ =	sdelay $0x3  }
0x33: {  	p0 =	seq.s32 s10, $0x1;
	s10 =	sld [smem:$0x3FB5];
	_ =	sdelay $0x3  }
0x34: {  	[smem:$0x3FB5] =	sst s10  }
0x35: {  	s10 =	sld [smem:$0x3FB4];
	_ =	sdelay $0x3  }
0x36: {  	p1 =	seq.s32 s10, $0x1;
	s10 =	sld [smem:$0x3FB5];
	_ =	sdelay $0x3  }
0x37: {  	[smem:$0x3FB5] =	sst s10  }
0x38: {  	s10 =	sld [smem:$0x3FB6]  }
0x39: {  	_ = 	snop;
	(pc) =	sbr.ind lr, $3  }
0x3a: {  	_ = 	snop  }
0x3b: {  	_ = 	snop  }
0x3c: {  	p2 =	seq.s32 s10, $0x1;
	s10 =	sld [smem:$0x3FB5]  }
0x3d: {  	_ =	shalt  }
0x3e: {  	_ =	shalt  }
0x3f: {  	_ =	shalt  }
0x40: {  	_ =	shalt  }
0x41: {  	_ =	shalt  }
0x42: {  	_ =	shalt  }
0x43: {  	_ =	shalt  }
0x44: {  	_ =	shalt  }
0x45: {  	_ =	shalt  }
0x46: {  	_ =	shalt  }
0x47: {  	_ =	shalt  }
0x48: {  	_ =	shalt  }
0x49: {  	_ =	shalt  }
0x4a: {  	_ =	shalt  }
0x4b: {  	_ =	shalt  }
0x4c: {  	_ =	shalt  }
0x4d: {  	_ =	shalt  }
0x4e: {  	_ =	shalt  }
0x4f: {  	_ =	shalt  }
0x50: {  	_ =	shalt  }
0x51: {  	_ =	shalt  }
0x52: {  	_ =	shalt  }
0x53: {  	_ =	shalt  }
0x54: {  	_ =	shalt  }
0x55: {  	_ =	shalt  }
0x56: {  	_ =	shalt  }
0x57: {  	_ =	shalt  }
0x58: {  	_ =	shalt  }
0x59: {  	_ =	shalt  }
0x5a: {  	_ =	shalt  }
0x5b: {  	_ =	shalt  }
0x5c: {  	_ =	shalt  }
0x5d: {  	_ =	shalt  }
0x5e: {  	_ =	shalt  }
0x5f: {  	_ =	shalt  }
0x60: {  	_ =	shalt  }
0x61: {  	_ =	shalt  }
0x62: {  	_ =	shalt  }
0x63: {  	_ =	shalt  }
0x64: {  	_ =	shalt  }
0x65: {  	_ =	shalt  }
0x66: {  	_ =	shalt  }
0x67: {  	_ =	shalt  }
0x68: {  	_ =	shalt  }
0x69: {  	_ =	shalt  }
0x6a: {  	_ =	shalt  }
0x6b: {  	_ =	shalt  }
0x6c: {  	_ =	shalt  }
0x6d: {  	_ =	shalt  }
0x6e: {  	_ =	shalt  }
0x6f: {  	_ =	shalt  }
0x70: {  	_ =	shalt  }
0x71: {  	_ =	shalt  }
0x72: {  	_ =	shalt  }
0x73: {  	_ =	shalt  }
0x74: {  	_ =	shalt  }
0x75: {  	_ =	shalt  }
0x76: {  	_ =	shalt  }
0x77: {  	_ =	shalt  }
0x78: {  	_ =	shalt  }
0x79: {  	_ =	shalt  }
0x7a: {  	_ =	shalt  }
0x7b: {  	_ =	shalt  }
0x7c: {  	_ =	shalt  }
0x7d: {  	_ =	shalt  }
0x7e: {  	_ =	shalt  }
0x7f: {  	_ =	shalt  }
0x80: {  	_ =	shalt  }
0x81: {  	_ =	shalt  }
0x82: {  	_ =	shalt  }
0x83: {  	_ =	shalt  }
0x84: {  	_ =	shalt  }
0x85: {  	_ =	shalt  }
0x86: {  	_ =	shalt  }
0x87: {  	_ =	shalt  }
.Lfunc_end0:
.L_simem_size_0:
called_computation_lowered:
.L_overlay_start_0:
0x88: {  	s2 =	sld [smem:$0x3FD9]  }
0x89: {  	s3 =	sld [smem:$0x3FFE];
	_ =	sdelay $0x1  }
0x8a: {  	s1 =	srdreg.scid  }
0x8b: {  	s0 =	sand.u32 $0x1, s1  }
0x8c: {  	s17 =	sshll.u32 s0, $0xA;
	s2 =	sadd.s32 s3, s2  }
0x8d: {  	s2 =	sadd.s32 s2, s17  }
0x8e: {  	[smem:$0x3FC1] =	sst s2  }
0x8f: {  	_ = 	snop  }
0x90: {  	s2 =	sld [smem:$0x3FC9]  }
0x91: {  	s18 =	sld [smem:$0x3FC7];
	(tm) =	ssettm $0x1  }
0x92: {  	s4 =	sld [smem:$0x3FFB];
	_ =	sdelay $0x3  }
0x93: {  	_ =	strace s4  }
0x94: {  	s4 =	sld [smem:$0x3FFC];
	_ =	sdelay $0x3  }
0x95: {  	_ =	strace s4  }
0x96: {  	s4 =	sld [smem:$0x3FFD];
	_ =	sdelay $0x3  }
0x97: {  	_ =	strace s4  }
0x98: {  	_ =	strace $0x8FFFFFFF  }
0x99: {  	s19 =	sld [smem:$0x3FDB];
	_ =	sdelay $0x1  }
0x9a: {  	s5 =	simm.s32 $_scs_section_size  }
0x9b: {  	s6 =	simm.s32 $_size__tile_overlayer_lowered;
	s7 =	simm.s32 $_tile_overlayer_lowered  }
0x9c: {  	s22 =	simm.s32 $0x1BFF;
	s21 =	sshll.u32 s7, $0x1;
	s4 =	sadd.s32 s5, s19  }
0x9d: {  	s8 =	simm.s32 $0x0;
	s20 =	sshll.u32 s6, $0x1;
	s6 =	sadd.s32 s21, s4  }
0x9e: {  	[timem:s8], [sflag:s22] =	dma.local [hbm:s6], s20  }
0x9f: {  	_ =	swait.ge [sflag:s22], s20  }
0xa0: {  	s5 =	ssub.s32 $0x0, s20;
	[sflag:s22] =	ssyncset.done $0x0  }
0xa1: {  	[sflag:s22] =	ssyncadd.s32 s5;
	_ =	sdelay $0x1  }
0xa2: {  	s23 =	simm.s32 $0x1B8B  }
0xa3: {  	_ =	swait.ge [sflag:s23], $0x1  }
0xa4: {  	[sflag:s23] =	ssyncset.done $0x0  }
0xa5: {  	s25 =	simm.s32 $0x1B8E;
	s24 =	sld [smem:$0x3FFE];
	[sflag:s23] =	ssyncadd.s32 $0xFFFFFFFF  }
0xa6: {  	s26 =	simm.s32 $execute0_lowered;
	[smem:$0x3FD2] =	sst s25  }
0xa7: {  	s6 =	sshll.u32 s26, $0x1;
	_ =	strace $0x80000046;
	[dreg:$0x1] =	wrdreg $0xFFFFFFFF  }
0xa8: {  	s28 =	simm.s32 $_size_execute0_lowered;
	s4 =	sadd.s32 s4, s6;
	[dreg:$0x0] =	wrdreg $0x0  }
0xa9: {  	s6 =	sshll.u32 s28, $0x1;
	[dreg:$0x2] =	wrdreg s4  }
0xaa: {  	[dreg:$0x3] =	wrdreg s6  }
0xab: {  	[dreg:$0x4] =	wrdreg $0xC0  }
0xac: {  	_ =	task [dreg:s8], $0x5FFFF  }
0xad: {  	[dreg:$0x1] =	wrdreg $0xFFFFFFFF  }
0xae: {  	[dreg:$0x0] =	wrdreg $0x60  }
0xaf: {  	[dreg:$0x2] =	wrdreg s24  }
0xb0: {  	[dreg:$0x3] =	wrdreg s2  }
0xb1: {  	[dreg:$0x4] =	wrdreg s18  }
0xb2: {  	[dreg:$0x5] =	wrdreg $0x9  }
0xb3: {  	_ =	task.clear_ibuf [dreg:s8], $0x6FFFF;
	_ =	strace $0x90000046  }
0xb4: {  	s29 =	simm.s32 $0x9;
	_ =	strace $0x80000048  }
0xb5: {  	_ =	swait.ge [sflag:s29], $0x1  }
0xb6: {  	[sflag:s29] =	ssyncadd.s32 $0xFFFFFFFF  }
0xb7: {  	_ =	strace $0x90000048  }
0xb8: {  	_ =	sfence  }
0xb9: {  	s30 =	sld [smem:$0x0];
	_ =	sdelay $0x2  }
0xba: {  	s31 =	sshll.u32 s1, $0xD;
	s1 =	sshrl.u32 s1, $0x2  }
0xbb: {  	s3 =	sand.u32 $0x4000, s31;
	s1 =	sadd.s32 s1, s30  }
0xbc: {  	s0 =	sor.u32 s3, s0;
	s1 =	sshll.u32 s1, $0x11  }
0xbd: {  	s0 =	sor.u32 s1, s0  }
0xbe: {  	s0 =	sadd.s32 $0x8F2B, s0  }
0xbf: {  	[sflag:s0] =	ssyncadd.remote.s32 $0x1  }
0xc0: {  	_ =	sfence.sel $0xFFFF  }
0xc1: {  	[dreg:$0x0] =	wrdreg $0xFFFFFFFF;
	(pc) =	sbr.abs _section_cstart, $3  }
0xc2: {  	[dreg:$0x1] =	wrdreg $0xFFFFFFFF  }
0xc3: {  	_ =	task.clear_ibuf [dreg:s8], $0x2FFFF;
	_ =	strace $0x9FFFFFFF  }
0xc4: {  	(tm) =	ssettm $0x7FFFFFFF  }
0xc5: {  	_ =	shalt  }
tec
execute0_lowered:
.L_overlay_start_1:
0x0: {  	(tag) =	ssettag $0x1  }
0x1: {  	s0 =	rddreg [dreg:$0x0]  }
0x2: {  	s1 =	rddreg [dreg:$0x1]  }
0x3: {  	s4 =	rddreg [dreg:$0x2];
	s2 =	simm.s32 $0x0;
	s3 =	srdreg.scid  }
0x4: {  	s6 =	stileid.u32;
	s13 =	simm.s32 $0x3;
	s18 =	simm.s32 $0x10  }
0x5: {  	s21 =	simm.s32 $0x40;
	s28 =	simm.s32 $0xC540;
	s29 =	simm.s32 $0xD540  }
0x6: {  	s30 =	simm.s32 $0xE540;
	s31 =	simm.s32 $0xF540;
	s11 =	simm.s32 $0x18540  }
0x7: {  	s17 =	simm.s32 $0x19540;
	s19 =	simm.s32 $0x1;
	s20 =	simm.s32 $0x2  }
0x8: {  	[smem:$0x7FF] =	sst s2;
	s5 =	sand.u32 $0x1, s3;
	s6 =	sshll.u32 s6, $0x1  }
0x9: {  	s3 =	sadd.s32 $0xF42400, s0;
	s7 =	sadd.s32 $0x14000, s0;
	s9 =	sadd.s32 $0x14200, s0  }
0xa: {  	_ =	strace $0x80000047;
	[dreg:$0x4] =	wrdreg s7;
	s23 =	sor.u32 s5, s6  }
0xb: {  	s5 =	ssub.s32 $0x2, s5;
	[dreg:$0x5] =	wrdreg s9;
	s6 =	sshll.u32 s23, $0x1  }
0xc: {  	s8 =	smul.u32 $0x500, s23;
	s24 =	sshrl.u32 s5, $0x1;
	s25 =	sshll.u32 s23, $0x6  }
0xd: {  	p0 =	sne.s32 s23, $0x0;
	s23 =	simm.s32 $0x0;
	s10 =	sadd.s32 s6, s0  }
0xe: {  	s5 =	ssub.s32 s5, s24;
	s1 =	sadd.s32 s1, s25;
	s26 =	sadd.s32 s4, s25  }
.Ltmp0:
0xf: {  	s24 =	simm.s32 $0x5940;
	[dreg:$0x6] =	wrdreg s1;
	(pc) =	sbr.rel .LBB2_1-.Ltmp0, $4  }
0x10: {  	s25 =	simm.s32 $0x6140;
	s6 =	sadd.s32 s0, s8;
	[dreg:$0x7] =	wrdreg s26  }
0x11: {  	s10 =	sadd.s32 $0x14400, s10;
	s0 =	sadd.s32 $0x14440, s0;
	s12 =	smax.u32 s5, $0x1  }
0x12: {  	s26 =	simm.s32 $0xB540;
	s1 =	simm.s32 $0x16540;
	s5 =	simm.s32 $0x17540  }
0x13: {  	s9 =	sadd.s32 $0xA000, s6;
	[dreg:$0x8] =	wrdreg s0;
	s0 =	simm.s32 $0x15540  }
.LBB2_11:
0x14: {  	s23 =	sadd.s32 $0x1, s23  }
0x15: {  	p1 =	sne.s32 s23, s12  }
.Ltmp1:
0x16: {  	_ = 	snop;
	(pc) =	sbr.rel @!p1 .LBB2_12-.Ltmp1, $1  }
0x17: {  	_ =	sdelay $0x3  }
.LBB2_1:
0x18: {  	s4 =	rddreg [dreg:$0x6]  }
0x19: {  	[tilespmem:s2], [sflag:$0x3] =	stream.linear.gather [hbm4b:s4+s2], $0x200, $0x38;
	[tilespmem:$0x1B550] =	vst v63  }
0x1a: {  	_ =	swait.ge [sflag:s13], $0x200  }
0x1b: {  	[sflag:s13] =	ssyncset.done $0x0  }
0x1c: {  	s7 =	simm.s32 $0x200;
	s16 =	rddreg [dreg:$0x7];
	[sflag:s13] =	ssyncadd.s32 $0xFFFFFE00  }
0x1d: {  	[tilespmem:s7], [sflag:$0x3] =	stream.linear.gather [hbm4b:s16+s2], $0x200, $0x38;
	[tilespmem:$0x1B550] =	vst v63  }
0x1e: {  	_ =	swait.ge [sflag:s13], $0x200  }
0x1f: {  	[sflag:s13] =	ssyncset.done $0x0  }
0x20: {  	s8 =	simm.s32 $0x400;
	[sflag:s13] =	ssyncadd.s32 $0xFFFFFE00  }
0x21: {  	[tilespmem:s8], [sflag:$0x3] =	stream.linear.gather [hbm4b:s6+s2], $0x2800, $0x38;
	[tilespmem:$0x1B550] =	vst v63  }
0x22: {  	_ =	swait.ge [sflag:s13], $0x2800  }
0x23: {  	[sflag:s13] =	ssyncset.done $0x0  }
0x24: {  	s14 =	simm.s32 $0x2C00;
	[sflag:s13] =	ssyncadd.s32 $0xFFFFD800  }
0x25: {  	[tilespmem:s14], [sflag:$0x3] =	stream.linear.gather [hbm4b:s9+s2], $0x2800, $0x38;
	[tilespmem:$0x1B550] =	vst v63  }
0x26: {  	_ =	swait.ge [sflag:s13], $0x2800  }
0x27: {  	[sflag:s13] =	ssyncset.done $0x0  }
0x28: {  	s15 =	simm.s32 $0x5400;
	s22 =	rddreg [dreg:$0x4];
	[sflag:s13] =	ssyncadd.s32 $0xFFFFD800  }
0x29: {  	[tilespmem:s15], [sflag:$0x3] =	stream.linear.gather [hbm4b:s22+s2], $0x140, $0x38;
	[tilespmem:$0x1B550] =	vst v63  }
0x2a: {  	_ =	swait.ge [sflag:s13], $0x140  }
0x2b: {  	[sflag:s13] =	ssyncset.done $0x0  }
0x2c: {  	s16 =	simm.s32 $0x5540;
	[sflag:s13] =	ssyncadd.s32 $0xFFFFFEC0  }
0x2d: {  	[tilespmem:s16], [sflag:$0x1] =	stream.indirect.gather [hbm4b:s3+s18], $0x40, s2, s18, $0xb8;
	[tilespmem:$0x1B550] =	vst v63  }
0x2e: {  	s22 =	simm.s32 $0x5D40  }
0x2f: {  	[tilespmem:s22], [sflag:$0x1] =	stream.indirect.gather [hbm4b:s3+s18], $0x40, s7, s18, $0xb8;
	[tilespmem:$0x1B550] =	vst v63  }
0x30: {  	s15 =	simm.s32 $0x6540  }
0x31: {  	[tilespmem:s15], [sflag:$0x1] =	stream.indirect.gather [hbm4b:s3+s21], $0x40, s8, s21, $0xb8;
	[tilespmem:$0x1B550] =	vst v63  }
0x32: {  	s16 =	simm.s32 $0x440;
	s22 =	simm.s32 $0x7540  }
0x33: {  	[tilespmem:s22], [sflag:$0x1] =	stream.indirect.gather [hbm4b:s3+s21], $0x40, s16, s21, $0xb8;
	[tilespmem:$0x1B550] =	vst v63  }
0x34: {  	s8 =	simm.s32 $0x480;
	s15 =	simm.s32 $0x8540  }
0x35: {  	[tilespmem:s15], [sflag:$0x1] =	stream.indirect.gather [hbm4b:s3+s21], $0x40, s8, s21, $0xb8;
	[tilespmem:$0x1B550] =	vst v63  }
0x36: {  	s16 =	simm.s32 $0x4C0;
	s22 =	simm.s32 $0x9540  }
0x37: {  	[tilespmem:s22], [sflag:$0x1] =	stream.indirect.gather [hbm4b:s3+s21], $0x40, s16, s21, $0xb8;
	[tilespmem:$0x1B550] =	vst v63  }
0x38: {  	s7 =	simm.s32 $0x500;
	s8 =	simm.s32 $0xA540  }
0x39: {  	[tilespmem:s8], [sflag:$0x1] =	stream.indirect.gather [hbm4b:s3+s21], $0x40, s7, s21, $0xb8;
	[tilespmem:$0x1B550] =	vst v63  }
0x3a: {  	s15 =	simm.s32 $0x10540  }
0x3b: {  	[tilespmem:s15], [sflag:$0x1] =	stream.indirect.gather [hbm4b:s3+s21], $0x40, s14, s21, $0xb8;
	[tilespmem:$0x1B550] =	vst v63  }
0x3c: {  	s16 =	simm.s32 $0x2C40;
	s22 =	simm.s32 $0x11540  }
0x3d: {  	[tilespmem:s22], [sflag:$0x1] =	stream.indirect.gather [hbm4b:s3+s21], $0x40, s16, s21, $0xb8;
	[tilespmem:$0x1B550] =	vst v63  }
0x3e: {  	s7 =	simm.s32 $0x2C80;
	s8 =	simm.s32 $0x12540  }
0x3f: {  	[tilespmem:s8], [sflag:$0x1] =	stream.indirect.gather [hbm4b:s3+s21], $0x40, s7, s21, $0xb8;
	[tilespmem:$0x1B550] =	vst v63  }
0x40: {  	s14 =	simm.s32 $0x2CC0;
	s15 =	simm.s32 $0x13540  }
0x41: {  	[tilespmem:s15], [sflag:$0x1] =	stream.indirect.gather [hbm4b:s3+s21], $0x40, s14, s21, $0xb8;
	[tilespmem:$0x1B550] =	vst v63  }
0x42: {  	s16 =	simm.s32 $0x2D00;
	s22 =	simm.s32 $0x14540  }
0x43: {  	[tilespmem:s22], [sflag:$0x1] =	stream.indirect.gather [hbm4b:s3+s21], $0x40, s16, s21, $0xb8;
	[tilespmem:$0x1B550] =	vst v63  }
0x44: {  	v0 =	vimm.f32 $0.0e+00;
	s22 =	simm.s32 $0x0  }
.LBB2_2:
0x45: {  	s4 =	sshllo.u32 s22, $0x1  }
0x46: {  	s7 =	sshll.u32 s4, $0x4  }
0x47: {  	[tilespmem:s24], [sflag:$0x2] =	stream.indirect.gather [hbm4b:s3+s18], $0x40, s7, s18, $0xb8;
	[tilespmem:$0x1B550] =	vst v63  }
0x48: {  	s4 =	smul.u32 $0x140, s4;
	s7 =	sadd.s32 $0x200, s7  }
0x49: {  	[tilespmem:s25], [sflag:$0x2] =	stream.indirect.gather [hbm4b:s3+s18], $0x40, s7, s18, $0xb8;
	[tilespmem:$0x1B550] =	vst v63  }
0x4a: {  	s16 =	sadd.s32 $0x400, s4  }
0x4b: {  	[tilespmem:s26], [sflag:$0x2] =	stream.indirect.gather [hbm4b:s3+s21], $0x40, s16, s21, $0xb8;
	[tilespmem:$0x1B550] =	vst v63  }
0x4c: {  	s8 =	sadd.s32 $0x440, s4  }
0x4d: {  	[tilespmem:s28], [sflag:$0x2] =	stream.indirect.gather [hbm4b:s3+s21], $0x40, s8, s21, $0xb8;
	[tilespmem:$0x1B550] =	vst v63  }
0x4e: {  	s14 =	sadd.s32 $0x480, s4  }
0x4f: {  	[tilespmem:s29], [sflag:$0x2] =	stream.indirect.gather [hbm4b:s3+s21], $0x40, s14, s21, $0xb8;
	[tilespmem:$0x1B550] =	vst v63  }
0x50: {  	s15 =	sadd.s32 $0x4C0, s4  }
0x51: {  	[tilespmem:s30], [sflag:$0x2] =	stream.indirect.gather [hbm4b:s3+s21], $0x40, s15, s21, $0xb8;
	[tilespmem:$0x1B550] =	vst v63  }
0x52: {  	s16 =	sadd.s32 $0x500, s4  }
0x53: {  	[tilespmem:s31], [sflag:$0x2] =	stream.indirect.gather [hbm4b:s3+s21], $0x40, s16, s21, $0xb8;
	[tilespmem:$0x1B550] =	vst v63  }
0x54: {  	s8 =	sadd.s32 $0x2C00, s4  }
0x55: {  	[tilespmem:s0], [sflag:$0x2] =	stream.indirect.gather [hbm4b:s3+s21], $0x40, s8, s21, $0xb8;
	[tilespmem:$0x1B550] =	vst v63  }
0x56: {  	s14 =	sadd.s32 $0x2C40, s4  }
0x57: {  	[tilespmem:s1], [sflag:$0x2] =	stream.indirect.gather [hbm4b:s3+s21], $0x40, s14, s21, $0xb8;
	[tilespmem:$0x1B550] =	vst v63  }
0x58: {  	s15 =	sadd.s32 $0x2C80, s4  }
0x59: {  	[tilespmem:s5], [sflag:$0x2] =	stream.indirect.gather [hbm4b:s3+s21], $0x40, s15, s21, $0xb8;
	[tilespmem:$0x1B550] =	vst v63  }
0x5a: {  	s16 =	sadd.s32 $0x2CC0, s4  }
0x5b: {  	[tilespmem:s11], [sflag:$0x2] =	stream.indirect.gather [hbm4b:s3+s21], $0x40, s16, s21, $0xb8;
	[tilespmem:$0x1B550] =	vst v63  }
0x5c: {  	[tilespmem:$0x1FA80] =	vst v0;
	s4 =	sadd.s32 $0x2D00, s4  }
0x5d: {  	[tilespmem:s17], [sflag:$0x2] =	stream.indirect.gather [hbm4b:s3+s21], $0x40, s4, s21, $0xb8;
	[tilespmem:$0x1B550] =	vst v63  }
0x5e: {  	_ =	swait.ge [sflag:s19], $0x400  }
0x5f: {  	[sflag:s19] =	ssyncset.done $0x0  }
0x60: {  	[sflag:s19] =	ssyncadd.s32 $0xFFFFFC00  }
0x61: {  	_ =	swait.ge [sflag:s19], $0x400  }
0x62: {  	[sflag:s19] =	ssyncset.done $0x0  }
0x63: {  	[sflag:s19] =	ssyncadd.s32 $0xFFFFFC00  }
0x64: {  	_ =	swait.ge [sflag:s19], $0x1000  }
0x65: {  	[sflag:s19] =	ssyncset.done $0x0  }
0x66: {  	[sflag:s19] =	ssyncadd.s32 $0xFFFFF000  }
0x67: {  	_ =	swait.ge [sflag:s19], $0x1000  }
0x68: {  	[sflag:s19] =	ssyncset.done $0x0  }
0x69: {  	[sflag:s19] =	ssyncadd.s32 $0xFFFFF000  }
0x6a: {  	_ =	swait.ge [sflag:s19], $0x1000  }
0x6b: {  	[sflag:s19] =	ssyncset.done $0x0  }
0x6c: {  	[sflag:s19] =	ssyncadd.s32 $0xFFFFF000  }
0x6d: {  	_ =	swait.ge [sflag:s19], $0x1000  }
0x6e: {  	[sflag:s19] =	ssyncset.done $0x0  }
0x6f: {  	[sflag:s19] =	ssyncadd.s32 $0xFFFFF000  }
0x70: {  	_ =	swait.ge [sflag:s19], $0x1000  }
0x71: {  	[sflag:s19] =	ssyncset.done $0x0  }
0x72: {  	[sflag:s19] =	ssyncadd.s32 $0xFFFFF000  }
0x73: {  	_ =	swait.ge [sflag:s19], $0x1000  }
0x74: {  	[sflag:s19] =	ssyncset.done $0x0  }
0x75: {  	[sflag:s19] =	ssyncadd.s32 $0xFFFFF000  }
0x76: {  	_ =	swait.ge [sflag:s19], $0x1000  }
0x77: {  	[sflag:s19] =	ssyncset.done $0x0  }
0x78: {  	[sflag:s19] =	ssyncadd.s32 $0xFFFFF000  }
0x79: {  	_ =	swait.ge [sflag:s19], $0x1000  }
0x7a: {  	[sflag:s19] =	ssyncset.done $0x0  }
0x7b: {  	[sflag:s19] =	ssyncadd.s32 $0xFFFFF000  }
0x7c: {  	_ =	swait.ge [sflag:s19], $0x1000  }
0x7d: {  	[sflag:s19] =	ssyncset.done $0x0  }
0x7e: {  	[sflag:s19] =	ssyncadd.s32 $0xFFFFF000  }
0x7f: {  	_ =	swait.ge [sflag:s19], $0x1000  }
0x80: {  	[sflag:s19] =	ssyncset.done $0x0  }
0x81: {  	s16 =	simm.s32 $0x0;
	[sflag:s19] =	ssyncadd.s32 $0xFFFFF000  }
0x82: {  	v1 =	vld [tilespmem:s16+$0x5550];
	_ =	sdelay $0x4  }
0x83: {  	[tilespmem:$0x1FD80] =	vst v1;
	v1 =	vld [tilespmem:s16+$0x5540];
	_ =	sdelay $0x3  }
0x84: {  	s15 =	simm.s32 $0x67C0  }
0x85: {  	[tilespmem:$0x1FED0] =	vst v1;
	v1 =	vld [tilespmem:s15+$0x190];
	_ =	sdelay $0x3  }
0x86: {  	s14 =	simm.s32 $0x107C0  }
0x87: {  	[tilespmem:$0x1FD50] =	vst v1;
	v1 =	vld [tilespmem:s14+$0x30];
	_ =	sdelay $0x4  }
0x88: {  	[tilespmem:$0x1FD70] =	vst v1;
	v1 =	vld [tilespmem:s15+$0x70];
	_ =	sdelay $0x4  }
0x89: {  	[tilespmem:$0x1FDA0] =	vst v1;
	v1 =	vld [tilespmem:s14+$0xA0];
	_ =	sdelay $0x4  }
0x8a: {  	[tilespmem:$0x1FDB0] =	vst v1;
	v1 =	vld [tilespmem:s15+$0xE0];
	_ =	sdelay $0x4  }
0x8b: {  	[tilespmem:$0x1FDE0] =	vst v1;
	v1 =	vld [tilespmem:s14+$0xFFFFFFF0];
	_ =	sdelay $0x4  }
0x8c: {  	[tilespmem:$0x1FE00] =	vst v1;
	v1 =	vld [tilespmem:s15+$0x30];
	_ =	sdelay $0x4  }
0x8d: {  	[tilespmem:$0x1FE10] =	vst v1;
	v1 =	vld [tilespmem:s14+$0x60];
	_ =	sdelay $0x4  }
0x8e: {  	[tilespmem:$0x1FE30] =	vst v1;
	v1 =	vld [tilespmem:s15+$0xA0];
	_ =	sdelay $0x4  }
0x8f: {  	[tilespmem:$0x1FE50] =	vst v1;
	v1 =	vld [tilespmem:s14+$0xFFFFFFB0];
	_ =	sdelay $0x4  }
0x90: {  	[tilespmem:$0x1FE70] =	vst v1;
	v1 =	vld [tilespmem:s15+$0xFFFFFFF0];
	_ =	sdelay $0x4  }
0x91: {  	[tilespmem:$0x1FE90] =	vst v1;
	v1 =	vld [tilespmem:s14+$0x20];
	_ =	sdelay $0x4  }
0x92: {  	[tilespmem:$0x1FEB0] =	vst v1;
	v1 =	vld [tilespmem:s15+$0x60];
	_ =	sdelay $0x4  }
0x93: {  	[tilespmem:$0x1FEF0] =	vst v1;
	v1 =	vld [tilespmem:s14+$0xFFFFFF70];
	_ =	sdelay $0x4  }
0x94: {  	[tilespmem:$0x1FF10] =	vst v1;
	v1 =	vld [tilespmem:s15+$0xFFFFFFB0];
	_ =	sdelay $0x4  }
0x95: {  	[tilespmem:$0x1FF20] =	vst v1;
	v1 =	vld [tilespmem:s14+$0xFFFFFFE0]  }
0x96: {  	v38 =	vld [tilespmem:$0x5400]  }
0x97: {  	v0 =	vld [tilespmem:$0x5410]  }
0x98: {  	v13 =	vld [tilespmem:$0x54E0]  }
0x99: {  	v17 =	vld [tilespmem:$0x54F0]  }
0x9a: {  	[tilespmem:$0x1FF30] =	vst v1;
	v1 =	vld [tilespmem:s15+$0x20]  }
0x9b: {  	v15 =	vld [tilespmem:$0x5500]  }
0x9c: {  	v14 =	vld [tilespmem:$0x5510]  }
0x9d: {  	v12 =	vld [tilespmem:$0x5520]  }
0x9e: {  	v9 =	vld [tilespmem:$0x5530]  }
0x9f: {  	[tilespmem:$0x1FF50] =	vst v1;
	v1 =	vld [tilespmem:s14+$0xFFFFFF30]  }
0xa0: {  	v47 =	vld [tilespmem:s14+$0x230]  }
0xa1: {  	v53 =	vld [tilespmem:s15+$0x270]  }
0xa2: {  	v54 =	vld [tilespmem:s14+$0x1F0]  }
0xa3: {  	v55 =	vld [tilespmem:s15+$0x230]  }
0xa4: {  	[tilespmem:$0x1FEA0] =	vst v1;
	v1 =	vld [tilespmem:s15+$0xFFFFFF70]  }
0xa5: {  	v57 =	vld [tilespmem:s14+$0x1B0]  }
0xa6: {  	v58 =	vld [tilespmem:s15+$0x1F0]  }
0xa7: {  	v59 =	vld [tilespmem:s14+$0x220]  }
0xa8: {  	v60 =	vld [tilespmem:s15+$0x260]  }
0xa9: {  	v21 =	vmul.f32 v47, v12;
	[tilespmem:$0x1FF70] =	vst v1;
	v1 =	vld [tilespmem:s14+$0xFFFFFFA0]  }
0xaa: {  	v61 =	vld [tilespmem:s16+$0x5D60]  }
0xab: {  	v62 =	vld [tilespmem:s14+$0x170];
	[tilespmem:$0x1FA90] =	vst v21;
	v21 =	vmul.f32 v53, v9  }
0xac: {  	v63 =	vld [tilespmem:s15+$0x1B0]  }
0xad: {  	v22 =	vld [tilespmem:s15+$0x220];
	[tilespmem:$0x1FAA0] =	vst v21  }
0xae: {  	v21 =	vmul.f32 v54, v14;
	[tilespmem:$0x1FF80] =	vst v1;
	v1 =	vld [tilespmem:s15+$0xFFFFFFE0]  }
0xaf: {  	v16 =	vld [tilespmem:s14+$0x130]  }
0xb0: {  	v24 =	vld [tilespmem:s14+$0x1A0];
	[tilespmem:$0x1FAB0] =	vst v21;
	v21 =	vmul.f32 v55, v12  }
0xb1: {  	v2 =	vld [tilespmem:s14+$0xFFFFFDF0]  }
0xb2: {  	v11 =	vld [tilespmem:s15+$0xFFFFFDB0];
	[tilespmem:$0x1FAC0] =	vst v21  }
0xb3: {  	v21 =	vmul.f32 v57, v15;
	[tilespmem:$0x1FFA0] =	vst v1;
	v1 =	vld [tilespmem:s14+$0xFFFFFDB0]  }
0xb4: {  	v8 =	vld [tilespmem:s15+$0xFFFFFDF0];
	v16 =	vmul.f32 v16, v13  }
0xb5: {  	v47 =	vld [tilespmem:s14+$0xFFFFFDE0];
	[tilespmem:$0x1FAD0] =	vst v21;
	v21 =	vmul.f32 v58, v14  }
0xb6: {  	[tilespmem:$0x1FB40] =	vst v16;
	v16 =	vmul.f32 v22, v12;
	v22 =	vld [tilespmem:s14+$0xFFFFFDC0]  }
0xb7: {  	v54 =	vld [tilespmem:s15+$0xFFFFFDE0];
	[tilespmem:$0x1FAE0] =	vst v21;
	v21 =	vmul.f32 v59, v12  }
0xb8: {  	v2 =	vmul.f32 v2, v0;
	[tilespmem:$0x1FB50] =	vst v16;
	v16 =	vld [tilespmem:s15+$0xFFFFFDD0];
	v1 =	vmul.f32 v1, v38  }
0xb9: {  	[tilespmem:$0x1FAF0] =	vst v21;
	v21 =	vmul.f32 v60, v9;
	v60 =	vmul.f32 $5.000000000e-01, v61;
	v61 =	vld [tilespmem:s14+$0xFFFFFDD0]  }
0xba: {  	v1 =	vadd.f32 v2, v1;
	v2 =	vmul.f32 v11, v38;
	v11 =	vld [tilespmem:s15+$0xFFFFFDC0]  }
0xbb: {  	v19 =	vld [tilespmem:$0x54D0];
	v8 =	vmul.f32 v8, v0;
	v47 =	vmul.f32 v47, v0  }
0xbc: {  	v30 =	vld [tilespmem:s14+$0xF0];
	v22 =	vmul.f32 v22, v0;
	[tilespmem:$0x1FB00] =	vst v21;
	v21 =	vmul.f32 v62, v17  }
0xbd: {  	v16 =	vmul.f32 v16, v0;
	v59 =	vmul.f32 v54, v0  }
0xbe: {  	v31 =	vld [tilespmem:s15+$0x130];
	[tilespmem:$0x1FB10] =	vst v21;
	v21 =	vmul.f32 v63, v15;
	v63 =	vmul.f32 v61, v0  }
0xbf: {  	[tilespmem:$0x1FBA0] =	vst v0;
	v11 =	vmul.f32 v11, v0;
	v0 =	vmul.f32 v24, v15  }
0xc0: {  	v32 =	vld [tilespmem:s14+$0x160]  }
0xc1: {  	[tilespmem:$0x1FBB0] =	vst v0;
	v0 =	vmul.f32 v30, v19  }
0xc2: {  	v52 =	vld [tilespmem:s15+$0x1A0]  }
0xc3: {  	[tilespmem:$0x1FC10] =	vst v0;
	v0 =	vmul.f32 v31, v13  }
0xc4: {  	v50 =	vld [tilespmem:s14+$0x1D0]  }
0xc5: {  	[tilespmem:$0x1FC20] =	vst v0;
	v0 =	vmul.f32 v32, v17  }
0xc6: {  	v49 =	vld [tilespmem:s15+$0xF0]  }
0xc7: {  	[tilespmem:$0x1FC30] =	vst v0;
	v0 =	vmul.f32 v52, v15  }
0xc8: {  	v33 =	vld [tilespmem:s14+$0x120]  }
0xc9: {  	[tilespmem:$0x1FC50] =	vst v0;
	v0 =	vmul.f32 v50, v14  }
0xca: {  	v46 =	vld [tilespmem:s15+$0x160]  }
0xcb: {  	[tilespmem:$0x1FC60] =	vst v0;
	v0 =	vmul.f32 v49, v19  }
0xcc: {  	v45 =	vld [tilespmem:s14+$0x190]  }
0xcd: {  	[tilespmem:$0x1FC70] =	vst v0;
	v0 =	vmul.f32 v33, v13  }
0xce: {  	v34 =	vld [tilespmem:s15+$0x1D0]  }
0xcf: {  	v23 =	vld [tilespmem:$0x54C0];
	[tilespmem:$0x1FC80] =	vst v0;
	v0 =	vmul.f32 v46, v17  }
0xd0: {  	v41 =	vld [tilespmem:s15+$0xB0]  }
0xd1: {  	[tilespmem:$0x1FC90] =	vst v0;
	v0 =	vmul.f32 v45, v15  }
0xd2: {  	v40 =	vld [tilespmem:s14+$0xE0]  }
0xd3: {  	[tilespmem:$0x1FCA0] =	vst v0;
	v0 =	vmul.f32 v34, v14  }
0xd4: {  	v39 =	vld [tilespmem:s15+$0x120]  }
0xd5: {  	[tilespmem:$0x1FCC0] =	vst v0;
	v0 =	vmul.f32 v41, v23  }
0xd6: {  	v37 =	vld [tilespmem:s14+$0x150]  }
0xd7: {  	[tilespmem:$0x1FCE0] =	vst v0;
	v0 =	vmul.f32 v40, v19;
	_ =	sdelay $0x1  }
0xd8: {  	[tilespmem:$0x1FCF0] =	vst v0;
	v0 =	vmul.f32 v39, v13;
	_ =	sdelay $0x1  }
0xd9: {  	[tilespmem:$0x1FD10] =	vst v0;
	v0 =	vmul.f32 v37, v17;
	_ =	sdelay $0x1  }
0xda: {  	[tilespmem:$0x1FD30] =	vst v0;
	v0 =	vld [tilespmem:$0x1FD50];
	_ =	sdelay $0x4  }
0xdb: {  	v43 =	vld [tilespmem:$0x54A0];
	v0 =	vmul.f32 v0, v15  }
0xdc: {  	v53 =	vld [tilespmem:s15+$0xFFFFFDA0]  }
0xdd: {  	[tilespmem:$0x1FD60] =	vst v0;
	v0 =	vld [tilespmem:$0x1FD70];
	_ =	sdelay $0x3  }
0xde: {  	v36 =	vld [tilespmem:$0x54B0]  }
0xdf: {  	v2 =	vadd.f32 v8, v2;
	v8 =	vmul.f32 v53, v38;
	v53 =	vmul.f32 v0, v43;
	v0 =	vld [tilespmem:$0x1FDA0];
	_ =	sdelay $0x4  }
0xe0: {  	v54 =	vmul.f32 v0, v36;
	v0 =	vld [tilespmem:$0x1FDB0];
	_ =	sdelay $0x4  }
0xe1: {  	v0 =	vmul.f32 v0, v23;
	_ =	sdelay $0x1  }
0xe2: {  	[tilespmem:$0x1FDC0] =	vst v0;
	v0 =	vld [tilespmem:$0x1FDE0];
	_ =	sdelay $0x2  }
0xe3: {  	v20 =	vld [tilespmem:s15+$0x170];
	_ =	sdelay $0x1  }
0xe4: {  	v44 =	vld [tilespmem:$0x5490];
	v0 =	vmul.f32 v0, v19  }
0xe5: {  	v56 =	vld [tilespmem:s16+$0x5560]  }
0xe6: {  	[tilespmem:$0x1FDF0] =	vst v0;
	v0 =	vld [tilespmem:$0x1FE00]  }
0xe7: {  	v20 =	vmul.f32 v20, v17  }
0xe8: {  	v5 =	vld [tilespmem:s14+$0xFFFFFDA0]  }
0xe9: {  	[tilespmem:$0x1FB60] =	vst v20;
	v55 =	vld [tilespmem:s14+$0xFFFFFD90]  }
0xea: {  	v20 =	vld [tilespmem:s14+$0xFFFFFD80];
	[tilespmem:$0x1FB20] =	vst v21;
	v21 =	vmul.f32 $5.000000000e-01, v56  }
0xeb: {  	[tilespmem:$0x1FDD0] =	vst v19;
	v19 =	vmul.f32 v0, v44;
	v0 =	vld [tilespmem:$0x1FE10]  }
0xec: {  	[tilespmem:$0x1FB70] =	vst v21;
	v21 =	vsub.f32 v60, v56;
	v56 =	vld [tilespmem:s15+$0xFFFFFD80]  }
0xed: {  	v3 =	vld [tilespmem:$0x5420]  }
0xee: {  	v62 =	vmul.f32 v55, v38;
	v60 =	vld [tilespmem:s14+$0xFFFFFE20]  }
0xef: {  	v20 =	vmul.f32 v20, v38  }
0xf0: {  	v55 =	vadd.f32 v63, v62;
	v62 =	vld [tilespmem:s14+$0xFFFFFE10];
	v0 =	vmul.f32 v0, v43  }
0xf1: {  	v5 =	vmul.f32 v5, v38;
	v20 =	vadd.f32 v22, v20;
	v22 =	vmul.f32 v56, v38  }
0xf2: {  	[tilespmem:$0x1FE20] =	vst v0;
	v0 =	vld [tilespmem:$0x1FE30]  }
0xf3: {  	v5 =	vadd.f32 v47, v5;
	v11 =	vadd.f32 v11, v22;
	v22 =	vmul.f32 v60, v3  }
0xf4: {  	v4 =	vld [tilespmem:$0x5430]  }
0xf5: {  	v6 =	vld [tilespmem:$0x5440];
	v5 =	vadd.f32 v22, v5;
	v22 =	vmul.f32 v62, v3  }
0xf6: {  	v7 =	vld [tilespmem:$0x5450]  }
0xf7: {  	v22 =	vadd.f32 v22, v55;
	v55 =	vmul.f32 v0, v36;
	v0 =	vld [tilespmem:$0x1FE50]  }
0xf8: {  	v18 =	vld [tilespmem:s14+$0x1E0]  }
0xf9: {  	v10 =	vld [tilespmem:$0x5460]  }
0xfa: {  	v26 =	vld [tilespmem:$0x5470]  }
0xfb: {  	v48 =	vld [tilespmem:$0x5480]  }
0xfc: {  	v25 =	vld [tilespmem:s15+$0x1E0];
	v0 =	vmul.f32 v0, v23  }
0xfd: {  	v27 =	vld [tilespmem:s14+$0x210];
	v18 =	vmul.f32 v18, v14  }
0xfe: {  	[tilespmem:$0x1FE60] =	vst v0;
	v0 =	vld [tilespmem:$0x1FE70]  }
0xff: {  	[tilespmem:$0x1FB30] =	vst v18;
	v18 =	vld [tilespmem:s15+$0xFFFFFD90]  }
0x100: {  	v28 =	vld [tilespmem:s15+$0x250]  }
0x101: {  	v57 =	vld [tilespmem:s14+$0xFFFFFE30]  }
0x102: {  	v61 =	vld [tilespmem:s15+$0xFFFFFE30]  }
0x103: {  	[tilespmem:$0x1FD20] =	vst v17;
	v17 =	vmul.f32 v0, v48;
	v0 =	vld [tilespmem:$0x1FE90]  }
0x104: {  	v29 =	vld [tilespmem:s16+$0x5D50];
	v18 =	vmul.f32 v18, v38  }
0x105: {  	v63 =	vld [tilespmem:s15+$0xFFFFFE20]  }
0x106: {  	v16 =	vadd.f32 v16, v18;
	v18 =	vmul.f32 v57, v3;
	[tilespmem:$0x1FB80] =	vst v21;
	v21 =	vmul.f32 v25, v14;
	v25 =	vld [tilespmem:s15+$0xFFFFFE10]  }
0x107: {  	[tilespmem:$0x1FBD0] =	vst v12;
	v24 =	vld [tilespmem:s14+$0xFFFFFE00]  }
0x108: {  	[tilespmem:$0x1FBC0] =	vst v21;
	v1 =	vadd.f32 v18, v1;
	v18 =	vmul.f32 v61, v3;
	v21 =	vmul.f32 v0, v44;
	v0 =	vld [tilespmem:$0x1FEA0]  }
0x109: {  	[tilespmem:$0x1FBF0] =	vst v9;
	v12 =	vmul.f32 v27, v12;
	v9 =	vmul.f32 v28, v9;
	v28 =	vld [tilespmem:s14+$0xFFFFFE70]  }
0x10a: {  	v27 =	vld [tilespmem:s15+$0xFFFFFE00];
	v8 =	vadd.f32 v59, v8;
	v2 =	vadd.f32 v18, v2;
	v18 =	vmul.f32 v63, v3  }
0x10b: {  	[tilespmem:$0x1FBE0] =	vst v12;
	v12 =	vmul.f32 $5.000000000e-01, v29;
	v29 =	vld [tilespmem:s14+$0xFFFFFE60]  }
0x10c: {  	v8 =	vadd.f32 v18, v8;
	v18 =	vmul.f32 v25, v3;
	v30 =	vld [tilespmem:s15+$0xFFFFFE70]  }
0x10d: {  	v24 =	vmul.f32 v24, v3;
	v49 =	vmul.f32 v0, v10;
	v0 =	vld [tilespmem:$0x1FEB0]  }
0x10e: {  	v25 =	vld [tilespmem:s14+$0xFFFFFE50];
	v16 =	vadd.f32 v18, v16;
	v18 =	vmul.f32 v28, v4  }
0x10f: {  	v28 =	vld [tilespmem:s14+$0xFFFFFE40];
	v20 =	vadd.f32 v24, v20;
	v24 =	vmul.f32 v27, v3  }
0x110: {  	v1 =	vadd.f32 v18, v1;
	v27 =	vld [tilespmem:s15+$0xFFFFFE60]  }
0x111: {  	v18 =	vmul.f32 v30, v4;
	v30 =	vld [tilespmem:s15+$0xFFFFFE40];
	v11 =	vadd.f32 v24, v11;
	v24 =	vmul.f32 v29, v4  }
0x112: {  	v29 =	vld [tilespmem:s15+$0xFFFFFE50];
	v0 =	vmul.f32 v0, v43  }
0x113: {  	v5 =	vadd.f32 v24, v5;
	v24 =	vmul.f32 v25, v4;
	v25 =	vld [tilespmem:s14+$0xFFFFFEB0]  }
0x114: {  	[tilespmem:$0x1FEC0] =	vst v0;
	v0 =	vld [tilespmem:$0x1FEF0]  }
0x115: {  	v2 =	vadd.f32 v18, v2;
	v18 =	vmul.f32 v27, v4;
	v27 =	vld [tilespmem:s14+$0xFFFFFEA0]  }
0x116: {  	v31 =	vld [tilespmem:s14+$0xFFFFFE80];
	v22 =	vadd.f32 v24, v22;
	v24 =	vmul.f32 v28, v4  }
0x117: {  	v28 =	vld [tilespmem:s15+$0xFFFFFEB0];
	v8 =	vadd.f32 v18, v8  }
0x118: {  	v18 =	vmul.f32 v29, v4;
	v29 =	vld [tilespmem:s14+$0xFFFFFE90];
	v20 =	vadd.f32 v24, v20;
	v24 =	vmul.f32 v30, v4  }
0x119: {  	v30 =	vld [tilespmem:s15+$0xFFFFFEA0];
	v0 =	vmul.f32 v0, v36  }
0x11a: {  	v25 =	vmul.f32 v25, v6;
	v11 =	vadd.f32 v24, v11;
	v24 =	vmul.f32 v27, v6;
	v27 =	vld [tilespmem:s15+$0xFFFFFE90]  }
0x11b: {  	[tilespmem:$0x1FF00] =	vst v0;
	v0 =	vld [tilespmem:$0x1FF10]  }
0x11c: {  	v1 =	vadd.f32 v25, v1;
	v25 =	vmul.f32 v28, v6;
	v28 =	vld [tilespmem:s15+$0xFFFFFE80]  }
0x11d: {  	v5 =	vadd.f32 v24, v5;
	v24 =	vmul.f32 v29, v6;
	v29 =	vld [tilespmem:s14+$0xFFFFFEF0]  }
0x11e: {  	v2 =	vadd.f32 v25, v2;
	v25 =	vmul.f32 v30, v6;
	v30 =	vld [tilespmem:s14+$0xFFFFFEE0]  }
0x11f: {  	v16 =	vadd.f32 v18, v16;
	v22 =	vadd.f32 v24, v22;
	v24 =	vmul.f32 v31, v6;
	v31 =	vld [tilespmem:s15+$0xFFFFFEF0]  }
0x120: {  	v8 =	vadd.f32 v25, v8;
	v25 =	vmul.f32 v27, v6;
	v62 =	vmul.f32 v0, v26;
	v0 =	vld [tilespmem:$0x1FF20]  }
0x121: {  	v20 =	vadd.f32 v24, v20;
	v24 =	vmul.f32 v28, v6;
	v28 =	vld [tilespmem:s15+$0xFFFFFEE0]  }
0x122: {  	v16 =	vadd.f32 v25, v16;
	v25 =	vmul.f32 v29, v7  }
0x123: {  	v11 =	vadd.f32 v24, v11;
	v24 =	vmul.f32 v30, v7;
	v30 =	vld [tilespmem:s15+$0xFFFFFED0]  }
0x124: {  	v1 =	vadd.f32 v25, v1;
	v25 =	vmul.f32 v31, v7  }
0x125: {  	v59 =	vmul.f32 v0, v48;
	v0 =	vld [tilespmem:$0x1FF30]  }
0x126: {  	v2 =	vadd.f32 v25, v2;
	v25 =	vmul.f32 v28, v7;
	_ =	sdelay $0x1  }
0x127: {  	v8 =	vadd.f32 v25, v8;
	v25 =	vmul.f32 v30, v7  }
0x128: {  	v51 =	vld [tilespmem:s14+$0xB0]  }
0x129: {  	v16 =	vadd.f32 v25, v16;
	v25 =	vmul.f32 v0, v44;
	v0 =	vld [tilespmem:$0x1FF50]  }
0x12a: {  	v35 =	vld [tilespmem:s16+$0x5D40]  }
0x12b: {  	v42 =	vld [tilespmem:s14+$0x70]  }
0x12c: {  	v50 =	vld [tilespmem:s14+$0xFFFFFF00]  }
0x12d: {  	v33 =	vld [tilespmem:$0x1FED0]  }
0x12e: {  	v27 =	vld [tilespmem:s14+$0xFFFFFED0];
	v0 =	vmul.f32 v0, v43  }
0x12f: {  	v29 =	vld [tilespmem:s14+$0xFFFFFEC0]  }
0x130: {  	[tilespmem:$0x1FF60] =	vst v0;
	v0 =	vld [tilespmem:$0x1FF70]  }
0x131: {  	v18 =	vmul.f32 $5.000000000e-01, v35;
	v35 =	vld [tilespmem:$0x1FD80]  }
0x132: {  	[tilespmem:$0x1FB90] =	vst v38;
	v31 =	vld [tilespmem:s15+$0xFFFFFEC0]  }
0x133: {  	[tilespmem:$0x1FC40] =	vst v3;
	v46 =	vld [tilespmem:s14+$0xFFFFFF10];
	v5 =	vadd.f32 v24, v5;
	v24 =	vmul.f32 v27, v7  }
0x134: {  	[tilespmem:$0x1FCB0] =	vst v14;
	v28 =	vld [tilespmem:s14+$0xFFFFFF20]  }
0x135: {  	[tilespmem:$0x1FCD0] =	vst v4;
	v22 =	vadd.f32 v24, v22;
	v24 =	vmul.f32 v29, v7;
	v63 =	vmul.f32 v0, v26;
	v0 =	vld [tilespmem:$0x1FF80]  }
0x136: {  	[tilespmem:$0x1FD00] =	vst v13;
	v27 =	vld [tilespmem:s15+$0xFFFFFF30]  }
0x137: {  	[tilespmem:$0x1FD40] =	vst v15;
	v29 =	vld [tilespmem:s14+$0xFFFFFF60];
	v20 =	vadd.f32 v24, v20;
	v24 =	vmul.f32 v31, v7  }
0x138: {  	[tilespmem:$0x1FD90] =	vst v6;
	v31 =	vld [tilespmem:s15+$0xFFFFFF20]  }
0x139: {  	[tilespmem:$0x1FE40] =	vst v23;
	v30 =	vadd.f32 v24, v11;
	v11 =	vmul.f32 v28, v10;
	v24 =	vld [tilespmem:s15+$0xFFFFFF10]  }
0x13a: {  	[tilespmem:$0x1FE80] =	vst v7;
	v60 =	vmul.f32 v0, v48;
	v0 =	vld [tilespmem:$0x1FFA0]  }
0x13b: {  	[tilespmem:$0x1FEE0] =	vst v36;
	v28 =	vld [tilespmem:s15+$0xFFFFFFA0];
	v39 =	vadd.f32 v11, v5;
	v5 =	vmul.f32 v46, v10  }
0x13c: {  	[tilespmem:$0x1FF40] =	vst v43;
	v11 =	vld [tilespmem:s15+$0xFFFFFF60];
	v37 =	vadd.f32 v49, v1;
	v1 =	vmul.f32 v27, v10  }
0x13d: {  	[tilespmem:$0x1FF90] =	vst v44;
	v40 =	vadd.f32 v5, v22;
	v22 =	vld [tilespmem:s14+$0xFFFFFF50]  }
0x13e: {  	v51 =	vmul.f32 v51, v23;
	[tilespmem:$0x1FFB0] =	vst v48;
	v41 =	vadd.f32 v1, v2;
	v1 =	vmul.f32 v31, v10;
	v31 =	vld [tilespmem:s15+$0xFFFFFF00]  }
0x13f: {  	[tilespmem:$0x1FFE0] =	vst v10;
	v52 =	vmul.f32 v42, v36;
	v45 =	vld [tilespmem:s15+$0xFFFFFF50];
	v56 =	vmul.f32 v0, v44;
	v0 =	vsub.f32 v12, v35  }
0x140: {  	[tilespmem:$0x1FFF0] =	vst v26;
	v46 =	vld [tilespmem:s14+$0xFFFFFF40];
	v2 =	vmul.f32 v50, v10;
	v42 =	vadd.f32 v1, v8;
	v1 =	vmul.f32 v24, v10  }
0x141: {  	v5 =	vld [tilespmem:s15+$0xFFFFFF40];
	v61 =	vmul.f32 v28, v48;
	v27 =	vmul.f32 v29, v26;
	[tilespmem:$0x1FFC0] =	vst v0;
	v0 =	vsub.f32 v18, v33  }
0x142: {  	[tilespmem:$0x1FC00] =	vst v9;
	v43 =	vadd.f32 v2, v20;
	v2 =	vadd.f32 v1, v16;
	v1 =	vmul.f32 v11, v26;
	v11 =	vld [tilespmem:s15+$0xFFFFFF90]  }
0x143: {  	s7 =	simm.s32 $0x107C0;
	s8 =	simm.s32 $0x100;
	s4 =	sshll.u32 s22, $0x1;
	v8 =	vmul.f32 v22, v26;
	v47 =	vmul.f32 v31, v10;
	v44 =	vld [tilespmem:s14+$0xFFFFFF90];
	[tilespmem:$0x1FFD0] =	vst v0  }
.LBB2_3:
0x144: {  	v27 =	vadd.f32 v27, v39  }
0x145: {  	v3 =	vld [tilespmem:$0x1FEC0]  }
0x146: {  	v27 =	vadd.f32 v60, v27;
	_ =	sdelay $0x1  }
0x147: {  	v27 =	vadd.f32 v25, v27  }
0x148: {  	v28 =	vadd.f32 v63, v41  }
0x149: {  	v27 =	vadd.f32 v3, v27;
	v3 =	vld [tilespmem:$0x1FE20]  }
0x14a: {  	v28 =	vadd.f32 v59, v28;
	_ =	sdelay $0x1  }
0x14b: {  	v25 =	vadd.f32 v21, v28  }
0x14c: {  	v1 =	vadd.f32 v1, v42  }
0x14d: {  	v25 =	vadd.f32 v3, v25;
	v3 =	vld [tilespmem:$0x1FF60]  }
0x14e: {  	v1 =	vadd.f32 v61, v1;
	_ =	sdelay $0x1  }
0x14f: {  	v1 =	vadd.f32 v56, v1;
	_ =	sdelay $0x1  }
0x150: {  	v1 =	vadd.f32 v3, v1;
	v3 =	vld [tilespmem:$0x1FF00];
	_ =	sdelay $0x4  }
0x151: {  	v1 =	vadd.f32 v3, v1;
	v3 =	vld [tilespmem:$0x1FDC0];
	_ =	sdelay $0x1  }
0x152: {  	v0 =	vld [tilespmem:$0x1FFF0]  }
0x153: {  	v27 =	vadd.f32 v55, v27;
	_ =	sdelay $0x1  }
0x154: {  	v27 =	vadd.f32 v3, v27;
	v3 =	vld [tilespmem:$0x1FCE0];
	_ =	sdelay $0x1  }
0x155: {  	v16 =	vadd.f32 v47, v30;
	v5 =	vmul.f32 v5, v0  }
0x156: {  	v20 =	vadd.f32 v62, v37;
	v25 =	vadd.f32 v54, v25  }
0x157: {  	v5 =	vadd.f32 v5, v16  }
0x158: {  	v16 =	vadd.f32 v17, v20;
	v25 =	vadd.f32 v3, v25;
	v3 =	vld [tilespmem:$0x1FE60]  }
0x159: {  	v22 =	vld [tilespmem:s14+$0xFFFFFF80]  }
0x15a: {  	v29 =	vld [tilespmem:s15+$0xFFFFFF80];
	v16 =	vadd.f32 v19, v16  }
0x15b: {  	v13 =	vld [tilespmem:$0x1FFB0]  }
0x15c: {  	v31 =	vld [tilespmem:s15+$0xFFFFFFD0];
	v16 =	vadd.f32 v53, v16  }
0x15d: {  	v1 =	vadd.f32 v3, v1;
	v3 =	vld [tilespmem:$0x1FC10]  }
0x15e: {  	v32 =	vld [tilespmem:s15+$0xFFFFFFC0];
	v16 =	vadd.f32 v52, v16  }
0x15f: {  	v9 =	vld [tilespmem:$0x1FB40]  }
0x160: {  	v10 =	vld [tilespmem:$0x1FF40];
	v16 =	vadd.f32 v51, v16  }
0x161: {  	v7 =	vld [tilespmem:$0x1FEE0]  }
0x162: {  	v16 =	vadd.f32 v3, v16;
	v3 =	vld [tilespmem:$0x1FCF0]  }
0x163: {  	v6 =	vld [tilespmem:$0x1FE40]  }
0x164: {  	v16 =	vadd.f32 v9, v16;
	v9 =	vld [tilespmem:$0x1FC80]  }
0x165: {  	v4 =	vld [tilespmem:$0x1FDD0]  }
0x166: {  	v30 =	vld [tilespmem:s14+$0xFFFFFFD0]  }
0x167: {  	v27 =	vadd.f32 v3, v27;
	v3 =	vld [tilespmem:$0x1FC70]  }
0x168: {  	v18 =	vmul.f32 v45, v0;
	v24 =	vmul.f32 v46, v0;
	v0 =	vld [tilespmem:$0x1FF90]  }
0x169: {  	v27 =	vadd.f32 v9, v27;
	v9 =	vld [tilespmem:$0x1FC20]  }
0x16a: {  	v28 =	vld [tilespmem:s15+$0x0]  }
0x16b: {  	v8 =	vadd.f32 v8, v40;
	v11 =	vmul.f32 v11, v13;
	v2 =	vadd.f32 v18, v2;
	v20 =	vld [tilespmem:s14+$0xFFFFFFC0]  }
0x16c: {  	v29 =	vmul.f32 v29, v13;
	v18 =	vmul.f32 v44, v13;
	v25 =	vadd.f32 v3, v25;
	v3 =	vld [tilespmem:$0x1FDF0]  }
0x16d: {  	v24 =	vadd.f32 v24, v43;
	v2 =	vadd.f32 v11, v2;
	v11 =	vmul.f32 v30, v0;
	v30 =	vld [tilespmem:s14+$0x0]  }
0x16e: {  	v22 =	vmul.f32 v22, v13;
	v8 =	vadd.f32 v18, v8;
	v25 =	vadd.f32 v9, v25;
	v9 =	vld [tilespmem:$0x1FD10]  }
0x16f: {  	v18 =	vld [tilespmem:s14+$0x10];
	v5 =	vadd.f32 v29, v5;
	v29 =	vmul.f32 v31, v0;
	v31 =	vmul.f32 v32, v0  }
0x170: {  	v22 =	vadd.f32 v22, v24;
	v24 =	vld [tilespmem:s15+$0x10];
	v20 =	vmul.f32 v20, v0  }
0x171: {  	v5 =	vadd.f32 v31, v5;
	v31 =	vld [tilespmem:s15+$0x40];
	v1 =	vadd.f32 v3, v1  }
0x172: {  	v20 =	vadd.f32 v20, v22;
	v22 =	vld [tilespmem:s15+$0x50]  }
0x173: {  	v30 =	vmul.f32 v30, v10;
	v1 =	vadd.f32 v9, v1;
	v9 =	vld [tilespmem:$0x1FB10]  }
0x174: {  	v38 =	vld [tilespmem:$0x1FD20]  }
0x175: {  	v2 =	vadd.f32 v29, v2;
	v24 =	vmul.f32 v24, v10;
	v20 =	vadd.f32 v30, v20;
	v30 =	vld [tilespmem:s15+$0x80]  }
0x176: {  	v28 =	vmul.f32 v28, v10;
	v8 =	vadd.f32 v11, v8;
	v11 =	vld [tilespmem:s14+$0x50]  }
0x177: {  	v18 =	vmul.f32 v18, v10;
	v2 =	vadd.f32 v24, v2;
	v24 =	vld [tilespmem:s15+$0x90];
	v22 =	vmul.f32 v22, v7  }
0x178: {  	v5 =	vadd.f32 v28, v5;
	v31 =	vmul.f32 v31, v7;
	v16 =	vadd.f32 v9, v16;
	v9 =	vld [tilespmem:$0x1FC30]  }
0x179: {  	v2 =	vadd.f32 v22, v2;
	v22 =	vld [tilespmem:s15+$0xD0]  }
0x17a: {  	v8 =	vadd.f32 v18, v8;
	v18 =	vld [tilespmem:s14+$0x90];
	v5 =	vadd.f32 v31, v5;
	v30 =	vmul.f32 v30, v6  }
0x17b: {  	v31 =	vld [tilespmem:s15+$0xC0]  }
0x17c: {  	v24 =	vmul.f32 v24, v6;
	v5 =	vadd.f32 v30, v5;
	v30 =	vld [tilespmem:s15+$0x100]  }
0x17d: {  	v27 =	vadd.f32 v9, v27;
	v9 =	vld [tilespmem:$0x1FB60]  }
0x17e: {  	v2 =	vadd.f32 v24, v2;
	v22 =	vmul.f32 v22, v4;
	v3 =	vld [tilespmem:$0x1FD00]  }
0x17f: {  	v29 =	vld [tilespmem:s14+$0x40];
	v11 =	vmul.f32 v11, v7  }
0x180: {  	v2 =	vadd.f32 v22, v2;
	v22 =	vld [tilespmem:s15+$0x140]  }
0x181: {  	v8 =	vadd.f32 v11, v8;
	v11 =	vld [tilespmem:s14+$0xD0];
	v18 =	vmul.f32 v18, v6;
	v31 =	vmul.f32 v31, v4  }
0x182: {  	v25 =	vadd.f32 v9, v25;
	v9 =	vld [tilespmem:$0x1FC90]  }
0x183: {  	v8 =	vadd.f32 v18, v8;
	v18 =	vld [tilespmem:s14+$0x110];
	v5 =	vadd.f32 v31, v5;
	v30 =	vmul.f32 v30, v3;
	_ =	sdelay $0x1  }
0x184: {  	v22 =	vmul.f32 v22, v38;
	v5 =	vadd.f32 v30, v5  }
0x185: {  	v28 =	vld [tilespmem:s14+$0x80];
	v29 =	vmul.f32 v29, v7;
	v11 =	vmul.f32 v11, v4  }
0x186: {  	v5 =	vadd.f32 v22, v5;
	v22 =	vadd.f32 v9, v1;
	v9 =	vld [tilespmem:$0x1FD30]  }
0x187: {  	v20 =	vadd.f32 v29, v20;
	v29 =	vld [tilespmem:s14+$0xC0];
	v8 =	vadd.f32 v11, v8;
	v18 =	vmul.f32 v18, v3;
	_ =	sdelay $0x1  }
0x188: {  	v8 =	vadd.f32 v18, v8  }
0x189: {  	v28 =	vmul.f32 v28, v6  }
0x18a: {  	v8 =	vadd.f32 v9, v8;
	v9 =	vld [tilespmem:$0x1FB20]  }
0x18b: {  	v20 =	vadd.f32 v28, v20;
	v28 =	vld [tilespmem:s14+$0x100];
	v29 =	vmul.f32 v29, v4;
	_ =	sdelay $0x1  }
0x18c: {  	v20 =	vadd.f32 v29, v20;
	v29 =	vld [tilespmem:s14+$0x140]  }
0x18d: {  	v24 =	vld [tilespmem:s15+$0x110]  }
0x18e: {  	v25 =	vadd.f32 v9, v25;
	v9 =	vld [tilespmem:$0x1FAD0]  }
0x18f: {  	v11 =	vld [tilespmem:s15+$0x150];
	v28 =	vmul.f32 v28, v3;
	_ =	sdelay $0x1  }
0x190: {  	v29 =	vmul.f32 v29, v38;
	v20 =	vadd.f32 v28, v20  }
0x191: {  	v24 =	vmul.f32 v24, v3  }
0x192: {  	v20 =	vadd.f32 v29, v20;
	v29 =	vadd.f32 v9, v16;
	v9 =	vld [tilespmem:$0x1FD60]  }
0x193: {  	v11 =	vmul.f32 v11, v38;
	v2 =	vadd.f32 v24, v2  }
0x194: {  	v26 =	vld [tilespmem:$0x1FD40]  }
0x195: {  	v18 =	vld [tilespmem:s14+$0x180];
	v2 =	vadd.f32 v11, v2;
	_ =	sdelay $0x1  }
0x196: {  	v2 =	vadd.f32 v9, v2;
	v9 =	vld [tilespmem:$0x1FBB0];
	_ =	sdelay $0x2  }
0x197: {  	v23 =	vld [tilespmem:$0x1FCB0];
	v11 =	vmul.f32 v18, v26  }
0x198: {  	v31 =	vld [tilespmem:s15+$0x180]  }
0x199: {  	v11 =	vadd.f32 v11, v20;
	v20 =	vadd.f32 v9, v27;
	v9 =	vld [tilespmem:$0x1FCA0]  }
0x19a: {  	v21 =	vld [tilespmem:$0x1FBD0]  }
0x19b: {  	v24 =	vld [tilespmem:s15+$0x1C0]  }
0x19c: {  	v28 =	vld [tilespmem:s14+$0x1C0]  }
0x19d: {  	v1 =	vmul.f32 v31, v26;
	v31 =	vld [tilespmem:s14+$0x200]  }
0x19e: {  	v8 =	vadd.f32 v9, v8;
	v9 =	vld [tilespmem:$0x1FCC0]  }
0x19f: {  	v30 =	vld [tilespmem:s15+$0x200]  }
0x1a0: {  	v15 =	vld [tilespmem:$0x1FBF0]  }
0x1a1: {  	v18 =	vld [tilespmem:s15+$0x240]  }
0x1a2: {  	v1 =	vadd.f32 v1, v5;
	v5 =	vmul.f32 v24, v23  }
0x1a3: {  	v27 =	vmul.f32 v31, v21;
	v31 =	vadd.f32 v9, v2;
	v9 =	vld [tilespmem:$0x1FC50]  }
0x1a4: {  	v1 =	vadd.f32 v5, v1;
	v5 =	vmul.f32 v30, v21;
	v16 =	vmul.f32 v28, v23;
	_ =	sdelay $0x1  }
0x1a5: {  	v5 =	vadd.f32 v5, v1;
	v11 =	vadd.f32 v16, v11;
	v16 =	vmul.f32 v18, v15;
	_ =	sdelay $0x1  }
0x1a6: {  	v5 =	vadd.f32 v16, v5;
	v16 =	vadd.f32 v9, v22;
	v9 =	vld [tilespmem:$0x1FC60];
	_ =	sdelay $0x2  }
0x1a7: {  	v24 =	vld [tilespmem:s15+$0x210];
	_ =	sdelay $0x1  }
0x1a8: {  	v8 =	vadd.f32 v9, v8;
	v9 =	vld [tilespmem:$0x1FFD0];
	_ =	sdelay $0x2  }
0x1a9: {  	v24 =	vmul.f32 v24, v21;
	_ =	sdelay $0x1  }
0x1aa: {  	v24 =	vadd.f32 v24, v31;
	v31 =	vmul.f32 v5, v9;
	v9 =	vld [tilespmem:$0x1FBC0];
	_ =	sdelay $0x1  }
0x1ab: {  	v46 =	vld [tilespmem:s16+$0x5570];
	s15 =	sadd.s32 $0x500, s15  }
0x1ac: {  	v36 =	vld [tilespmem:s15+$0x220]  }
0x1ad: {  	v39 =	vld [tilespmem:s15+$0x130]  }
0x1ae: {  	v47 =	vadd.f32 v9, v16;
	v9 =	vld [tilespmem:$0x1FBE0]  }
0x1af: {  	v41 =	vld [tilespmem:s15+$0x1A0]  }
0x1b0: {  	v44 =	vld [tilespmem:s15+$0xF0]  }
0x1b1: {  	v48 =	vld [tilespmem:s15+$0x1D0]  }
0x1b2: {  	v51 =	vld [tilespmem:s15+$0xB0]  }
0x1b3: {  	v34 =	vadd.f32 v9, v8;
	v9 =	vld [tilespmem:$0x1FC00]  }
0x1b4: {  	v53 =	vld [tilespmem:s15+$0x120]  }
0x1b5: {  	v55 =	vld [tilespmem:s15+$0x190]  }
0x1b6: {  	v57 =	vld [tilespmem:s15+$0x70]  }
0x1b7: {  	v59 =	vld [tilespmem:s15+$0xE0]  }
0x1b8: {  	v24 =	vadd.f32 v9, v24;
	v9 =	vld [tilespmem:$0x1FA80]  }
0x1b9: {  	v61 =	vld [tilespmem:s15+$0x30]  }
0x1ba: {  	v63 =	vld [tilespmem:s15+$0xA0]  }
0x1bb: {  	v12 =	vld [tilespmem:s15+$0xFFFFFFF0]  }
0x1bc: {  	v17 =	vld [tilespmem:s15+$0x60]  }
0x1bd: {  	v31 =	vadd.f32 v31, v9;
	v9 =	vld [tilespmem:$0x1FB30]  }
0x1be: {  	v30 =	vld [tilespmem:s14+$0x270]  }
0x1bf: {  	v28 =	vld [tilespmem:s14+$0x240];
	s14 =	sadd.s32 $0x500, s14  }
0x1c0: {  	v1 =	vld [tilespmem:s14+$0x230]  }
0x1c1: {  	v37 =	vld [tilespmem:s14+$0xF0]  }
0x1c2: {  	v20 =	vadd.f32 v9, v20;
	v9 =	vld [tilespmem:$0x1FB50]  }
0x1c3: {  	v40 =	vld [tilespmem:s14+$0x160]  }
0x1c4: {  	v42 =	vld [tilespmem:s14+$0x1D0]  }
0x1c5: {  	v43 =	vld [tilespmem:s14+$0xB0]  }
0x1c6: {  	v45 =	vld [tilespmem:s14+$0x120]  }
0x1c7: {  	v22 =	vmul.f32 $5.000000000e-01, v33;
	v33 =	vadd.f32 v9, v47;
	v9 =	vld [tilespmem:$0x1FFC0]  }
0x1c8: {  	v50 =	vld [tilespmem:s14+$0x70]  }
0x1c9: {  	v52 =	vld [tilespmem:s14+$0xE0]  }
0x1ca: {  	v54 =	vld [tilespmem:s14+$0x150]  }
0x1cb: {  	v56 =	vld [tilespmem:s14+$0x30]  }
0x1cc: {  	v24 =	vmul.f32 v24, v9;
	v9 =	vld [tilespmem:$0x1FAE0]  }
0x1cd: {  	v58 =	vld [tilespmem:s14+$0xA0]  }
0x1ce: {  	v60 =	vld [tilespmem:s14+$0xFFFFFFF0]  }
0x1cf: {  	v62 =	vld [tilespmem:s14+$0x60]  }
0x1d0: {  	v11 =	vadd.f32 v27, v11;
	v27 =	vmul.f32 v28, v15;
	v28 =	vld [tilespmem:s16+$0x5D70]  }
0x1d1: {  	v25 =	vadd.f32 v9, v25;
	v9 =	vld [tilespmem:$0x1FAF0]  }
0x1d2: {  	v14 =	vld [tilespmem:s14+$0x20];
	v11 =	vadd.f32 v27, v11  }
0x1d3: {  	v19 =	vld [tilespmem:s14+$0xFFFFFF70]  }
0x1d4: {  	v18 =	vld [tilespmem:s7+$0x250];
	s16 =	sshra.s32 s8, $0x2;
	v22 =	vmul.f32 v11, v22  }
0x1d5: {  	v49 =	vld [tilespmem:s16+$0x5D40]  }
0x1d6: {  	v28 =	vmul.f32 $5.000000000e-01, v28;
	v22 =	vadd.f32 v22, v31;
	v31 =	vadd.f32 v9, v20;
	v9 =	vld [tilespmem:$0x1FB00]  }
0x1d7: {  	v27 =	vld [tilespmem:s7+$0x260]  }
0x1d8: {  	v32 =	vmul.f32 $5.000000000e-01, v46;
	v28 =	vsub.f32 v28, v46;
	v46 =	vld [tilespmem:s15+$0x160]  }
0x1d9: {  	v2 =	vld [tilespmem:s15+$0x270]  }
0x1da: {  	v11 =	vld [tilespmem:s14+$0x1B0]  }
0x1db: {  	v33 =	vadd.f32 v9, v33;
	v9 =	vld [tilespmem:$0x1FAB0]  }
0x1dc: {  	v5 =	vld [tilespmem:s14+$0x1F0]  }
0x1dd: {  	v18 =	vmul.f32 v18, v15;
	v16 =	vld [tilespmem:s16+$0x5560]  }
0x1de: {  	v8 =	vld [tilespmem:s15+$0x230]  }
0x1df: {  	v34 =	vadd.f32 v18, v34;
	v18 =	vld [tilespmem:s15+$0x1F0]  }
0x1e0: {  	v35 =	vmul.f32 $5.000000000e-01, v35;
	v29 =	vadd.f32 v9, v29;
	v9 =	vld [tilespmem:$0x1FAC0]  }
0x1e1: {  	v47 =	vld [tilespmem:s14+$0x190]  }
0x1e2: {  	v5 =	vmul.f32 v5, v23;
	v22 =	vadd.f32 v24, v22;
	v24 =	vmul.f32 v34, v35;
	v34 =	vld [tilespmem:s15+$0x260]  }
0x1e3: {  	v27 =	vmul.f32 v27, v15;
	v20 =	vld [tilespmem:s14+$0x220]  }
0x1e4: {  	v35 =	vld [tilespmem:s16+$0x5D60];
	[tilespmem:$0x1FAB0] =	vst v5;
	v5 =	vmul.f32 v8, v21;
	v8 =	vmul.f32 v11, v26  }
0x1e5: {  	v25 =	vadd.f32 v9, v25;
	v9 =	vld [tilespmem:$0x1FB80]  }
0x1e6: {  	v27 =	vadd.f32 v27, v31;
	v31 =	vld [tilespmem:s14+$0x170];
	[tilespmem:$0x1FAD0] =	vst v8;
	v8 =	vmul.f32 v18, v23  }
0x1e7: {  	v11 =	vld [tilespmem:s14+$0xFFFFFF30]  }
0x1e8: {  	v18 =	vld [tilespmem:s15+$0xFFFFFF70];
	[tilespmem:$0x1FAE0] =	vst v8;
	v8 =	vmul.f32 v20, v21  }
0x1e9: {  	v20 =	vld [tilespmem:s14+$0xFFFFFFA0]  }
0x1ea: {  	v22 =	vadd.f32 v24, v22;
	[tilespmem:$0x1FAF0] =	vst v8;
	v8 =	vmul.f32 v34, v15;
	v24 =	vmul.f32 v33, v9;
	v9 =	vld [tilespmem:$0x1FA90]  }
0x1eb: {  	[tilespmem:$0x1FAC0] =	vst v5;
	v5 =	vld [tilespmem:s15+$0x20]  }
0x1ec: {  	v34 =	vld [tilespmem:s14+$0xFFFFFF20];
	[tilespmem:$0x1FB00] =	vst v8;
	v8 =	vmul.f32 v31, v38  }
0x1ed: {  	v33 =	vld [tilespmem:s15+$0x1B0]  }
0x1ee: {  	v1 =	vmul.f32 v1, v21;
	[tilespmem:$0x1FB10] =	vst v8;
	v8 =	vmul.f32 $5.000000000e-01, v35;
	v35 =	vld [tilespmem:s15+$0xFFFFFF60]  }
0x1ef: {  	v30 =	vmul.f32 v30, v15;
	v29 =	vadd.f32 v9, v29;
	v9 =	vld [tilespmem:$0x1FAA0]  }
0x1f0: {  	[tilespmem:$0x1FA90] =	vst v1;
	v1 =	vld [tilespmem:s15+$0xFFFFFFB0]  }
0x1f1: {  	v2 =	vmul.f32 v2, v15;
	v29 =	vadd.f32 v30, v29;
	v30 =	vld [tilespmem:s15+$0x250]  }
0x1f2: {  	v31 =	vmul.f32 v33, v26;
	v33 =	vld [tilespmem:s15+$0xFFFFFEF0]  }
0x1f3: {  	v8 =	vsub.f32 v8, v16;
	[tilespmem:$0x1FAA0] =	vst v2;
	v2 =	vmul.f32 $5.000000000e-01, v16;
	v16 =	vld [tilespmem:s14+$0xFFFFFE00]  }
0x1f4: {  	v25 =	vadd.f32 v9, v25;
	v9 =	vld [tilespmem:$0x1FB70]  }
0x1f5: {  	[tilespmem:$0x1FB20] =	vst v31;
	v31 =	vld [tilespmem:s14+$0xFFFFFEF0]  }
0x1f6: {  	[tilespmem:$0x1FB70] =	vst v2;
	v2 =	vld [tilespmem:s14+$0xFFFFFFE0];
	v15 =	vmul.f32 v30, v15  }
0x1f7: {  	v30 =	vmul.f32 $5.000000000e-01, v49;
	v49 =	vld [tilespmem:s15+$0xFFFFFEE0]  }
0x1f8: {  	[tilespmem:$0x1FC00] =	vst v15;
	v15 =	vmul.f32 v37, v4;
	v37 =	vld [tilespmem:s15+$0xFFFFFEB0]  }
0x1f9: {  	v22 =	vadd.f32 v24, v22;
	v24 =	vmul.f32 v27, v9;
	v27 =	vld [tilespmem:s14+$0x1E0]  }
0x1fa: {  	v9 =	vld [tilespmem:s16+$0x5550]  }
0x1fb: {  	[tilespmem:$0x1FC10] =	vst v15;
	v15 =	vmul.f32 v39, v3;
	v39 =	vld [tilespmem:s14+$0xFFFFFEE0]  }
0x1fc: {  	v22 =	vadd.f32 v24, v22;
	v24 =	vmul.f32 v25, v28;
	v25 =	vld [tilespmem:s14+$0x130]  }
0x1fd: {  	v28 =	vld [tilespmem:s15+$0x170]  }
0x1fe: {  	[tilespmem:$0x1FC20] =	vst v15;
	v15 =	vmul.f32 v40, v38;
	v40 =	vld [tilespmem:s15+$0xFFFFFF20]  }
0x1ff: {  	v22 =	vadd.f32 v24, v22;
	v24 =	vmul.f32 v29, v32;
	v29 =	vld [tilespmem:s14+$0x1A0]  }
0x200: {  	v32 =	vld [tilespmem:s16+$0x5D50];
	[tilespmem:$0x1FD80] =	vst v9;
	v27 =	vmul.f32 v27, v23  }
0x201: {  	[tilespmem:$0x1FC30] =	vst v15;
	v15 =	vmul.f32 v41, v26;
	v41 =	vld [tilespmem:s14+$0xFFFFFE30]  }
0x202: {  	v9 =	vadd.f32 v24, v22;
	v22 =	vld [tilespmem:s15+$0x1E0];
	[tilespmem:$0x1FB30] =	vst v27  }
0x203: {  	v24 =	vld [tilespmem:s14+$0x210];
	v25 =	vmul.f32 v25, v3;
	[tilespmem:$0x1FC50] =	vst v15  }
0x204: {  	v15 =	vmul.f32 v43, v6;
	[tilespmem:$0x1FA80] =	vst v9;
	v9 =	vld [tilespmem:s16+$0x5540]  }
0x205: {  	v27 =	vld [tilespmem:s15+$0xFFFFFFE0];
	[tilespmem:$0x1FB40] =	vst v25;
	v25 =	vmul.f32 v36, v21  }
0x206: {  	[tilespmem:$0x1FA30] =	vst v15;
	v15 =	vmul.f32 v42, v23;
	v36 =	vld [tilespmem:s14+$0xFFFFFE70]  }
0x207: {  	v42 =	vld [tilespmem:s15+$0xFFFFFE70];
	[tilespmem:$0x1FB50] =	vst v25  }
0x208: {  	v25 =	vmul.f32 v28, v38;
	v28 =	vld [tilespmem:s15+$0xFFFFFF30];
	v22 =	vmul.f32 v22, v23;
	[tilespmem:$0x1FC60] =	vst v15  }
0x209: {  	v21 =	vmul.f32 v24, v21;
	v24 =	vmul.f32 $5.000000000e-01, v32;
	v32 =	vld [tilespmem:s14+$0xFFFFFEB0];
	[tilespmem:$0x1FED0] =	vst v9  }
0x20a: {  	v15 =	vmul.f32 v44, v4;
	v44 =	vld [tilespmem:s14+$0xFFFFFD90];
	[tilespmem:$0x1FB60] =	vst v25  }
0x20b: {  	v9 =	vld [tilespmem:s14+$0xFFFFFFB0];
	[tilespmem:$0x1FBC0] =	vst v22  }
0x20c: {  	v25 =	vmul.f32 v29, v26;
	[tilespmem:$0x1FBE0] =	vst v21;
	v22 =	vld [tilespmem:s14+$0xFFFFFF60]  }
0x20d: {  	v29 =	vld [tilespmem:s15+$0xFFFFFFA0];
	[tilespmem:$0x1FC70] =	vst v15;
	v15 =	vmul.f32 v45, v3  }
0x20e: {  	v3 =	vmul.f32 v53, v3;
	v53 =	vmul.f32 v12, v0;
	v12 =	vld [tilespmem:s15+$0xFFFFFE30];
	[tilespmem:$0x1FBB0] =	vst v25  }
0x20f: {  	v21 =	vld [tilespmem:s15+$0xFFFFFD90];
	[tilespmem:$0x1FC80] =	vst v15;
	v15 =	vmul.f32 v46, v38  }
0x210: {  	[tilespmem:$0x1FD10] =	vst v3;
	v3 =	vmul.f32 v54, v38;
	v54 =	vld [tilespmem:$0x1FFF0]  }
0x211: {  	v38 =	vld [tilespmem:s15+$0xFFFFFE10];
	[tilespmem:$0x1FC90] =	vst v15;
	v15 =	vmul.f32 v47, v26  }
0x212: {  	[tilespmem:$0x1FD30] =	vst v3;
	v3 =	vmul.f32 v55, v26;
	v47 =	vld [tilespmem:s15+$0xFFFFFE60]  }
0x213: {  	v25 =	vmul.f32 v2, v0;
	v26 =	vld [tilespmem:s14+$0xFFFFFDC0];
	[tilespmem:$0x1FCA0] =	vst v15;
	v15 =	vmul.f32 v48, v23  }
0x214: {  	v55 =	vmul.f32 v60, v0;
	[tilespmem:$0x1FD60] =	vst v3;
	v3 =	vmul.f32 v56, v10;
	v48 =	vld [tilespmem:s14+$0xFFFFFEA0]  }
0x215: {  	v56 =	vmul.f32 v27, v0;
	v0 =	vld [tilespmem:$0x1FB90];
	[tilespmem:$0x1FCC0] =	vst v15;
	v15 =	vmul.f32 v50, v7  }
0x216: {  	v23 =	vld [tilespmem:s15+$0xFFFFFDD0];
	[tilespmem:$0x1FA60] =	vst v3;
	v3 =	vmul.f32 v57, v7  }
0x217: {  	v50 =	vld [tilespmem:s14+$0xFFFFFDB0];
	[tilespmem:$0x1FA40] =	vst v15;
	v15 =	vmul.f32 v51, v6  }
0x218: {  	v57 =	vld [tilespmem:s15+$0xFFFFFDF0];
	[tilespmem:$0x1FA50] =	vst v3;
	v3 =	vmul.f32 v58, v6  }
0x219: {  	v58 =	vmul.f32 v9, v13;
	v9 =	vld [tilespmem:s14+$0xFFFFFDF0];
	[tilespmem:$0x1FCE0] =	vst v15  }
0x21a: {  	v15 =	vmul.f32 v52, v4;
	[tilespmem:$0x1FDC0] =	vst v3;
	v3 =	vmul.f32 v59, v4;
	v52 =	vld [tilespmem:$0x1FFE0]  }
0x21b: {  	v51 =	vld [tilespmem:s14+$0xFFFFFE10]  }
0x21c: {  	v4 =	vld [tilespmem:$0x1FC40];
	[tilespmem:$0x1FDF0] =	vst v3;
	v3 =	vmul.f32 v61, v10  }
0x21d: {  	v60 =	vmul.f32 v20, v13;
	v45 =	vmul.f32 v50, v0;
	v50 =	vld [tilespmem:s15+$0xFFFFFD80];
	[tilespmem:$0x1FCF0] =	vst v15  }
0x21e: {  	v27 =	vmul.f32 v22, v54;
	v15 =	vld [tilespmem:s15+$0xFFFFFDC0];
	[tilespmem:$0x1FE20] =	vst v3;
	v3 =	vmul.f32 v62, v7  }
0x21f: {  	v62 =	vmul.f32 v19, v54;
	v19 =	vld [tilespmem:s15+$0xFFFFFDB0];
	v2 =	vmul.f32 v11, v52  }
0x220: {  	v11 =	vmul.f32 v34, v52;
	v34 =	vld [tilespmem:s14+$0xFFFFFDE0];
	[tilespmem:$0x1FA70] =	vst v3;
	v3 =	vmul.f32 v63, v6  }
0x221: {  	v59 =	vmul.f32 v1, v13;
	v1 =	vmul.f32 v5, v10;
	v6 =	vld [tilespmem:$0x1FCD0]  }
0x222: {  	v44 =	vmul.f32 v44, v0;
	[tilespmem:$0x1FE60] =	vst v3;
	v3 =	vmul.f32 v14, v10;
	v14 =	vld [tilespmem:s14+$0xFFFFFE60]  }
0x223: {  	v21 =	vmul.f32 v21, v0;
	[tilespmem:$0x1FF60] =	vst v1;
	v61 =	vmul.f32 v29, v13;
	v10 =	vld [tilespmem:$0x1FE80]  }
0x224: {  	v1 =	vmul.f32 v35, v54;
	[tilespmem:$0x1FEC0] =	vst v3;
	v3 =	vmul.f32 v17, v7;
	v17 =	vld [tilespmem:s15+$0xFFFFFEA0]  }
0x225: {  	v5 =	vmul.f32 v28, v52;
	v12 =	vmul.f32 v12, v4;
	v7 =	vld [tilespmem:$0x1FD90]  }
0x226: {  	v63 =	vmul.f32 v18, v54;
	v18 =	vmul.f32 v40, v52;
	[tilespmem:$0x1FF00] =	vst v3;
	v3 =	vld [tilespmem:$0x1FBA0]  }
0x227: {  	v40 =	vmul.f32 v41, v4;
	v41 =	vmul.f32 v42, v6;
	v42 =	vld [tilespmem:s15+$0xFFFFFDE0]  }
0x228: {  	v19 =	vmul.f32 v19, v0;
	v20 =	vmul.f32 v31, v10;
	v31 =	vld [tilespmem:s14+$0xFFFFFE20]  }
0x229: {  	v35 =	vmul.f32 v36, v6;
	v22 =	vmul.f32 v33, v10;
	v33 =	vld [tilespmem:s14+$0xFFFFFDA0]  }
0x22a: {  	v28 =	vmul.f32 v39, v10;
	v39 =	vld [tilespmem:s15+$0xFFFFFDA0];
	v29 =	vmul.f32 v49, v10  }
0x22b: {  	v36 =	vmul.f32 v37, v7;
	v46 =	vmul.f32 v57, v3;
	v57 =	vld [tilespmem:s14+$0xFFFFFD80]  }
0x22c: {  	v43 =	vmul.f32 v48, v7;
	v48 =	vld [tilespmem:s14+$0xFFFFFDD0];
	v9 =	vmul.f32 v9, v3  }
0x22d: {  	v37 =	vld [tilespmem:s15+$0xFFFFFE20];
	v34 =	vmul.f32 v34, v3;
	v23 =	vmul.f32 v23, v3  }
0x22e: {  	[tilespmem:$0x1FB80] =	vst v8;
	v42 =	vmul.f32 v42, v3;
	v8 =	vmul.f32 v26, v3;
	v9 =	vadd.f32 v9, v45;
	v45 =	vld [tilespmem:$0x1FED0]  }
0x22f: {  	v39 =	vmul.f32 v39, v0;
	v21 =	vadd.f32 v23, v21;
	v23 =	vmul.f32 v51, v4;
	v51 =	vld [tilespmem:$0x1FA30]  }
0x230: {  	v33 =	vmul.f32 v33, v0;
	v19 =	vadd.f32 v46, v19;
	v49 =	vmul.f32 v57, v0;
	v57 =	vld [tilespmem:$0x1FD80]  }
0x231: {  	v31 =	vmul.f32 v31, v4;
	v48 =	vmul.f32 v48, v3;
	v46 =	vadd.f32 v42, v39;
	v39 =	vld [tilespmem:s14+$0xFFFFFE50]  }
0x232: {  	v37 =	vmul.f32 v37, v4;
	v26 =	vadd.f32 v34, v33;
	v12 =	vadd.f32 v12, v19;
	v19 =	vld [tilespmem:s15+$0xFFFFFE40]  }
0x233: {  	v9 =	vadd.f32 v40, v9;
	v33 =	vadd.f32 v48, v44;
	v44 =	vld [tilespmem:s14+$0xFFFFFE40]  }
0x234: {  	v14 =	vmul.f32 v14, v6;
	v26 =	vadd.f32 v31, v26;
	v31 =	vadd.f32 v37, v46;
	v46 =	vld [tilespmem:s14+$0xFFFFFE90]  }
0x235: {  	v32 =	vmul.f32 v32, v7;
	v48 =	vld [tilespmem:s14+$0xFFFFFE80];
	v13 =	vsub.f32 v24, v57  }
0x236: {  	v15 =	vmul.f32 v15, v3;
	v9 =	vadd.f32 v35, v9;
	v14 =	vadd.f32 v14, v26;
	v26 =	vld [tilespmem:s15+$0xFFFFFE80]  }
0x237: {  	v12 =	vadd.f32 v41, v12;
	v24 =	vmul.f32 v50, v0;
	[tilespmem:$0x1FFC0] =	vst v13;
	v13 =	vsub.f32 v30, v45;
	v30 =	vld [tilespmem:s15+$0xFFFFFE00]  }
0x238: {  	v16 =	vmul.f32 v16, v4;
	v8 =	vadd.f32 v8, v49;
	v23 =	vadd.f32 v23, v33;
	v49 =	vld [tilespmem:s15+$0xFFFFFED0]  }
0x239: {  	v9 =	vadd.f32 v32, v9;
	v50 =	vld [tilespmem:s15+$0xFFFFFE50];
	v15 =	vadd.f32 v15, v24;
	v24 =	vmul.f32 v38, v4  }
0x23a: {  	v12 =	vadd.f32 v36, v12;
	v8 =	vadd.f32 v16, v8;
	v35 =	vmov v57;
	v57 =	vld [tilespmem:s15+$0xFFFFFEC0]  }
0x23b: {  	v9 =	vadd.f32 v20, v9;
	v20 =	vld [tilespmem:s14+$0xFFFFFF00];
	v16 =	vadd.f32 v24, v21;
	v21 =	vmul.f32 v39, v6  }
0x23c: {  	v47 =	vmul.f32 v47, v6;
	v14 =	vadd.f32 v43, v14;
	v24 =	vld [tilespmem:s15+$0xFFFFFE90];
	v30 =	vmul.f32 v30, v4  }
0x23d: {  	v0 =	vmul.f32 v44, v6;
	v12 =	vadd.f32 v22, v12;
	v22 =	vld [tilespmem:s15+$0xFFFFFF00];
	v21 =	vadd.f32 v21, v23  }
0x23e: {  	v23 =	vadd.f32 v47, v31;
	v31 =	vld [tilespmem:s14+$0xFFFFFED0];
	v15 =	vadd.f32 v30, v15;
	v30 =	vmul.f32 v50, v6  }
0x23f: {  	v19 =	vmul.f32 v19, v6;
	v44 =	vld [tilespmem:s14+$0xFFFFFF90];
	v14 =	vadd.f32 v28, v14;
	v8 =	vadd.f32 v0, v8  }
0x240: {  	v17 =	vmul.f32 v17, v7;
	v33 =	vmovc v45;
	v45 =	vld [tilespmem:s15+$0xFFFFFF50];
	v37 =	vadd.f32 v2, v9;
	v16 =	vadd.f32 v30, v16  }
0x241: {  	v30 =	vmul.f32 v46, v7;
	v15 =	vadd.f32 v19, v15;
	v19 =	vmul.f32 v24, v7;
	v24 =	vld [tilespmem:s14+$0xFFFFFEC0]  }
0x242: {  	v26 =	vmul.f32 v26, v7;
	v41 =	vadd.f32 v5, v12;
	v17 =	vadd.f32 v17, v23;
	v23 =	vld [tilespmem:s14+$0xFFFFFF10]  }
0x243: {  	v21 =	vadd.f32 v30, v21;
	v16 =	vadd.f32 v19, v16;
	v19 =	vmul.f32 v31, v10;
	v31 =	vld [tilespmem:s15+$0xFFFFFF10]  }
0x244: {  	v5 =	vld [tilespmem:s15+$0xFFFFFF40];
	v39 =	vadd.f32 v11, v14;
	v28 =	vmul.f32 v57, v10;
	v50 =	vmul.f32 v48, v7  }
0x245: {  	v2 =	vmul.f32 v20, v52;
	v47 =	vmul.f32 v22, v52;
	v19 =	vadd.f32 v19, v21;
	v21 =	vld [tilespmem:s14+$0xFFFFFF50]  }
0x246: {  	p1 =	sne.s32 s8, $0xF00;
	v11 =	vld [tilespmem:s15+$0xFFFFFF90];
	v8 =	vadd.f32 v50, v8;
	v15 =	vadd.f32 v26, v15;
	v24 =	vmul.f32 v24, v10  }
.Ltmp2:
0x247: {  	v17 =	vadd.f32 v29, v17;
	v46 =	vld [tilespmem:s14+$0xFFFFFF40];
	v26 =	vmul.f32 v49, v10;
	v23 =	vmul.f32 v23, v52;
	(pc) =	sbr.rel @p1 .LBB2_3-.Ltmp2, $4  }
0x248: {  	v30 =	vadd.f32 v28, v15;
	v8 =	vadd.f32 v24, v8;
	v15 =	vmul.f32 v31, v52;
	v52 =	vld [tilespmem:$0x1FA40]  }
0x249: {  	v16 =	vadd.f32 v26, v16;
	v40 =	vadd.f32 v23, v19;
	v19 =	vmov v55;
	v55 =	vld [tilespmem:$0x1FA70]  }
0x24a: {  	v43 =	vadd.f32 v2, v8;
	v8 =	vmul.f32 v21, v54;
	v54 =	vld [tilespmem:$0x1FA50]  }
0x24b: {  	s8 =	sadd.s32 $0x100, s8;
	s7 =	smov.u32 s14;
	[tilespmem:$0x1FFD0] =	vst v13;
	v42 =	vadd.f32 v18, v17;
	v17 =	vmovc v58;
	v2 =	vadd.f32 v15, v16;
	v21 =	vmov v53;
	v53 =	vld [tilespmem:$0x1FA60]  }
0x24c: {  	v0 =	vld [tilespmem:s14+$0xFFFFFFD0];
	_ =	sdelay $0x4  }
0x24d: {  	[tilespmem:$0x1F2B0] =	vst v0;
	v0 =	vld [tilespmem:s14+$0xFFFFFFC0];
	_ =	sdelay $0x4  }
0x24e: {  	[tilespmem:$0x1F2C0] =	vst v0;
	v0 =	vld [tilespmem:s15+$0xFFFFFFC0];
	_ =	sdelay $0x4  }
0x24f: {  	[tilespmem:$0x1F2D0] =	vst v0;
	v0 =	vld [tilespmem:s15+$0x10];
	_ =	sdelay $0x4  }
0x250: {  	[tilespmem:$0x1F2F0] =	vst v0;
	v0 =	vld [tilespmem:s14+$0x0];
	_ =	sdelay $0x4  }
0x251: {  	[tilespmem:$0x1F2E0] =	vst v0;
	v0 =	vld [tilespmem:s15+$0x0];
	_ =	sdelay $0x4  }
0x252: {  	[tilespmem:$0x1F300] =	vst v0;
	v0 =	vld [tilespmem:s14+$0x50];
	_ =	sdelay $0x4  }
0x253: {  	[tilespmem:$0x1F310] =	vst v0;
	v0 =	vld [tilespmem:s15+$0x50];
	_ =	sdelay $0x4  }
0x254: {  	[tilespmem:$0x1F320] =	vst v0;
	v0 =	vld [tilespmem:s14+$0x40];
	_ =	sdelay $0x4  }
0x255: {  	[tilespmem:$0x1F330] =	vst v0;
	v0 =	vld [tilespmem:s15+$0x40];
	_ =	sdelay $0x4  }
0x256: {  	[tilespmem:$0x1F340] =	vst v0;
	v0 =	vld [tilespmem:s14+$0x90];
	_ =	sdelay $0x4  }
0x257: {  	[tilespmem:$0x1F350] =	vst v0;
	v0 =	vld [tilespmem:s15+$0x90];
	_ =	sdelay $0x4  }
0x258: {  	[tilespmem:$0x1F370] =	vst v0;
	v0 =	vld [tilespmem:s14+$0x80];
	_ =	sdelay $0x4  }
0x259: {  	[tilespmem:$0x1F360] =	vst v0;
	v0 =	vld [tilespmem:s15+$0x80];
	_ =	sdelay $0x4  }
0x25a: {  	[tilespmem:$0x1F380] =	vst v0;
	v0 =	vld [tilespmem:s14+$0xD0];
	_ =	sdelay $0x4  }
0x25b: {  	[tilespmem:$0x1F390] =	vst v0;
	v0 =	vld [tilespmem:s15+$0xD0];
	_ =	sdelay $0x4  }
0x25c: {  	[tilespmem:$0x1F3A0] =	vst v0;
	v0 =	vld [tilespmem:s14+$0xC0];
	_ =	sdelay $0x4  }
0x25d: {  	[tilespmem:$0x1F3B0] =	vst v0;
	v0 =	vld [tilespmem:s14+$0x110];
	_ =	sdelay $0x4  }
0x25e: {  	[tilespmem:$0x1F3C0] =	vst v0;
	v0 =	vld [tilespmem:s15+$0x110];
	_ =	sdelay $0x4  }
0x25f: {  	[tilespmem:$0x1F3E0] =	vst v0;
	v0 =	vld [tilespmem:s14+$0x100];
	_ =	sdelay $0x4  }
0x260: {  	[tilespmem:$0x1F3D0] =	vst v0;
	v0 =	vld [tilespmem:s15+$0x100];
	_ =	sdelay $0x4  }
0x261: {  	[tilespmem:$0x1F3F0] =	vst v0;
	v0 =	vld [tilespmem:s15+$0x150];
	_ =	sdelay $0x4  }
0x262: {  	[tilespmem:$0x1F410] =	vst v0;
	v0 =	vld [tilespmem:s15+$0x140];
	_ =	sdelay $0x4  }
0x263: {  	[tilespmem:$0x1F400] =	vst v0;
	v0 =	vld [tilespmem:s14+$0x140];
	_ =	sdelay $0x4  }
0x264: {  	[tilespmem:$0x1F420] =	vst v0;
	v0 =	vld [tilespmem:s15+$0x180];
	_ =	sdelay $0x4  }
0x265: {  	[tilespmem:$0x1F430] =	vst v0;
	v0 =	vld [tilespmem:s14+$0x180];
	_ =	sdelay $0x4  }
0x266: {  	[tilespmem:$0x1F440] =	vst v0;
	v0 =	vld [tilespmem:s15+$0x1C0];
	_ =	sdelay $0x4  }
0x267: {  	[tilespmem:$0x1F450] =	vst v0;
	v0 =	vld [tilespmem:s14+$0x1C0];
	_ =	sdelay $0x4  }
0x268: {  	[tilespmem:$0x1F460] =	vst v0;
	v0 =	vld [tilespmem:s15+$0x200];
	_ =	sdelay $0x4  }
0x269: {  	[tilespmem:$0x1F470] =	vst v0;
	v0 =	vld [tilespmem:s14+$0x200];
	_ =	sdelay $0x4  }
0x26a: {  	[tilespmem:$0x1F480] =	vst v0;
	v0 =	vld [tilespmem:s15+$0x240];
	_ =	sdelay $0x4  }
0x26b: {  	[tilespmem:$0x1F490] =	vst v0;
	v0 =	vld [tilespmem:s15+$0x210];
	_ =	sdelay $0x4  }
0x26c: {  	[tilespmem:$0x1F4A0] =	vst v0;
	v0 =	vld [tilespmem:s14+$0x240];
	_ =	sdelay $0x4  }
0x26d: {  	[tilespmem:$0x1F4B0] =	vst v0;
	v0 =	vld [tilespmem:s14+$0x270];
	_ =	sdelay $0x4  }
0x26e: {  	[tilespmem:$0x1F4E0] =	vst v0;
	v0 =	vld [tilespmem:s16+$0x5570];
	_ =	sdelay $0x4  }
0x26f: {  	[tilespmem:$0x1F500] =	vst v0;
	v0 =	vld [tilespmem:s7+$0x250];
	_ =	sdelay $0x3  }
0x270: {  	v57 =	vld [tilespmem:s14+$0xFFFFFF80]  }
0x271: {  	[tilespmem:$0x1F4C0] =	vst v0;
	v0 =	vld [tilespmem:s16+$0x5D70]  }
0x272: {  	v38 =	vld [tilespmem:s15+$0xFFFFFF80]  }
0x273: {  	v28 =	vld [tilespmem:s15+$0xFFFFFFD0];
	p1 =	seq.s32 s22, $0xF  }
0x274: {  	v26 =	vld [tilespmem:s14+$0x10];
	s4 =	sadd.s32 @!p1 $0x2, s4  }
0x275: {  	v58 =	vld [tilespmem:s15+$0xC0];
	s8 =	sshll.u32 @!p1 s4, $0x4;
	s15 =	simm.s32 @!p1 $0x5540;
	s14 =	simm.s32 @!p1 $0x10  }
0x276: {  	[tilespmem:$0x1F4F0] =	vst v0;
	v0 =	vld [tilespmem:s7+$0x260];
	[tilespmem:s15], [sflag:$0x1] =	stream.indirect.gather @!p1 [hbm4b:s3+s14], $0x40, s8, s14, $0xb8  }
0x277: {  	s4 =	smul.u32 @!p1 $0x140, s4;
	s7 =	sadd.s32 @!p1 $0x200, s8;
	s8 =	simm.s32 @!p1 $0x5D40  }
0x278: {  	[tilespmem:s8], [sflag:$0x1] =	stream.indirect.gather @!p1 [hbm4b:s3+s14], $0x40, s7, s14, $0xb8;
	[tilespmem:$0x1B550] =	vst v63  }
0x279: {  	s7 =	sadd.s32 @!p1 $0x400, s4;
	s8 =	simm.s32 @!p1 $0x40;
	s14 =	simm.s32 @!p1 $0x6540  }
0x27a: {  	[tilespmem:s14], [sflag:$0x1] =	stream.indirect.gather @!p1 [hbm4b:s3+s8], $0x40, s7, s8, $0xb8;
	[tilespmem:$0x1B550] =	vst v63  }
0x27b: {  	s7 =	sadd.s32 @!p1 $0x440, s4;
	s14 =	simm.s32 @!p1 $0x7540  }
0x27c: {  	[tilespmem:s14], [sflag:$0x1] =	stream.indirect.gather @!p1 [hbm4b:s3+s8], $0x40, s7, s8, $0xb8;
	[tilespmem:$0x1B550] =	vst v63  }
0x27d: {  	s7 =	sadd.s32 @!p1 $0x480, s4;
	s14 =	simm.s32 @!p1 $0x8540  }
0x27e: {  	[tilespmem:s14], [sflag:$0x1] =	stream.indirect.gather @!p1 [hbm4b:s3+s8], $0x40, s7, s8, $0xb8;
	[tilespmem:$0x1B550] =	vst v63  }
0x27f: {  	s7 =	sadd.s32 @!p1 $0x4C0, s4;
	s14 =	simm.s32 @!p1 $0x9540  }
0x280: {  	[tilespmem:s14], [sflag:$0x1] =	stream.indirect.gather @!p1 [hbm4b:s3+s8], $0x40, s7, s8, $0xb8;
	[tilespmem:$0x1B550] =	vst v63  }
0x281: {  	s7 =	sadd.s32 @!p1 $0x500, s4;
	s14 =	simm.s32 @!p1 $0xA540  }
0x282: {  	[tilespmem:s14], [sflag:$0x1] =	stream.indirect.gather @!p1 [hbm4b:s3+s8], $0x40, s7, s8, $0xb8;
	[tilespmem:$0x1B550] =	vst v63  }
0x283: {  	s7 =	sadd.s32 @!p1 $0x2C00, s4;
	s14 =	simm.s32 @!p1 $0x10540  }
0x284: {  	[tilespmem:s14], [sflag:$0x1] =	stream.indirect.gather @!p1 [hbm4b:s3+s8], $0x40, s7, s8, $0xb8;
	[tilespmem:$0x1B550] =	vst v63  }
0x285: {  	s7 =	sadd.s32 @!p1 $0x2C40, s4;
	s14 =	simm.s32 @!p1 $0x11540  }
0x286: {  	[tilespmem:s14], [sflag:$0x1] =	stream.indirect.gather @!p1 [hbm4b:s3+s8], $0x40, s7, s8, $0xb8;
	[tilespmem:$0x1B550] =	vst v63  }
0x287: {  	s7 =	sadd.s32 @!p1 $0x2C80, s4;
	s14 =	simm.s32 @!p1 $0x12540  }
0x288: {  	[tilespmem:s14], [sflag:$0x1] =	stream.indirect.gather @!p1 [hbm4b:s3+s8], $0x40, s7, s8, $0xb8;
	[tilespmem:$0x1B550] =	vst v63  }
0x289: {  	s7 =	sadd.s32 @!p1 $0x2CC0, s4;
	s14 =	simm.s32 @!p1 $0x13540  }
0x28a: {  	[tilespmem:s14], [sflag:$0x1] =	stream.indirect.gather @!p1 [hbm4b:s3+s8], $0x40, s7, s8, $0xb8;
	[tilespmem:$0x1B550] =	vst v63  }
0x28b: {  	[tilespmem:$0x1F4D0] =	vst v0;
	s4 =	sadd.s32 @!p1 $0x2D00, s4;
	s7 =	simm.s32 @!p1 $0x14540  }
0x28c: {  	[tilespmem:s7], [sflag:$0x1] =	stream.indirect.gather @!p1 [hbm4b:s3+s8], $0x40, s4, s8, $0xb8;
	[tilespmem:$0x1B550] =	vst v63  }
0x28d: {  	_ =	swait.ge [sflag:s20], $0x400  }
0x28e: {  	[sflag:s20] =	ssyncset.done $0x0  }
0x28f: {  	[sflag:s20] =	ssyncadd.s32 $0xFFFFFC00  }
0x290: {  	_ =	swait.ge [sflag:s20], $0x400  }
0x291: {  	[sflag:s20] =	ssyncset.done $0x0  }
0x292: {  	[sflag:s20] =	ssyncadd.s32 $0xFFFFFC00  }
0x293: {  	_ =	swait.ge [sflag:s20], $0x1000  }
0x294: {  	[sflag:s20] =	ssyncset.done $0x0  }
0x295: {  	[sflag:s20] =	ssyncadd.s32 $0xFFFFF000  }
0x296: {  	_ =	swait.ge [sflag:s20], $0x1000  }
0x297: {  	[sflag:s20] =	ssyncset.done $0x0  }
0x298: {  	[sflag:s20] =	ssyncadd.s32 $0xFFFFF000  }
0x299: {  	_ =	swait.ge [sflag:s20], $0x1000  }
0x29a: {  	[sflag:s20] =	ssyncset.done $0x0  }
0x29b: {  	[sflag:s20] =	ssyncadd.s32 $0xFFFFF000  }
0x29c: {  	_ =	swait.ge [sflag:s20], $0x1000  }
0x29d: {  	[sflag:s20] =	ssyncset.done $0x0  }
0x29e: {  	[sflag:s20] =	ssyncadd.s32 $0xFFFFF000  }
0x29f: {  	_ =	swait.ge [sflag:s20], $0x1000  }
0x2a0: {  	[sflag:s20] =	ssyncset.done $0x0  }
0x2a1: {  	[sflag:s20] =	ssyncadd.s32 $0xFFFFF000  }
0x2a2: {  	_ =	swait.ge [sflag:s20], $0x1000  }
0x2a3: {  	[sflag:s20] =	ssyncset.done $0x0  }
0x2a4: {  	[sflag:s20] =	ssyncadd.s32 $0xFFFFF000  }
0x2a5: {  	_ =	swait.ge [sflag:s20], $0x1000  }
0x2a6: {  	[sflag:s20] =	ssyncset.done $0x0  }
0x2a7: {  	[sflag:s20] =	ssyncadd.s32 $0xFFFFF000  }
0x2a8: {  	_ =	swait.ge [sflag:s20], $0x1000  }
0x2a9: {  	[sflag:s20] =	ssyncset.done $0x0  }
0x2aa: {  	[sflag:s20] =	ssyncadd.s32 $0xFFFFF000  }
0x2ab: {  	_ =	swait.ge [sflag:s20], $0x1000  }
0x2ac: {  	[sflag:s20] =	ssyncset.done $0x0  }
0x2ad: {  	[sflag:s20] =	ssyncadd.s32 $0xFFFFF000  }
0x2ae: {  	_ =	swait.ge [sflag:s20], $0x1000  }
0x2af: {  	[sflag:s20] =	ssyncset.done $0x0  }
0x2b0: {  	[sflag:s20] =	ssyncadd.s32 $0xFFFFF000  }
0x2b1: {  	v0 =	vld [tilespmem:$0x5480];
	_ =	sdelay $0x4  }
0x2b2: {  	[tilespmem:$0x1F930] =	vst v0;
	v0 =	vld [tilespmem:$0x5490];
	_ =	sdelay $0x4  }
0x2b3: {  	[tilespmem:$0x1F8B0] =	vst v0;
	v0 =	vld [tilespmem:$0x54A0];
	_ =	sdelay $0x3  }
0x2b4: {  	s14 =	simm.s32 $0x157C0  }
0x2b5: {  	[tilespmem:$0x1F810] =	vst v0;
	v0 =	vld [tilespmem:s14+$0x230]  }
0x2b6: {  	v6 =	vld [tilespmem:$0x1FFF0];
	_ =	sdelay $0x2  }
0x2b7: {  	s16 =	simm.s32 $0xB7C0  }
0x2b8: {  	[tilespmem:$0x1F510] =	vst v0;
	v0 =	vld [tilespmem:s16+$0x270]  }
0x2b9: {  	v14 =	vmul.f32 v45, v6  }
0x2ba: {  	v15 =	vmul.f32 v46, v6;
	v5 =	vmul.f32 v5, v6;
	v6 =	vld [tilespmem:s16+$0x1F0];
	_ =	sdelay $0x2  }
0x2bb: {  	[tilespmem:$0x1F530] =	vst v0;
	v0 =	vld [tilespmem:s14+$0x1F0]  }
0x2bc: {  	v3 =	vld [tilespmem:s16+$0x230]  }
0x2bd: {  	[tilespmem:$0x1F5A0] =	vst v6;
	v6 =	vld [tilespmem:$0x1FFB0];
	_ =	sdelay $0x1  }
0x2be: {  	v8 =	vadd.f32 v8, v40  }
0x2bf: {  	v1 =	vadd.f32 v1, v42;
	[tilespmem:$0x1F550] =	vst v0;
	v0 =	vadd.f32 v47, v30  }
0x2c0: {  	[tilespmem:$0x1F560] =	vst v3;
	v3 =	vadd.f32 v62, v37;
	v2 =	vadd.f32 v14, v2  }
0x2c1: {  	v14 =	vmul.f32 v57, v6;
	v0 =	vadd.f32 v5, v0;
	v5 =	vmul.f32 v44, v6  }
0x2c2: {  	v3 =	vadd.f32 v17, v3;
	v11 =	vmul.f32 v11, v6;
	v17 =	vmul.f32 v38, v6;
	v6 =	vld [tilespmem:$0x1F2B0]  }
0x2c3: {  	v5 =	vadd.f32 v5, v8;
	v8 =	vadd.f32 v61, v1;
	v1 =	vld [tilespmem:$0x1FF90];
	_ =	sdelay $0x4  }
0x2c4: {  	v2 =	vadd.f32 v11, v2;
	v11 =	vmul.f32 v6, v1;
	v6 =	vld [tilespmem:$0x1F2C0];
	_ =	sdelay $0x4  }
0x2c5: {  	v42 =	vmul.f32 v6, v1;
	v6 =	vld [tilespmem:$0x1F2D0]  }
0x2c6: {  	v12 =	vadd.f32 v63, v41;
	_ =	sdelay $0x1  }
0x2c7: {  	v12 =	vadd.f32 v59, v12  }
0x2c8: {  	v9 =	vadd.f32 v27, v39  }
0x2c9: {  	v12 =	vadd.f32 v21, v12;
	v21 =	vmul.f32 v6, v1;
	v6 =	vld [tilespmem:$0x1FEC0]  }
0x2ca: {  	v9 =	vadd.f32 v60, v9;
	_ =	sdelay $0x1  }
0x2cb: {  	v9 =	vadd.f32 v25, v9;
	_ =	sdelay $0x1  }
0x2cc: {  	v9 =	vadd.f32 v6, v9;
	v6 =	vld [tilespmem:$0x1FE20];
	_ =	sdelay $0x3  }
0x2cd: {  	v0 =	vadd.f32 v17, v0;
	v17 =	vmul.f32 v28, v1;
	v1 =	vld [tilespmem:$0x1FF40]  }
0x2ce: {  	v12 =	vadd.f32 v6, v12;
	v6 =	vld [tilespmem:$0x1F2E0];
	_ =	sdelay $0x4  }
0x2cf: {  	v2 =	vadd.f32 v17, v2;
	v17 =	vmul.f32 v6, v1;
	v6 =	vld [tilespmem:$0x1F2F0];
	_ =	sdelay $0x4  }
0x2d0: {  	v15 =	vadd.f32 v15, v43;
	v43 =	vmul.f32 v6, v1;
	v6 =	vld [tilespmem:$0x1F300];
	_ =	sdelay $0x1  }
0x2d1: {  	v14 =	vadd.f32 v14, v15;
	_ =	sdelay $0x1  }
0x2d2: {  	v5 =	vadd.f32 v11, v5;
	v11 =	vadd.f32 v42, v14  }
0x2d3: {  	v0 =	vadd.f32 v21, v0;
	v14 =	vmul.f32 v26, v1;
	v21 =	vmul.f32 v6, v1;
	v1 =	vld [tilespmem:$0x1FF60];
	_ =	sdelay $0x2  }
0x2d4: {  	v8 =	vadd.f32 v56, v8  }
0x2d5: {  	v6 =	vld [tilespmem:$0x1F310]  }
0x2d6: {  	v8 =	vadd.f32 v1, v8;
	v1 =	vld [tilespmem:$0x1FEE0];
	_ =	sdelay $0x4  }
0x2d7: {  	v5 =	vadd.f32 v14, v5;
	v14 =	vmul.f32 v6, v1;
	v6 =	vld [tilespmem:$0x1F320];
	_ =	sdelay $0x4  }
0x2d8: {  	v11 =	vadd.f32 v17, v11;
	v17 =	vmul.f32 v6, v1;
	v6 =	vld [tilespmem:$0x1F330];
	_ =	sdelay $0x4  }
0x2d9: {  	v44 =	vmul.f32 v6, v1;
	v6 =	vld [tilespmem:$0x1F340];
	_ =	sdelay $0x4  }
0x2da: {  	v0 =	vadd.f32 v21, v0;
	v21 =	vmul.f32 v6, v1;
	v1 =	vld [tilespmem:$0x1FF00];
	_ =	sdelay $0x4  }
0x2db: {  	v8 =	vadd.f32 v1, v8;
	v1 =	vld [tilespmem:s16+$0x1A0];
	_ =	sdelay $0x3  }
0x2dc: {  	v6 =	vld [tilespmem:$0x1F350]  }
0x2dd: {  	[tilespmem:$0x1F6E0] =	vst v1;
	v1 =	vld [tilespmem:$0x1FE40];
	_ =	sdelay $0x4  }
0x2de: {  	v5 =	vadd.f32 v14, v5;
	v14 =	vmul.f32 v6, v1;
	v6 =	vld [tilespmem:s14+$0x1D0];
	_ =	sdelay $0x4  }
0x2df: {  	[tilespmem:$0x1F700] =	vst v6;
	v6 =	vld [tilespmem:$0x1FDC0];
	_ =	sdelay $0x2  }
0x2e0: {  	v9 =	vadd.f32 v55, v9;
	_ =	sdelay $0x1  }
0x2e1: {  	v9 =	vadd.f32 v6, v9;
	v6 =	vld [tilespmem:$0x1FCE0];
	_ =	sdelay $0x2  }
0x2e2: {  	v12 =	vadd.f32 v54, v12;
	_ =	sdelay $0x1  }
0x2e3: {  	v12 =	vadd.f32 v6, v12;
	v6 =	vld [tilespmem:$0x1F360];
	_ =	sdelay $0x2  }
0x2e4: {  	v2 =	vadd.f32 v43, v2  }
0x2e5: {  	s15 =	simm.s32 $0x0  }
0x2e6: {  	v2 =	vadd.f32 v17, v2;
	v17 =	vmul.f32 v6, v1;
	v6 =	vld [tilespmem:s15+$0x5940];
	_ =	sdelay $0x4  }
0x2e7: {  	[tilespmem:$0x1F7C0] =	vst v6;
	v6 =	vld [tilespmem:$0x1F370];
	_ =	sdelay $0x4  }
0x2e8: {  	v0 =	vadd.f32 v21, v0;
	v21 =	vmul.f32 v6, v1;
	v6 =	vld [tilespmem:$0x1F380];
	_ =	sdelay $0x4  }
0x2e9: {  	v30 =	vmul.f32 v6, v1;
	v1 =	vld [tilespmem:$0x1FE60];
	_ =	sdelay $0x1  }
0x2ea: {  	v3 =	vadd.f32 v19, v3;
	_ =	sdelay $0x1  }
0x2eb: {  	v3 =	vadd.f32 v53, v3  }
0x2ec: {  	v8 =	vadd.f32 v1, v8;
	v1 =	vld [tilespmem:$0x1FC10]  }
0x2ed: {  	v3 =	vadd.f32 v52, v3;
	_ =	sdelay $0x1  }
0x2ee: {  	v3 =	vadd.f32 v51, v3;
	_ =	sdelay $0x1  }
0x2ef: {  	v3 =	vadd.f32 v1, v3;
	v1 =	vld [tilespmem:$0x1FCF0];
	_ =	sdelay $0x3  }
0x2f0: {  	v6 =	vld [tilespmem:$0x1F390]  }
0x2f1: {  	v9 =	vadd.f32 v1, v9;
	v1 =	vld [tilespmem:$0x1FDD0];
	_ =	sdelay $0x4  }
0x2f2: {  	v5 =	vadd.f32 v14, v5;
	v14 =	vmul.f32 v6, v1;
	v6 =	vld [tilespmem:$0x1FC70];
	_ =	sdelay $0x4  }
0x2f3: {  	v12 =	vadd.f32 v6, v12;
	v6 =	vld [tilespmem:$0x1F3A0];
	_ =	sdelay $0x4  }
0x2f4: {  	v45 =	vmul.f32 v6, v1;
	v6 =	vld [tilespmem:$0x1F3B0];
	_ =	sdelay $0x4  }
0x2f5: {  	v60 =	vmul.f32 v58, v1;
	v47 =	vmul.f32 v6, v1;
	v1 =	vld [tilespmem:$0x1FDF0];
	_ =	sdelay $0x4  }
0x2f6: {  	v8 =	vadd.f32 v1, v8;
	v1 =	vld [tilespmem:$0x1FB40];
	_ =	sdelay $0x3  }
0x2f7: {  	v6 =	vld [tilespmem:$0x1F3C0]  }
0x2f8: {  	v3 =	vadd.f32 v1, v3;
	v1 =	vld [tilespmem:$0x1FD00];
	_ =	sdelay $0x4  }
0x2f9: {  	v5 =	vadd.f32 v14, v5;
	v14 =	vmul.f32 v6, v1;
	v6 =	vld [tilespmem:$0x1FC80];
	_ =	sdelay $0x4  }
0x2fa: {  	v9 =	vadd.f32 v6, v9;
	v6 =	vld [tilespmem:$0x1FC20];
	_ =	sdelay $0x4  }
0x2fb: {  	v12 =	vadd.f32 v6, v12;
	v6 =	vld [tilespmem:$0x1F3D0];
	_ =	sdelay $0x4  }
0x2fc: {  	v41 =	vmul.f32 v6, v1;
	v6 =	vld [tilespmem:$0x1F3E0];
	_ =	sdelay $0x4  }
0x2fd: {  	v42 =	vmul.f32 v6, v1;
	v6 =	vld [tilespmem:$0x1F3F0];
	_ =	sdelay $0x4  }
0x2fe: {  	v61 =	vmul.f32 v6, v1;
	v1 =	vld [tilespmem:$0x1FD10];
	_ =	sdelay $0x4  }
0x2ff: {  	v8 =	vadd.f32 v1, v8;
	v1 =	vld [tilespmem:s16+$0x120];
	_ =	sdelay $0x3  }
0x300: {  	v6 =	vld [tilespmem:$0x1F400]  }
0x301: {  	[tilespmem:$0x1F7A0] =	vst v1;
	v1 =	vld [tilespmem:$0x1FD20]  }
0x302: {  	v0 =	vadd.f32 v30, v0;
	_ =	sdelay $0x1  }
0x303: {  	v0 =	vadd.f32 v60, v0;
	_ =	sdelay $0x1  }
0x304: {  	v0 =	vadd.f32 v61, v0;
	v61 =	vmul.f32 v6, v1;
	v6 =	vld [tilespmem:s14+$0x150];
	_ =	sdelay $0x4  }
0x305: {  	[tilespmem:$0x1F7E0] =	vst v6;
	v6 =	vld [tilespmem:$0x1FB10];
	_ =	sdelay $0x4  }
0x306: {  	v3 =	vadd.f32 v6, v3;
	v6 =	vld [tilespmem:$0x1FC30]  }
0x307: {  	v2 =	vadd.f32 v21, v2;
	_ =	sdelay $0x1  }
0x308: {  	v2 =	vadd.f32 v45, v2;
	_ =	sdelay $0x1  }
0x309: {  	v2 =	vadd.f32 v42, v2;
	v42 =	vadd.f32 v6, v9;
	v6 =	vld [tilespmem:$0x1F410];
	_ =	sdelay $0x4  }
0x30a: {  	v9 =	vmul.f32 v6, v1;
	v6 =	vld [tilespmem:s16+$0x190];
	_ =	sdelay $0x4  }
0x30b: {  	[tilespmem:$0x1F800] =	vst v6;
	v6 =	vld [tilespmem:$0x1F420];
	_ =	sdelay $0x4  }
0x30c: {  	v11 =	vadd.f32 v44, v11;
	v44 =	vmul.f32 v6, v1;
	v1 =	vld [tilespmem:$0x1FB60];
	_ =	sdelay $0x4  }
0x30d: {  	v45 =	vadd.f32 v1, v12;
	v1 =	vld [tilespmem:$0x1FC90];
	_ =	sdelay $0x3  }
0x30e: {  	v6 =	vld [tilespmem:$0x1F430]  }
0x30f: {  	v8 =	vadd.f32 v1, v8;
	v1 =	vld [tilespmem:$0x1FD40];
	_ =	sdelay $0x4  }
0x310: {  	v0 =	vadd.f32 v61, v0;
	v61 =	vmul.f32 v6, v1;
	v6 =	vld [tilespmem:s16+$0x70];
	_ =	sdelay $0x4  }
0x311: {  	[tilespmem:$0x1F840] =	vst v6;
	v6 =	vld [tilespmem:$0x1FD30];
	_ =	sdelay $0x2  }
0x312: {  	v5 =	vadd.f32 v14, v5;
	_ =	sdelay $0x1  }
0x313: {  	v5 =	vadd.f32 v6, v5;
	v6 =	vld [tilespmem:$0x1F440];
	_ =	sdelay $0x2  }
0x314: {  	v11 =	vadd.f32 v17, v11;
	_ =	sdelay $0x1  }
0x315: {  	v11 =	vadd.f32 v47, v11;
	v47 =	vmul.f32 v6, v1;
	v1 =	vld [tilespmem:s14+$0xA0];
	_ =	sdelay $0x4  }
0x316: {  	[tilespmem:$0x1F860] =	vst v1;
	v1 =	vld [tilespmem:$0x1FB20];
	_ =	sdelay $0x3  }
0x317: {  	v6 =	vld [tilespmem:$0x1F450]  }
0x318: {  	v11 =	vadd.f32 v41, v11;
	v41 =	vadd.f32 v1, v45;
	v1 =	vld [tilespmem:$0x1FCB0];
	_ =	sdelay $0x4  }
0x319: {  	v0 =	vadd.f32 v61, v0;
	v61 =	vmul.f32 v6, v1;
	v6 =	vld [tilespmem:s16+$0xE0];
	_ =	sdelay $0x4  }
0x31a: {  	[tilespmem:$0x1F890] =	vst v6;
	v6 =	vld [tilespmem:$0x1FAD0];
	_ =	sdelay $0x4  }
0x31b: {  	v3 =	vadd.f32 v6, v3;
	v6 =	vld [tilespmem:$0x1F460];
	_ =	sdelay $0x4  }
0x31c: {  	v45 =	vmul.f32 v6, v1;
	v1 =	vld [tilespmem:s14+$0xFFFFFFF0];
	_ =	sdelay $0x4  }
0x31d: {  	[tilespmem:$0x1F8C0] =	vst v1;
	v1 =	vld [tilespmem:$0x1FD60];
	_ =	sdelay $0x2  }
0x31e: {  	v2 =	vadd.f32 v9, v2  }
0x31f: {  	v6 =	vld [tilespmem:$0x1F470]  }
0x320: {  	v2 =	vadd.f32 v1, v2;
	v1 =	vld [tilespmem:$0x1FBD0];
	_ =	sdelay $0x4  }
0x321: {  	v0 =	vadd.f32 v61, v0;
	v61 =	vmul.f32 v6, v1;
	v6 =	vld [tilespmem:s16+$0x30];
	_ =	sdelay $0x4  }
0x322: {  	[tilespmem:$0x1F8D0] =	vst v6;
	v6 =	vld [tilespmem:$0x1FBB0];
	_ =	sdelay $0x4  }
0x323: {  	v42 =	vadd.f32 v6, v42;
	v6 =	vld [tilespmem:s14+$0x60];
	_ =	sdelay $0x4  }
0x324: {  	[tilespmem:$0x1F8F0] =	vst v6;
	v6 =	vld [tilespmem:$0x1F480];
	_ =	sdelay $0x3  }
0x325: {  	v9 =	vld [tilespmem:$0x1F490]  }
0x326: {  	v11 =	vadd.f32 v44, v11;
	v44 =	vmul.f32 v6, v1;
	v6 =	vld [tilespmem:$0x1FBF0];
	_ =	sdelay $0x4  }
0x327: {  	v0 =	vadd.f32 v61, v0;
	v61 =	vmul.f32 v9, v6;
	v9 =	vld [tilespmem:s16+$0xA0];
	_ =	sdelay $0x4  }
0x328: {  	[tilespmem:$0x1F910] =	vst v9;
	v9 =	vld [tilespmem:$0x1FCA0];
	_ =	sdelay $0x4  }
0x329: {  	v5 =	vadd.f32 v9, v5;
	v9 =	vld [tilespmem:$0x1FCC0];
	_ =	sdelay $0x4  }
0x32a: {  	v2 =	vadd.f32 v9, v2;
	v9 =	vld [tilespmem:$0x1F4A0];
	_ =	sdelay $0x4  }
0x32b: {  	v11 =	vadd.f32 v47, v11;
	v47 =	vmul.f32 v9, v1;
	v1 =	vld [tilespmem:s14+$0xFFFFFFB0];
	_ =	sdelay $0x4  }
0x32c: {  	[tilespmem:$0x1F940] =	vst v1;
	v1 =	vld [tilespmem:$0x1F4B0];
	_ =	sdelay $0x4  }
0x32d: {  	v0 =	vadd.f32 v61, v0;
	v61 =	vmul.f32 v1, v6;
	v1 =	vld [tilespmem:s16+$0xFFFFFFF0];
	_ =	sdelay $0x4  }
0x32e: {  	[tilespmem:$0x1F960] =	vst v1;
	v1 =	vld [tilespmem:$0x1FC50];
	_ =	sdelay $0x4  }
0x32f: {  	v8 =	vadd.f32 v1, v8;
	v1 =	vld [tilespmem:$0x1FC60];
	_ =	sdelay $0x4  }
0x330: {  	v5 =	vadd.f32 v1, v5;
	v1 =	vld [tilespmem:s14+$0x20];
	_ =	sdelay $0x4  }
0x331: {  	[tilespmem:$0x1F970] =	vst v1;
	v1 =	vld [tilespmem:s16+$0x60];
	_ =	sdelay $0x4  }
0x332: {  	[tilespmem:$0x1F9A0] =	vst v1;
	v1 =	vld [tilespmem:$0x1FFD0];
	_ =	sdelay $0x4  }
0x333: {  	v0 =	vmul.f32 v0, v1;
	v1 =	vld [tilespmem:$0x1FBC0];
	_ =	sdelay $0x4  }
0x334: {  	v8 =	vadd.f32 v1, v8;
	v1 =	vld [tilespmem:s14+$0xFFFFFF70];
	_ =	sdelay $0x4  }
0x335: {  	[tilespmem:$0x1F9B0] =	vst v1;
	v1 =	vld [tilespmem:$0x1FBE0];
	_ =	sdelay $0x4  }
0x336: {  	v5 =	vadd.f32 v1, v5;
	v1 =	vld [tilespmem:$0x1FC00];
	_ =	sdelay $0x2  }
0x337: {  	v2 =	vadd.f32 v47, v2;
	_ =	sdelay $0x1  }
0x338: {  	v2 =	vadd.f32 v1, v2;
	v1 =	vld [tilespmem:s16+$0xFFFFFFB0];
	_ =	sdelay $0x4  }
0x339: {  	[tilespmem:$0x1F9C0] =	vst v1;
	v1 =	vld [tilespmem:$0x1FA80];
	_ =	sdelay $0x4  }
0x33a: {  	v0 =	vadd.f32 v0, v1;
	v1 =	vld [tilespmem:$0x1F4C0]  }
0x33b: {  	v11 =	vadd.f32 v45, v11;
	_ =	sdelay $0x1  }
0x33c: {  	v11 =	vadd.f32 v44, v11;
	_ =	sdelay $0x1  }
0x33d: {  	v11 =	vadd.f32 v61, v11;
	v61 =	vmul.f32 $5.000000000e-01, v33;
	v33 =	vmul.f32 v1, v6;
	v1 =	vld [tilespmem:s14+$0xFFFFFFE0];
	_ =	sdelay $0x4  }
0x33e: {  	[tilespmem:$0x1F9D0] =	vst v1;
	v1 =	vld [tilespmem:$0x1FB30];
	_ =	sdelay $0x4  }
0x33f: {  	v42 =	vadd.f32 v1, v42;
	v1 =	vld [tilespmem:$0x1FB50];
	_ =	sdelay $0x4  }
0x340: {  	v8 =	vadd.f32 v1, v8;
	v1 =	vld [tilespmem:s16+$0x20];
	_ =	sdelay $0x2  }
0x341: {  	v11 =	vmul.f32 v11, v61;
	_ =	sdelay $0x1  }
0x342: {  	[tilespmem:$0x1F9E0] =	vst v1;
	v1 =	vadd.f32 v11, v0;
	v0 =	vld [tilespmem:$0x1FAE0];
	_ =	sdelay $0x4  }
0x343: {  	v41 =	vadd.f32 v0, v41;
	v0 =	vld [tilespmem:$0x1FAF0];
	_ =	sdelay $0x4  }
0x344: {  	v42 =	vadd.f32 v0, v42;
	v0 =	vld [tilespmem:s16+$0xFFFFFF70];
	_ =	sdelay $0x4  }
0x345: {  	[tilespmem:$0x1F9F0] =	vst v0;
	v0 =	vld [tilespmem:$0x1FFC0];
	_ =	sdelay $0x4  }
0x346: {  	v2 =	vmul.f32 v2, v0;
	v0 =	vld [tilespmem:$0x1FB00];
	_ =	sdelay $0x4  }
0x347: {  	v8 =	vadd.f32 v0, v8;
	v0 =	vld [tilespmem:$0x1FAB0];
	_ =	sdelay $0x4  }
0x348: {  	v3 =	vadd.f32 v0, v3;
	v0 =	vld [tilespmem:s14+$0xFFFFFFA0];
	_ =	sdelay $0x2  }
0x349: {  	v36 =	vld [tilespmem:$0x5400]  }
0x34a: {  	v4 =	vld [tilespmem:$0x5410]  }
0x34b: {  	[tilespmem:$0x1FA00] =	vst v0;
	v0 =	vld [tilespmem:$0x1FAC0]  }
0x34c: {  	v7 =	vld [tilespmem:$0x5420]  }
0x34d: {  	v10 =	vld [tilespmem:$0x5430]  }
0x34e: {  	v13 =	vld [tilespmem:$0x5440]  }
0x34f: {  	v50 =	vld [tilespmem:$0x54B0]  }
0x350: {  	v41 =	vadd.f32 v0, v41;
	v0 =	vld [tilespmem:$0x1F4D0]  }
0x351: {  	v49 =	vld [tilespmem:$0x54C0]  }
0x352: {  	v48 =	vld [tilespmem:$0x54D0]  }
0x353: {  	v32 =	vld [tilespmem:$0x54E0]  }
0x354: {  	v29 =	vld [tilespmem:$0x54F0]  }
0x355: {  	v44 =	vmul.f32 $5.000000000e-01, v35;
	v35 =	vmul.f32 v0, v6;
	v0 =	vld [tilespmem:$0x1FA90]  }
0x356: {  	v24 =	vld [tilespmem:$0x5500]  }
0x357: {  	v20 =	vld [tilespmem:$0x5510]  }
0x358: {  	v18 =	vld [tilespmem:$0x5520]  }
0x359: {  	v31 =	vld [tilespmem:$0x5530]  }
0x35a: {  	v3 =	vadd.f32 v0, v3;
	v0 =	vld [tilespmem:$0x1F4E0]  }
0x35b: {  	v27 =	vld [tilespmem:s15+$0x5960]  }
0x35c: {  	v23 =	vld [tilespmem:s14+$0x1B0]  }
0x35d: {  	v63 =	vld [tilespmem:s14+$0x220]  }
0x35e: {  	v59 =	vld [tilespmem:s15+$0x6160]  }
0x35f: {  	v5 =	vadd.f32 v33, v5;
	v33 =	vmul.f32 v0, v6;
	v6 =	vld [tilespmem:$0x1FAA0]  }
0x360: {  	v39 =	vld [tilespmem:s14+$0x130]  }
0x361: {  	v40 =	vld [tilespmem:s16+$0x170]  }
0x362: {  	v0 =	vld [tilespmem:$0x1F4F0]  }
0x363: {  	v25 =	vld [tilespmem:s16+$0x1E0]  }
0x364: {  	v41 =	vadd.f32 v6, v41;
	v6 =	vld [tilespmem:$0x1F500]  }
0x365: {  	v46 =	vld [tilespmem:s14+$0x210]  }
0x366: {  	v62 =	vld [tilespmem:s16+$0x260]  }
0x367: {  	[tilespmem:$0x1F580] =	vst v23;
	v23 =	vld [tilespmem:s14+$0x1E0];
	v0 =	vmul.f32 $5.000000000e-01, v0  }
0x368: {  	v1 =	vadd.f32 v2, v1;
	v2 =	vld [tilespmem:$0x1FB80]  }
0x369: {  	v42 =	vadd.f32 v35, v42;
	v0 =	vsub.f32 v0, v6;
	v35 =	vmul.f32 $5.000000000e-01, v6;
	v6 =	vld [tilespmem:$0x1FB70]  }
0x36a: {  	v19 =	vld [tilespmem:s16+$0xF0]  }
0x36b: {  	v53 =	vld [tilespmem:s15+$0x6150];
	v5 =	vmul.f32 v5, v44  }
0x36c: {  	v38 =	vld [tilespmem:s14+$0x170]  }
0x36d: {  	v1 =	vadd.f32 v5, v1;
	v5 =	vld [tilespmem:$0x1F510];
	v2 =	vmul.f32 v8, v2  }
0x36e: {  	v8 =	vmul.f32 v42, v6;
	v6 =	vld [tilespmem:$0x1F550]  }
0x36f: {  	v1 =	vadd.f32 v2, v1;
	v2 =	vld [tilespmem:$0x1F580]  }
0x370: {  	v57 =	vld [tilespmem:s16+$0x1B0]  }
0x371: {  	v52 =	vld [tilespmem:s14+$0xF0];
	v3 =	vadd.f32 v33, v3  }
0x372: {  	v15 =	vld [tilespmem:s16+$0x220];
	v5 =	vmul.f32 v5, v18  }
0x373: {  	v3 =	vmul.f32 v3, v35;
	v35 =	vmul.f32 v6, v20;
	v6 =	vld [tilespmem:$0x1F560]  }
0x374: {  	[tilespmem:$0x1F520] =	vst v5;
	v5 =	vld [tilespmem:$0x1F530];
	v2 =	vmul.f32 v2, v24  }
0x375: {  	v51 =	vld [tilespmem:s14+$0x120]  }
0x376: {  	[tilespmem:$0x1F590] =	vst v2;
	v2 =	vld [tilespmem:$0x1F5A0]  }
0x377: {  	v56 =	vld [tilespmem:s16+$0x250]  }
0x378: {  	v26 =	vld [tilespmem:s14+$0x1A0];
	v6 =	vmul.f32 v6, v18  }
0x379: {  	v55 =	vld [tilespmem:s14+$0x160];
	v5 =	vmul.f32 v5, v31  }
0x37a: {  	v9 =	vld [tilespmem:s14+$0xFFFFFDB0];
	[tilespmem:$0x1F570] =	vst v6;
	v6 =	vmul.f32 v63, v18  }
0x37b: {  	v44 =	vld [tilespmem:s14+$0xFFFFFDF0];
	[tilespmem:$0x1F540] =	vst v5;
	v2 =	vmul.f32 v2, v20;
	v0 =	vmul.f32 v41, v0;
	v1 =	vadd.f32 v8, v1  }
0x37c: {  	v5 =	vld [tilespmem:s14+$0xFFFFFDE0];
	[tilespmem:$0x1F5C0] =	vst v6;
	v6 =	vmul.f32 v62, v31  }
0x37d: {  	[tilespmem:$0x1F5B0] =	vst v2;
	v2 =	vld [tilespmem:s16+$0xFFFFFDE0];
	v0 =	vadd.f32 v0, v1;
	v1 =	vmul.f32 v39, v32  }
0x37e: {  	v41 =	vld [tilespmem:s14+$0xFFFFFDA0];
	[tilespmem:$0x1F5D0] =	vst v6;
	v6 =	vmul.f32 v38, v29  }
0x37f: {  	v42 =	vld [tilespmem:s16+$0xFFFFFDF0];
	[tilespmem:$0x1F600] =	vst v1;
	v1 =	vmul.f32 v15, v18  }
0x380: {  	v15 =	vld [tilespmem:s14+$0xFFFFFD80];
	[tilespmem:$0x1F5E0] =	vst v6;
	v6 =	vmul.f32 v23, v20  }
0x381: {  	v33 =	vadd.f32 v3, v0;
	v3 =	vld [tilespmem:s14+$0xFFFFFDC0];
	[tilespmem:$0x1F610] =	vst v1  }
0x382: {  	v8 =	vmul.f32 $5.000000000e-01, v59;
	v1 =	vld [tilespmem:s16+$0xFFFFFDD0];
	[tilespmem:$0x1F5F0] =	vst v6;
	v6 =	vmul.f32 v40, v29  }
0x383: {  	v38 =	vld [tilespmem:s14+$0xFFFFFDD0]  }
0x384: {  	v63 =	vmul.f32 $5.000000000e-01, v27;
	[tilespmem:$0x1F620] =	vst v6;
	v6 =	vsub.f32 v8, v27;
	v27 =	vld [tilespmem:s16+$0xFFFFFD80]  }
0x385: {  	v5 =	vmul.f32 v5, v4;
	v2 =	vmul.f32 v2, v4;
	v40 =	vld [tilespmem:s16+$0xFFFFFDC0]  }
0x386: {  	v0 =	vmul.f32 v44, v4;
	v44 =	vmul.f32 v42, v4;
	v62 =	vld [tilespmem:s14+$0xFFFFFD90]  }
0x387: {  	v54 =	vld [tilespmem:s16+$0x130];
	v15 =	vmul.f32 v15, v36;
	v3 =	vmul.f32 v3, v4  }
0x388: {  	v47 =	vld [tilespmem:s16+$0xFFFFFDB0];
	v1 =	vmul.f32 v1, v4;
	v38 =	vmul.f32 v38, v4  }
0x389: {  	v3 =	vadd.f32 v3, v15;
	v23 =	vld [tilespmem:s16+$0xFFFFFD90];
	v8 =	vmul.f32 v41, v36;
	v15 =	vmul.f32 v27, v36  }
0x38a: {  	[tilespmem:$0x1F650] =	vst v4;
	v45 =	vld [tilespmem:s16+$0xFFFFFDA0];
	v27 =	vmul.f32 v40, v4;
	v4 =	vmul.f32 v26, v24  }
0x38b: {  	v9 =	vmul.f32 v9, v36;
	v41 =	vld [tilespmem:s14+$0xFFFFFE30];
	v5 =	vadd.f32 v5, v8;
	v8 =	vmul.f32 v62, v36  }
0x38c: {  	v59 =	vmul.f32 v57, v24;
	v42 =	vld [tilespmem:s14+$0xFFFFFE20];
	[tilespmem:$0x1F660] =	vst v4;
	v4 =	vmul.f32 v46, v18  }
0x38d: {  	v0 =	vadd.f32 v0, v9;
	v9 =	vmul.f32 v47, v36;
	v8 =	vadd.f32 v38, v8;
	v38 =	vld [tilespmem:s16+$0xFFFFFE30]  }
0x38e: {  	v57 =	vld [tilespmem:s14+$0xFFFFFE10];
	v23 =	vmul.f32 v23, v36;
	[tilespmem:$0x1F680] =	vst v4;
	v4 =	vmul.f32 v56, v31  }
0x38f: {  	v47 =	vmul.f32 v45, v36;
	v9 =	vadd.f32 v44, v9;
	v62 =	vld [tilespmem:s16+$0xFFFFFE20]  }
0x390: {  	v1 =	vadd.f32 v1, v23;
	v23 =	vmul.f32 v41, v7;
	v26 =	vld [tilespmem:s14+$0xFFFFFE00];
	[tilespmem:$0x1F6A0] =	vst v4;
	v4 =	vmul.f32 v52, v48  }
0x391: {  	[tilespmem:$0x1F640] =	vst v36;
	v36 =	vmul.f32 v25, v20;
	v25 =	vmul.f32 v42, v7;
	v15 =	vadd.f32 v27, v15;
	v27 =	vld [tilespmem:s16+$0xFFFFFE10]  }
0x392: {  	v43 =	vld [tilespmem:s14+$0xB0];
	v0 =	vadd.f32 v23, v0;
	v23 =	vmul.f32 v38, v7;
	[tilespmem:$0x1F6B0] =	vst v4;
	v4 =	vmul.f32 v54, v32  }
0x393: {  	v45 =	vld [tilespmem:s14+$0xFFFFFE70];
	v5 =	vadd.f32 v25, v5;
	v25 =	vmul.f32 v57, v7  }
0x394: {  	v2 =	vadd.f32 v2, v47;
	v9 =	vadd.f32 v23, v9;
	v23 =	vmul.f32 v62, v7;
	[tilespmem:$0x1F6C0] =	vst v4;
	v4 =	vld [tilespmem:$0x1F6E0]  }
0x395: {  	v8 =	vadd.f32 v25, v8;
	v25 =	vmul.f32 v26, v7;
	v26 =	vld [tilespmem:s16+$0xFFFFFE70]  }
0x396: {  	v17 =	vld [tilespmem:s16+$0x1D0];
	v2 =	vadd.f32 v23, v2;
	v23 =	vmul.f32 v27, v7  }
0x397: {  	v47 =	vld [tilespmem:s16+$0xFFFFFE60]  }
0x398: {  	v21 =	vld [tilespmem:s16+$0x160];
	v40 =	vmul.f32 $5.000000000e-01, v53;
	v1 =	vadd.f32 v23, v1;
	v23 =	vmul.f32 v45, v10  }
0x399: {  	v58 =	vld [tilespmem:s15+$0x6140];
	v53 =	vmul.f32 v4, v24;
	v4 =	vmul.f32 v43, v49  }
0x39a: {  	v60 =	vld [tilespmem:s14+$0x70];
	v0 =	vadd.f32 v23, v0;
	v23 =	vmul.f32 v26, v10  }
0x39b: {  	[tilespmem:$0x1F6F0] =	vst v4;
	v4 =	vld [tilespmem:$0x1F700]  }
0x39c: {  	v9 =	vadd.f32 v23, v9;
	v23 =	vmul.f32 v47, v10;
	v47 =	vld [tilespmem:s16+$0xFFFFFEA0]  }
0x39d: {  	v26 =	vld [tilespmem:s16+$0xFFFFFE40]  }
0x39e: {  	v44 =	vld [tilespmem:s16+$0xFFFFFE50]  }
0x39f: {  	[tilespmem:$0x1F670] =	vst v18;
	v18 =	vld [tilespmem:s16+$0xFFFFFE00]  }
0x3a0: {  	v62 =	vmul.f32 v55, v29;
	v27 =	vld [tilespmem:s14+$0xFFFFFE50];
	v54 =	vmul.f32 v4, v20  }
0x3a1: {  	v46 =	vld [tilespmem:s14+$0xFFFFFE60];
	v2 =	vadd.f32 v23, v2;
	v4 =	vmul.f32 v19, v48;
	v19 =	vmul.f32 v47, v13  }
0x3a2: {  	v55 =	vmul.f32 v17, v20;
	v17 =	vmul.f32 v26, v10;
	v26 =	vld [tilespmem:s16+$0xFFFFFE90]  }
0x3a3: {  	[tilespmem:$0x1F710] =	vst v4;
	v4 =	vmul.f32 v51, v32;
	v19 =	vadd.f32 v19, v2;
	v2 =	vld [tilespmem:$0x1F800]  }
0x3a4: {  	v37 =	vld [tilespmem:s16+$0xB0];
	v3 =	vadd.f32 v25, v3;
	v25 =	vmul.f32 v18, v7  }
0x3a5: {  	v45 =	vmul.f32 v27, v10;
	v27 =	vld [tilespmem:s14+$0xFFFFFEA0];
	[tilespmem:$0x1F720] =	vst v4;
	v4 =	vmul.f32 v21, v29  }
0x3a6: {  	v14 =	vld [tilespmem:s14+$0xE0];
	v52 =	vmul.f32 $5.000000000e-01, v58;
	v23 =	vmul.f32 v44, v10  }
0x3a7: {  	v15 =	vadd.f32 v25, v15;
	v25 =	vmul.f32 v46, v10;
	[tilespmem:$0x1F730] =	vst v4;
	v4 =	vmul.f32 v60, v50  }
0x3a8: {  	v30 =	vld [tilespmem:s14+$0x190];
	v1 =	vadd.f32 v23, v1;
	v58 =	vmul.f32 v2, v24;
	v2 =	vmul.f32 v26, v13  }
0x3a9: {  	v5 =	vadd.f32 v25, v5;
	v25 =	vld [tilespmem:s14+$0xFFFFFEB0];
	[tilespmem:$0x1F760] =	vst v4;
	v4 =	vmul.f32 v37, v49  }
0x3aa: {  	v15 =	vadd.f32 v17, v15;
	v17 =	vmul.f32 v27, v13;
	v27 =	vadd.f32 v2, v1;
	v1 =	vld [tilespmem:$0x1F840]  }
0x3ab: {  	v16 =	vld [tilespmem:$0x5450];
	[tilespmem:$0x1F770] =	vst v4;
	v4 =	vmul.f32 v14, v48  }
0x3ac: {  	v5 =	vadd.f32 v17, v5;
	v17 =	vld [tilespmem:s14+$0xFFFFFEF0]  }
0x3ad: {  	[tilespmem:$0x1F780] =	vst v4;
	v4 =	vld [tilespmem:$0x1F7A0]  }
0x3ae: {  	[tilespmem:$0x1F690] =	vst v31;
	v31 =	vmul.f32 v30, v24;
	v30 =	vld [tilespmem:s14+$0xFFFFFE90]  }
0x3af: {  	v23 =	vmul.f32 v25, v13;
	v1 =	vmul.f32 v1, v50  }
0x3b0: {  	v25 =	vld [tilespmem:s14+$0xFFFFFE80]  }
0x3b1: {  	v0 =	vadd.f32 v23, v0;
	[tilespmem:$0x1F850] =	vst v1;
	v1 =	vmul.f32 v17, v16  }
0x3b2: {  	v21 =	vld [tilespmem:s16+$0xFFFFFEB0];
	v4 =	vmul.f32 v4, v32  }
0x3b3: {  	v8 =	vadd.f32 v45, v8;
	v14 =	vmul.f32 v30, v13;
	v0 =	vadd.f32 v1, v0;
	v1 =	vld [tilespmem:$0x1F890]  }
0x3b4: {  	[tilespmem:$0x1F7B0] =	vst v4;
	v4 =	vld [tilespmem:$0x1F7E0]  }
0x3b5: {  	v14 =	vadd.f32 v14, v8;
	v8 =	vmul.f32 v25, v13;
	v25 =	vld [tilespmem:s16+$0xFFFFFEF0];
	_ =	sdelay $0x1  }
0x3b6: {  	v12 =	vld [tilespmem:s14+$0x30]  }
0x3b7: {  	v23 =	vld [tilespmem:s16+$0xFFFFFE80];
	v21 =	vmul.f32 v21, v13;
	v1 =	vmul.f32 v1, v48  }
0x3b8: {  	v60 =	vmul.f32 v4, v29;
	v4 =	vld [tilespmem:$0x1F810]  }
0x3b9: {  	v9 =	vadd.f32 v21, v9;
	[tilespmem:$0x1F8A0] =	vst v1;
	v1 =	vmul.f32 v25, v16;
	_ =	sdelay $0x1  }
0x3ba: {  	v37 =	vadd.f32 v1, v9;
	v1 =	vld [tilespmem:$0x1F8D0];
	_ =	sdelay $0x1  }
0x3bb: {  	[tilespmem:$0x1F630] =	vst v6;
	v6 =	vmul.f32 v12, v4;
	v12 =	vmul.f32 v23, v13;
	v23 =	vld [tilespmem:s16+$0xFFFFFEE0];
	_ =	sdelay $0x1  }
0x3bc: {  	v57 =	vld [tilespmem:s14+$0xFFFFFE40]  }
0x3bd: {  	v2 =	vld [tilespmem:$0x1F860];
	v1 =	vmul.f32 v1, v4  }
0x3be: {  	v21 =	vld [tilespmem:s14+$0xFFFFFEE0]  }
0x3bf: {  	v22 =	vld [tilespmem:$0x5460];
	[tilespmem:$0x1F8E0] =	vst v1;
	v1 =	vmul.f32 v23, v16  }
0x3c0: {  	v17 =	vld [tilespmem:s14+$0xFFFFFEC0]  }
0x3c1: {  	v46 =	vmul.f32 v57, v10;
	v44 =	vadd.f32 v1, v19;
	v1 =	vld [tilespmem:$0x1F910]  }
0x3c2: {  	v11 =	vld [tilespmem:s14+$0xFFFFFF30];
	v2 =	vmul.f32 v2, v49  }
0x3c3: {  	v3 =	vadd.f32 v46, v3;
	v26 =	vld [tilespmem:s14+$0xFFFFFED0];
	v15 =	vadd.f32 v12, v15;
	v12 =	vmul.f32 v21, v16  }
0x3c4: {  	[tilespmem:$0x1F870] =	vst v2;
	v2 =	vld [tilespmem:$0x1F8B0]  }
0x3c5: {  	v3 =	vadd.f32 v8, v3;
	v17 =	vmul.f32 v17, v16;
	v30 =	vadd.f32 v12, v5;
	v5 =	vld [tilespmem:$0x1F8C0]  }
0x3c6: {  	v25 =	vld [tilespmem:s16+$0xFFFFFEC0];
	v1 =	vmul.f32 v1, v49  }
0x3c7: {  	[tilespmem:$0x1F900] =	vst v49;
	v57 =	vmul.f32 v11, v22;
	v49 =	vadd.f32 v17, v3;
	v3 =	vld [tilespmem:$0x1F940]  }
0x3c8: {  	[tilespmem:$0x1F920] =	vst v1;
	v1 =	vld [tilespmem:$0x1F930]  }
0x3c9: {  	v45 =	vadd.f32 v57, v0;
	v0 =	vld [tilespmem:$0x1F9A0]  }
0x3ca: {  	v8 =	vmul.f32 v5, v2;
	v5 =	vmul.f32 v26, v16;
	v26 =	vld [tilespmem:s16+$0xFFFFFF30];
	_ =	sdelay $0x1  }
0x3cb: {  	v34 =	vld [tilespmem:$0x5470]  }
0x3cc: {  	v25 =	vmul.f32 v25, v16;
	v23 =	vmul.f32 v3, v1;
	v3 =	vld [tilespmem:$0x1F960]  }
0x3cd: {  	v41 =	vld [tilespmem:s16+$0xFFFFFF20]  }
0x3ce: {  	v38 =	vld [tilespmem:s14+$0xFFFFFF20];
	v42 =	vadd.f32 v25, v15;
	v15 =	vmul.f32 v0, v50;
	v0 =	vmul.f32 v26, v22  }
0x3cf: {  	v21 =	vld [tilespmem:s16+$0xFFFFFED0]  }
0x3d0: {  	v46 =	vadd.f32 v0, v37;
	v0 =	vld [tilespmem:$0x1F9C0]  }
0x3d1: {  	v9 =	vmul.f32 v3, v2;
	v3 =	vld [tilespmem:$0x1F970]  }
0x3d2: {  	v28 =	vld [tilespmem:s15+$0x5950]  }
0x3d3: {  	v61 =	vld [tilespmem:s16+$0xFFFFFFE0];
	v25 =	vmul.f32 v38, v22  }
0x3d4: {  	v39 =	vld [tilespmem:s14+$0xFFFFFF60];
	v56 =	vmul.f32 v21, v16  }
0x3d5: {  	v43 =	vadd.f32 v25, v30;
	v21 =	vld [tilespmem:s14+$0xFFFFFF10];
	v25 =	vmul.f32 v0, v1;
	v0 =	vmul.f32 v41, v22  }
0x3d6: {  	v18 =	vld [tilespmem:s16+$0xFFFFFF00];
	v3 =	vmul.f32 v3, v4  }
0x3d7: {  	v44 =	vadd.f32 v0, v44;
	v0 =	vld [tilespmem:$0x1F9E0]  }
0x3d8: {  	[tilespmem:$0x1F980] =	vst v3;
	v3 =	vld [tilespmem:$0x1F9B0]  }
0x3d9: {  	v47 =	vld [tilespmem:s14+$0xFFFFFF00]  }
0x3da: {  	[tilespmem:$0x1F790] =	vst v32;
	v32 =	vld [tilespmem:$0x1F7C0];
	v14 =	vadd.f32 v5, v14;
	v19 =	vmul.f32 v21, v22  }
0x3db: {  	v38 =	vld [tilespmem:s16+$0xFFFFFF10]  }
0x3dc: {  	[tilespmem:$0x1F6D0] =	vst v7;
	v41 =	vadd.f32 v19, v14;
	v14 =	vmul.f32 v0, v4;
	v0 =	vld [tilespmem:$0x1F9F0]  }
0x3dd: {  	[tilespmem:$0x1F740] =	vst v20;
	v30 =	vmul.f32 v3, v34;
	v3 =	vld [tilespmem:$0x1F9D0]  }
0x3de: {  	[tilespmem:$0x1F750] =	vst v10;
	v57 =	vld [tilespmem:s16+$0xFFFFFF60]  }
0x3df: {  	[tilespmem:$0x1F7D0] =	vst v29;
	v51 =	vadd.f32 v56, v27;
	v27 =	vld [tilespmem:s16+$0xFFFFFFA0]  }
0x3e0: {  	[tilespmem:$0x1F7F0] =	vst v24;
	v5 =	vld [tilespmem:$0x1F8F0]  }
0x3e1: {  	[tilespmem:$0x1F830] =	vst v13;
	v38 =	vmul.f32 v38, v22;
	v37 =	vmul.f32 v0, v34;
	v0 =	vld [tilespmem:$0x1FA00]  }
0x3e2: {  	[tilespmem:$0x1F880] =	vst v48;
	v21 =	vmul.f32 v47, v22;
	v11 =	vmul.f32 v3, v2;
	v3 =	vld [tilespmem:s14+$0xFFFFFF50]  }
0x3e3: {  	[tilespmem:$0x1F950] =	vst v16;
	v39 =	vmul.f32 v39, v34;
	v48 =	vld [tilespmem:s16+$0xFFFFFF50];
	v56 =	vsub.f32 v52, v32  }
0x3e4: {  	[tilespmem:$0x1F990] =	vst v50;
	v52 =	vmul.f32 v18, v22;
	v47 =	vadd.f32 v21, v49;
	v49 =	vadd.f32 v38, v51;
	v51 =	vld [tilespmem:s16+$0xFFFFFF40]  }
0x3e5: {  	[tilespmem:$0x1FA10] =	vst v22;
	v21 =	vmul.f32 v61, v2;
	v38 =	vmul.f32 v57, v34;
	v57 =	vsub.f32 v40, v28;
	v40 =	vld [tilespmem:s14+$0xFFFFFF90]  }
0x3e6: {  	[tilespmem:$0x1FA20] =	vst v34;
	v5 =	vmul.f32 v5, v50;
	v50 =	vld [tilespmem:s16+$0xFFFFFF90];
	v27 =	vmul.f32 v27, v1  }
0x3e7: {  	s7 =	simm.s32 $0x100;
	s4 =	simm.s32 $0x157C0;
	[tilespmem:$0x1F820] =	vst v6;
	v26 =	vmul.f32 v0, v1;
	v0 =	vld [tilespmem:s14+$0xFFFFFF40];
	v3 =	vmul.f32 v3, v34  }
.LBB2_5:
0x3e8: {  	v61 =	vld [tilespmem:$0x1FA20];
	v30 =	vadd.f32 v30, v45  }
0x3e9: {  	v1 =	vld [tilespmem:$0x1F820]  }
0x3ea: {  	v29 =	vld [tilespmem:$0x1F930];
	v23 =	vadd.f32 v23, v30  }
0x3eb: {  	v19 =	vld [tilespmem:s16+$0xFFFFFFD0]  }
0x3ec: {  	v24 =	vld [tilespmem:$0x1F8B0];
	v12 =	vadd.f32 v8, v23  }
0x3ed: {  	v39 =	vadd.f32 v39, v43;
	v48 =	vmul.f32 v48, v61  }
0x3ee: {  	v42 =	vadd.f32 v52, v42;
	v51 =	vmul.f32 v51, v61;
	v8 =	vadd.f32 v1, v12;
	v1 =	vld [tilespmem:$0x1F980]  }
0x3ef: {  	v26 =	vadd.f32 v26, v39;
	v34 =	vmul.f32 v50, v29;
	v18 =	vadd.f32 v48, v49  }
0x3f0: {  	v42 =	vadd.f32 v51, v42  }
0x3f1: {  	v51 =	vadd.f32 v34, v18;
	v34 =	vmul.f32 v19, v24;
	v19 =	vadd.f32 v11, v26  }
0x3f2: {  	v37 =	vadd.f32 v37, v46  }
0x3f3: {  	v11 =	vadd.f32 v1, v19;
	v1 =	vld [tilespmem:$0x1F8E0]  }
0x3f4: {  	v25 =	vadd.f32 v25, v37;
	_ =	sdelay $0x1  }
0x3f5: {  	v17 =	vadd.f32 v9, v25;
	_ =	sdelay $0x1  }
0x3f6: {  	v9 =	vadd.f32 v1, v17;
	v1 =	vld [tilespmem:$0x1F760];
	_ =	sdelay $0x4  }
0x3f7: {  	v8 =	vadd.f32 v1, v8;
	v1 =	vld [tilespmem:$0x1F850];
	_ =	sdelay $0x4  }
0x3f8: {  	v2 =	vadd.f32 v1, v9;
	v1 =	vld [tilespmem:$0x1F6F0]  }
0x3f9: {  	v45 =	vld [tilespmem:s14+$0xFFFFFF80]  }
0x3fa: {  	v4 =	vld [tilespmem:$0x1F6B0]  }
0x3fb: {  	v20 =	vld [tilespmem:$0x1F810]  }
0x3fc: {  	v16 =	vld [tilespmem:$0x1F990]  }
0x3fd: {  	v8 =	vadd.f32 v1, v8;
	v1 =	vld [tilespmem:$0x1F870]  }
0x3fe: {  	v13 =	vld [tilespmem:$0x1F900]  }
0x3ff: {  	v8 =	vadd.f32 v4, v8;
	v4 =	vld [tilespmem:$0x1F780]  }
0x400: {  	v10 =	vld [tilespmem:$0x1F880];
	v5 =	vadd.f32 v5, v11  }
0x401: {  	v7 =	vld [tilespmem:$0x1F790]  }
0x402: {  	v38 =	vadd.f32 v38, v44;
	v5 =	vadd.f32 v1, v5;
	v1 =	vld [tilespmem:$0x1F770]  }
0x403: {  	v6 =	vld [tilespmem:$0x1F7D0]  }
0x404: {  	v27 =	vadd.f32 v27, v38;
	v5 =	vadd.f32 v4, v5;
	v4 =	vld [tilespmem:$0x1F710]  }
0x405: {  	v43 =	vld [tilespmem:s16+$0xFFFFFF80]  }
0x406: {  	v52 =	vld [tilespmem:s14+$0xFFFFFFD0];
	v21 =	vadd.f32 v21, v27  }
0x407: {  	v2 =	vadd.f32 v1, v2;
	v1 =	vld [tilespmem:$0x1F920]  }
0x408: {  	v46 =	vld [tilespmem:s16+$0x50];
	v14 =	vadd.f32 v14, v21  }
0x409: {  	v2 =	vadd.f32 v4, v2;
	v4 =	vld [tilespmem:$0x1F8A0]  }
0x40a: {  	v30 =	vld [tilespmem:s14+$0xFFFFFFC0];
	v14 =	vadd.f32 v15, v14  }
0x40b: {  	v37 =	vld [tilespmem:$0x1F740]  }
0x40c: {  	v23 =	vld [tilespmem:s14+$0x0];
	v1 =	vadd.f32 v1, v14  }
0x40d: {  	v50 =	vld [tilespmem:s14+$0x10]  }
0x40e: {  	v1 =	vadd.f32 v4, v1;
	v4 =	vld [tilespmem:$0x1F600]  }
0x40f: {  	v25 =	vld [tilespmem:s16+$0x0]  }
0x410: {  	v27 =	vld [tilespmem:s14+$0x50]  }
0x411: {  	v3 =	vadd.f32 v3, v41;
	v41 =	vmul.f32 v52, v24;
	v52 =	vld [tilespmem:s16+$0x10]  }
0x412: {  	v12 =	vld [tilespmem:s14+$0x40]  }
0x413: {  	v0 =	vmul.f32 v0, v61;
	v8 =	vadd.f32 v4, v8;
	v4 =	vld [tilespmem:$0x1F720]  }
0x414: {  	v48 =	vld [tilespmem:s16+$0xFFFFFFC0]  }
0x415: {  	v45 =	vmul.f32 v45, v29;
	v0 =	vadd.f32 v0, v47;
	v21 =	vld [tilespmem:s14+$0x90]  }
0x416: {  	v40 =	vmul.f32 v40, v29;
	v15 =	vld [tilespmem:s14+$0xD0]  }
0x417: {  	v30 =	vmul.f32 v30, v24;
	v0 =	vadd.f32 v45, v0;
	v45 =	vmul.f32 v50, v20;
	v50 =	vld [tilespmem:s14+$0x100]  }
0x418: {  	v49 =	vmul.f32 v43, v29;
	v3 =	vadd.f32 v40, v3;
	v5 =	vadd.f32 v4, v5;
	v4 =	vld [tilespmem:$0x1F6C0]  }
0x419: {  	v23 =	vmul.f32 v23, v20;
	v0 =	vadd.f32 v30, v0;
	v30 =	vadd.f32 v34, v51;
	v51 =	vld [tilespmem:s14+$0x1C0]  }
0x41a: {  	v39 =	vadd.f32 v49, v42;
	v47 =	vmul.f32 v52, v20;
	v52 =	vld [tilespmem:s14+$0x270];
	v26 =	vmul.f32 v48, v24  }
0x41b: {  	v48 =	vmul.f32 v25, v20;
	v25 =	vmul.f32 v27, v16;
	v27 =	vld [tilespmem:s16+$0x90]  }
0x41c: {  	v3 =	vadd.f32 v41, v3;
	v26 =	vadd.f32 v26, v39;
	v17 =	vld [tilespmem:s16+$0x40]  }
0x41d: {  	v12 =	vmul.f32 v12, v16;
	v0 =	vadd.f32 v23, v0;
	v2 =	vadd.f32 v4, v2;
	v4 =	vld [tilespmem:$0x1F7B0]  }
0x41e: {  	v23 =	vadd.f32 v47, v30;
	v30 =	vld [tilespmem:s14+$0x80];
	v19 =	vadd.f32 v48, v26;
	v26 =	vmul.f32 v46, v16  }
0x41f: {  	v3 =	vadd.f32 v45, v3;
	v9 =	vld [tilespmem:s16+$0x80]  }
0x420: {  	v0 =	vadd.f32 v12, v0;
	v12 =	vadd.f32 v26, v23;
	v23 =	vld [tilespmem:s14+$0xC0]  }
0x421: {  	v11 =	vmul.f32 v17, v16;
	v17 =	vmul.f32 v21, v13;
	v21 =	vld [tilespmem:s16+$0xD0]  }
0x422: {  	v3 =	vadd.f32 v25, v3;
	v1 =	vadd.f32 v4, v1;
	v4 =	vld [tilespmem:$0x1F5E0]  }
0x423: {  	v15 =	vmul.f32 v15, v10;
	v25 =	vmul.f32 v30, v13;
	v26 =	vld [tilespmem:s16+$0xC0]  }
0x424: {  	v11 =	vadd.f32 v11, v19;
	v3 =	vadd.f32 v17, v3;
	v17 =	vld [tilespmem:s16+$0x110];
	v9 =	vmul.f32 v9, v13  }
0x425: {  	v0 =	vadd.f32 v25, v0;
	v14 =	vld [tilespmem:s14+$0x110]  }
0x426: {  	v49 =	vmul.f32 v27, v13;
	v3 =	vadd.f32 v15, v3;
	v15 =	vld [tilespmem:s16+$0x150];
	v9 =	vadd.f32 v9, v11  }
0x427: {  	v11 =	vmul.f32 v21, v10;
	v21 =	vmul.f32 v23, v10;
	v8 =	vadd.f32 v4, v8;
	v4 =	vld [tilespmem:$0x1F620]  }
0x428: {  	v12 =	vadd.f32 v49, v12;
	v23 =	vld [tilespmem:s16+$0x100]  }
0x429: {  	v25 =	vmul.f32 v26, v10;
	v0 =	vadd.f32 v21, v0;
	v21 =	vld [tilespmem:s14+$0x140]  }
0x42a: {  	v17 =	vmul.f32 v17, v7;
	v11 =	vadd.f32 v11, v12;
	v12 =	vmul.f32 v14, v7;
	v14 =	vld [tilespmem:s16+$0x140]  }
0x42b: {  	v19 =	vmul.f32 v50, v7;
	v9 =	vadd.f32 v25, v9;
	v25 =	vld [tilespmem:s16+$0x180]  }
0x42c: {  	v15 =	vmul.f32 v15, v6;
	v11 =	vadd.f32 v17, v11;
	v2 =	vadd.f32 v4, v2;
	v4 =	vld [tilespmem:$0x1F730]  }
0x42d: {  	v17 =	vld [tilespmem:s16+$0x1C0];
	v23 =	vmul.f32 v23, v7  }
0x42e: {  	v0 =	vadd.f32 v19, v0;
	v11 =	vadd.f32 v15, v11;
	v15 =	vld [tilespmem:s16+$0x240];
	v21 =	vmul.f32 v21, v6  }
0x42f: {  	v9 =	vadd.f32 v23, v9;
	v23 =	vld [tilespmem:s16+$0x200];
	v14 =	vmul.f32 v14, v6  }
0x430: {  	v0 =	vadd.f32 v21, v0;
	v21 =	vadd.f32 v59, v2;
	v2 =	vld [tilespmem:$0x1F590]  }
0x431: {  	v9 =	vadd.f32 v14, v9;
	v14 =	vadd.f32 v4, v1;
	v4 =	vld [tilespmem:$0x1F7F0]  }
0x432: {  	v3 =	vadd.f32 v12, v3;
	v12 =	vld [tilespmem:s14+$0x180]  }
0x433: {  	v5 =	vadd.f32 v62, v5;
	v62 =	vld [tilespmem:$0x1F670]  }
0x434: {  	v59 =	vld [tilespmem:$0x1F690]  }
0x435: {  	v26 =	vadd.f32 v2, v8;
	v8 =	vld [tilespmem:s14+$0x240]  }
0x436: {  	v1 =	vmul.f32 v25, v4;
	v25 =	vld [tilespmem:s14+$0x200];
	s14 =	sadd.s32 $0x500, s14  }
0x437: {  	v34 =	vld [tilespmem:s14+$0x1B0]  }
0x438: {  	v11 =	vadd.f32 v58, v11;
	v58 =	vld [tilespmem:s14+$0x220]  }
0x439: {  	v38 =	vld [tilespmem:s14+$0xF0]  }
0x43a: {  	v40 =	vld [tilespmem:s14+$0x160]  }
0x43b: {  	v43 =	vld [tilespmem:s14+$0x1D0]  }
0x43c: {  	v44 =	vld [tilespmem:s14+$0xB0]  }
0x43d: {  	v12 =	vmul.f32 v12, v4;
	v46 =	vld [tilespmem:s14+$0x120]  }
0x43e: {  	v48 =	vld [tilespmem:s14+$0x190]  }
0x43f: {  	v2 =	vmul.f32 v51, v37;
	v51 =	vld [tilespmem:s14+$0x70];
	v0 =	vadd.f32 v12, v0  }
0x440: {  	v11 =	vadd.f32 v55, v11;
	v55 =	vld [tilespmem:s14+$0xE0]  }
0x441: {  	v0 =	vadd.f32 v2, v0;
	v2 =	vld [tilespmem:s14+$0x1F0]  }
0x442: {  	v30 =	vmul.f32 $5.000000000e-01, v28;
	v28 =	vld [tilespmem:s14+$0xFFFFFF70]  }
0x443: {  	v3 =	vadd.f32 v60, v3;
	v1 =	vadd.f32 v1, v9;
	v9 =	vmul.f32 v17, v37;
	v17 =	vld [tilespmem:s16+$0x210]  }
0x444: {  	v12 =	vld [tilespmem:$0x1F660];
	s16 =	sadd.s32 $0x500, s16  }
0x445: {  	v3 =	vadd.f32 v31, v3;
	v31 =	vld [tilespmem:s16+$0x270]  }
0x446: {  	[tilespmem:$0x1F190] =	vst v2;
	v2 =	vld [tilespmem:$0x1F680]  }
0x447: {  	v42 =	vld [tilespmem:s16+$0x170]  }
0x448: {  	v39 =	vld [tilespmem:s16+$0x130]  }
0x449: {  	v3 =	vadd.f32 v54, v3;
	v41 =	vld [tilespmem:s16+$0x1A0]  }
0x44a: {  	v45 =	vld [tilespmem:s16+$0xF0]  }
0x44b: {  	v3 =	vadd.f32 v2, v3;
	v2 =	vld [tilespmem:$0x1F6A0]  }
0x44c: {  	v47 =	vld [tilespmem:s16+$0x160];
	v17 =	vmul.f32 v17, v62  }
0x44d: {  	v49 =	vld [tilespmem:s16+$0x1D0]  }
0x44e: {  	v19 =	vmul.f32 v52, v59;
	v52 =	vld [tilespmem:s16+$0xB0];
	v11 =	vadd.f32 v17, v11  }
0x44f: {  	v60 =	vld [tilespmem:s16+$0x120]  }
0x450: {  	v11 =	vadd.f32 v2, v11;
	v2 =	vld [tilespmem:$0x1F5F0]  }
0x451: {  	v54 =	vld [tilespmem:s16+$0x30]  }
0x452: {  	v18 =	vld [tilespmem:s16+$0xA0];
	v1 =	vadd.f32 v9, v1;
	v9 =	vmul.f32 v23, v62  }
0x453: {  	v22 =	vld [tilespmem:s16+$0xFFFFFFF0];
	v12 =	vadd.f32 v12, v5;
	v5 =	vmul.f32 v25, v62  }
0x454: {  	v15 =	vmul.f32 v15, v59;
	v23 =	vld [tilespmem:s15+$0x5970];
	v9 =	vadd.f32 v9, v1  }
0x455: {  	v34 =	vmul.f32 v34, v4;
	v0 =	vadd.f32 v5, v0;
	v12 =	vadd.f32 v2, v12;
	v2 =	vld [tilespmem:$0x1F610]  }
0x456: {  	v1 =	vld [tilespmem:s14+$0x230];
	v5 =	vmul.f32 v8, v59;
	v8 =	vadd.f32 v15, v9;
	v9 =	vadd.f32 v53, v14  }
0x457: {  	v25 =	vld [tilespmem:s4+$0x250]  }
0x458: {  	[tilespmem:$0x1F590] =	vst v34;
	v34 =	vld [tilespmem:s16+$0xFFFFFF70];
	v14 =	vmul.f32 $5.000000000e-01, v32;
	v0 =	vadd.f32 v5, v0;
	v9 =	vadd.f32 v36, v9  }
0x459: {  	v15 =	vld [tilespmem:s15+$0x6170]  }
0x45a: {  	v0 =	vmul.f32 v0, v14;
	v14 =	vadd.f32 v2, v9;
	v2 =	vld [tilespmem:$0x1F5B0]  }
0x45b: {  	v17 =	vld [tilespmem:s4+$0x260]  }
0x45c: {  	v32 =	vld [tilespmem:s16+$0x230]  }
0x45d: {  	s15 =	sshra.s32 s7, $0x2;
	v53 =	vld [tilespmem:s16+$0x190]  }
0x45e: {  	v26 =	vadd.f32 v35, v26;
	v35 =	vld [tilespmem:s15+$0x6160]  }
0x45f: {  	v21 =	vadd.f32 v2, v21;
	v2 =	vld [tilespmem:$0x1F5C0]  }
0x460: {  	v50 =	vld [tilespmem:s15+$0x6140];
	v27 =	vmul.f32 v8, v56  }
0x461: {  	v5 =	vld [tilespmem:s15+$0x5960];
	v25 =	vmul.f32 v25, v59  }
0x462: {  	v36 =	vld [tilespmem:s16+$0x220];
	v27 =	vadd.f32 v27, v33  }
0x463: {  	v8 =	vld [tilespmem:s16+$0xE0];
	v3 =	vadd.f32 v25, v3  }
0x464: {  	v0 =	vadd.f32 v0, v27;
	v27 =	vadd.f32 v2, v12;
	v2 =	vld [tilespmem:$0x1F5D0]  }
0x465: {  	v3 =	vmul.f32 v3, v30;
	v30 =	vld [tilespmem:s14+$0x170]  }
0x466: {  	v56 =	vld [tilespmem:s14+$0x20]  }
0x467: {  	v33 =	vld [tilespmem:s16+$0x1F0]  }
0x468: {  	v25 =	vmul.f32 v11, v57;
	v57 =	vld [tilespmem:s16+$0x260]  }
0x469: {  	v14 =	vadd.f32 v2, v14;
	v2 =	vld [tilespmem:$0x1F570]  }
0x46a: {  	v11 =	vld [tilespmem:s14+$0x60];
	v30 =	vmul.f32 v30, v6  }
0x46b: {  	v0 =	vadd.f32 v25, v0;
	v25 =	vld [tilespmem:s16+$0x60]  }
0x46c: {  	v33 =	vmul.f32 v33, v37;
	[tilespmem:$0x1F5E0] =	vst v30;
	v30 =	vmul.f32 v28, v61;
	v28 =	vld [tilespmem:s14+$0xFFFFFE20]  }
0x46d: {  	v58 =	vmul.f32 v58, v62;
	v9 =	vld [tilespmem:s14+$0xFFFFFFF0]  }
0x46e: {  	[tilespmem:$0x1F5B0] =	vst v33;
	v21 =	vadd.f32 v2, v21;
	v2 =	vld [tilespmem:$0x1F630]  }
0x46f: {  	v33 =	vld [tilespmem:s14+$0xFFFFFF30];
	[tilespmem:$0x1F5C0] =	vst v58;
	v58 =	vmul.f32 v57, v59  }
0x470: {  	v17 =	vmul.f32 v17, v59;
	v12 =	vld [tilespmem:s14+$0xFFFFFFB0]  }
0x471: {  	[tilespmem:$0x1F5D0] =	vst v58;
	v58 =	vld [tilespmem:s16+$0xFFFFFF30]  }
0x472: {  	v32 =	vmul.f32 v32, v62;
	v17 =	vadd.f32 v17, v27;
	v27 =	vld [tilespmem:s16+$0x1B0]  }
0x473: {  	v0 =	vadd.f32 v3, v0;
	v3 =	vmul.f32 v14, v2;
	v2 =	vld [tilespmem:$0x1F520]  }
0x474: {  	[tilespmem:$0x1F570] =	vst v32;
	v32 =	vld [tilespmem:s16+$0x20]  }
0x475: {  	v14 =	vld [tilespmem:s14+$0x30]  }
0x476: {  	v0 =	vadd.f32 v3, v0;
	v3 =	vmul.f32 v17, v63;
	v17 =	vld [tilespmem:s14+$0x1E0]  }
0x477: {  	v1 =	vmul.f32 v1, v62;
	v63 =	vld [tilespmem:s14+$0x150]  }
0x478: {  	v31 =	vmul.f32 v31, v59;
	[tilespmem:$0x1F1B0] =	vst v5;
	v26 =	vadd.f32 v2, v26;
	v2 =	vld [tilespmem:$0x1F540]  }
0x479: {  	[tilespmem:$0x1F520] =	vst v1;
	v1 =	vld [tilespmem:s16+$0xFFFFFFB0]  }
0x47a: {  	[tilespmem:$0x1F540] =	vst v31;
	v31 =	vmul.f32 $5.000000000e-01, v5;
	v5 =	vld [tilespmem:$0x1F190]  }
0x47b: {  	v15 =	vmul.f32 $5.000000000e-01, v15;
	v19 =	vadd.f32 v19, v26;
	v26 =	vld [tilespmem:s15+$0x6150];
	v17 =	vmul.f32 v17, v37  }
0x47c: {  	[tilespmem:$0x1F1E0] =	vst v31;
	v31 =	vld [tilespmem:s14+$0xFFFFFFE0]  }
0x47d: {  	v15 =	vsub.f32 v15, v23;
	[tilespmem:$0x1F5F0] =	vst v17;
	v17 =	vmul.f32 v63, v6;
	v63 =	vld [tilespmem:$0x1F6D0];
	v21 =	vadd.f32 v2, v21  }
0x47e: {  	v2 =	vld [tilespmem:s15+$0x5950]  }
0x47f: {  	v0 =	vadd.f32 v3, v0;
	v5 =	vmul.f32 v5, v37;
	v3 =	vmul.f32 v21, v15;
	v15 =	vld [tilespmem:s14+$0x130]  }
0x480: {  	v23 =	vmul.f32 $5.000000000e-01, v23;
	v21 =	vld [tilespmem:s14+$0x1A0]  }
0x481: {  	[tilespmem:$0x1F210] =	vst v5;
	v5 =	vmul.f32 $5.000000000e-01, v35;
	v35 =	vld [tilespmem:s14+$0xFFFFFFA0]  }
0x482: {  	v0 =	vadd.f32 v3, v0;
	v3 =	vmul.f32 v19, v23;
	v23 =	vld [tilespmem:s16+$0x250]  }
0x483: {  	v19 =	vld [tilespmem:s14+$0xA0]  }
0x484: {  	[tilespmem:$0x1F1C0] =	vst v5;
	v5 =	vmul.f32 v27, v4;
	v27 =	vld [tilespmem:s16+$0xFFFFFFE0]  }
0x485: {  	[tilespmem:$0x1F1A0] =	vst v2;
	v2 =	vld [tilespmem:s15+$0x5940];
	v0 =	vadd.f32 v3, v0  }
0x486: {  	v3 =	vld [tilespmem:s14+$0x210];
	[tilespmem:$0x1F1D0] =	vst v5;
	v5 =	vmul.f32 v40, v6;
	v40 =	vmul.f32 v49, v37  }
0x487: {  	v49 =	vmul.f32 $5.000000000e-01, v50;
	v50 =	vld [tilespmem:s14+$0xFFFFFEE0];
	v15 =	vmul.f32 v15, v7;
	[tilespmem:$0x1F2A0] =	vst v0  }
0x488: {  	v57 =	vmul.f32 $5.000000000e-01, v26;
	v0 =	vld [tilespmem:s16+$0x1E0];
	[tilespmem:$0x1F230] =	vst v5  }
0x489: {  	v26 =	vmul.f32 v35, v29;
	v35 =	vld [tilespmem:s16+$0xFFFFFDA0];
	v5 =	vmul.f32 v41, v4;
	[tilespmem:$0x1F600] =	vst v15  }
0x48a: {  	v41 =	vmul.f32 v43, v37;
	v43 =	vld [tilespmem:s14+$0xFFFFFF20];
	v15 =	vmul.f32 v36, v62;
	[tilespmem:$0x1F7C0] =	vst v2  }
0x48b: {  	v36 =	vld [tilespmem:s14+$0xFFFFFEF0];
	[tilespmem:$0x1F1F0] =	vst v5;
	v5 =	vmul.f32 v48, v4  }
0x48c: {  	v2 =	vld [tilespmem:s16+$0x70];
	[tilespmem:$0x1F610] =	vst v15;
	v15 =	vmul.f32 v42, v6  }
0x48d: {  	v48 =	vld [tilespmem:s16+$0xFFFFFEB0];
	[tilespmem:$0x1F250] =	vst v5;
	v0 =	vmul.f32 v0, v37  }
0x48e: {  	v42 =	vld [tilespmem:s14+$0xFFFFFD80];
	[tilespmem:$0x1F620] =	vst v15;
	v15 =	vmul.f32 v21, v4  }
0x48f: {  	v5 =	vld [tilespmem:$0x1F830];
	[tilespmem:$0x1F200] =	vst v0;
	v0 =	vmul.f32 v3, v62  }
0x490: {  	v37 =	vmul.f32 v34, v61;
	v34 =	vld [tilespmem:s16+$0xFFFFFE20];
	[tilespmem:$0x1F660] =	vst v15;
	v3 =	vmul.f32 v23, v59  }
0x491: {  	v15 =	vmul.f32 v38, v10;
	v38 =	vld [tilespmem:s14+$0xFFFFFEB0];
	[tilespmem:$0x1F680] =	vst v0  }
0x492: {  	v59 =	vld [tilespmem:s16+$0xFFFFFEF0];
	v2 =	vmul.f32 v2, v16;
	[tilespmem:$0x1F6A0] =	vst v3  }
0x493: {  	v62 =	vld [tilespmem:$0x1F950];
	[tilespmem:$0x1F6B0] =	vst v15;
	v15 =	vmul.f32 v39, v7  }
0x494: {  	v23 =	vmul.f32 v12, v29;
	v12 =	vld [tilespmem:$0x1F650];
	[tilespmem:$0x1F850] =	vst v2;
	v2 =	vmul.f32 v19, v13  }
0x495: {  	v0 =	vld [tilespmem:s14+$0xFFFFFF60];
	[tilespmem:$0x1F6C0] =	vst v15;
	v15 =	vmul.f32 v44, v13  }
0x496: {  	v3 =	vld [tilespmem:s16+$0xFFFFFFA0];
	[tilespmem:$0x1F870] =	vst v2  }
0x497: {  	v44 =	vld [tilespmem:s16+$0xFFFFFF60];
	v2 =	vmul.f32 v8, v10;
	[tilespmem:$0x1F6F0] =	vst v15;
	v15 =	vmul.f32 v45, v10  }
0x498: {  	v8 =	vld [tilespmem:$0x1F1A0];
	v45 =	vmul.f32 v53, v4;
	v4 =	vmul.f32 v14, v20  }
0x499: {  	[tilespmem:$0x1F8A0] =	vst v2;
	v2 =	vmul.f32 v9, v24;
	v9 =	vmul.f32 v22, v24;
	v22 =	vld [tilespmem:s16+$0xFFFFFDB0]  }
0x49a: {  	v39 =	vmul.f32 v0, v61;
	v0 =	vld [tilespmem:s16+$0xFFFFFE60]  }
0x49b: {  	[tilespmem:$0x1F820] =	vst v4;
	v4 =	vld [tilespmem:s16+$0xFFFFFE70]  }
0x49c: {  	[tilespmem:$0x1F710] =	vst v15;
	v15 =	vmul.f32 v46, v7;
	v7 =	vmul.f32 v60, v7;
	v60 =	vld [tilespmem:s16+$0xFFFFFDD0]  }
0x49d: {  	v46 =	vmul.f32 v59, v62;
	v59 =	vld [tilespmem:s16+$0xFFFFFDC0]  }
0x49e: {  	[tilespmem:$0x1F290] =	vst v2;
	v14 =	vsub.f32 v57, v8;
	v57 =	vld [tilespmem:$0x1F1C0]  }
0x49f: {  	v2 =	vmul.f32 v54, v20;
	[tilespmem:$0x1F720] =	vst v15;
	v15 =	vmul.f32 v47, v6;
	v47 =	vld [tilespmem:s14+$0xFFFFFE70]  }
0x4a0: {  	[tilespmem:$0x1F7B0] =	vst v7;
	v6 =	vld [tilespmem:s14+$0xFFFFFEA0]  }
0x4a1: {  	v21 =	vmul.f32 v27, v24;
	[tilespmem:$0x1F8E0] =	vst v2;
	v7 =	vld [tilespmem:s16+$0xFFFFFEE0];
	v2 =	vmul.f32 v11, v16  }
0x4a2: {  	v11 =	vmul.f32 v31, v24;
	v24 =	vld [tilespmem:s16+$0xFFFFFDF0];
	[tilespmem:$0x1F730] =	vst v15;
	v15 =	vmul.f32 v51, v16  }
0x4a3: {  	v31 =	vld [tilespmem:s14+$0xFFFFFDE0]  }
0x4a4: {  	v51 =	vld [tilespmem:s16+$0xFFFFFF20];
	[tilespmem:$0x1F760] =	vst v15;
	v15 =	vmul.f32 v52, v13  }
0x4a5: {  	[tilespmem:$0x1F220] =	vst v2;
	v2 =	vmul.f32 v18, v13;
	v53 =	vmul.f32 v60, v12;
	v60 =	vld [tilespmem:s16+$0xFFFFFE10]  }
0x4a6: {  	v52 =	vld [tilespmem:s14+$0xFFFFFE30];
	[tilespmem:$0x1F770] =	vst v15;
	v15 =	vmul.f32 v55, v10  }
0x4a7: {  	[tilespmem:$0x1F920] =	vst v2;
	v13 =	vld [tilespmem:s14+$0xFFFFFDF0];
	v2 =	vmul.f32 v56, v20  }
0x4a8: {  	[tilespmem:$0x1F780] =	vst v15;
	v15 =	vld [tilespmem:$0x1FA10]  }
0x4a9: {  	v56 =	vld [tilespmem:s14+$0xFFFFFE60];
	[tilespmem:$0x1F980] =	vst v2;
	v2 =	vmul.f32 v25, v16  }
0x4aa: {  	v10 =	vld [tilespmem:s14+$0xFFFFFDB0]  }
0x4ab: {  	v25 =	vmul.f32 v1, v29;
	v1 =	vmul.f32 v32, v20;
	[tilespmem:$0x1F270] =	vst v2;
	v2 =	vld [tilespmem:$0x1F750]  }
0x4ac: {  	v16 =	vld [tilespmem:s16+$0xFFFFFE30]  }
0x4ad: {  	v20 =	vld [tilespmem:s16+$0xFFFFFEA0];
	[tilespmem:$0x1F280] =	vst v1;
	v1 =	vmul.f32 v33, v15  }
0x4ae: {  	v27 =	vmul.f32 v3, v29;
	v29 =	vld [tilespmem:s14+$0xFFFFFDA0]  }
0x4af: {  	v19 =	vmul.f32 v36, v62;
	v55 =	vld [tilespmem:s14+$0xFFFFFE10];
	[tilespmem:$0x1F240] =	vst v1;
	v1 =	vmul.f32 v58, v15  }
0x4b0: {  	v32 =	vmul.f32 v47, v2;
	v47 =	vmul.f32 v50, v62;
	v50 =	vld [tilespmem:s16+$0xFFFFFDE0]  }
0x4b1: {  	v3 =	vmul.f32 v38, v5;
	v38 =	vmul.f32 v44, v61;
	[tilespmem:$0x1F260] =	vst v1;
	v1 =	vld [tilespmem:$0x1F640]  }
0x4b2: {  	v24 =	vmul.f32 v24, v12;
	v36 =	vmul.f32 v52, v63;
	v52 =	vld [tilespmem:s16+$0xFFFFFD90]  }
0x4b3: {  	v31 =	vmul.f32 v31, v12;
	v44 =	vmul.f32 v51, v15;
	v51 =	vld [tilespmem:s14+$0xFFFFFDD0]  }
0x4b4: {  	v33 =	vmul.f32 v48, v5;
	v48 =	vmul.f32 v7, v62;
	v7 =	vld [tilespmem:s14+$0xFFFFFD90]  }
0x4b5: {  	v13 =	vmul.f32 v13, v12;
	v18 =	vmul.f32 v56, v2;
	v56 =	vld [tilespmem:s14+$0xFFFFFDC0]  }
0x4b6: {  	v58 =	vld [tilespmem:s16+$0xFFFFFD80];
	v50 =	vmul.f32 v50, v12;
	v10 =	vmul.f32 v10, v1  }
0x4b7: {  	v22 =	vmul.f32 v22, v1;
	v54 =	vmul.f32 v42, v1;
	v42 =	vld [tilespmem:$0x1F1B0]  }
0x4b8: {  	v51 =	vmul.f32 v51, v12;
	v29 =	vmul.f32 v29, v1;
	v10 =	vadd.f32 v13, v10;
	v13 =	vld [tilespmem:s14+$0xFFFFFE00]  }
0x4b9: {  	v35 =	vmul.f32 v35, v1;
	v7 =	vmul.f32 v7, v1;
	v22 =	vadd.f32 v24, v22;
	v24 =	vld [tilespmem:s16+$0xFFFFFE00]  }
0x4ba: {  	v52 =	vmul.f32 v52, v1;
	v29 =	vadd.f32 v31, v29;
	v31 =	vmul.f32 v59, v12;
	v59 =	vld [tilespmem:$0x1F1D0]  }
0x4bb: {  	v35 =	vadd.f32 v50, v35;
	v50 =	vld [tilespmem:s14+$0xFFFFFE50]  }
0x4bc: {  	v7 =	vadd.f32 v51, v7;
	v51 =	vadd.f32 v53, v52;
	v53 =	vld [tilespmem:s16+$0xFFFFFE50]  }
0x4bd: {  	v16 =	vmul.f32 v16, v63;
	v52 =	vld [tilespmem:s16+$0xFFFFFEC0]  }
0x4be: {  	v28 =	vmul.f32 v28, v63;
	v34 =	vmul.f32 v34, v63;
	v10 =	vadd.f32 v36, v10;
	v36 =	vld [tilespmem:s14+$0xFFFFFE40]  }
0x4bf: {  	v16 =	vadd.f32 v16, v22;
	v22 =	vld [tilespmem:s16+$0xFFFFFE40]  }
0x4c0: {  	v4 =	vmul.f32 v4, v2;
	v28 =	vadd.f32 v28, v29;
	v29 =	vadd.f32 v34, v35;
	v34 =	vld [tilespmem:s14+$0xFFFFFE90]  }
0x4c1: {  	v0 =	vmul.f32 v0, v2;
	v42 =	vsub.f32 v57, v42;
	v57 =	vld [tilespmem:$0x1F7C0]  }
0x4c2: {  	v10 =	vadd.f32 v32, v10;
	v4 =	vadd.f32 v4, v16;
	v16 =	vld [tilespmem:s16+$0xFFFFFE80]  }
0x4c3: {  	v20 =	vmul.f32 v20, v5;
	v18 =	vadd.f32 v18, v28;
	v0 =	vadd.f32 v0, v29;
	v28 =	vld [tilespmem:s14+$0xFFFFFED0]  }
0x4c4: {  	[tilespmem:$0x1F630] =	vst v42;
	v42 =	vmul.f32 v56, v12;
	v3 =	vadd.f32 v3, v10;
	v10 =	vld [tilespmem:s14+$0xFFFFFEC0]  }
0x4c5: {  	v13 =	vmul.f32 v13, v63;
	v24 =	vmul.f32 v24, v63;
	v0 =	vadd.f32 v20, v0;
	v20 =	vld [tilespmem:s14+$0xFFFFFF10]  }
0x4c6: {  	v4 =	vadd.f32 v33, v4;
	v33 =	vld [tilespmem:s14+$0xFFFFFF50];
	v42 =	vadd.f32 v42, v54;
	v54 =	vmovc v41;
	v41 =	vmul.f32 v60, v63  }
0x4c7: {  	v56 =	vsub.f32 v49, v57;
	v49 =	vmul.f32 v58, v1;
	v58 =	vmovc v45;
	v45 =	vmul.f32 v55, v63;
	v63 =	vld [tilespmem:$0x1F1E0]  }
0x4c8: {  	v1 =	vld [tilespmem:$0x1F260]  }
0x4c9: {  	v55 =	vmov v40;
	v40 =	vld [tilespmem:s14+$0xFFFFFF90]  }
0x4ca: {  	v13 =	vadd.f32 v13, v42;
	v42 =	vmul.f32 v50, v2;
	v50 =	vld [tilespmem:s14+$0xFFFFFE80]  }
0x4cb: {  	v36 =	vmul.f32 v36, v2;
	v35 =	vadd.f32 v41, v51;
	v51 =	vld [tilespmem:s16+$0xFFFFFED0];
	v31 =	vadd.f32 v31, v49  }
0x4cc: {  	v7 =	vadd.f32 v45, v7;
	v45 =	vld [tilespmem:s16+$0xFFFFFE90]  }
0x4cd: {  	v13 =	vadd.f32 v36, v13;
	v36 =	vld [tilespmem:$0x1F200];
	v24 =	vadd.f32 v24, v31;
	v31 =	vmul.f32 v53, v2  }
0x4ce: {  	v53 =	vld [tilespmem:$0x1F1F0]  }
0x4cf: {  	v6 =	vmul.f32 v6, v5;
	v22 =	vmul.f32 v22, v2;
	v29 =	vadd.f32 v31, v35;
	v35 =	vld [tilespmem:$0x1F210]  }
0x4d0: {  	v7 =	vadd.f32 v42, v7;
	v31 =	vmul.f32 v34, v5;
	v32 =	vmul.f32 v50, v5;
	v50 =	vld [tilespmem:s16+$0xFFFFFF90]  }
0x4d1: {  	v16 =	vmul.f32 v16, v5;
	v22 =	vadd.f32 v22, v24;
	v24 =	vmul.f32 v45, v5;
	v5 =	vld [tilespmem:$0x1F220]  }
0x4d2: {  	v6 =	vadd.f32 v6, v18;
	v7 =	vadd.f32 v31, v7;
	v31 =	vld [tilespmem:s14+$0xFFFFFF00]  }
0x4d3: {  	v18 =	vmul.f32 v52, v62;
	v28 =	vmul.f32 v28, v62;
	v13 =	vadd.f32 v32, v13;
	v32 =	vld [tilespmem:s16+$0xFFFFFF00]  }
0x4d4: {  	v10 =	vmul.f32 v10, v62;
	v16 =	vadd.f32 v16, v22;
	v22 =	vmul.f32 v51, v62;
	v62 =	vld [tilespmem:$0x1F230]  }
0x4d5: {  	v51 =	vld [tilespmem:s16+$0xFFFFFF40]  }
0x4d6: {  	v7 =	vadd.f32 v28, v7;
	v28 =	vadd.f32 v48, v0;
	v0 =	vld [tilespmem:$0x1F240]  }
0x4d7: {  	v43 =	vmul.f32 v43, v15;
	v6 =	vadd.f32 v47, v6;
	v24 =	vadd.f32 v24, v29;
	v29 =	vld [tilespmem:s16+$0xFFFFFF10]  }
0x4d8: {  	v3 =	vadd.f32 v19, v3;
	v4 =	vadd.f32 v46, v4;
	v48 =	vld [tilespmem:s16+$0xFFFFFF50]  }
0x4d9: {  	p1 =	sne.s32 s7, $0xF00;
	v43 =	vadd.f32 v43, v6;
	v52 =	vmul.f32 v32, v15;
	v32 =	vmovc v57;
	v57 =	vmov v14;
	v14 =	vld [tilespmem:$0x1F280]  }
.Ltmp3:
0x4da: {  	v10 =	vadd.f32 v10, v13;
	v44 =	vadd.f32 v44, v28;
	v28 =	vmov v8;
	v8 =	vld [tilespmem:$0x1F290];
	(pc) =	sbr.rel @p1 .LBB2_5-.Ltmp3, $4  }
0x4db: {  	v20 =	vmul.f32 v20, v15;
	v42 =	vadd.f32 v18, v16;
	v45 =	vadd.f32 v0, v3;
	v0 =	vld [tilespmem:s14+$0xFFFFFF40]  }
0x4dc: {  	v13 =	vadd.f32 v22, v24;
	v16 =	vmul.f32 v29, v15;
	v3 =	vmul.f32 v31, v15;
	v31 =	vld [tilespmem:$0x1F250]  }
0x4dd: {  	v46 =	vadd.f32 v1, v4;
	v41 =	vadd.f32 v20, v7;
	v15 =	vld [tilespmem:$0x1F270]  }
0x4de: {  	s4 =	smov.u32 s14;
	s7 =	sadd.s32 $0x100, s7;
	v60 =	vmovc v17;
	v49 =	vadd.f32 v16, v13;
	v47 =	vadd.f32 v3, v10;
	v3 =	vmul.f32 v33, v61;
	v33 =	vld [tilespmem:$0x1F2A0]  }
0x4df: {  	v10 =	vld [tilespmem:s14+$0xFFFFFF80]  }
0x4e0: {  	v1 =	vld [tilespmem:$0x1FA20]  }
0x4e1: {  	v18 =	vld [tilespmem:s16+$0xFFFFFF80]  }
0x4e2: {  	v24 =	vld [tilespmem:s14+$0xFFFFFFD0]  }
0x4e3: {  	v6 =	vadd.f32 v30, v45;
	v45 =	vld [tilespmem:s16+$0xFFFFFFD0]  }
0x4e4: {  	v13 =	vadd.f32 v37, v46;
	v46 =	vld [tilespmem:s14+$0xFFFFFFC0]  }
0x4e5: {  	v19 =	vld [tilespmem:s14+$0x0]  }
0x4e6: {  	v61 =	vld [tilespmem:s16+$0x0]  }
0x4e7: {  	v30 =	vld [tilespmem:s16+$0x50]  }
0x4e8: {  	v37 =	vld [tilespmem:s14+$0x40]  }
0x4e9: {  	v7 =	vadd.f32 v39, v43;
	v39 =	vld [tilespmem:s16+$0x40]  }
0x4ea: {  	v4 =	vadd.f32 v52, v42;
	v42 =	vld [tilespmem:s16+$0x90]  }
0x4eb: {  	v22 =	vadd.f32 v38, v44;
	v43 =	vld [tilespmem:$0x1F990]  }
0x4ec: {  	v7 =	vadd.f32 v26, v7;
	v26 =	vld [tilespmem:s14+$0x50]  }
0x4ed: {  	v22 =	vadd.f32 v27, v22;
	v27 =	vld [tilespmem:$0x1F810]  }
0x4ee: {  	v6 =	vadd.f32 v23, v6;
	v23 =	vld [tilespmem:s16+$0xC0];
	v16 =	vmul.f32 v48, v1  }
0x4ef: {  	v0 =	vmul.f32 v0, v1;
	v20 =	vmul.f32 v51, v1;
	v1 =	vld [tilespmem:$0x1F930]  }
0x4f0: {  	v48 =	vld [tilespmem:s16+$0xFFFFFFC0]  }
0x4f1: {  	v51 =	vld [tilespmem:$0x1F8B0]  }
0x4f2: {  	v6 =	vadd.f32 v8, v6;
	v8 =	vmul.f32 v39, v43;
	v39 =	vld [tilespmem:s16+$0x140]  }
0x4f3: {  	v16 =	vadd.f32 v16, v49;
	v49 =	vld [tilespmem:s14+$0x10]  }
0x4f4: {  	v38 =	vmul.f32 v61, v27;
	v61 =	vld [tilespmem:s16+$0xD0]  }
0x4f5: {  	v34 =	vmul.f32 v19, v27;
	v19 =	vld [tilespmem:$0x1F620]  }
0x4f6: {  	v0 =	vadd.f32 v0, v47;
	v44 =	vmul.f32 v40, v1;
	v47 =	vmul.f32 v50, v1;
	v50 =	vld [tilespmem:s16+$0x10]  }
0x4f7: {  	v10 =	vmul.f32 v10, v1;
	v18 =	vmul.f32 v18, v1;
	v1 =	vld [tilespmem:$0x1F820]  }
0x4f8: {  	v40 =	vld [tilespmem:s14+$0x90]  }
0x4f9: {  	v17 =	vmul.f32 v45, v51;
	v45 =	vld [tilespmem:s14+$0x80]  }
0x4fa: {  	v4 =	vadd.f32 v20, v4;
	v20 =	vmul.f32 v48, v51;
	v48 =	vld [tilespmem:s16+$0x80]  }
0x4fb: {  	v12 =	vmul.f32 v24, v51;
	v52 =	vmul.f32 v46, v51;
	v51 =	vld [tilespmem:$0x1F900]  }
0x4fc: {  	v24 =	vld [tilespmem:s14+$0x110]  }
0x4fd: {  	v3 =	vadd.f32 v3, v41;
	v6 =	vadd.f32 v1, v6;
	v1 =	vld [tilespmem:$0x1F980]  }
0x4fe: {  	v46 =	vmul.f32 v30, v43;
	v30 =	vld [tilespmem:s14+$0x100]  }
0x4ff: {  	v3 =	vadd.f32 v44, v3;
	v44 =	vmul.f32 v26, v43;
	v26 =	vld [tilespmem:$0x1F6B0]  }
0x500: {  	v7 =	vadd.f32 v11, v7;
	v16 =	vadd.f32 v47, v16;
	v47 =	vmul.f32 v37, v43;
	v37 =	vld [tilespmem:s16+$0x100]  }
0x501: {  	v13 =	vadd.f32 v25, v13;
	v4 =	vadd.f32 v18, v4;
	v43 =	vld [tilespmem:$0x1F720]  }
0x502: {  	v25 =	vadd.f32 v21, v22;
	v7 =	vadd.f32 v1, v7;
	v1 =	vld [tilespmem:$0x1F8E0]  }
0x503: {  	v4 =	vadd.f32 v20, v4;
	v20 =	vld [tilespmem:s14+$0xC0]  }
0x504: {  	v3 =	vadd.f32 v12, v3;
	v12 =	vadd.f32 v14, v25;
	v25 =	vld [tilespmem:s16+$0x110]  }
0x505: {  	v13 =	vadd.f32 v9, v13;
	v18 =	vmul.f32 v50, v27;
	v50 =	vld [tilespmem:s14+$0xD0]  }
0x506: {  	v0 =	vadd.f32 v10, v0;
	v29 =	vmul.f32 v49, v27;
	v27 =	vld [tilespmem:$0x1F880]  }
0x507: {  	v9 =	vadd.f32 v1, v13;
	v1 =	vld [tilespmem:$0x1F760]  }
0x508: {  	v0 =	vadd.f32 v52, v0;
	v52 =	vmul.f32 v40, v51;
	v40 =	vld [tilespmem:$0x1F600]  }
0x509: {  	v22 =	vmul.f32 v42, v51;
	v42 =	vld [tilespmem:$0x1F790]  }
0x50a: {  	v21 =	vmul.f32 v45, v51;
	v45 =	vld [tilespmem:s14+$0x140]  }
0x50b: {  	v3 =	vadd.f32 v29, v3;
	v29 =	vld [tilespmem:$0x1F780]  }
0x50c: {  	v6 =	vadd.f32 v1, v6;
	v1 =	vld [tilespmem:$0x1F850]  }
0x50d: {  	v0 =	vadd.f32 v34, v0;
	v34 =	vld [tilespmem:$0x1F710]  }
0x50e: {  	v4 =	vadd.f32 v38, v4;
	v38 =	vld [tilespmem:$0x1F8A0]  }
0x50f: {  	v3 =	vadd.f32 v44, v3;
	v44 =	vld [tilespmem:$0x1F6C0]  }
0x510: {  	v10 =	vmul.f32 v50, v27;
	v50 =	vld [tilespmem:s14+$0x180]  }
0x511: {  	v2 =	vadd.f32 v1, v9;
	v1 =	vld [tilespmem:$0x1F6F0]  }
0x512: {  	v0 =	vadd.f32 v47, v0;
	v3 =	vadd.f32 v52, v3;
	v52 =	vld [tilespmem:$0x1F7D0]  }
0x513: {  	v49 =	vadd.f32 v15, v12;
	v11 =	vmul.f32 v61, v27;
	v61 =	vld [tilespmem:$0x1F5E0]  }
0x514: {  	v4 =	vadd.f32 v8, v4;
	v0 =	vadd.f32 v21, v0;
	v12 =	vmul.f32 v20, v27;
	v20 =	vld [tilespmem:s16+$0x200]  }
0x515: {  	v21 =	vld [tilespmem:$0x1F730];
	v5 =	vadd.f32 v5, v7;
	v3 =	vadd.f32 v10, v3  }
0x516: {  	v7 =	vmul.f32 v24, v42;
	v13 =	vmul.f32 v48, v51;
	v6 =	vadd.f32 v1, v6;
	v1 =	vld [tilespmem:$0x1F870]  }
0x517: {  	v16 =	vadd.f32 v17, v16;
	v8 =	vmul.f32 v23, v27;
	v23 =	vld [tilespmem:s14+$0x200]  }
0x518: {  	v27 =	vld [tilespmem:s16+$0x210];
	v3 =	vadd.f32 v7, v3;
	v4 =	vadd.f32 v13, v4  }
0x519: {  	v41 =	vadd.f32 v18, v16;
	v47 =	vmul.f32 v37, v42;
	v37 =	vld [tilespmem:$0x1F670]  }
0x51a: {  	v48 =	vld [tilespmem:s16+$0x180];
	v3 =	vadd.f32 v60, v3;
	v4 =	vadd.f32 v8, v4  }
0x51b: {  	v9 =	vadd.f32 v46, v41;
	v5 =	vadd.f32 v1, v5;
	v1 =	vld [tilespmem:$0x1F770]  }
0x51c: {  	v0 =	vadd.f32 v12, v0;
	v3 =	vadd.f32 v31, v3;
	v41 =	vld [tilespmem:s16+$0x150]  }
0x51d: {  	v10 =	vmul.f32 v39, v52;
	v4 =	vadd.f32 v47, v4;
	v9 =	vadd.f32 v22, v9;
	v22 =	vld [tilespmem:$0x1F7F0]  }
0x51e: {  	v51 =	vld [tilespmem:s16+$0x1C0];
	v13 =	vmul.f32 v25, v42;
	v3 =	vadd.f32 v54, v3;
	v5 =	vadd.f32 v29, v5  }
0x51f: {  	v25 =	vld [tilespmem:$0x1F740];
	v4 =	vadd.f32 v10, v4;
	v46 =	vmul.f32 v30, v42;
	v9 =	vadd.f32 v11, v9  }
0x520: {  	v5 =	vadd.f32 v43, v5;
	v2 =	vadd.f32 v1, v2;
	v1 =	vld [tilespmem:$0x1F920]  }
0x521: {  	v24 =	vld [tilespmem:s16+$0x240];
	v0 =	vadd.f32 v46, v0;
	v11 =	vmul.f32 v45, v52;
	v8 =	vmul.f32 v41, v52  }
0x522: {  	v9 =	vadd.f32 v13, v9;
	v7 =	vmul.f32 v48, v22;
	v5 =	vadd.f32 v62, v5;
	v62 =	vld [tilespmem:s14+$0x1C0]  }
0x523: {  	v39 =	vld [tilespmem:$0x1F660];
	v0 =	vadd.f32 v11, v0;
	v6 =	vadd.f32 v26, v6;
	v12 =	vmul.f32 v50, v22  }
0x524: {  	v41 =	vld [tilespmem:$0x1F690];
	v26 =	vmul.f32 v51, v25;
	v8 =	vadd.f32 v8, v9;
	v4 =	vadd.f32 v7, v4  }
0x525: {  	v60 =	vld [tilespmem:$0x1F520];
	v6 =	vadd.f32 v40, v6;
	v1 =	vadd.f32 v1, v49  }
0x526: {  	v30 =	vld [tilespmem:s14+$0x240];
	v0 =	vadd.f32 v12, v0;
	v4 =	vadd.f32 v26, v4  }
0x527: {  	v47 =	vld [tilespmem:$0x1F680];
	v14 =	vmul.f32 v62, v25;
	v1 =	vadd.f32 v38, v1;
	v38 =	vmul.f32 v20, v37  }
0x528: {  	v48 =	vld [tilespmem:$0x1F6A0];
	v40 =	vmul.f32 v23, v37;
	v2 =	vadd.f32 v34, v2;
	v34 =	vadd.f32 v58, v8  }
0x529: {  	v42 =	vmul.f32 v24, v41;
	v49 =	vld [tilespmem:$0x1F7B0];
	v0 =	vadd.f32 v14, v0;
	v4 =	vadd.f32 v38, v4  }
0x52a: {  	v43 =	vmul.f32 v27, v37;
	v2 =	vadd.f32 v44, v2;
	v7 =	vadd.f32 v55, v34;
	v44 =	vld [tilespmem:s4+$0x250]  }
0x52b: {  	v54 =	vld [tilespmem:s14+$0x270];
	v45 =	vmul.f32 v30, v41;
	v0 =	vadd.f32 v40, v0;
	v4 =	vadd.f32 v42, v4  }
0x52c: {  	v3 =	vadd.f32 v47, v3;
	v52 =	vld [tilespmem:s15+$0x6170];
	v7 =	vadd.f32 v43, v7  }
0x52d: {  	v46 =	vmul.f32 $5.000000000e-01, v32;
	v50 =	vld [tilespmem:$0x1F5F0];
	v0 =	vadd.f32 v45, v0;
	v4 =	vmul.f32 v4, v56  }
0x52e: {  	v51 =	vld [tilespmem:$0x1F610];
	v7 =	vadd.f32 v48, v7;
	v1 =	vadd.f32 v49, v1  }
0x52f: {  	v29 =	vld [tilespmem:$0x1F590];
	v8 =	vmul.f32 v44, v41;
	v0 =	vmul.f32 v0, v46;
	v4 =	vadd.f32 v4, v33  }
0x530: {  	v55 =	vmul.f32 $5.000000000e-01, v28;
	v49 =	vld [tilespmem:s4+$0x260];
	v1 =	vadd.f32 v21, v1  }
0x531: {  	v7 =	vmul.f32 v7, v57;
	v57 =	vld [tilespmem:$0x1F5D0];
	v3 =	vadd.f32 v8, v3;
	v0 =	vadd.f32 v0, v4  }
0x532: {  	v2 =	vadd.f32 v19, v2;
	v1 =	vadd.f32 v53, v1;
	v53 =	vld [tilespmem:$0x1F5B0]  }
0x533: {  	v5 =	vadd.f32 v39, v5;
	v56 =	vld [tilespmem:$0x1F5C0];
	v3 =	vmul.f32 v3, v55;
	v0 =	vadd.f32 v7, v0  }
0x534: {  	v2 =	vadd.f32 v59, v2;
	v59 =	vld [tilespmem:$0x1F570];
	v1 =	vadd.f32 v36, v1  }
0x535: {  	v6 =	vadd.f32 v61, v6;
	v0 =	vadd.f32 v3, v0;
	v3 =	vld [tilespmem:$0x1F630]  }
0x536: {  	v5 =	vadd.f32 v50, v5;
	v62 =	vld [tilespmem:$0x1F540];
	v1 =	vadd.f32 v51, v1  }
0x537: {  	v6 =	vadd.f32 v29, v6;
	v58 =	vld [tilespmem:s15+$0x5970];
	v2 =	vadd.f32 v53, v2  }
0x538: {  	v10 =	vmul.f32 v49, v41;
	v5 =	vadd.f32 v56, v5;
	v1 =	vadd.f32 v57, v1  }
0x539: {  	v6 =	vadd.f32 v35, v6;
	v2 =	vadd.f32 v59, v2  }
0x53a: {  	v5 =	vadd.f32 v10, v5;
	v1 =	vmul.f32 v1, v3;
	v3 =	vmul.f32 $5.000000000e-01, v52  }
0x53b: {  	v61 =	vmul.f32 v54, v41;
	v4 =	vadd.f32 v60, v6;
	v2 =	vadd.f32 v62, v2  }
0x53c: {  	s22 =	sadd.s32 $0x1, s22;
	v0 =	vadd.f32 v1, v0;
	v1 =	vmul.f32 v5, v63;
	v3 =	vsub.f32 v3, v58  }
0x53d: {  	p1 =	sne.s32 s22, $0x10;
	v4 =	vadd.f32 v61, v4  }
.Ltmp4:
0x53e: {  	v0 =	vadd.f32 v1, v0;
	v1 =	vmul.f32 v2, v3;
	v2 =	vmul.f32 $5.000000000e-01, v58;
	(pc) =	sbr.rel @p1 .LBB2_2-.Ltmp4, $3  }
0x53f: {  	_ = 	snop  }
0x540: {  	v0 =	vadd.f32 v1, v0;
	v1 =	vmul.f32 v4, v2;
	_ =	sdelay $0x1  }
0x541: {  	v0 =	vadd.f32 v1, v0  }
0x542: {  	_ = 	snop  }
.Ltmp5:
0x543: {  	s4 =	simm.s32 $0x1A540;
	[tilespmem:$0x1A540] =	vst v0;
	(pc) =	sbr.rel @p0 .LBB2_11-.Ltmp5, $4  }
0x544: {  	[hbm4b:s10+s2] =	stream.linear.scatter [tilespmem:s4], [sflag:$0x3], $0x10, $0x38;
	[tilespmem:$0x1B550] =	vst v63  }
0x545: {  	_ =	swait.ge [sflag:s13], $0x10  }
0x546: {  	[sflag:s13] =	ssyncset.done $0x0  }
0x547: {  	[sflag:s13] =	ssyncadd.s32 $0xFFFFFFF0  }
0x548: {  	s4 =	simm.s32 $0x0;
	s7 =	rddreg [dreg:$0x5];
	s8 =	simm.s32 $0x1A550  }
0x549: {  	[tilespmem:s8], [sflag:$0x3] =	stream.linear.gather [hbm4b:s7+s4], $0x1000, $0x38;
	[tilespmem:$0x1B550] =	vst v63  }
0x54a: {  	_ =	swait.ge [sflag:s13], $0x1000  }
0x54b: {  	[sflag:s13] =	ssyncset.done $0x0  }
0x54c: {  	s22 =	simm.s32 $0x0;
	[sflag:s13] =	ssyncadd.s32 $0xFFFFF000  }
0x54d: {  	v0 =	vld [tilespmem:s22+$0x1A550];
	_ =	sdelay $0x1  }
0x54e: {  	v3 =	vld [tilespmem:s22+$0x1A560];
	_ =	sdelay $0x1  }
0x54f: {  	v1 =	vld [tilespmem:s22+$0x1A570]  }
0x550: {  	v2 =	vmul.f32 v0, v0  }
0x551: {  	v4 =	vimm.f32 $0.0e+00;
	v0 =	vld [tilespmem:s22+$0x1A580]  }
0x552: {  	s4 =	simm.s32 $0x40;
	s7 =	simm.s32 $0x200;
	v3 =	vmul.f32 v3, v3;
	v2 =	vadd.f32 v2, v4  }
.LBB2_9:
0x553: {  	p1 =	sne.s32 s7, $0x3F00;
	v4 =	vld [tilespmem:s4+$0x1A550]  }
0x554: {  	v2 =	vadd.f32 v3, v2;
	v1 =	vmul.f32 v1, v1  }
0x555: {  	v3 =	vld [tilespmem:s4+$0x1A560]  }
.Ltmp6:
0x556: {  	v2 =	vadd.f32 v1, v2;
	v0 =	vmul.f32 v0, v0;
	(pc) =	sbr.rel @p1 .LBB2_9-.Ltmp6, $4  }
0x557: {  	v1 =	vld [tilespmem:s4+$0x1A570]  }
0x558: {  	v4 =	vmul.f32 v4, v4;
	v2 =	vadd.f32 v0, v2  }
0x559: {  	v0 =	vld [tilespmem:s4+$0x1A580]  }
0x55a: {  	s4 =	sshra.s32 s7, $0x2;
	s7 =	sadd.s32 $0x100, s7;
	v2 =	vadd.f32 v4, v2;
	v3 =	vmul.f32 v3, v3  }
0x55b: {  	v4 =	vld [tilespmem:s4+$0x1A550]  }
0x55c: {  	v2 =	vadd.f32 v3, v2;
	v1 =	vmul.f32 v1, v1  }
0x55d: {  	v61 =	vld [tilespmem:s4+$0x1A560]  }
0x55e: {  	v1 =	vadd.f32 v1, v2;
	v0 =	vmul.f32 v0, v0  }
0x55f: {  	v62 =	vld [tilespmem:s4+$0x1A570]  }
0x560: {  	v4 =	vmul.f32 v4, v4;
	v0 =	vadd.f32 v0, v1  }
0x561: {  	v63 =	vld [tilespmem:s4+$0x1A580]  }
0x562: {  	v3 =	vmul.f32 v61, v61;
	v0 =	vadd.f32 v4, v0;
	_ =	sdelay $0x1  }
0x563: {  	v2 =	vmul.f32 v62, v62;
	v0 =	vadd.f32 v3, v0;
	_ =	sdelay $0x1  }
0x564: {  	v1 =	vmul.f32 v63, v63;
	v0 =	vadd.f32 v2, v0;
	_ =	sdelay $0x1  }
0x565: {  	v0 =	vadd.f32 v1, v0;
	_ =	sdelay $0x1  }
.Ltmp7:
0x566: {  	s22 =	rddreg [dreg:$0x8];
	s7 =	simm.s32 $0x1A540;
	[tilespmem:$0x1A540] =	vst v0;
	(pc) =	sbr.rel .LBB2_11-.Ltmp7, $4  }
0x567: {  	[hbm4b:s22+s2] =	stream.linear.scatter [tilespmem:s7], [sflag:$0x3], $0x10, $0x38;
	[tilespmem:$0x1B550] =	vst v63  }
0x568: {  	_ =	swait.ge [sflag:s13], $0x10  }
0x569: {  	[sflag:s13] =	ssyncset.done $0x0  }
0x56a: {  	[sflag:s13] =	ssyncadd.s32 $0xFFFFFFF0  }
.LBB2_12:
0x56b: {  	_ =	sfence.sel $0x180000  }
0x56c: {  	[bflag:$0x0] =	sbarrier.arrive $0xFFFF  }
0x56d: {  	_ =	strace $0x90000047  }
0x56e: {  	s0 =	stileid.u32;
	[bflag:$0x2] =	sbarrier.arrive $0xFFFF  }
0x56f: {  	p0 =	sne.s32 s0, $0x0;
	s0 =	rddreg [dreg:$0x3]  }
0x570: {  	s0 =	sadd.s32 @!p0 $0x100000, s0  }
0x571: {  	[sflag:s0] =	ssyncadd.tile.s32 @!p0 $0x1;
	_ =	shalt  }
.Lfunc_end2:
_tile_overlayer_lowered:
.L_overlay_start_2:
0x572: {  	(tag) =	ssettag $0x2  }
0x573: {  	s0 =	rddreg [dreg:$0x0];
	s2 =	stileid.u32  }
0x574: {  	s1 =	rddreg [dreg:$0x1];
	p0 =	sne.s32 s2, $0x0  }
0x575: {  	s3 =	rddreg [dreg:$0x2];
	[bflag:$0x3] =	sbarrier.arrive $0xFFFF;
	s2 =	simm.s32 @!p0 $0x1C03  }
0x576: {  	[timem:s3], [sflag:s2] =	dma.local @!p0 [hbm:s0], s1  }
0x577: {  	s0 =	simm.s32 @!p0 $0x3  }
0x578: {  	_ =	swait.ge @!p0 [sflag:s0], s1  }
0x579: {  	s1 =	ssub.s32 @!p0 $0x0, s1;
	[sflag:s0] =	ssyncset.done @!p0 $0x0  }
0x57a: {  	[sflag:s0] =	ssyncadd.s32 @!p0 s1  }
0x57b: {  	[bflag:$0x3] =	sbarrier.arrive $0xFFFF  }
0x57c: {  	_ =	shalt  }

</sc_bundles>
